<compile_context>
chip_gen: v7x
topology: tpu7x:2x2x1
jax: 0.10.2.dev20260603
libtpu: 0.0.44.dev20260713+nightly
codegen_flags: <defaults>
</compile_context>

<pallas_src>
import jax
import jax.numpy as jnp
from jax import lax
from jax.experimental import pallas as pl
from jax.experimental.pallas import tpu as pltpu
from jax.experimental.pallas import tpu_sc as plsc

N_NODES = 10000
IN_CH = 128
HID = 16
OUT_CH = 128
N_EDGES = 320000

NC = 2
NS = 16
CHUNK = 128
N_PAD = 10240
EPT = 10240
E_PAD = NC * NS * EPT
K_CHUNKS = EPT // CHUNK
KC0 = 112
KC1 = 48
RPT = N_PAD // NS
NKP = N_NODES // 8
NPK = N_PAD // 8


def _make_agg(feat, with_gather, kc0=KC0, kc1=KC1):
    mesh = plsc.VectorSubcoreMesh(core_axis_name="c", subcore_axis_name="s")
    NB = 4
    KD = 40
    scratch = [
        pltpu.VMEM((kc0, CHUNK), jnp.int32),
        pltpu.VMEM((kc0, CHUNK), jnp.int32),
        pltpu.VMEM((NB, CHUNK, feat), jnp.float32),
        pltpu.VMEM_SHARED((N_PAD, feat), jnp.float32),
        pltpu.VMEM_SHARED((N_PAD, feat), jnp.float32),
        pltpu.SemaphoreType.DMA((NB,)),
    ]

    def body(*refs):
        if with_gather:
            (t_hbm, e_hbm, out_hbm,
             src_v, dst_v, rows_v, acc_sh, t_sh, sems) = refs
        else:
            (e_hbm, out_hbm,
             src_v, dst_v, rows_v, acc_sh, t_sh, sems) = refs
        c = lax.axis_index("c")
        s = lax.axis_index("s")
        base = jnp.where(c == 0, s * kc0, NS * kc0 + s * kc1)
        nk = jnp.where(c == 0, kc0, kc1)

        @pl.when(c == 0)
        def _():
            pltpu.sync_copy(e_hbm.at[0, pl.ds(base, kc0)],
                            src_v.at[pl.ds(0, kc0)])
            pltpu.sync_copy(e_hbm.at[1, pl.ds(base, kc0)],
                            dst_v.at[pl.ds(0, kc0)])

        @pl.when(c == 1)
        def _():
            pltpu.sync_copy(e_hbm.at[0, pl.ds(base, kc1)],
                            src_v.at[pl.ds(0, kc1)])
            pltpu.sync_copy(e_hbm.at[1, pl.ds(base, kc1)],
                            dst_v.at[pl.ds(0, kc1)])

        def zstore(i, carry):
            rows_v[0, i, :] = jnp.zeros((feat,), jnp.float32)
            return carry
        lax.fori_loop(0, CHUNK, zstore, 0)
        for b in range(RPT // CHUNK):
            pltpu.sync_copy(
                rows_v.at[0], acc_sh.at[pl.ds(s * RPT + b * CHUNK, CHUNK)])

        if with_gather:
            pltpu.sync_copy(t_hbm.at[pl.ds(s * RPT, RPT)],
                            t_sh.at[pl.ds(s * RPT, RPT)])

        if not with_gather:
            def ostore(i, carry):
                rows_v[0, i, :] = jnp.ones((feat,), jnp.float32)
                return carry
            lax.fori_loop(0, CHUNK, ostore, 0)

        plsc.subcore_barrier()

        if with_gather:
            for b in range(NB):
                pltpu.async_copy(
                    t_sh.at[src_v.at[b]], rows_v.at[b], sems.at[b])

            def group(g, carry):
                for b in range(NB):
                    j = g * NB + b
                    pltpu.make_async_copy(
                        t_sh.at[src_v.at[0]], rows_v.at[b],
                        sems.at[b]).wait()
                    pltpu.sync_copy(
                        rows_v.at[b], acc_sh.at[dst_v.at[j]], add=True)
                    nxt = j + NB

                    @pl.when(nxt < nk)
                    def _():
                        pltpu.async_copy(
                            t_sh.at[src_v.at[nxt]], rows_v.at[b],
                            sems.at[b])
                return carry
            lax.fori_loop(0, nk // NB, group, 0)
        else:
            def dgroup(g, carry):
                def fire(j, carry2):
                    pltpu.async_copy(
                        rows_v.at[0], acc_sh.at[dst_v.at[g * KD + j]],
                        sems.at[0], add=True)
                    return carry2
                lax.fori_loop(0, KD, fire, 0)

                def drain(j, carry2):
                    pltpu.make_async_copy(
                        rows_v.at[0], acc_sh.at[dst_v.at[0]],
                        sems.at[0]).wait()
                    return carry2
                lax.fori_loop(0, KD, drain, 0)
                return carry
            lax.fori_loop(0, nk // KD, dgroup, 0)

        plsc.subcore_barrier()
        pltpu.sync_copy(acc_sh.at[pl.ds(s * RPT, RPT)],
                        out_hbm.at[c, pl.ds(s * RPT, RPT)])

    return pl.kernel(
        body,
        out_type=jax.ShapeDtypeStruct((NC, N_PAD, feat), jnp.float32),
        mesh=mesh,
        scratch_types=scratch,
        compiler_params=pltpu.CompilerParams(use_tc_tiling_on_sc=False),
    )


def _tc1a_body(x_ref, w1_ref, hp_ref):
    h = jnp.dot(x_ref[...], w1_ref[...],
                preferred_element_type=jnp.float32,
                precision=lax.Precision.HIGHEST)
    hpad = jnp.concatenate(
        [h, jnp.zeros((N_PAD - N_NODES, HID), jnp.float32)], 0)
    hp_ref[...] = jnp.concatenate(
        [hpad[i * NPK:(i + 1) * NPK] for i in range(8)], axis=1)


def _tc1b_body(hp_ref, dcnt_ref, t1_ref, dis_ref):
    deg = dcnt_ref[0] + dcnt_ref[1] + 1.0
    dis = lax.rsqrt(deg)
    dis_ref[...] = dis
    t1_ref[...] = hp_ref[...] * dis


def _tc2_body(agg_ref, t1_ref, dis_ref, b1_ref, t2_ref):
    dis = dis_ref[...]
    ssum = agg_ref[0] + agg_ref[1] + t1_ref[...]
    out1 = jnp.maximum(dis * ssum + b1_ref[...], 0.0)
    t2_ref[...] = out1 * dis


def _tc3_body(agg_ref, t2_ref, dis_ref, w2_ref, b2_ref, o_ref):
    midp = dis_ref[...] * (agg_ref[0] + agg_ref[1] + t2_ref[...])
    mid = jnp.concatenate(
        [midp[:, HID * i:HID * (i + 1)] for i in range(8)], axis=0)[:N_NODES]
    o = jnp.dot(mid, w2_ref[...],
                preferred_element_type=jnp.float32,
                precision=lax.Precision.HIGHEST) + b2_ref[...]
    m = jnp.max(o, axis=1, keepdims=True)
    lse = jnp.log(jnp.sum(jnp.exp(o - m), axis=1, keepdims=True))
    o_ref[...] = o - m - lse


def _tc1a(x, W1):
    return pl.pallas_call(
        _tc1a_body,
        grid=(1,),
        in_specs=[
            pl.BlockSpec((N_NODES, IN_CH), lambda i: (0, 0)),
            pl.BlockSpec((IN_CH, HID), lambda i: (0, 0)),
        ],
        out_specs=pl.BlockSpec((NPK, 128), lambda i: (0, 0)),
        out_shape=jax.ShapeDtypeStruct((NPK, 128), jnp.float32),
    )(x, W1)


def _tc1b(hp, dcnt_p):
    return pl.pallas_call(
        _tc1b_body,
        grid=(1,),
        in_specs=[
            pl.BlockSpec((NPK, 128), lambda i: (0, 0)),
            pl.BlockSpec((NC, NPK, 128), lambda i: (0, 0, 0)),
        ],
        out_specs=[
            pl.BlockSpec((NPK, 128), lambda i: (0, 0)),
            pl.BlockSpec((NPK, 128), lambda i: (0, 0)),
        ],
        out_shape=[
            jax.ShapeDtypeStruct((NPK, 128), jnp.float32),
            jax.ShapeDtypeStruct((NPK, 128), jnp.float32),
        ],
    )(hp, dcnt_p)


def _tc2(agg1_p, t1_p, dis_p, b1t):
    return pl.pallas_call(
        _tc2_body,
        grid=(1,),
        in_specs=[
            pl.BlockSpec((NC, NPK, 128), lambda i: (0, 0, 0)),
            pl.BlockSpec((NPK, 128), lambda i: (0, 0)),
            pl.BlockSpec((NPK, 128), lambda i: (0, 0)),
            pl.BlockSpec((1, 128), lambda i: (0, 0)),
        ],
        out_specs=pl.BlockSpec((NPK, 128), lambda i: (0, 0)),
        out_shape=jax.ShapeDtypeStruct((NPK, 128), jnp.float32),
    )(agg1_p, t1_p, dis_p, b1t)


def _tc3(agg2_p, t2_p, dis_p, W2, b2):
    return pl.pallas_call(
        _tc3_body,
        grid=(1,),
        in_specs=[
            pl.BlockSpec((NC, NPK, 128), lambda i: (0, 0, 0)),
            pl.BlockSpec((NPK, 128), lambda i: (0, 0)),
            pl.BlockSpec((NPK, 128), lambda i: (0, 0)),
            pl.BlockSpec((HID, OUT_CH), lambda i: (0, 0)),
            pl.BlockSpec((1, OUT_CH), lambda i: (0, 0)),
        ],
        out_specs=pl.BlockSpec((N_NODES, OUT_CH), lambda i: (0, 0)),
        out_shape=jax.ShapeDtypeStruct((N_NODES, OUT_CH), jnp.float32),
    )(agg2_p, t2_p, dis_p, W2, b2)


_sc_cache = {}


def _get_sc():
    if "agg1" not in _sc_cache:
        _sc_cache["agg1"] = _make_agg(HID, with_gather=True, kc0=80, kc1=80)
        _sc_cache["agg2"] = _make_agg(HID, with_gather=True, kc0=88, kc1=72)
        _sc_cache["deg"] = _make_agg(HID, with_gather=False, kc0=80, kc1=80)
    return _sc_cache["agg1"], _sc_cache["agg2"], _sc_cache["deg"]


@jax.jit
def kernel(x, edge_index, W1, b1, W2, b2):
    _agg1k, _agg2k, _deg16 = _get_sc()
    e = edge_index.astype(jnp.int32)
    e = jnp.pad(e, ((0, 0), (0, E_PAD - N_EDGES)), constant_values=N_NODES)

    def rho(n):
        q = jnp.floor((n.astype(jnp.float32) + 0.5) *
                      (1.0 / NPK)).astype(jnp.int32)
        return (n - q * NPK) * 8 + q
    e_p = rho(e).reshape(2, E_PAD // CHUNK, CHUNK)

    hp = _tc1a(x, W1)
    dcnt = _deg16(e_p)
    dcnt_p = dcnt.reshape(NC, NPK, 128)
    t1_p, dis_p = _tc1b(hp, dcnt_p)
    t1 = t1_p.reshape(N_PAD, HID)
    agg1 = _agg1k(t1, e_p)
    t2_p = _tc2(agg1.reshape(NC, NPK, 128), t1_p, dis_p,
                jnp.tile(b1, 8).reshape(1, 128))
    t2 = t2_p.reshape(N_PAD, HID)
    agg2 = _agg2k(t2, e_p)
    return _tc3(agg2.reshape(NC, NPK, 128), t2_p, dis_p, W2,
                b2.reshape(1, OUT_CH))

# --- scband reference (transcript-rebuilt; emitter-appended) ---
"""Pipeline reference for scband-gcn-7026566496715 (READ-ONLY COPY).

The authoritative reference and input builder live on the scoring server;
editing this copy changes nothing except your own understanding.
"""

import jax, jax.numpy as jnp
import numpy as np

N_NODES = 10000
IN_CH = 128
HID = 16
OUT_CH = 128
N_EDGES = 320000


def _gcn_conv(x, src, dst, W, b, n_nodes):
    # x: [N, F_in], W: [F_in, F_out], b: [F_out]
    h = x @ W
    # add self loops
    loop = jnp.arange(n_nodes, dtype=src.dtype)
    src_sl = jnp.concatenate([src, loop], axis=0)
    dst_sl = jnp.concatenate([dst, loop], axis=0)
    # symmetric normalization D^{-1/2} (A+I) D^{-1/2}
    deg = jnp.zeros((n_nodes,), dtype=h.dtype).at[dst_sl].add(1.0)
    dis = jnp.where(deg > 0, deg ** -0.5, 0.0)
    coef = dis[src_sl] * dis[dst_sl]
    msg = h[src_sl] * coef[:, None]
    out = jnp.zeros((n_nodes, h.shape[1]), dtype=h.dtype).at[dst_sl].add(msg)
    return out + b


def setup_inputs(seed: int = 0) -> dict:
    key = jax.random.key(seed)
    k1, k2, k3, k4, k5, k6 = jax.random.split(key, 6)
    x = jax.random.normal(k1, (N_NODES, IN_CH), dtype=jnp.float32)
    edge_index = jax.random.randint(k2, (2, N_EDGES), 0, N_NODES, dtype=jnp.int64)
    W1 = jax.random.normal(k3, (IN_CH, HID), dtype=jnp.float32) * (1.0 / np.sqrt(IN_CH))
    b1 = jnp.zeros((HID,), dtype=jnp.float32)
    W2 = jax.random.normal(k4, (HID, OUT_CH), dtype=jnp.float32) * (1.0 / np.sqrt(HID))
    b2 = jnp.zeros((OUT_CH,), dtype=jnp.float32)
    return {"x": x, "edge_index": edge_index, "W1": W1, "b1": b1, "W2": W2, "b2": b2}


def reference(x, edge_index, W1, b1, W2, b2):
    src = edge_index[0]
    dst = edge_index[1]
    h = _gcn_conv(x, src, dst, W1, b1, N_NODES)
    h = jax.nn.relu(h)
    out = _gcn_conv(h, src, dst, W2, b2, N_NODES)
    return jax.nn.log_softmax(out, axis=1)

if __name__ == "__main__":
    import jax
    _d = setup_inputs()
    print(jax.jit(kernel)(*tuple(_d.values())))

</pallas_src>

<mosaic_0001>
#map = affine_map<(d0, d1) -> (0, 0, 0)>
module attributes {stable_mosaic.version = 14 : i64} {
  func.func @body(%arg0: i32, %arg1: i32, %arg2: memref<2x2560x128xi32, #tpu.memory_space<hbm>>, %arg3: memref<2x10240x16xf32, #tpu.memory_space<hbm>>, %arg4: memref<80x128xi32, #tpu.memory_space<vmem>>, %arg5: memref<80x128xi32, #tpu.memory_space<vmem>>, %arg6: memref<4x128x16xf32, #tpu.memory_space<vmem>>, %arg7: memref<10240x16xf32, #tpu.memory_space<vmem_shared>>, %arg8: memref<10240x16xf32, #tpu.memory_space<vmem_shared>>, %arg9: memref<4x!tpu.dma_semaphore, #tpu.memory_space<semaphore_mem>>) attributes {dimension_semantics = [#tpu.dimension_semantics<core_parallel>, #tpu.dimension_semantics<subcore_parallel>], iteration_bounds = array<i64: 2, 16>, scalar_prefetch = 0 : i64, scratch_operands = 6 : i64, tpu.core_type = #tpu.core_type<sc_vector_subcore>, window_params = [{transform_indices = #map}, {transform_indices = #map}]} {
    %eq3A = arith.constant 0 : i32
    %eq3A_0 = arith.cmpi eq, %arg0, %eq3A : i32
    %mul3A = arith.constant 80 : i32
    %mul3A_1 = arith.muli %arg1, %mul3A : i32
    %mul3A_2 = arith.constant 80 : i32
    %mul3A_3 = arith.muli %arg1, %mul3A_2 : i32
    %add3A = arith.constant 1280 : i32
    %add3A_4 = arith.addi %add3A, %mul3A_3 : i32
    %select_n3A = arith.select %eq3A_0, %mul3A_1, %add3A_4 : i32
    %eq3A_5 = arith.constant 0 : i32
    %eq3A_6 = arith.cmpi eq, %arg0, %eq3A_5 : i32
    %jit3A = arith.constant 80 : i32
    %jit3A_7 = arith.constant 80 : i32
    %select_n3A_8 = arith.select %eq3A_6, %jit3A, %jit3A_7 : i32
    %eq3A_9 = arith.constant 0 : i32
    %eq3A_10 = arith.cmpi eq, %arg0, %eq3A_9 : i32
    %convert_element_type3A = arith.extui %eq3A_10 : i1 to i32
    %cond3A = arith.constant 0 : i32
    %cond3A_11 = arith.cmpi ne, %convert_element_type3A, %cond3A : i32
    scf.if %cond3A_11 {
      %run_scoped3A_84 = arith.constant 0 : i32
      "tpu.region"() ({
        %run_scoped3A_86 = tpu.sem_alloc : memref<!tpu.dma_semaphore, #tpu.memory_space<semaphore_mem>>
        %dma_start3A = arith.constant 0 : i32
        %dma_start3A_87 = arith.constant 0 : i32
        %dma_start3A_88 = tpu.memref_slice %arg4[%dma_start3A, %dma_start3A_87] : memref<80x128xi32, #tpu.memory_space<vmem>> -> memref<80x128xi32, #tpu.memory_space<vmem>>
        %dma_start3A_89 = arith.constant 0 : i32
        %dma_start3A_90 = tpu.memref_slice %arg2[%run_scoped3A_84, %select_n3A, %dma_start3A_89] : memref<2x2560x128xi32, #tpu.memory_space<hbm>> -> memref<1x80x128xi32, #tpu.memory_space<hbm>>
        %dma_start3A_91 = tpu.memref_squeeze %dma_start3A_90 : memref<1x80x128xi32, #tpu.memory_space<hbm>> -> memref<80x128xi32, #tpu.memory_space<hbm>>
        %dma_start3A_92 = arith.constant 0 : i32
        %dma_start3A_93 = arith.constant 0 : i32
        %dma_start3A_94 = tpu.memref_slice %arg4[%dma_start3A_92, %dma_start3A_93] : memref<80x128xi32, #tpu.memory_space<vmem>> -> memref<80x128xi32, #tpu.memory_space<vmem>>
        %dma_start3A_95 = arith.constant 0 : i32
        %dma_start3A_96 = tpu.memref_slice %arg2[%run_scoped3A_84, %select_n3A, %dma_start3A_95] : memref<2x2560x128xi32, #tpu.memory_space<hbm>> -> memref<1x80x128xi32, #tpu.memory_space<hbm>>
        %dma_start3A_97 = tpu.memref_squeeze %dma_start3A_96 : memref<1x80x128xi32, #tpu.memory_space<hbm>> -> memref<80x128xi32, #tpu.memory_space<hbm>>
        tpu.enqueue_dma source(%dma_start3A_97 : memref<80x128xi32, #tpu.memory_space<hbm>>) target(%dma_start3A_94 : memref<80x128xi32, #tpu.memory_space<vmem>>) target_semaphore(%run_scoped3A_86 : memref<!tpu.dma_semaphore, #tpu.memory_space<semaphore_mem>>)
        %dma_wait3A = arith.constant 0 : i32
        %dma_wait3A_98 = arith.constant 0 : i32
        %dma_wait3A_99 = tpu.memref_slice %arg4[%dma_wait3A, %dma_wait3A_98] : memref<80x128xi32, #tpu.memory_space<vmem>> -> memref<80x128xi32, #tpu.memory_space<vmem>>
        %dma_wait3A_100 = arith.constant 0 : i32
        %dma_wait3A_101 = tpu.memref_slice %arg2[%run_scoped3A_84, %select_n3A, %dma_wait3A_100] : memref<2x2560x128xi32, #tpu.memory_space<hbm>> -> memref<1x80x128xi32, #tpu.memory_space<hbm>>
        %dma_wait3A_102 = tpu.memref_squeeze %dma_wait3A_101 : memref<1x80x128xi32, #tpu.memory_space<hbm>> -> memref<80x128xi32, #tpu.memory_space<hbm>>
        %dma_wait3A_103 = arith.constant 0 : i32
        %dma_wait3A_104 = arith.constant 0 : i32
        %dma_wait3A_105 = tpu.memref_slice %arg4[%dma_wait3A_103, %dma_wait3A_104] : memref<80x128xi32, #tpu.memory_space<vmem>> -> memref<80x128xi32, #tpu.memory_space<vmem>>
        %dma_wait3A_106 = arith.constant 0 : i32
        %dma_wait3A_107 = tpu.memref_slice %arg2[%run_scoped3A_84, %select_n3A, %dma_wait3A_106] : memref<2x2560x128xi32, #tpu.memory_space<hbm>> -> memref<1x80x128xi32, #tpu.memory_space<hbm>>
        %dma_wait3A_108 = tpu.memref_squeeze %dma_wait3A_107 : memref<1x80x128xi32, #tpu.memory_space<hbm>> -> memref<80x128xi32, #tpu.memory_space<hbm>>
        tpu.wait_dma2 semaphore(%run_scoped3A_86 : memref<!tpu.dma_semaphore, #tpu.memory_space<semaphore_mem>>) src(%dma_wait3A_108 : memref<80x128xi32, #tpu.memory_space<hbm>>) dst(%dma_wait3A_105 : memref<80x128xi32, #tpu.memory_space<vmem>>)
        tpu.yield
      }) : () -> ()
      %run_scoped3A_85 = arith.constant 1 : i32
      "tpu.region"() ({
        %run_scoped3A_86 = tpu.sem_alloc : memref<!tpu.dma_semaphore, #tpu.memory_space<semaphore_mem>>
        %dma_start3A = arith.constant 0 : i32
        %dma_start3A_87 = arith.constant 0 : i32
        %dma_start3A_88 = tpu.memref_slice %arg5[%dma_start3A, %dma_start3A_87] : memref<80x128xi32, #tpu.memory_space<vmem>> -> memref<80x128xi32, #tpu.memory_space<vmem>>
        %dma_start3A_89 = arith.constant 0 : i32
        %dma_start3A_90 = tpu.memref_slice %arg2[%run_scoped3A_85, %select_n3A, %dma_start3A_89] : memref<2x2560x128xi32, #tpu.memory_space<hbm>> -> memref<1x80x128xi32, #tpu.memory_space<hbm>>
        %dma_start3A_91 = tpu.memref_squeeze %dma_start3A_90 : memref<1x80x128xi32, #tpu.memory_space<hbm>> -> memref<80x128xi32, #tpu.memory_space<hbm>>
        %dma_start3A_92 = arith.constant 0 : i32
        %dma_start3A_93 = arith.constant 0 : i32
        %dma_start3A_94 = tpu.memref_slice %arg5[%dma_start3A_92, %dma_start3A_93] : memref<80x128xi32, #tpu.memory_space<vmem>> -> memref<80x128xi32, #tpu.memory_space<vmem>>
        %dma_start3A_95 = arith.constant 0 : i32
        %dma_start3A_96 = tpu.memref_slice %arg2[%run_scoped3A_85, %select_n3A, %dma_start3A_95] : memref<2x2560x128xi32, #tpu.memory_space<hbm>> -> memref<1x80x128xi32, #tpu.memory_space<hbm>>
        %dma_start3A_97 = tpu.memref_squeeze %dma_start3A_96 : memref<1x80x128xi32, #tpu.memory_space<hbm>> -> memref<80x128xi32, #tpu.memory_space<hbm>>
        tpu.enqueue_dma source(%dma_start3A_97 : memref<80x128xi32, #tpu.memory_space<hbm>>) target(%dma_start3A_94 : memref<80x128xi32, #tpu.memory_space<vmem>>) target_semaphore(%run_scoped3A_86 : memref<!tpu.dma_semaphore, #tpu.memory_space<semaphore_mem>>)
        %dma_wait3A = arith.constant 0 : i32
        %dma_wait3A_98 = arith.constant 0 : i32
        %dma_wait3A_99 = tpu.memref_slice %arg5[%dma_wait3A, %dma_wait3A_98] : memref<80x128xi32, #tpu.memory_space<vmem>> -> memref<80x128xi32, #tpu.memory_space<vmem>>
        %dma_wait3A_100 = arith.constant 0 : i32
        %dma_wait3A_101 = tpu.memref_slice %arg2[%run_scoped3A_85, %select_n3A, %dma_wait3A_100] : memref<2x2560x128xi32, #tpu.memory_space<hbm>> -> memref<1x80x128xi32, #tpu.memory_space<hbm>>
        %dma_wait3A_102 = tpu.memref_squeeze %dma_wait3A_101 : memref<1x80x128xi32, #tpu.memory_space<hbm>> -> memref<80x128xi32, #tpu.memory_space<hbm>>
        %dma_wait3A_103 = arith.constant 0 : i32
        %dma_wait3A_104 = arith.constant 0 : i32
        %dma_wait3A_105 = tpu.memref_slice %arg5[%dma_wait3A_103, %dma_wait3A_104] : memref<80x128xi32, #tpu.memory_space<vmem>> -> memref<80x128xi32, #tpu.memory_space<vmem>>
        %dma_wait3A_106 = arith.constant 0 : i32
        %dma_wait3A_107 = tpu.memref_slice %arg2[%run_scoped3A_85, %select_n3A, %dma_wait3A_106] : memref<2x2560x128xi32, #tpu.memory_space<hbm>> -> memref<1x80x128xi32, #tpu.memory_space<hbm>>
        %dma_wait3A_108 = tpu.memref_squeeze %dma_wait3A_107 : memref<1x80x128xi32, #tpu.memory_space<hbm>> -> memref<80x128xi32, #tpu.memory_space<hbm>>
        tpu.wait_dma2 semaphore(%run_scoped3A_86 : memref<!tpu.dma_semaphore, #tpu.memory_space<semaphore_mem>>) src(%dma_wait3A_108 : memref<80x128xi32, #tpu.memory_space<hbm>>) dst(%dma_wait3A_105 : memref<80x128xi32, #tpu.memory_space<vmem>>)
        tpu.yield
      }) : () -> ()
    } else {
    }
    %eq3A_12 = arith.constant 1 : i32
    %eq3A_13 = arith.cmpi eq, %arg0, %eq3A_12 : i32
    %convert_element_type3A_14 = arith.extui %eq3A_13 : i1 to i32
    %cond3A_15 = arith.constant 0 : i32
    %cond3A_16 = arith.cmpi ne, %convert_element_type3A_14, %cond3A_15 : i32
    scf.if %cond3A_16 {
      %run_scoped3A_84 = arith.constant 0 : i32
      "tpu.region"() ({
        %run_scoped3A_86 = tpu.sem_alloc : memref<!tpu.dma_semaphore, #tpu.memory_space<semaphore_mem>>
        %dma_start3A = arith.constant 0 : i32
        %dma_start3A_87 = arith.constant 0 : i32
        %dma_start3A_88 = tpu.memref_slice %arg4[%dma_start3A, %dma_start3A_87] : memref<80x128xi32, #tpu.memory_space<vmem>> -> memref<80x128xi32, #tpu.memory_space<vmem>>
        %dma_start3A_89 = arith.constant 0 : i32
        %dma_start3A_90 = tpu.memref_slice %arg2[%run_scoped3A_84, %select_n3A, %dma_start3A_89] : memref<2x2560x128xi32, #tpu.memory_space<hbm>> -> memref<1x80x128xi32, #tpu.memory_space<hbm>>
        %dma_start3A_91 = tpu.memref_squeeze %dma_start3A_90 : memref<1x80x128xi32, #tpu.memory_space<hbm>> -> memref<80x128xi32, #tpu.memory_space<hbm>>
        %dma_start3A_92 = arith.constant 0 : i32
        %dma_start3A_93 = arith.constant 0 : i32
        %dma_start3A_94 = tpu.memref_slice %arg4[%dma_start3A_92, %dma_start3A_93] : memref<80x128xi32, #tpu.memory_space<vmem>> -> memref<80x128xi32, #tpu.memory_space<vmem>>
        %dma_start3A_95 = arith.constant 0 : i32
        %dma_start3A_96 = tpu.memref_slice %arg2[%run_scoped3A_84, %select_n3A, %dma_start3A_95] : memref<2x2560x128xi32, #tpu.memory_space<hbm>> -> memref<1x80x128xi32, #tpu.memory_space<hbm>>
        %dma_start3A_97 = tpu.memref_squeeze %dma_start3A_96 : memref<1x80x128xi32, #tpu.memory_space<hbm>> -> memref<80x128xi32, #tpu.memory_space<hbm>>
        tpu.enqueue_dma source(%dma_start3A_97 : memref<80x128xi32, #tpu.memory_space<hbm>>) target(%dma_start3A_94 : memref<80x128xi32, #tpu.memory_space<vmem>>) target_semaphore(%run_scoped3A_86 : memref<!tpu.dma_semaphore, #tpu.memory_space<semaphore_mem>>)
        %dma_wait3A = arith.constant 0 : i32
        %dma_wait3A_98 = arith.constant 0 : i32
        %dma_wait3A_99 = tpu.memref_slice %arg4[%dma_wait3A, %dma_wait3A_98] : memref<80x128xi32, #tpu.memory_space<vmem>> -> memref<80x128xi32, #tpu.memory_space<vmem>>
        %dma_wait3A_100 = arith.constant 0 : i32
        %dma_wait3A_101 = tpu.memref_slice %arg2[%run_scoped3A_84, %select_n3A, %dma_wait3A_100] : memref<2x2560x128xi32, #tpu.memory_space<hbm>> -> memref<1x80x128xi32, #tpu.memory_space<hbm>>
        %dma_wait3A_102 = tpu.memref_squeeze %dma_wait3A_101 : memref<1x80x128xi32, #tpu.memory_space<hbm>> -> memref<80x128xi32, #tpu.memory_space<hbm>>
        %dma_wait3A_103 = arith.constant 0 : i32
        %dma_wait3A_104 = arith.constant 0 : i32
        %dma_wait3A_105 = tpu.memref_slice %arg4[%dma_wait3A_103, %dma_wait3A_104] : memref<80x128xi32, #tpu.memory_space<vmem>> -> memref<80x128xi32, #tpu.memory_space<vmem>>
        %dma_wait3A_106 = arith.constant 0 : i32
        %dma_wait3A_107 = tpu.memref_slice %arg2[%run_scoped3A_84, %select_n3A, %dma_wait3A_106] : memref<2x2560x128xi32, #tpu.memory_space<hbm>> -> memref<1x80x128xi32, #tpu.memory_space<hbm>>
        %dma_wait3A_108 = tpu.memref_squeeze %dma_wait3A_107 : memref<1x80x128xi32, #tpu.memory_space<hbm>> -> memref<80x128xi32, #tpu.memory_space<hbm>>
        tpu.wait_dma2 semaphore(%run_scoped3A_86 : memref<!tpu.dma_semaphore, #tpu.memory_space<semaphore_mem>>) src(%dma_wait3A_108 : memref<80x128xi32, #tpu.memory_space<hbm>>) dst(%dma_wait3A_105 : memref<80x128xi32, #tpu.memory_space<vmem>>)
        tpu.yield
      }) : () -> ()
      %run_scoped3A_85 = arith.constant 1 : i32
      "tpu.region"() ({
        %run_scoped3A_86 = tpu.sem_alloc : memref<!tpu.dma_semaphore, #tpu.memory_space<semaphore_mem>>
        %dma_start3A = arith.constant 0 : i32
        %dma_start3A_87 = arith.constant 0 : i32
        %dma_start3A_88 = tpu.memref_slice %arg5[%dma_start3A, %dma_start3A_87] : memref<80x128xi32, #tpu.memory_space<vmem>> -> memref<80x128xi32, #tpu.memory_space<vmem>>
        %dma_start3A_89 = arith.constant 0 : i32
        %dma_start3A_90 = tpu.memref_slice %arg2[%run_scoped3A_85, %select_n3A, %dma_start3A_89] : memref<2x2560x128xi32, #tpu.memory_space<hbm>> -> memref<1x80x128xi32, #tpu.memory_space<hbm>>
        %dma_start3A_91 = tpu.memref_squeeze %dma_start3A_90 : memref<1x80x128xi32, #tpu.memory_space<hbm>> -> memref<80x128xi32, #tpu.memory_space<hbm>>
        %dma_start3A_92 = arith.constant 0 : i32
        %dma_start3A_93 = arith.constant 0 : i32
        %dma_start3A_94 = tpu.memref_slice %arg5[%dma_start3A_92, %dma_start3A_93] : memref<80x128xi32, #tpu.memory_space<vmem>> -> memref<80x128xi32, #tpu.memory_space<vmem>>
        %dma_start3A_95 = arith.constant 0 : i32
        %dma_start3A_96 = tpu.memref_slice %arg2[%run_scoped3A_85, %select_n3A, %dma_start3A_95] : memref<2x2560x128xi32, #tpu.memory_space<hbm>> -> memref<1x80x128xi32, #tpu.memory_space<hbm>>
        %dma_start3A_97 = tpu.memref_squeeze %dma_start3A_96 : memref<1x80x128xi32, #tpu.memory_space<hbm>> -> memref<80x128xi32, #tpu.memory_space<hbm>>
        tpu.enqueue_dma source(%dma_start3A_97 : memref<80x128xi32, #tpu.memory_space<hbm>>) target(%dma_start3A_94 : memref<80x128xi32, #tpu.memory_space<vmem>>) target_semaphore(%run_scoped3A_86 : memref<!tpu.dma_semaphore, #tpu.memory_space<semaphore_mem>>)
        %dma_wait3A = arith.constant 0 : i32
        %dma_wait3A_98 = arith.constant 0 : i32
        %dma_wait3A_99 = tpu.memref_slice %arg5[%dma_wait3A, %dma_wait3A_98] : memref<80x128xi32, #tpu.memory_space<vmem>> -> memref<80x128xi32, #tpu.memory_space<vmem>>
        %dma_wait3A_100 = arith.constant 0 : i32
        %dma_wait3A_101 = tpu.memref_slice %arg2[%run_scoped3A_85, %select_n3A, %dma_wait3A_100] : memref<2x2560x128xi32, #tpu.memory_space<hbm>> -> memref<1x80x128xi32, #tpu.memory_space<hbm>>
        %dma_wait3A_102 = tpu.memref_squeeze %dma_wait3A_101 : memref<1x80x128xi32, #tpu.memory_space<hbm>> -> memref<80x128xi32, #tpu.memory_space<hbm>>
        %dma_wait3A_103 = arith.constant 0 : i32
        %dma_wait3A_104 = arith.constant 0 : i32
        %dma_wait3A_105 = tpu.memref_slice %arg5[%dma_wait3A_103, %dma_wait3A_104] : memref<80x128xi32, #tpu.memory_space<vmem>> -> memref<80x128xi32, #tpu.memory_space<vmem>>
        %dma_wait3A_106 = arith.constant 0 : i32
        %dma_wait3A_107 = tpu.memref_slice %arg2[%run_scoped3A_85, %select_n3A, %dma_wait3A_106] : memref<2x2560x128xi32, #tpu.memory_space<hbm>> -> memref<1x80x128xi32, #tpu.memory_space<hbm>>
        %dma_wait3A_108 = tpu.memref_squeeze %dma_wait3A_107 : memref<1x80x128xi32, #tpu.memory_space<hbm>> -> memref<80x128xi32, #tpu.memory_space<hbm>>
        tpu.wait_dma2 semaphore(%run_scoped3A_86 : memref<!tpu.dma_semaphore, #tpu.memory_space<semaphore_mem>>) src(%dma_wait3A_108 : memref<80x128xi32, #tpu.memory_space<hbm>>) dst(%dma_wait3A_105 : memref<80x128xi32, #tpu.memory_space<vmem>>)
        tpu.yield
      }) : () -> ()
    } else {
    }
    %scan3A = arith.constant 0 : i32
    %scan3A_17 = arith.constant 0 : i32
    %scan3A_18 = arith.constant 128 : i32
    %scan3A_19 = arith.addi %scan3A_17, %scan3A_18 : i32
    %scan3A_20 = arith.constant 1 : i32
    scf.for %scan3A_84 = %scan3A_17 to %scan3A_19 step %scan3A_20  : i32 {
      %broadcast_in_dim3A = arith.constant 0.000000e+00 : f32
      %broadcast_in_dim3A_85 = vector.broadcast %broadcast_in_dim3A : f32 to vector<16xf32>
      %swap3A = arith.constant 0 : i32
      %swap3A_86 = arith.index_cast %swap3A : i32 to index
      %swap3A_87 = arith.index_cast %scan3A_84 : i32 to index
      %swap3A_88 = arith.constant 0 : index
      %swap3A_89 = tpu.vector_load %arg6[%swap3A_86, %swap3A_87, %swap3A_88] {strides = array<i32>} : memref<4x128x16xf32, #tpu.memory_space<vmem>>, vector<1x1x16xf32>,
      %swap3A_90 = vector.shape_cast %swap3A_89 : vector<1x1x16xf32> to vector<16xf32>
      %swap3A_91 = vector.shape_cast %broadcast_in_dim3A_85 : vector<16xf32> to vector<1x1x16xf32>
      tpu.vector_store %arg6[%swap3A_86, %swap3A_87, %swap3A_88], %swap3A_91 {strides = array<i32>} : memref<4x128x16xf32, #tpu.memory_space<vmem>>, vector<1x1x16xf32>,
    }
    %scan3A_21 = arith.constant 128 : i32
    %mul3A_22 = arith.constant 640 : i32
    %mul3A_23 = arith.muli %arg1, %mul3A_22 : i32
    %add3A_24 = arith.constant 0 : i32
    %add3A_25 = arith.addi %mul3A_23, %add3A_24 : i32
    %run_scoped3A = arith.constant 0 : i32
    "tpu.region"() ({
      %run_scoped3A_84 = tpu.sem_alloc : memref<!tpu.dma_semaphore, #tpu.memory_space<semaphore_mem>>
      %dma_start3A = arith.constant 0 : i32
      %dma_start3A_85 = arith.constant 0 : i32
      %dma_start3A_86 = tpu.memref_slice %arg6[%run_scoped3A, %dma_start3A, %dma_start3A_85] : memref<4x128x16xf32, #tpu.memory_space<vmem>> -> memref<1x128x16xf32, #tpu.memory_space<vmem>>
      %dma_start3A_87 = tpu.memref_squeeze %dma_start3A_86 : memref<1x128x16xf32, #tpu.memory_space<vmem>> -> memref<128x16xf32, #tpu.memory_space<vmem>>
      %dma_start3A_88 = arith.constant 0 : i32
      %dma_start3A_89 = tpu.memref_slice %arg7[%add3A_25, %dma_start3A_88] : memref<10240x16xf32, #tpu.memory_space<vmem_shared>> -> memref<128x16xf32, #tpu.memory_space<vmem_shared>>
      %dma_start3A_90 = arith.constant 0 : i32
      %dma_start3A_91 = tpu.memref_slice %arg7[%add3A_25, %dma_start3A_90] : memref<10240x16xf32, #tpu.memory_space<vmem_shared>> -> memref<128x16xf32, #tpu.memory_space<vmem_shared>>
      %dma_start3A_92 = arith.constant 0 : i32
      %dma_start3A_93 = arith.constant 0 : i32
      %dma_start3A_94 = tpu.memref_slice %arg6[%run_scoped3A, %dma_start3A_92, %dma_start3A_93] : memref<4x128x16xf32, #tpu.memory_space<vmem>> -> memref<1x128x16xf32, #tpu.memory_space<vmem>>
      %dma_start3A_95 = tpu.memref_squeeze %dma_start3A_94 : memref<1x128x16xf32, #tpu.memory_space<vmem>> -> memref<128x16xf32, #tpu.memory_space<vmem>>
      tpu.enqueue_dma source(%dma_start3A_95 : memref<128x16xf32, #tpu.memory_space<vmem>>) target(%dma_start3A_91 : memref<128x16xf32, #tpu.memory_space<vmem_shared>>) target_semaphore(%run_scoped3A_84 : memref<!tpu.dma_semaphore, #tpu.memory_space<semaphore_mem>>)
      %dma_wait3A = arith.constant 0 : i32
      %dma_wait3A_96 = arith.constant 0 : i32
      %dma_wait3A_97 = tpu.memref_slice %arg6[%run_scoped3A, %dma_wait3A, %dma_wait3A_96] : memref<4x128x16xf32, #tpu.memory_space<vmem>> -> memref<1x128x16xf32, #tpu.memory_space<vmem>>
      %dma_wait3A_98 = tpu.memref_squeeze %dma_wait3A_97 : memref<1x128x16xf32, #tpu.memory_space<vmem>> -> memref<128x16xf32, #tpu.memory_space<vmem>>
      %dma_wait3A_99 = arith.constant 0 : i32
      %dma_wait3A_100 = tpu.memref_slice %arg7[%add3A_25, %dma_wait3A_99] : memref<10240x16xf32, #tpu.memory_space<vmem_shared>> -> memref<128x16xf32, #tpu.memory_space<vmem_shared>>
      %dma_wait3A_101 = arith.constant 0 : i32
      %dma_wait3A_102 = tpu.memref_slice %arg7[%add3A_25, %dma_wait3A_101] : memref<10240x16xf32, #tpu.memory_space<vmem_shared>> -> memref<128x16xf32, #tpu.memory_space<vmem_shared>>
      %dma_wait3A_103 = arith.constant 0 : i32
      %dma_wait3A_104 = arith.constant 0 : i32
      %dma_wait3A_105 = tpu.memref_slice %arg6[%run_scoped3A, %dma_wait3A_103, %dma_wait3A_104] : memref<4x128x16xf32, #tpu.memory_space<vmem>> -> memref<1x128x16xf32, #tpu.memory_space<vmem>>
      %dma_wait3A_106 = tpu.memref_squeeze %dma_wait3A_105 : memref<1x128x16xf32, #tpu.memory_space<vmem>> -> memref<128x16xf32, #tpu.memory_space<vmem>>
      tpu.wait_dma2 semaphore(%run_scoped3A_84 : memref<!tpu.dma_semaphore, #tpu.memory_space<semaphore_mem>>) src(%dma_wait3A_106 : memref<128x16xf32, #tpu.memory_space<vmem>>) dst(%dma_wait3A_102 : memref<128x16xf32, #tpu.memory_space<vmem_shared>>)
      tpu.yield
    }) : () -> ()
    %mul3A_26 = arith.constant 640 : i32
    %mul3A_27 = arith.muli %arg1, %mul3A_26 : i32
    %add3A_28 = arith.constant 128 : i32
    %add3A_29 = arith.addi %mul3A_27, %add3A_28 : i32
    %run_scoped3A_30 = arith.constant 0 : i32
    "tpu.region"() ({
      %run_scoped3A_84 = tpu.sem_alloc : memref<!tpu.dma_semaphore, #tpu.memory_space<semaphore_mem>>
      %dma_start3A = arith.constant 0 : i32
      %dma_start3A_85 = arith.constant 0 : i32
      %dma_start3A_86 = tpu.memref_slice %arg6[%run_scoped3A_30, %dma_start3A, %dma_start3A_85] : memref<4x128x16xf32, #tpu.memory_space<vmem>> -> memref<1x128x16xf32, #tpu.memory_space<vmem>>
      %dma_start3A_87 = tpu.memref_squeeze %dma_start3A_86 : memref<1x128x16xf32, #tpu.memory_space<vmem>> -> memref<128x16xf32, #tpu.memory_space<vmem>>
      %dma_start3A_88 = arith.constant 0 : i32
      %dma_start3A_89 = tpu.memref_slice %arg7[%add3A_29, %dma_start3A_88] : memref<10240x16xf32, #tpu.memory_space<vmem_shared>> -> memref<128x16xf32, #tpu.memory_space<vmem_shared>>
      %dma_start3A_90 = arith.constant 0 : i32
      %dma_start3A_91 = tpu.memref_slice %arg7[%add3A_29, %dma_start3A_90] : memref<10240x16xf32, #tpu.memory_space<vmem_shared>> -> memref<128x16xf32, #tpu.memory_space<vmem_shared>>
      %dma_start3A_92 = arith.constant 0 : i32
      %dma_start3A_93 = arith.constant 0 : i32
      %dma_start3A_94 = tpu.memref_slice %arg6[%run_scoped3A_30, %dma_start3A_92, %dma_start3A_93] : memref<4x128x16xf32, #tpu.memory_space<vmem>> -> memref<1x128x16xf32, #tpu.memory_space<vmem>>
      %dma_start3A_95 = tpu.memref_squeeze %dma_start3A_94 : memref<1x128x16xf32, #tpu.memory_space<vmem>> -> memref<128x16xf32, #tpu.memory_space<vmem>>
      tpu.enqueue_dma source(%dma_start3A_95 : memref<128x16xf32, #tpu.memory_space<vmem>>) target(%dma_start3A_91 : memref<128x16xf32, #tpu.memory_space<vmem_shared>>) target_semaphore(%run_scoped3A_84 : memref<!tpu.dma_semaphore, #tpu.memory_space<semaphore_mem>>)
      %dma_wait3A = arith.constant 0 : i32
      %dma_wait3A_96 = arith.constant 0 : i32
      %dma_wait3A_97 = tpu.memref_slice %arg6[%run_scoped3A_30, %dma_wait3A, %dma_wait3A_96] : memref<4x128x16xf32, #tpu.memory_space<vmem>> -> memref<1x128x16xf32, #tpu.memory_space<vmem>>
      %dma_wait3A_98 = tpu.memref_squeeze %dma_wait3A_97 : memref<1x128x16xf32, #tpu.memory_space<vmem>> -> memref<128x16xf32, #tpu.memory_space<vmem>>
      %dma_wait3A_99 = arith.constant 0 : i32
      %dma_wait3A_100 = tpu.memref_slice %arg7[%add3A_29, %dma_wait3A_99] : memref<10240x16xf32, #tpu.memory_space<vmem_shared>> -> memref<128x16xf32, #tpu.memory_space<vmem_shared>>
      %dma_wait3A_101 = arith.constant 0 : i32
      %dma_wait3A_102 = tpu.memref_slice %arg7[%add3A_29, %dma_wait3A_101] : memref<10240x16xf32, #tpu.memory_space<vmem_shared>> -> memref<128x16xf32, #tpu.memory_space<vmem_shared>>
      %dma_wait3A_103 = arith.constant 0 : i32
      %dma_wait3A_104 = arith.constant 0 : i32
      %dma_wait3A_105 = tpu.memref_slice %arg6[%run_scoped3A_30, %dma_wait3A_103, %dma_wait3A_104] : memref<4x128x16xf32, #tpu.memory_space<vmem>> -> memref<1x128x16xf32, #tpu.memory_space<vmem>>
      %dma_wait3A_106 = tpu.memref_squeeze %dma_wait3A_105 : memref<1x128x16xf32, #tpu.memory_space<vmem>> -> memref<128x16xf32, #tpu.memory_space<vmem>>
      tpu.wait_dma2 semaphore(%run_scoped3A_84 : memref<!tpu.dma_semaphore, #tpu.memory_space<semaphore_mem>>) src(%dma_wait3A_106 : memref<128x16xf32, #tpu.memory_space<vmem>>) dst(%dma_wait3A_102 : memref<128x16xf32, #tpu.memory_space<vmem_shared>>)
      tpu.yield
    }) : () -> ()
    %mul3A_31 = arith.constant 640 : i32
    %mul3A_32 = arith.muli %arg1, %mul3A_31 : i32
    %add3A_33 = arith.constant 256 : i32
    %add3A_34 = arith.addi %mul3A_32, %add3A_33 : i32
    %run_scoped3A_35 = arith.constant 0 : i32
    "tpu.region"() ({
      %run_scoped3A_84 = tpu.sem_alloc : memref<!tpu.dma_semaphore, #tpu.memory_space<semaphore_mem>>
      %dma_start3A = arith.constant 0 : i32
      %dma_start3A_85 = arith.constant 0 : i32
      %dma_start3A_86 = tpu.memref_slice %arg6[%run_scoped3A_35, %dma_start3A, %dma_start3A_85] : memref<4x128x16xf32, #tpu.memory_space<vmem>> -> memref<1x128x16xf32, #tpu.memory_space<vmem>>
      %dma_start3A_87 = tpu.memref_squeeze %dma_start3A_86 : memref<1x128x16xf32, #tpu.memory_space<vmem>> -> memref<128x16xf32, #tpu.memory_space<vmem>>
      %dma_start3A_88 = arith.constant 0 : i32
      %dma_start3A_89 = tpu.memref_slice %arg7[%add3A_34, %dma_start3A_88] : memref<10240x16xf32, #tpu.memory_space<vmem_shared>> -> memref<128x16xf32, #tpu.memory_space<vmem_shared>>
      %dma_start3A_90 = arith.constant 0 : i32
      %dma_start3A_91 = tpu.memref_slice %arg7[%add3A_34, %dma_start3A_90] : memref<10240x16xf32, #tpu.memory_space<vmem_shared>> -> memref<128x16xf32, #tpu.memory_space<vmem_shared>>
      %dma_start3A_92 = arith.constant 0 : i32
      %dma_start3A_93 = arith.constant 0 : i32
      %dma_start3A_94 = tpu.memref_slice %arg6[%run_scoped3A_35, %dma_start3A_92, %dma_start3A_93] : memref<4x128x16xf32, #tpu.memory_space<vmem>> -> memref<1x128x16xf32, #tpu.memory_space<vmem>>
      %dma_start3A_95 = tpu.memref_squeeze %dma_start3A_94 : memref<1x128x16xf32, #tpu.memory_space<vmem>> -> memref<128x16xf32, #tpu.memory_space<vmem>>
      tpu.enqueue_dma source(%dma_start3A_95 : memref<128x16xf32, #tpu.memory_space<vmem>>) target(%dma_start3A_91 : memref<128x16xf32, #tpu.memory_space<vmem_shared>>) target_semaphore(%run_scoped3A_84 : memref<!tpu.dma_semaphore, #tpu.memory_space<semaphore_mem>>)
      %dma_wait3A = arith.constant 0 : i32
      %dma_wait3A_96 = arith.constant 0 : i32
      %dma_wait3A_97 = tpu.memref_slice %arg6[%run_scoped3A_35, %dma_wait3A, %dma_wait3A_96] : memref<4x128x16xf32, #tpu.memory_space<vmem>> -> memref<1x128x16xf32, #tpu.memory_space<vmem>>
      %dma_wait3A_98 = tpu.memref_squeeze %dma_wait3A_97 : memref<1x128x16xf32, #tpu.memory_space<vmem>> -> memref<128x16xf32, #tpu.memory_space<vmem>>
      %dma_wait3A_99 = arith.constant 0 : i32
      %dma_wait3A_100 = tpu.memref_slice %arg7[%add3A_34, %dma_wait3A_99] : memref<10240x16xf32, #tpu.memory_space<vmem_shared>> -> memref<128x16xf32, #tpu.memory_space<vmem_shared>>
      %dma_wait3A_101 = arith.constant 0 : i32
      %dma_wait3A_102 = tpu.memref_slice %arg7[%add3A_34, %dma_wait3A_101] : memref<10240x16xf32, #tpu.memory_space<vmem_shared>> -> memref<128x16xf32, #tpu.memory_space<vmem_shared>>
      %dma_wait3A_103 = arith.constant 0 : i32
      %dma_wait3A_104 = arith.constant 0 : i32
      %dma_wait3A_105 = tpu.memref_slice %arg6[%run_scoped3A_35, %dma_wait3A_103, %dma_wait3A_104] : memref<4x128x16xf32, #tpu.memory_space<vmem>> -> memref<1x128x16xf32, #tpu.memory_space<vmem>>
      %dma_wait3A_106 = tpu.memref_squeeze %dma_wait3A_105 : memref<1x128x16xf32, #tpu.memory_space<vmem>> -> memref<128x16xf32, #tpu.memory_space<vmem>>
      tpu.wait_dma2 semaphore(%run_scoped3A_84 : memref<!tpu.dma_semaphore, #tpu.memory_space<semaphore_mem>>) src(%dma_wait3A_106 : memref<128x16xf32, #tpu.memory_space<vmem>>) dst(%dma_wait3A_102 : memref<128x16xf32, #tpu.memory_space<vmem_shared>>)
      tpu.yield
    }) : () -> ()
    %mul3A_36 = arith.constant 640 : i32
    %mul3A_37 = arith.muli %arg1, %mul3A_36 : i32
    %add3A_38 = arith.constant 384 : i32
    %add3A_39 = arith.addi %mul3A_37, %add3A_38 : i32
    %run_scoped3A_40 = arith.constant 0 : i32
    "tpu.region"() ({
      %run_scoped3A_84 = tpu.sem_alloc : memref<!tpu.dma_semaphore, #tpu.memory_space<semaphore_mem>>
      %dma_start3A = arith.constant 0 : i32
      %dma_start3A_85 = arith.constant 0 : i32
      %dma_start3A_86 = tpu.memref_slice %arg6[%run_scoped3A_40, %dma_start3A, %dma_start3A_85] : memref<4x128x16xf32, #tpu.memory_space<vmem>> -> memref<1x128x16xf32, #tpu.memory_space<vmem>>
      %dma_start3A_87 = tpu.memref_squeeze %dma_start3A_86 : memref<1x128x16xf32, #tpu.memory_space<vmem>> -> memref<128x16xf32, #tpu.memory_space<vmem>>
      %dma_start3A_88 = arith.constant 0 : i32
      %dma_start3A_89 = tpu.memref_slice %arg7[%add3A_39, %dma_start3A_88] : memref<10240x16xf32, #tpu.memory_space<vmem_shared>> -> memref<128x16xf32, #tpu.memory_space<vmem_shared>>
      %dma_start3A_90 = arith.constant 0 : i32
      %dma_start3A_91 = tpu.memref_slice %arg7[%add3A_39, %dma_start3A_90] : memref<10240x16xf32, #tpu.memory_space<vmem_shared>> -> memref<128x16xf32, #tpu.memory_space<vmem_shared>>
      %dma_start3A_92 = arith.constant 0 : i32
      %dma_start3A_93 = arith.constant 0 : i32
      %dma_start3A_94 = tpu.memref_slice %arg6[%run_scoped3A_40, %dma_start3A_92, %dma_start3A_93] : memref<4x128x16xf32, #tpu.memory_space<vmem>> -> memref<1x128x16xf32, #tpu.memory_space<vmem>>
      %dma_start3A_95 = tpu.memref_squeeze %dma_start3A_94 : memref<1x128x16xf32, #tpu.memory_space<vmem>> -> memref<128x16xf32, #tpu.memory_space<vmem>>
      tpu.enqueue_dma source(%dma_start3A_95 : memref<128x16xf32, #tpu.memory_space<vmem>>) target(%dma_start3A_91 : memref<128x16xf32, #tpu.memory_space<vmem_shared>>) target_semaphore(%run_scoped3A_84 : memref<!tpu.dma_semaphore, #tpu.memory_space<semaphore_mem>>)
      %dma_wait3A = arith.constant 0 : i32
      %dma_wait3A_96 = arith.constant 0 : i32
      %dma_wait3A_97 = tpu.memref_slice %arg6[%run_scoped3A_40, %dma_wait3A, %dma_wait3A_96] : memref<4x128x16xf32, #tpu.memory_space<vmem>> -> memref<1x128x16xf32, #tpu.memory_space<vmem>>
      %dma_wait3A_98 = tpu.memref_squeeze %dma_wait3A_97 : memref<1x128x16xf32, #tpu.memory_space<vmem>> -> memref<128x16xf32, #tpu.memory_space<vmem>>
      %dma_wait3A_99 = arith.constant 0 : i32
      %dma_wait3A_100 = tpu.memref_slice %arg7[%add3A_39, %dma_wait3A_99] : memref<10240x16xf32, #tpu.memory_space<vmem_shared>> -> memref<128x16xf32, #tpu.memory_space<vmem_shared>>
      %dma_wait3A_101 = arith.constant 0 : i32
      %dma_wait3A_102 = tpu.memref_slice %arg7[%add3A_39, %dma_wait3A_101] : memref<10240x16xf32, #tpu.memory_space<vmem_shared>> -> memref<128x16xf32, #tpu.memory_space<vmem_shared>>
      %dma_wait3A_103 = arith.constant 0 : i32
      %dma_wait3A_104 = arith.constant 0 : i32
      %dma_wait3A_105 = tpu.memref_slice %arg6[%run_scoped3A_40, %dma_wait3A_103, %dma_wait3A_104] : memref<4x128x16xf32, #tpu.memory_space<vmem>> -> memref<1x128x16xf32, #tpu.memory_space<vmem>>
      %dma_wait3A_106 = tpu.memref_squeeze %dma_wait3A_105 : memref<1x128x16xf32, #tpu.memory_space<vmem>> -> memref<128x16xf32, #tpu.memory_space<vmem>>
      tpu.wait_dma2 semaphore(%run_scoped3A_84 : memref<!tpu.dma_semaphore, #tpu.memory_space<semaphore_mem>>) src(%dma_wait3A_106 : memref<128x16xf32, #tpu.memory_space<vmem>>) dst(%dma_wait3A_102 : memref<128x16xf32, #tpu.memory_space<vmem_shared>>)
      tpu.yield
    }) : () -> ()
    %mul3A_41 = arith.constant 640 : i32
    %mul3A_42 = arith.muli %arg1, %mul3A_41 : i32
    %add3A_43 = arith.constant 512 : i32
    %add3A_44 = arith.addi %mul3A_42, %add3A_43 : i32
    %run_scoped3A_45 = arith.constant 0 : i32
    "tpu.region"() ({
      %run_scoped3A_84 = tpu.sem_alloc : memref<!tpu.dma_semaphore, #tpu.memory_space<semaphore_mem>>
      %dma_start3A = arith.constant 0 : i32
      %dma_start3A_85 = arith.constant 0 : i32
      %dma_start3A_86 = tpu.memref_slice %arg6[%run_scoped3A_45, %dma_start3A, %dma_start3A_85] : memref<4x128x16xf32, #tpu.memory_space<vmem>> -> memref<1x128x16xf32, #tpu.memory_space<vmem>>
      %dma_start3A_87 = tpu.memref_squeeze %dma_start3A_86 : memref<1x128x16xf32, #tpu.memory_space<vmem>> -> memref<128x16xf32, #tpu.memory_space<vmem>>
      %dma_start3A_88 = arith.constant 0 : i32
      %dma_start3A_89 = tpu.memref_slice %arg7[%add3A_44, %dma_start3A_88] : memref<10240x16xf32, #tpu.memory_space<vmem_shared>> -> memref<128x16xf32, #tpu.memory_space<vmem_shared>>
      %dma_start3A_90 = arith.constant 0 : i32
      %dma_start3A_91 = tpu.memref_slice %arg7[%add3A_44, %dma_start3A_90] : memref<10240x16xf32, #tpu.memory_space<vmem_shared>> -> memref<128x16xf32, #tpu.memory_space<vmem_shared>>
      %dma_start3A_92 = arith.constant 0 : i32
      %dma_start3A_93 = arith.constant 0 : i32
      %dma_start3A_94 = tpu.memref_slice %arg6[%run_scoped3A_45, %dma_start3A_92, %dma_start3A_93] : memref<4x128x16xf32, #tpu.memory_space<vmem>> -> memref<1x128x16xf32, #tpu.memory_space<vmem>>
      %dma_start3A_95 = tpu.memref_squeeze %dma_start3A_94 : memref<1x128x16xf32, #tpu.memory_space<vmem>> -> memref<128x16xf32, #tpu.memory_space<vmem>>
      tpu.enqueue_dma source(%dma_start3A_95 : memref<128x16xf32, #tpu.memory_space<vmem>>) target(%dma_start3A_91 : memref<128x16xf32, #tpu.memory_space<vmem_shared>>) target_semaphore(%run_scoped3A_84 : memref<!tpu.dma_semaphore, #tpu.memory_space<semaphore_mem>>)
      %dma_wait3A = arith.constant 0 : i32
      %dma_wait3A_96 = arith.constant 0 : i32
      %dma_wait3A_97 = tpu.memref_slice %arg6[%run_scoped3A_45, %dma_wait3A, %dma_wait3A_96] : memref<4x128x16xf32, #tpu.memory_space<vmem>> -> memref<1x128x16xf32, #tpu.memory_space<vmem>>
      %dma_wait3A_98 = tpu.memref_squeeze %dma_wait3A_97 : memref<1x128x16xf32, #tpu.memory_space<vmem>> -> memref<128x16xf32, #tpu.memory_space<vmem>>
      %dma_wait3A_99 = arith.constant 0 : i32
      %dma_wait3A_100 = tpu.memref_slice %arg7[%add3A_44, %dma_wait3A_99] : memref<10240x16xf32, #tpu.memory_space<vmem_shared>> -> memref<128x16xf32, #tpu.memory_space<vmem_shared>>
      %dma_wait3A_101 = arith.constant 0 : i32
      %dma_wait3A_102 = tpu.memref_slice %arg7[%add3A_44, %dma_wait3A_101] : memref<10240x16xf32, #tpu.memory_space<vmem_shared>> -> memref<128x16xf32, #tpu.memory_space<vmem_shared>>
      %dma_wait3A_103 = arith.constant 0 : i32
      %dma_wait3A_104 = arith.constant 0 : i32
      %dma_wait3A_105 = tpu.memref_slice %arg6[%run_scoped3A_45, %dma_wait3A_103, %dma_wait3A_104] : memref<4x128x16xf32, #tpu.memory_space<vmem>> -> memref<1x128x16xf32, #tpu.memory_space<vmem>>
      %dma_wait3A_106 = tpu.memref_squeeze %dma_wait3A_105 : memref<1x128x16xf32, #tpu.memory_space<vmem>> -> memref<128x16xf32, #tpu.memory_space<vmem>>
      tpu.wait_dma2 semaphore(%run_scoped3A_84 : memref<!tpu.dma_semaphore, #tpu.memory_space<semaphore_mem>>) src(%dma_wait3A_106 : memref<128x16xf32, #tpu.memory_space<vmem>>) dst(%dma_wait3A_102 : memref<128x16xf32, #tpu.memory_space<vmem_shared>>)
      tpu.yield
    }) : () -> ()
    %scan3A_46 = arith.constant 0 : i32
    %scan3A_47 = arith.constant 0 : i32
    %scan3A_48 = arith.constant 128 : i32
    %scan3A_49 = arith.addi %scan3A_47, %scan3A_48 : i32
    %scan3A_50 = arith.constant 1 : i32
    scf.for %scan3A_84 = %scan3A_47 to %scan3A_49 step %scan3A_50  : i32 {
      %broadcast_in_dim3A = arith.constant 1.000000e+00 : f32
      %broadcast_in_dim3A_85 = vector.broadcast %broadcast_in_dim3A : f32 to vector<16xf32>
      %swap3A = arith.constant 0 : i32
      %swap3A_86 = arith.index_cast %swap3A : i32 to index
      %swap3A_87 = arith.index_cast %scan3A_84 : i32 to index
      %swap3A_88 = arith.constant 0 : index
      %swap3A_89 = tpu.vector_load %arg6[%swap3A_86, %swap3A_87, %swap3A_88] {strides = array<i32>} : memref<4x128x16xf32, #tpu.memory_space<vmem>>, vector<1x1x16xf32>,
      %swap3A_90 = vector.shape_cast %swap3A_89 : vector<1x1x16xf32> to vector<16xf32>
      %swap3A_91 = vector.shape_cast %broadcast_in_dim3A_85 : vector<16xf32> to vector<1x1x16xf32>
      tpu.vector_store %arg6[%swap3A_86, %swap3A_87, %swap3A_88], %swap3A_91 {strides = array<i32>} : memref<4x128x16xf32, #tpu.memory_space<vmem>>, vector<1x1x16xf32>,
    }
    %scan3A_51 = arith.constant 128 : i32
    %barrier3A = arith.constant 0 : index
    tpu.barrier barrier_id(%barrier3A)
    %jit3A_52 = arith.constant 40 : i32
    %div3A = arith.divsi %select_n3A_8, %jit3A_52 : i32
    %sign3A = arith.constant 0 : i32
    %sign3A_53 = arith.cmpi sgt, %select_n3A_8, %sign3A : i32
    %sign3A_54 = arith.extui %sign3A_53 : i1 to i32
    %sign3A_55 = arith.constant 0 : i32
    %sign3A_56 = arith.cmpi slt, %select_n3A_8, %sign3A_55 : i32
    %sign3A_57 = arith.extui %sign3A_56 : i1 to i32
    %sign3A_58 = arith.subi %sign3A_54, %sign3A_57 : i32
    %sign3A_59 = arith.constant 0 : i32
    %sign3A_60 = arith.cmpi sgt, %jit3A_52, %sign3A_59 : i32
    %sign3A_61 = arith.extui %sign3A_60 : i1 to i32
    %sign3A_62 = arith.constant 0 : i32
    %sign3A_63 = arith.cmpi slt, %jit3A_52, %sign3A_62 : i32
    %sign3A_64 = arith.extui %sign3A_63 : i1 to i32
    %sign3A_65 = arith.subi %sign3A_61, %sign3A_64 : i32
    %ne3A = arith.cmpi ne, %sign3A_58, %sign3A_65 : i32
    %rem3A = arith.remsi %select_n3A_8, %jit3A_52 : i32
    %ne3A_66 = arith.constant 0 : i32
    %ne3A_67 = arith.cmpi ne, %rem3A, %ne3A_66 : i32
    %and3A = arith.andi %ne3A, %ne3A_67 : i1
    %sub3A = arith.constant 1 : i32
    %sub3A_68 = arith.subi %div3A, %sub3A : i32
    %select_n3A_69 = arith.select %and3A, %sub3A_68, %div3A : i32
    %while3A = arith.constant 0 : i32
    %while3A_70 = arith.constant 0 : i32
    %while3A_71 = arith.subi %select_n3A_69, %while3A_70 : i32
    %while3A_72 = arith.addi %while3A_70, %while3A_71 : i32
    %while3A_73 = arith.constant 1 : i32
    %while3A_74 = arith.divsi %while3A_71, %while3A_73 : i32
    %while3A_75 = arith.muli %while3A_74, %while3A_73 : i32
    %while3A_76 = arith.addi %while3A_70, %while3A_75 : i32
    %while3A_77 = arith.constant 1 : i32
    scf.for %while3A_84 = %while3A_70 to %while3A_76 step %while3A_77  : i32 {
      %scan3A_85 = arith.constant 0 : i32
      %scan3A_86 = arith.constant 0 : i32
      %scan3A_87 = arith.constant 40 : i32
      %scan3A_88 = arith.addi %scan3A_86, %scan3A_87 : i32
      %scan3A_89 = arith.constant 1 : i32
      scf.for %scan3A_97 = %scan3A_86 to %scan3A_88 step %scan3A_89  : i32 {
        %mul3A_98 = arith.constant 40 : i32
        %mul3A_99 = arith.muli %while3A_84, %mul3A_98 : i32
        %add3A_100 = arith.addi %mul3A_99, %scan3A_97 : i32
        %dma_start3A = arith.constant 0 : i32
        %dma_start3A_101 = arith.constant 0 : i32
        %dma_start3A_102 = arith.constant 0 : i32
        %dma_start3A_103 = arith.constant 0 : i32
        %dma_start3A_104 = tpu.memref_slice %arg6[%dma_start3A, %dma_start3A_102, %dma_start3A_103] : memref<4x128x16xf32, #tpu.memory_space<vmem>> -> memref<1x128x16xf32, #tpu.memory_space<vmem>>
        %dma_start3A_105 = tpu.memref_squeeze %dma_start3A_104 : memref<1x128x16xf32, #tpu.memory_space<vmem>> -> memref<128x16xf32, #tpu.memory_space<vmem>>
        %dma_start3A_106 = arith.constant 0 : i32
        %dma_start3A_107 = tpu.memref_slice %arg5[%add3A_100, %dma_start3A_106] : memref<80x128xi32, #tpu.memory_space<vmem>> -> memref<1x128xi32, #tpu.memory_space<vmem>>
        %dma_start3A_108 = tpu.memref_squeeze %dma_start3A_107 : memref<1x128xi32, #tpu.memory_space<vmem>> -> memref<128xi32, #tpu.memory_space<vmem>>
        %dma_start3A_109 = arith.constant 0 : i32
        %dma_start3A_110 = arith.constant 0 : i32
        %dma_start3A_111 = tpu.memref_slice %arg7[%dma_start3A_109, %dma_start3A_110] : memref<10240x16xf32, #tpu.memory_space<vmem_shared>> -> memref<10240x16xf32, #tpu.memory_space<vmem_shared>>
        %dma_start3A_112 = tpu.memref_slice %arg9[%dma_start3A_101] : memref<4x!tpu.dma_semaphore, #tpu.memory_space<semaphore_mem>> -> memref<1x!tpu.dma_semaphore, #tpu.memory_space<semaphore_mem>>
        %dma_start3A_113 = tpu.memref_squeeze %dma_start3A_112 : memref<1x!tpu.dma_semaphore, #tpu.memory_space<semaphore_mem>> -> memref<!tpu.dma_semaphore, #tpu.memory_space<semaphore_mem>>
        tpu.enqueue_indirect_dma source(%dma_start3A_105 : memref<128x16xf32, #tpu.memory_space<vmem>>) target(%dma_start3A_111 : memref<10240x16xf32, #tpu.memory_space<vmem_shared>>) offsets(%dma_start3A_108 : memref<128xi32, #tpu.memory_space<vmem>>) semaphore(%dma_start3A_113 : memref<!tpu.dma_semaphore, #tpu.memory_space<semaphore_mem>>) {add = true}
      }
      %scan3A_90 = arith.constant 40 : i32
      %scan3A_91 = arith.constant 0 : i32
      %scan3A_92 = arith.constant 0 : i32
      %scan3A_93 = arith.constant 40 : i32
      %scan3A_94 = arith.addi %scan3A_92, %scan3A_93 : i32
      %scan3A_95 = arith.constant 1 : i32
      scf.for %scan3A_97 = %scan3A_92 to %scan3A_94 step %scan3A_95  : i32 {
        %dma_wait3A = arith.constant 0 : i32
        %dma_wait3A_98 = arith.constant 0 : i32
        %dma_wait3A_99 = arith.constant 0 : i32
        %dma_wait3A_100 = arith.constant 0 : i32
        %dma_wait3A_101 = arith.constant 0 : i32
        %dma_wait3A_102 = tpu.memref_slice %arg6[%dma_wait3A, %dma_wait3A_100, %dma_wait3A_101] : memref<4x128x16xf32, #tpu.memory_space<vmem>> -> memref<1x128x16xf32, #tpu.memory_space<vmem>>
        %dma_wait3A_103 = tpu.memref_squeeze %dma_wait3A_102 : memref<1x128x16xf32, #tpu.memory_space<vmem>> -> memref<128x16xf32, #tpu.memory_space<vmem>>
        %dma_wait3A_104 = arith.constant 0 : i32
        %dma_wait3A_105 = tpu.memref_slice %arg5[%dma_wait3A_98, %dma_wait3A_104] : memref<80x128xi32, #tpu.memory_space<vmem>> -> memref<1x128xi32, #tpu.memory_space<vmem>>
        %dma_wait3A_106 = tpu.memref_squeeze %dma_wait3A_105 : memref<1x128xi32, #tpu.memory_space<vmem>> -> memref<128xi32, #tpu.memory_space<vmem>>
        %dma_wait3A_107 = arith.constant 0 : i32
        %dma_wait3A_108 = arith.constant 0 : i32
        %dma_wait3A_109 = tpu.memref_slice %arg7[%dma_wait3A_107, %dma_wait3A_108] : memref<10240x16xf32, #tpu.memory_space<vmem_shared>> -> memref<10240x16xf32, #tpu.memory_space<vmem_shared>>
        %dma_wait3A_110 = tpu.memref_slice %arg9[%dma_wait3A_99] : memref<4x!tpu.dma_semaphore, #tpu.memory_space<semaphore_mem>> -> memref<1x!tpu.dma_semaphore, #tpu.memory_space<semaphore_mem>>
        %dma_wait3A_111 = tpu.memref_squeeze %dma_wait3A_110 : memref<1x!tpu.dma_semaphore, #tpu.memory_space<semaphore_mem>> -> memref<!tpu.dma_semaphore, #tpu.memory_space<semaphore_mem>>
        tpu.wait_indirect_dma semaphore(%dma_wait3A_111 : memref<!tpu.dma_semaphore, #tpu.memory_space<semaphore_mem>>) src(%dma_wait3A_103 : memref<128x16xf32, #tpu.memory_space<vmem>>) dst(%dma_wait3A_109 : memref<10240x16xf32, #tpu.memory_space<vmem_shared>>)
      }
      %scan3A_96 = arith.constant 40 : i32
    }
    %while3A_78 = arith.constant 1 : i32
    scf.for %while3A_84 = %while3A_76 to %while3A_72 step %while3A_78  : i32 {
      %scan3A_85 = arith.constant 0 : i32
      %scan3A_86 = arith.constant 0 : i32
      %scan3A_87 = arith.constant 40 : i32
      %scan3A_88 = arith.addi %scan3A_86, %scan3A_87 : i32
      %scan3A_89 = arith.constant 1 : i32
      scf.for %scan3A_97 = %scan3A_86 to %scan3A_88 step %scan3A_89  : i32 {
        %mul3A_98 = arith.constant 40 : i32
        %mul3A_99 = arith.muli %while3A_84, %mul3A_98 : i32
        %add3A_100 = arith.addi %mul3A_99, %scan3A_97 : i32
        %dma_start3A = arith.constant 0 : i32
        %dma_start3A_101 = arith.constant 0 : i32
        %dma_start3A_102 = arith.constant 0 : i32
        %dma_start3A_103 = arith.constant 0 : i32
        %dma_start3A_104 = tpu.memref_slice %arg6[%dma_start3A, %dma_start3A_102, %dma_start3A_103] : memref<4x128x16xf32, #tpu.memory_space<vmem>> -> memref<1x128x16xf32, #tpu.memory_space<vmem>>
        %dma_start3A_105 = tpu.memref_squeeze %dma_start3A_104 : memref<1x128x16xf32, #tpu.memory_space<vmem>> -> memref<128x16xf32, #tpu.memory_space<vmem>>
        %dma_start3A_106 = arith.constant 0 : i32
        %dma_start3A_107 = tpu.memref_slice %arg5[%add3A_100, %dma_start3A_106] : memref<80x128xi32, #tpu.memory_space<vmem>> -> memref<1x128xi32, #tpu.memory_space<vmem>>
        %dma_start3A_108 = tpu.memref_squeeze %dma_start3A_107 : memref<1x128xi32, #tpu.memory_space<vmem>> -> memref<128xi32, #tpu.memory_space<vmem>>
        %dma_start3A_109 = arith.constant 0 : i32
        %dma_start3A_110 = arith.constant 0 : i32
        %dma_start3A_111 = tpu.memref_slice %arg7[%dma_start3A_109, %dma_start3A_110] : memref<10240x16xf32, #tpu.memory_space<vmem_shared>> -> memref<10240x16xf32, #tpu.memory_space<vmem_shared>>
        %dma_start3A_112 = tpu.memref_slice %arg9[%dma_start3A_101] : memref<4x!tpu.dma_semaphore, #tpu.memory_space<semaphore_mem>> -> memref<1x!tpu.dma_semaphore, #tpu.memory_space<semaphore_mem>>
        %dma_start3A_113 = tpu.memref_squeeze %dma_start3A_112 : memref<1x!tpu.dma_semaphore, #tpu.memory_space<semaphore_mem>> -> memref<!tpu.dma_semaphore, #tpu.memory_space<semaphore_mem>>
        tpu.enqueue_indirect_dma source(%dma_start3A_105 : memref<128x16xf32, #tpu.memory_space<vmem>>) target(%dma_start3A_111 : memref<10240x16xf32, #tpu.memory_space<vmem_shared>>) offsets(%dma_start3A_108 : memref<128xi32, #tpu.memory_space<vmem>>) semaphore(%dma_start3A_113 : memref<!tpu.dma_semaphore, #tpu.memory_space<semaphore_mem>>) {add = true}
      }
      %scan3A_90 = arith.constant 40 : i32
      %scan3A_91 = arith.constant 0 : i32
      %scan3A_92 = arith.constant 0 : i32
      %scan3A_93 = arith.constant 40 : i32
      %scan3A_94 = arith.addi %scan3A_92, %scan3A_93 : i32
      %scan3A_95 = arith.constant 1 : i32
      scf.for %scan3A_97 = %scan3A_92 to %scan3A_94 step %scan3A_95  : i32 {
        %dma_wait3A = arith.constant 0 : i32
        %dma_wait3A_98 = arith.constant 0 : i32
        %dma_wait3A_99 = arith.constant 0 : i32
        %dma_wait3A_100 = arith.constant 0 : i32
        %dma_wait3A_101 = arith.constant 0 : i32
        %dma_wait3A_102 = tpu.memref_slice %arg6[%dma_wait3A, %dma_wait3A_100, %dma_wait3A_101] : memref<4x128x16xf32, #tpu.memory_space<vmem>> -> memref<1x128x16xf32, #tpu.memory_space<vmem>>
        %dma_wait3A_103 = tpu.memref_squeeze %dma_wait3A_102 : memref<1x128x16xf32, #tpu.memory_space<vmem>> -> memref<128x16xf32, #tpu.memory_space<vmem>>
        %dma_wait3A_104 = arith.constant 0 : i32
        %dma_wait3A_105 = tpu.memref_slice %arg5[%dma_wait3A_98, %dma_wait3A_104] : memref<80x128xi32, #tpu.memory_space<vmem>> -> memref<1x128xi32, #tpu.memory_space<vmem>>
        %dma_wait3A_106 = tpu.memref_squeeze %dma_wait3A_105 : memref<1x128xi32, #tpu.memory_space<vmem>> -> memref<128xi32, #tpu.memory_space<vmem>>
        %dma_wait3A_107 = arith.constant 0 : i32
        %dma_wait3A_108 = arith.constant 0 : i32
        %dma_wait3A_109 = tpu.memref_slice %arg7[%dma_wait3A_107, %dma_wait3A_108] : memref<10240x16xf32, #tpu.memory_space<vmem_shared>> -> memref<10240x16xf32, #tpu.memory_space<vmem_shared>>
        %dma_wait3A_110 = tpu.memref_slice %arg9[%dma_wait3A_99] : memref<4x!tpu.dma_semaphore, #tpu.memory_space<semaphore_mem>> -> memref<1x!tpu.dma_semaphore, #tpu.memory_space<semaphore_mem>>
        %dma_wait3A_111 = tpu.memref_squeeze %dma_wait3A_110 : memref<1x!tpu.dma_semaphore, #tpu.memory_space<semaphore_mem>> -> memref<!tpu.dma_semaphore, #tpu.memory_space<semaphore_mem>>
        tpu.wait_indirect_dma semaphore(%dma_wait3A_111 : memref<!tpu.dma_semaphore, #tpu.memory_space<semaphore_mem>>) src(%dma_wait3A_103 : memref<128x16xf32, #tpu.memory_space<vmem>>) dst(%dma_wait3A_109 : memref<10240x16xf32, #tpu.memory_space<vmem_shared>>)
      }
      %scan3A_96 = arith.constant 40 : i32
    }
    %barrier3A_79 = arith.constant 0 : index
    tpu.barrier barrier_id(%barrier3A_79)
    %mul3A_80 = arith.constant 640 : i32
    %mul3A_81 = arith.muli %arg1, %mul3A_80 : i32
    %mul3A_82 = arith.constant 640 : i32
    %mul3A_83 = arith.muli %arg1, %mul3A_82 : i32
    "tpu.region"() ({
      %run_scoped3A_84 = tpu.sem_alloc : memref<!tpu.dma_semaphore, #tpu.memory_space<semaphore_mem>>
      %dma_start3A = arith.constant 0 : i32
      %dma_start3A_85 = tpu.memref_slice %arg3[%arg0, %mul3A_83, %dma_start3A] : memref<2x10240x16xf32, #tpu.memory_space<hbm>> -> memref<1x640x16xf32, #tpu.memory_space<hbm>>
      %dma_start3A_86 = tpu.memref_squeeze %dma_start3A_85 : memref<1x640x16xf32, #tpu.memory_space<hbm>> -> memref<640x16xf32, #tpu.memory_space<hbm>>
      %dma_start3A_87 = arith.constant 0 : i32
      %dma_start3A_88 = tpu.memref_slice %arg7[%mul3A_81, %dma_start3A_87] : memref<10240x16xf32, #tpu.memory_space<vmem_shared>> -> memref<640x16xf32, #tpu.memory_space<vmem_shared>>
      tpu.enqueue_dma source(%dma_start3A_88 : memref<640x16xf32, #tpu.memory_space<vmem_shared>>) target(%dma_start3A_86 : memref<640x16xf32, #tpu.memory_space<hbm>>) target_semaphore(%run_scoped3A_84 : memref<!tpu.dma_semaphore, #tpu.memory_space<semaphore_mem>>)
      %dma_wait3A = arith.constant 0 : i32
      %dma_wait3A_89 = tpu.memref_slice %arg3[%arg0, %mul3A_83, %dma_wait3A] : memref<2x10240x16xf32, #tpu.memory_space<hbm>> -> memref<1x640x16xf32, #tpu.memory_space<hbm>>
      %dma_wait3A_90 = tpu.memref_squeeze %dma_wait3A_89 : memref<1x640x16xf32, #tpu.memory_space<hbm>> -> memref<640x16xf32, #tpu.memory_space<hbm>>
      %dma_wait3A_91 = arith.constant 0 : i32
      %dma_wait3A_92 = tpu.memref_slice %arg7[%mul3A_81, %dma_wait3A_91] : memref<10240x16xf32, #tpu.memory_space<vmem_shared>> -> memref<640x16xf32, #tpu.memory_space<vmem_shared>>
      tpu.wait_dma2 semaphore(%run_scoped3A_84 : memref<!tpu.dma_semaphore, #tpu.memory_space<semaphore_mem>>) src(%dma_wait3A_92 : memref<640x16xf32, #tpu.memory_space<vmem_shared>>) dst(%dma_wait3A_90 : memref<640x16xf32, #tpu.memory_space<hbm>>)
      tpu.yield
    }) : () -> ()
    return
  }
}

#map = affine_map<(d0, d1) -> (0, 0)>
#map1 = affine_map<(d0, d1) -> (0, 0, 0)>
module attributes {stable_mosaic.version = 14 : i64} {
  func.func @body(%arg0: i32, %arg1: i32, %arg2: memref<10240x16xf32, #tpu.memory_space<hbm>>, %arg3: memref<2x2560x128xi32, #tpu.memory_space<hbm>>, %arg4: memref<2x10240x16xf32, #tpu.memory_space<hbm>>, %arg5: memref<88x128xi32, #tpu.memory_space<vmem>>, %arg6: memref<88x128xi32, #tpu.memory_space<vmem>>, %arg7: memref<4x128x16xf32, #tpu.memory_space<vmem>>, %arg8: memref<10240x16xf32, #tpu.memory_space<vmem_shared>>, %arg9: memref<10240x16xf32, #tpu.memory_space<vmem_shared>>, %arg10: memref<4x!tpu.dma_semaphore, #tpu.memory_space<semaphore_mem>>) attributes {dimension_semantics = [#tpu.dimension_semantics<core_parallel>, #tpu.dimension_semantics<subcore_parallel>], iteration_bounds = array<i64: 2, 16>, scalar_prefetch = 0 : i64, scratch_operands = 6 : i64, tpu.core_type = #tpu.core_type<sc_vector_subcore>, window_params = [{transform_indices = #map}, {transform_indices = #map1}, {transform_indices = #map1}]} {
    %eq3A = arith.constant 0 : i32
    %eq3A_0 = arith.cmpi eq, %arg0, %eq3A : i32
    %mul3A = arith.constant 88 : i32
    %mul3A_1 = arith.muli %arg1, %mul3A : i32
    %mul3A_2 = arith.constant 72 : i32
    %mul3A_3 = arith.muli %arg1, %mul3A_2 : i32
    %add3A = arith.constant 1408 : i32
    %add3A_4 = arith.addi %add3A, %mul3A_3 : i32
    %select_n3A = arith.select %eq3A_0, %mul3A_1, %add3A_4 : i32
    %eq3A_5 = arith.constant 0 : i32
    %eq3A_6 = arith.cmpi eq, %arg0, %eq3A_5 : i32
    %jit3A = arith.constant 88 : i32
    %jit3A_7 = arith.constant 72 : i32
    %select_n3A_8 = arith.select %eq3A_6, %jit3A, %jit3A_7 : i32
    %eq3A_9 = arith.constant 0 : i32
    %eq3A_10 = arith.cmpi eq, %arg0, %eq3A_9 : i32
    %convert_element_type3A = arith.extui %eq3A_10 : i1 to i32
    %cond3A = arith.constant 0 : i32
    %cond3A_11 = arith.cmpi ne, %convert_element_type3A, %cond3A : i32
    scf.if %cond3A_11 {
      %run_scoped3A_141 = arith.constant 0 : i32
      "tpu.region"() ({
        %run_scoped3A_143 = tpu.sem_alloc : memref<!tpu.dma_semaphore, #tpu.memory_space<semaphore_mem>>
        %dma_start3A_144 = arith.constant 0 : i32
        %dma_start3A_145 = arith.constant 0 : i32
        %dma_start3A_146 = tpu.memref_slice %arg5[%dma_start3A_144, %dma_start3A_145] : memref<88x128xi32, #tpu.memory_space<vmem>> -> memref<88x128xi32, #tpu.memory_space<vmem>>
        %dma_start3A_147 = arith.constant 0 : i32
        %dma_start3A_148 = tpu.memref_slice %arg3[%run_scoped3A_141, %select_n3A, %dma_start3A_147] : memref<2x2560x128xi32, #tpu.memory_space<hbm>> -> memref<1x88x128xi32, #tpu.memory_space<hbm>>
        %dma_start3A_149 = tpu.memref_squeeze %dma_start3A_148 : memref<1x88x128xi32, #tpu.memory_space<hbm>> -> memref<88x128xi32, #tpu.memory_space<hbm>>
        %dma_start3A_150 = arith.constant 0 : i32
        %dma_start3A_151 = arith.constant 0 : i32
        %dma_start3A_152 = tpu.memref_slice %arg5[%dma_start3A_150, %dma_start3A_151] : memref<88x128xi32, #tpu.memory_space<vmem>> -> memref<88x128xi32, #tpu.memory_space<vmem>>
        %dma_start3A_153 = arith.constant 0 : i32
        %dma_start3A_154 = tpu.memref_slice %arg3[%run_scoped3A_141, %select_n3A, %dma_start3A_153] : memref<2x2560x128xi32, #tpu.memory_space<hbm>> -> memref<1x88x128xi32, #tpu.memory_space<hbm>>
        %dma_start3A_155 = tpu.memref_squeeze %dma_start3A_154 : memref<1x88x128xi32, #tpu.memory_space<hbm>> -> memref<88x128xi32, #tpu.memory_space<hbm>>
        tpu.enqueue_dma source(%dma_start3A_155 : memref<88x128xi32, #tpu.memory_space<hbm>>) target(%dma_start3A_152 : memref<88x128xi32, #tpu.memory_space<vmem>>) target_semaphore(%run_scoped3A_143 : memref<!tpu.dma_semaphore, #tpu.memory_space<semaphore_mem>>)
        %dma_wait3A = arith.constant 0 : i32
        %dma_wait3A_156 = arith.constant 0 : i32
        %dma_wait3A_157 = tpu.memref_slice %arg5[%dma_wait3A, %dma_wait3A_156] : memref<88x128xi32, #tpu.memory_space<vmem>> -> memref<88x128xi32, #tpu.memory_space<vmem>>
        %dma_wait3A_158 = arith.constant 0 : i32
        %dma_wait3A_159 = tpu.memref_slice %arg3[%run_scoped3A_141, %select_n3A, %dma_wait3A_158] : memref<2x2560x128xi32, #tpu.memory_space<hbm>> -> memref<1x88x128xi32, #tpu.memory_space<hbm>>
        %dma_wait3A_160 = tpu.memref_squeeze %dma_wait3A_159 : memref<1x88x128xi32, #tpu.memory_space<hbm>> -> memref<88x128xi32, #tpu.memory_space<hbm>>
        %dma_wait3A_161 = arith.constant 0 : i32
        %dma_wait3A_162 = arith.constant 0 : i32
        %dma_wait3A_163 = tpu.memref_slice %arg5[%dma_wait3A_161, %dma_wait3A_162] : memref<88x128xi32, #tpu.memory_space<vmem>> -> memref<88x128xi32, #tpu.memory_space<vmem>>
        %dma_wait3A_164 = arith.constant 0 : i32
        %dma_wait3A_165 = tpu.memref_slice %arg3[%run_scoped3A_141, %select_n3A, %dma_wait3A_164] : memref<2x2560x128xi32, #tpu.memory_space<hbm>> -> memref<1x88x128xi32, #tpu.memory_space<hbm>>
        %dma_wait3A_166 = tpu.memref_squeeze %dma_wait3A_165 : memref<1x88x128xi32, #tpu.memory_space<hbm>> -> memref<88x128xi32, #tpu.memory_space<hbm>>
        tpu.wait_dma2 semaphore(%run_scoped3A_143 : memref<!tpu.dma_semaphore, #tpu.memory_space<semaphore_mem>>) src(%dma_wait3A_166 : memref<88x128xi32, #tpu.memory_space<hbm>>) dst(%dma_wait3A_163 : memref<88x128xi32, #tpu.memory_space<vmem>>)
        tpu.yield
      }) : () -> ()
      %run_scoped3A_142 = arith.constant 1 : i32
      "tpu.region"() ({
        %run_scoped3A_143 = tpu.sem_alloc : memref<!tpu.dma_semaphore, #tpu.memory_space<semaphore_mem>>
        %dma_start3A_144 = arith.constant 0 : i32
        %dma_start3A_145 = arith.constant 0 : i32
        %dma_start3A_146 = tpu.memref_slice %arg6[%dma_start3A_144, %dma_start3A_145] : memref<88x128xi32, #tpu.memory_space<vmem>> -> memref<88x128xi32, #tpu.memory_space<vmem>>
        %dma_start3A_147 = arith.constant 0 : i32
        %dma_start3A_148 = tpu.memref_slice %arg3[%run_scoped3A_142, %select_n3A, %dma_start3A_147] : memref<2x2560x128xi32, #tpu.memory_space<hbm>> -> memref<1x88x128xi32, #tpu.memory_space<hbm>>
        %dma_start3A_149 = tpu.memref_squeeze %dma_start3A_148 : memref<1x88x128xi32, #tpu.memory_space<hbm>> -> memref<88x128xi32, #tpu.memory_space<hbm>>
        %dma_start3A_150 = arith.constant 0 : i32
        %dma_start3A_151 = arith.constant 0 : i32
        %dma_start3A_152 = tpu.memref_slice %arg6[%dma_start3A_150, %dma_start3A_151] : memref<88x128xi32, #tpu.memory_space<vmem>> -> memref<88x128xi32, #tpu.memory_space<vmem>>
        %dma_start3A_153 = arith.constant 0 : i32
        %dma_start3A_154 = tpu.memref_slice %arg3[%run_scoped3A_142, %select_n3A, %dma_start3A_153] : memref<2x2560x128xi32, #tpu.memory_space<hbm>> -> memref<1x88x128xi32, #tpu.memory_space<hbm>>
        %dma_start3A_155 = tpu.memref_squeeze %dma_start3A_154 : memref<1x88x128xi32, #tpu.memory_space<hbm>> -> memref<88x128xi32, #tpu.memory_space<hbm>>
        tpu.enqueue_dma source(%dma_start3A_155 : memref<88x128xi32, #tpu.memory_space<hbm>>) target(%dma_start3A_152 : memref<88x128xi32, #tpu.memory_space<vmem>>) target_semaphore(%run_scoped3A_143 : memref<!tpu.dma_semaphore, #tpu.memory_space<semaphore_mem>>)
        %dma_wait3A = arith.constant 0 : i32
        %dma_wait3A_156 = arith.constant 0 : i32
        %dma_wait3A_157 = tpu.memref_slice %arg6[%dma_wait3A, %dma_wait3A_156] : memref<88x128xi32, #tpu.memory_space<vmem>> -> memref<88x128xi32, #tpu.memory_space<vmem>>
        %dma_wait3A_158 = arith.constant 0 : i32
        %dma_wait3A_159 = tpu.memref_slice %arg3[%run_scoped3A_142, %select_n3A, %dma_wait3A_158] : memref<2x2560x128xi32, #tpu.memory_space<hbm>> -> memref<1x88x128xi32, #tpu.memory_space<hbm>>
        %dma_wait3A_160 = tpu.memref_squeeze %dma_wait3A_159 : memref<1x88x128xi32, #tpu.memory_space<hbm>> -> memref<88x128xi32, #tpu.memory_space<hbm>>
        %dma_wait3A_161 = arith.constant 0 : i32
        %dma_wait3A_162 = arith.constant 0 : i32
        %dma_wait3A_163 = tpu.memref_slice %arg6[%dma_wait3A_161, %dma_wait3A_162] : memref<88x128xi32, #tpu.memory_space<vmem>> -> memref<88x128xi32, #tpu.memory_space<vmem>>
        %dma_wait3A_164 = arith.constant 0 : i32
        %dma_wait3A_165 = tpu.memref_slice %arg3[%run_scoped3A_142, %select_n3A, %dma_wait3A_164] : memref<2x2560x128xi32, #tpu.memory_space<hbm>> -> memref<1x88x128xi32, #tpu.memory_space<hbm>>
        %dma_wait3A_166 = tpu.memref_squeeze %dma_wait3A_165 : memref<1x88x128xi32, #tpu.memory_space<hbm>> -> memref<88x128xi32, #tpu.memory_space<hbm>>
        tpu.wait_dma2 semaphore(%run_scoped3A_143 : memref<!tpu.dma_semaphore, #tpu.memory_space<semaphore_mem>>) src(%dma_wait3A_166 : memref<88x128xi32, #tpu.memory_space<hbm>>) dst(%dma_wait3A_163 : memref<88x128xi32, #tpu.memory_space<vmem>>)
        tpu.yield
      }) : () -> ()
    } else {
    }
    %eq3A_12 = arith.constant 1 : i32
    %eq3A_13 = arith.cmpi eq, %arg0, %eq3A_12 : i32
    %convert_element_type3A_14 = arith.extui %eq3A_13 : i1 to i32
    %cond3A_15 = arith.constant 0 : i32
    %cond3A_16 = arith.cmpi ne, %convert_element_type3A_14, %cond3A_15 : i32
    scf.if %cond3A_16 {
      %run_scoped3A_141 = arith.constant 0 : i32
      "tpu.region"() ({
        %run_scoped3A_143 = tpu.sem_alloc : memref<!tpu.dma_semaphore, #tpu.memory_space<semaphore_mem>>
        %dma_start3A_144 = arith.constant 0 : i32
        %dma_start3A_145 = arith.constant 0 : i32
        %dma_start3A_146 = tpu.memref_slice %arg5[%dma_start3A_144, %dma_start3A_145] : memref<88x128xi32, #tpu.memory_space<vmem>> -> memref<72x128xi32, #tpu.memory_space<vmem>>
        %dma_start3A_147 = arith.constant 0 : i32
        %dma_start3A_148 = tpu.memref_slice %arg3[%run_scoped3A_141, %select_n3A, %dma_start3A_147] : memref<2x2560x128xi32, #tpu.memory_space<hbm>> -> memref<1x72x128xi32, #tpu.memory_space<hbm>>
        %dma_start3A_149 = tpu.memref_squeeze %dma_start3A_148 : memref<1x72x128xi32, #tpu.memory_space<hbm>> -> memref<72x128xi32, #tpu.memory_space<hbm>>
        %dma_start3A_150 = arith.constant 0 : i32
        %dma_start3A_151 = arith.constant 0 : i32
        %dma_start3A_152 = tpu.memref_slice %arg5[%dma_start3A_150, %dma_start3A_151] : memref<88x128xi32, #tpu.memory_space<vmem>> -> memref<72x128xi32, #tpu.memory_space<vmem>>
        %dma_start3A_153 = arith.constant 0 : i32
        %dma_start3A_154 = tpu.memref_slice %arg3[%run_scoped3A_141, %select_n3A, %dma_start3A_153] : memref<2x2560x128xi32, #tpu.memory_space<hbm>> -> memref<1x72x128xi32, #tpu.memory_space<hbm>>
        %dma_start3A_155 = tpu.memref_squeeze %dma_start3A_154 : memref<1x72x128xi32, #tpu.memory_space<hbm>> -> memref<72x128xi32, #tpu.memory_space<hbm>>
        tpu.enqueue_dma source(%dma_start3A_155 : memref<72x128xi32, #tpu.memory_space<hbm>>) target(%dma_start3A_152 : memref<72x128xi32, #tpu.memory_space<vmem>>) target_semaphore(%run_scoped3A_143 : memref<!tpu.dma_semaphore, #tpu.memory_space<semaphore_mem>>)
        %dma_wait3A = arith.constant 0 : i32
        %dma_wait3A_156 = arith.constant 0 : i32
        %dma_wait3A_157 = tpu.memref_slice %arg5[%dma_wait3A, %dma_wait3A_156] : memref<88x128xi32, #tpu.memory_space<vmem>> -> memref<72x128xi32, #tpu.memory_space<vmem>>
        %dma_wait3A_158 = arith.constant 0 : i32
        %dma_wait3A_159 = tpu.memref_slice %arg3[%run_scoped3A_141, %select_n3A, %dma_wait3A_158] : memref<2x2560x128xi32, #tpu.memory_space<hbm>> -> memref<1x72x128xi32, #tpu.memory_space<hbm>>
        %dma_wait3A_160 = tpu.memref_squeeze %dma_wait3A_159 : memref<1x72x128xi32, #tpu.memory_space<hbm>> -> memref<72x128xi32, #tpu.memory_space<hbm>>
        %dma_wait3A_161 = arith.constant 0 : i32
        %dma_wait3A_162 = arith.constant 0 : i32
        %dma_wait3A_163 = tpu.memref_slice %arg5[%dma_wait3A_161, %dma_wait3A_162] : memref<88x128xi32, #tpu.memory_space<vmem>> -> memref<72x128xi32, #tpu.memory_space<vmem>>
        %dma_wait3A_164 = arith.constant 0 : i32
        %dma_wait3A_165 = tpu.memref_slice %arg3[%run_scoped3A_141, %select_n3A, %dma_wait3A_164] : memref<2x2560x128xi32, #tpu.memory_space<hbm>> -> memref<1x72x128xi32, #tpu.memory_space<hbm>>
        %dma_wait3A_166 = tpu.memref_squeeze %dma_wait3A_165 : memref<1x72x128xi32, #tpu.memory_space<hbm>> -> memref<72x128xi32, #tpu.memory_space<hbm>>
        tpu.wait_dma2 semaphore(%run_scoped3A_143 : memref<!tpu.dma_semaphore, #tpu.memory_space<semaphore_mem>>) src(%dma_wait3A_166 : memref<72x128xi32, #tpu.memory_space<hbm>>) dst(%dma_wait3A_163 : memref<72x128xi32, #tpu.memory_space<vmem>>)
        tpu.yield
      }) : () -> ()
      %run_scoped3A_142 = arith.constant 1 : i32
      "tpu.region"() ({
        %run_scoped3A_143 = tpu.sem_alloc : memref<!tpu.dma_semaphore, #tpu.memory_space<semaphore_mem>>
        %dma_start3A_144 = arith.constant 0 : i32
        %dma_start3A_145 = arith.constant 0 : i32
        %dma_start3A_146 = tpu.memref_slice %arg6[%dma_start3A_144, %dma_start3A_145] : memref<88x128xi32, #tpu.memory_space<vmem>> -> memref<72x128xi32, #tpu.memory_space<vmem>>
        %dma_start3A_147 = arith.constant 0 : i32
        %dma_start3A_148 = tpu.memref_slice %arg3[%run_scoped3A_142, %select_n3A, %dma_start3A_147] : memref<2x2560x128xi32, #tpu.memory_space<hbm>> -> memref<1x72x128xi32, #tpu.memory_space<hbm>>
        %dma_start3A_149 = tpu.memref_squeeze %dma_start3A_148 : memref<1x72x128xi32, #tpu.memory_space<hbm>> -> memref<72x128xi32, #tpu.memory_space<hbm>>
        %dma_start3A_150 = arith.constant 0 : i32
        %dma_start3A_151 = arith.constant 0 : i32
        %dma_start3A_152 = tpu.memref_slice %arg6[%dma_start3A_150, %dma_start3A_151] : memref<88x128xi32, #tpu.memory_space<vmem>> -> memref<72x128xi32, #tpu.memory_space<vmem>>
        %dma_start3A_153 = arith.constant 0 : i32
        %dma_start3A_154 = tpu.memref_slice %arg3[%run_scoped3A_142, %select_n3A, %dma_start3A_153] : memref<2x2560x128xi32, #tpu.memory_space<hbm>> -> memref<1x72x128xi32, #tpu.memory_space<hbm>>
        %dma_start3A_155 = tpu.memref_squeeze %dma_start3A_154 : memref<1x72x128xi32, #tpu.memory_space<hbm>> -> memref<72x128xi32, #tpu.memory_space<hbm>>
        tpu.enqueue_dma source(%dma_start3A_155 : memref<72x128xi32, #tpu.memory_space<hbm>>) target(%dma_start3A_152 : memref<72x128xi32, #tpu.memory_space<vmem>>) target_semaphore(%run_scoped3A_143 : memref<!tpu.dma_semaphore, #tpu.memory_space<semaphore_mem>>)
        %dma_wait3A = arith.constant 0 : i32
        %dma_wait3A_156 = arith.constant 0 : i32
        %dma_wait3A_157 = tpu.memref_slice %arg6[%dma_wait3A, %dma_wait3A_156] : memref<88x128xi32, #tpu.memory_space<vmem>> -> memref<72x128xi32, #tpu.memory_space<vmem>>
        %dma_wait3A_158 = arith.constant 0 : i32
        %dma_wait3A_159 = tpu.memref_slice %arg3[%run_scoped3A_142, %select_n3A, %dma_wait3A_158] : memref<2x2560x128xi32, #tpu.memory_space<hbm>> -> memref<1x72x128xi32, #tpu.memory_space<hbm>>
        %dma_wait3A_160 = tpu.memref_squeeze %dma_wait3A_159 : memref<1x72x128xi32, #tpu.memory_space<hbm>> -> memref<72x128xi32, #tpu.memory_space<hbm>>
        %dma_wait3A_161 = arith.constant 0 : i32
        %dma_wait3A_162 = arith.constant 0 : i32
        %dma_wait3A_163 = tpu.memref_slice %arg6[%dma_wait3A_161, %dma_wait3A_162] : memref<88x128xi32, #tpu.memory_space<vmem>> -> memref<72x128xi32, #tpu.memory_space<vmem>>
        %dma_wait3A_164 = arith.constant 0 : i32
        %dma_wait3A_165 = tpu.memref_slice %arg3[%run_scoped3A_142, %select_n3A, %dma_wait3A_164] : memref<2x2560x128xi32, #tpu.memory_space<hbm>> -> memref<1x72x128xi32, #tpu.memory_space<hbm>>
        %dma_wait3A_166 = tpu.memref_squeeze %dma_wait3A_165 : memref<1x72x128xi32, #tpu.memory_space<hbm>> -> memref<72x128xi32, #tpu.memory_space<hbm>>
        tpu.wait_dma2 semaphore(%run_scoped3A_143 : memref<!tpu.dma_semaphore, #tpu.memory_space<semaphore_mem>>) src(%dma_wait3A_166 : memref<72x128xi32, #tpu.memory_space<hbm>>) dst(%dma_wait3A_163 : memref<72x128xi32, #tpu.memory_space<vmem>>)
        tpu.yield
      }) : () -> ()
    } else {
    }
    %scan3A = arith.constant 0 : i32
    %scan3A_17 = arith.constant 0 : i32
    %scan3A_18 = arith.constant 128 : i32
    %scan3A_19 = arith.addi %scan3A_17, %scan3A_18 : i32
    %scan3A_20 = arith.constant 1 : i32
    scf.for %scan3A_141 = %scan3A_17 to %scan3A_19 step %scan3A_20  : i32 {
      %broadcast_in_dim3A = arith.constant 0.000000e+00 : f32
      %broadcast_in_dim3A_142 = vector.broadcast %broadcast_in_dim3A : f32 to vector<16xf32>
      %swap3A = arith.constant 0 : i32
      %swap3A_143 = arith.index_cast %swap3A : i32 to index
      %swap3A_144 = arith.index_cast %scan3A_141 : i32 to index
      %swap3A_145 = arith.constant 0 : index
      %swap3A_146 = tpu.vector_load %arg7[%swap3A_143, %swap3A_144, %swap3A_145] {strides = array<i32>} : memref<4x128x16xf32, #tpu.memory_space<vmem>>, vector<1x1x16xf32>,
      %swap3A_147 = vector.shape_cast %swap3A_146 : vector<1x1x16xf32> to vector<16xf32>
      %swap3A_148 = vector.shape_cast %broadcast_in_dim3A_142 : vector<16xf32> to vector<1x1x16xf32>
      tpu.vector_store %arg7[%swap3A_143, %swap3A_144, %swap3A_145], %swap3A_148 {strides = array<i32>} : memref<4x128x16xf32, #tpu.memory_space<vmem>>, vector<1x1x16xf32>,
    }
    %scan3A_21 = arith.constant 128 : i32
    %mul3A_22 = arith.constant 640 : i32
    %mul3A_23 = arith.muli %arg1, %mul3A_22 : i32
    %add3A_24 = arith.constant 0 : i32
    %add3A_25 = arith.addi %mul3A_23, %add3A_24 : i32
    %run_scoped3A = arith.constant 0 : i32
    "tpu.region"() ({
      %run_scoped3A_141 = tpu.sem_alloc : memref<!tpu.dma_semaphore, #tpu.memory_space<semaphore_mem>>
      %dma_start3A_142 = arith.constant 0 : i32
      %dma_start3A_143 = arith.constant 0 : i32
      %dma_start3A_144 = tpu.memref_slice %arg7[%run_scoped3A, %dma_start3A_142, %dma_start3A_143] : memref<4x128x16xf32, #tpu.memory_space<vmem>> -> memref<1x128x16xf32, #tpu.memory_space<vmem>>
      %dma_start3A_145 = tpu.memref_squeeze %dma_start3A_144 : memref<1x128x16xf32, #tpu.memory_space<vmem>> -> memref<128x16xf32, #tpu.memory_space<vmem>>
      %dma_start3A_146 = arith.constant 0 : i32
      %dma_start3A_147 = tpu.memref_slice %arg8[%add3A_25, %dma_start3A_146] : memref<10240x16xf32, #tpu.memory_space<vmem_shared>> -> memref<128x16xf32, #tpu.memory_space<vmem_shared>>
      %dma_start3A_148 = arith.constant 0 : i32
      %dma_start3A_149 = tpu.memref_slice %arg8[%add3A_25, %dma_start3A_148] : memref<10240x16xf32, #tpu.memory_space<vmem_shared>> -> memref<128x16xf32, #tpu.memory_space<vmem_shared>>
      %dma_start3A_150 = arith.constant 0 : i32
      %dma_start3A_151 = arith.constant 0 : i32
      %dma_start3A_152 = tpu.memref_slice %arg7[%run_scoped3A, %dma_start3A_150, %dma_start3A_151] : memref<4x128x16xf32, #tpu.memory_space<vmem>> -> memref<1x128x16xf32, #tpu.memory_space<vmem>>
      %dma_start3A_153 = tpu.memref_squeeze %dma_start3A_152 : memref<1x128x16xf32, #tpu.memory_space<vmem>> -> memref<128x16xf32, #tpu.memory_space<vmem>>
      tpu.enqueue_dma source(%dma_start3A_153 : memref<128x16xf32, #tpu.memory_space<vmem>>) target(%dma_start3A_149 : memref<128x16xf32, #tpu.memory_space<vmem_shared>>) target_semaphore(%run_scoped3A_141 : memref<!tpu.dma_semaphore, #tpu.memory_space<semaphore_mem>>)
      %dma_wait3A = arith.constant 0 : i32
      %dma_wait3A_154 = arith.constant 0 : i32
      %dma_wait3A_155 = tpu.memref_slice %arg7[%run_scoped3A, %dma_wait3A, %dma_wait3A_154] : memref<4x128x16xf32, #tpu.memory_space<vmem>> -> memref<1x128x16xf32, #tpu.memory_space<vmem>>
      %dma_wait3A_156 = tpu.memref_squeeze %dma_wait3A_155 : memref<1x128x16xf32, #tpu.memory_space<vmem>> -> memref<128x16xf32, #tpu.memory_space<vmem>>
      %dma_wait3A_157 = arith.constant 0 : i32
      %dma_wait3A_158 = tpu.memref_slice %arg8[%add3A_25, %dma_wait3A_157] : memref<10240x16xf32, #tpu.memory_space<vmem_shared>> -> memref<128x16xf32, #tpu.memory_space<vmem_shared>>
      %dma_wait3A_159 = arith.constant 0 : i32
      %dma_wait3A_160 = tpu.memref_slice %arg8[%add3A_25, %dma_wait3A_159] : memref<10240x16xf32, #tpu.memory_space<vmem_shared>> -> memref<128x16xf32, #tpu.memory_space<vmem_shared>>
      %dma_wait3A_161 = arith.constant 0 : i32
      %dma_wait3A_162 = arith.constant 0 : i32
      %dma_wait3A_163 = tpu.memref_slice %arg7[%run_scoped3A, %dma_wait3A_161, %dma_wait3A_162] : memref<4x128x16xf32, #tpu.memory_space<vmem>> -> memref<1x128x16xf32, #tpu.memory_space<vmem>>
      %dma_wait3A_164 = tpu.memref_squeeze %dma_wait3A_163 : memref<1x128x16xf32, #tpu.memory_space<vmem>> -> memref<128x16xf32, #tpu.memory_space<vmem>>
      tpu.wait_dma2 semaphore(%run_scoped3A_141 : memref<!tpu.dma_semaphore, #tpu.memory_space<semaphore_mem>>) src(%dma_wait3A_164 : memref<128x16xf32, #tpu.memory_space<vmem>>) dst(%dma_wait3A_160 : memref<128x16xf32, #tpu.memory_space<vmem_shared>>)
      tpu.yield
    }) : () -> ()
    %mul3A_26 = arith.constant 640 : i32
    %mul3A_27 = arith.muli %arg1, %mul3A_26 : i32
    %add3A_28 = arith.constant 128 : i32
    %add3A_29 = arith.addi %mul3A_27, %add3A_28 : i32
    %run_scoped3A_30 = arith.constant 0 : i32
    "tpu.region"() ({
      %run_scoped3A_141 = tpu.sem_alloc : memref<!tpu.dma_semaphore, #tpu.memory_space<semaphore_mem>>
      %dma_start3A_142 = arith.constant 0 : i32
      %dma_start3A_143 = arith.constant 0 : i32
      %dma_start3A_144 = tpu.memref_slice %arg7[%run_scoped3A_30, %dma_start3A_142, %dma_start3A_143] : memref<4x128x16xf32, #tpu.memory_space<vmem>> -> memref<1x128x16xf32, #tpu.memory_space<vmem>>
      %dma_start3A_145 = tpu.memref_squeeze %dma_start3A_144 : memref<1x128x16xf32, #tpu.memory_space<vmem>> -> memref<128x16xf32, #tpu.memory_space<vmem>>
      %dma_start3A_146 = arith.constant 0 : i32
      %dma_start3A_147 = tpu.memref_slice %arg8[%add3A_29, %dma_start3A_146] : memref<10240x16xf32, #tpu.memory_space<vmem_shared>> -> memref<128x16xf32, #tpu.memory_space<vmem_shared>>
      %dma_start3A_148 = arith.constant 0 : i32
      %dma_start3A_149 = tpu.memref_slice %arg8[%add3A_29, %dma_start3A_148] : memref<10240x16xf32, #tpu.memory_space<vmem_shared>> -> memref<128x16xf32, #tpu.memory_space<vmem_shared>>
      %dma_start3A_150 = arith.constant 0 : i32
      %dma_start3A_151 = arith.constant 0 : i32
      %dma_start3A_152 = tpu.memref_slice %arg7[%run_scoped3A_30, %dma_start3A_150, %dma_start3A_151] : memref<4x128x16xf32, #tpu.memory_space<vmem>> -> memref<1x128x16xf32, #tpu.memory_space<vmem>>
      %dma_start3A_153 = tpu.memref_squeeze %dma_start3A_152 : memref<1x128x16xf32, #tpu.memory_space<vmem>> -> memref<128x16xf32, #tpu.memory_space<vmem>>
      tpu.enqueue_dma source(%dma_start3A_153 : memref<128x16xf32, #tpu.memory_space<vmem>>) target(%dma_start3A_149 : memref<128x16xf32, #tpu.memory_space<vmem_shared>>) target_semaphore(%run_scoped3A_141 : memref<!tpu.dma_semaphore, #tpu.memory_space<semaphore_mem>>)
      %dma_wait3A = arith.constant 0 : i32
      %dma_wait3A_154 = arith.constant 0 : i32
      %dma_wait3A_155 = tpu.memref_slice %arg7[%run_scoped3A_30, %dma_wait3A, %dma_wait3A_154] : memref<4x128x16xf32, #tpu.memory_space<vmem>> -> memref<1x128x16xf32, #tpu.memory_space<vmem>>
      %dma_wait3A_156 = tpu.memref_squeeze %dma_wait3A_155 : memref<1x128x16xf32, #tpu.memory_space<vmem>> -> memref<128x16xf32, #tpu.memory_space<vmem>>
      %dma_wait3A_157 = arith.constant 0 : i32
      %dma_wait3A_158 = tpu.memref_slice %arg8[%add3A_29, %dma_wait3A_157] : memref<10240x16xf32, #tpu.memory_space<vmem_shared>> -> memref<128x16xf32, #tpu.memory_space<vmem_shared>>
      %dma_wait3A_159 = arith.constant 0 : i32
      %dma_wait3A_160 = tpu.memref_slice %arg8[%add3A_29, %dma_wait3A_159] : memref<10240x16xf32, #tpu.memory_space<vmem_shared>> -> memref<128x16xf32, #tpu.memory_space<vmem_shared>>
      %dma_wait3A_161 = arith.constant 0 : i32
      %dma_wait3A_162 = arith.constant 0 : i32
      %dma_wait3A_163 = tpu.memref_slice %arg7[%run_scoped3A_30, %dma_wait3A_161, %dma_wait3A_162] : memref<4x128x16xf32, #tpu.memory_space<vmem>> -> memref<1x128x16xf32, #tpu.memory_space<vmem>>
      %dma_wait3A_164 = tpu.memref_squeeze %dma_wait3A_163 : memref<1x128x16xf32, #tpu.memory_space<vmem>> -> memref<128x16xf32, #tpu.memory_space<vmem>>
      tpu.wait_dma2 semaphore(%run_scoped3A_141 : memref<!tpu.dma_semaphore, #tpu.memory_space<semaphore_mem>>) src(%dma_wait3A_164 : memref<128x16xf32, #tpu.memory_space<vmem>>) dst(%dma_wait3A_160 : memref<128x16xf32, #tpu.memory_space<vmem_shared>>)
      tpu.yield
    }) : () -> ()
    %mul3A_31 = arith.constant 640 : i32
    %mul3A_32 = arith.muli %arg1, %mul3A_31 : i32
    %add3A_33 = arith.constant 256 : i32
    %add3A_34 = arith.addi %mul3A_32, %add3A_33 : i32
    %run_scoped3A_35 = arith.constant 0 : i32
    "tpu.region"() ({
      %run_scoped3A_141 = tpu.sem_alloc : memref<!tpu.dma_semaphore, #tpu.memory_space<semaphore_mem>>
      %dma_start3A_142 = arith.constant 0 : i32
      %dma_start3A_143 = arith.constant 0 : i32
      %dma_start3A_144 = tpu.memref_slice %arg7[%run_scoped3A_35, %dma_start3A_142, %dma_start3A_143] : memref<4x128x16xf32, #tpu.memory_space<vmem>> -> memref<1x128x16xf32, #tpu.memory_space<vmem>>
      %dma_start3A_145 = tpu.memref_squeeze %dma_start3A_144 : memref<1x128x16xf32, #tpu.memory_space<vmem>> -> memref<128x16xf32, #tpu.memory_space<vmem>>
      %dma_start3A_146 = arith.constant 0 : i32
      %dma_start3A_147 = tpu.memref_slice %arg8[%add3A_34, %dma_start3A_146] : memref<10240x16xf32, #tpu.memory_space<vmem_shared>> -> memref<128x16xf32, #tpu.memory_space<vmem_shared>>
      %dma_start3A_148 = arith.constant 0 : i32
      %dma_start3A_149 = tpu.memref_slice %arg8[%add3A_34, %dma_start3A_148] : memref<10240x16xf32, #tpu.memory_space<vmem_shared>> -> memref<128x16xf32, #tpu.memory_space<vmem_shared>>
      %dma_start3A_150 = arith.constant 0 : i32
      %dma_start3A_151 = arith.constant 0 : i32
      %dma_start3A_152 = tpu.memref_slice %arg7[%run_scoped3A_35, %dma_start3A_150, %dma_start3A_151] : memref<4x128x16xf32, #tpu.memory_space<vmem>> -> memref<1x128x16xf32, #tpu.memory_space<vmem>>
      %dma_start3A_153 = tpu.memref_squeeze %dma_start3A_152 : memref<1x128x16xf32, #tpu.memory_space<vmem>> -> memref<128x16xf32, #tpu.memory_space<vmem>>
      tpu.enqueue_dma source(%dma_start3A_153 : memref<128x16xf32, #tpu.memory_space<vmem>>) target(%dma_start3A_149 : memref<128x16xf32, #tpu.memory_space<vmem_shared>>) target_semaphore(%run_scoped3A_141 : memref<!tpu.dma_semaphore, #tpu.memory_space<semaphore_mem>>)
      %dma_wait3A = arith.constant 0 : i32
      %dma_wait3A_154 = arith.constant 0 : i32
      %dma_wait3A_155 = tpu.memref_slice %arg7[%run_scoped3A_35, %dma_wait3A, %dma_wait3A_154] : memref<4x128x16xf32, #tpu.memory_space<vmem>> -> memref<1x128x16xf32, #tpu.memory_space<vmem>>
      %dma_wait3A_156 = tpu.memref_squeeze %dma_wait3A_155 : memref<1x128x16xf32, #tpu.memory_space<vmem>> -> memref<128x16xf32, #tpu.memory_space<vmem>>
      %dma_wait3A_157 = arith.constant 0 : i32
      %dma_wait3A_158 = tpu.memref_slice %arg8[%add3A_34, %dma_wait3A_157] : memref<10240x16xf32, #tpu.memory_space<vmem_shared>> -> memref<128x16xf32, #tpu.memory_space<vmem_shared>>
      %dma_wait3A_159 = arith.constant 0 : i32
      %dma_wait3A_160 = tpu.memref_slice %arg8[%add3A_34, %dma_wait3A_159] : memref<10240x16xf32, #tpu.memory_space<vmem_shared>> -> memref<128x16xf32, #tpu.memory_space<vmem_shared>>
      %dma_wait3A_161 = arith.constant 0 : i32
      %dma_wait3A_162 = arith.constant 0 : i32
      %dma_wait3A_163 = tpu.memref_slice %arg7[%run_scoped3A_35, %dma_wait3A_161, %dma_wait3A_162] : memref<4x128x16xf32, #tpu.memory_space<vmem>> -> memref<1x128x16xf32, #tpu.memory_space<vmem>>
      %dma_wait3A_164 = tpu.memref_squeeze %dma_wait3A_163 : memref<1x128x16xf32, #tpu.memory_space<vmem>> -> memref<128x16xf32, #tpu.memory_space<vmem>>
      tpu.wait_dma2 semaphore(%run_scoped3A_141 : memref<!tpu.dma_semaphore, #tpu.memory_space<semaphore_mem>>) src(%dma_wait3A_164 : memref<128x16xf32, #tpu.memory_space<vmem>>) dst(%dma_wait3A_160 : memref<128x16xf32, #tpu.memory_space<vmem_shared>>)
      tpu.yield
    }) : () -> ()
    %mul3A_36 = arith.constant 640 : i32
    %mul3A_37 = arith.muli %arg1, %mul3A_36 : i32
    %add3A_38 = arith.constant 384 : i32
    %add3A_39 = arith.addi %mul3A_37, %add3A_38 : i32
    %run_scoped3A_40 = arith.constant 0 : i32
    "tpu.region"() ({
      %run_scoped3A_141 = tpu.sem_alloc : memref<!tpu.dma_semaphore, #tpu.memory_space<semaphore_mem>>
      %dma_start3A_142 = arith.constant 0 : i32
      %dma_start3A_143 = arith.constant 0 : i32
      %dma_start3A_144 = tpu.memref_slice %arg7[%run_scoped3A_40, %dma_start3A_142, %dma_start3A_143] : memref<4x128x16xf32, #tpu.memory_space<vmem>> -> memref<1x128x16xf32, #tpu.memory_space<vmem>>
      %dma_start3A_145 = tpu.memref_squeeze %dma_start3A_144 : memref<1x128x16xf32, #tpu.memory_space<vmem>> -> memref<128x16xf32, #tpu.memory_space<vmem>>
      %dma_start3A_146 = arith.constant 0 : i32
      %dma_start3A_147 = tpu.memref_slice %arg8[%add3A_39, %dma_start3A_146] : memref<10240x16xf32, #tpu.memory_space<vmem_shared>> -> memref<128x16xf32, #tpu.memory_space<vmem_shared>>
      %dma_start3A_148 = arith.constant 0 : i32
      %dma_start3A_149 = tpu.memref_slice %arg8[%add3A_39, %dma_start3A_148] : memref<10240x16xf32, #tpu.memory_space<vmem_shared>> -> memref<128x16xf32, #tpu.memory_space<vmem_shared>>
      %dma_start3A_150 = arith.constant 0 : i32
      %dma_start3A_151 = arith.constant 0 : i32
      %dma_start3A_152 = tpu.memref_slice %arg7[%run_scoped3A_40, %dma_start3A_150, %dma_start3A_151] : memref<4x128x16xf32, #tpu.memory_space<vmem>> -> memref<1x128x16xf32, #tpu.memory_space<vmem>>
      %dma_start3A_153 = tpu.memref_squeeze %dma_start3A_152 : memref<1x128x16xf32, #tpu.memory_space<vmem>> -> memref<128x16xf32, #tpu.memory_space<vmem>>
      tpu.enqueue_dma source(%dma_start3A_153 : memref<128x16xf32, #tpu.memory_space<vmem>>) target(%dma_start3A_149 : memref<128x16xf32, #tpu.memory_space<vmem_shared>>) target_semaphore(%run_scoped3A_141 : memref<!tpu.dma_semaphore, #tpu.memory_space<semaphore_mem>>)
      %dma_wait3A = arith.constant 0 : i32
      %dma_wait3A_154 = arith.constant 0 : i32
      %dma_wait3A_155 = tpu.memref_slice %arg7[%run_scoped3A_40, %dma_wait3A, %dma_wait3A_154] : memref<4x128x16xf32, #tpu.memory_space<vmem>> -> memref<1x128x16xf32, #tpu.memory_space<vmem>>
      %dma_wait3A_156 = tpu.memref_squeeze %dma_wait3A_155 : memref<1x128x16xf32, #tpu.memory_space<vmem>> -> memref<128x16xf32, #tpu.memory_space<vmem>>
      %dma_wait3A_157 = arith.constant 0 : i32
      %dma_wait3A_158 = tpu.memref_slice %arg8[%add3A_39, %dma_wait3A_157] : memref<10240x16xf32, #tpu.memory_space<vmem_shared>> -> memref<128x16xf32, #tpu.memory_space<vmem_shared>>
      %dma_wait3A_159 = arith.constant 0 : i32
      %dma_wait3A_160 = tpu.memref_slice %arg8[%add3A_39, %dma_wait3A_159] : memref<10240x16xf32, #tpu.memory_space<vmem_shared>> -> memref<128x16xf32, #tpu.memory_space<vmem_shared>>
      %dma_wait3A_161 = arith.constant 0 : i32
      %dma_wait3A_162 = arith.constant 0 : i32
      %dma_wait3A_163 = tpu.memref_slice %arg7[%run_scoped3A_40, %dma_wait3A_161, %dma_wait3A_162] : memref<4x128x16xf32, #tpu.memory_space<vmem>> -> memref<1x128x16xf32, #tpu.memory_space<vmem>>
      %dma_wait3A_164 = tpu.memref_squeeze %dma_wait3A_163 : memref<1x128x16xf32, #tpu.memory_space<vmem>> -> memref<128x16xf32, #tpu.memory_space<vmem>>
      tpu.wait_dma2 semaphore(%run_scoped3A_141 : memref<!tpu.dma_semaphore, #tpu.memory_space<semaphore_mem>>) src(%dma_wait3A_164 : memref<128x16xf32, #tpu.memory_space<vmem>>) dst(%dma_wait3A_160 : memref<128x16xf32, #tpu.memory_space<vmem_shared>>)
      tpu.yield
    }) : () -> ()
    %mul3A_41 = arith.constant 640 : i32
    %mul3A_42 = arith.muli %arg1, %mul3A_41 : i32
    %add3A_43 = arith.constant 512 : i32
    %add3A_44 = arith.addi %mul3A_42, %add3A_43 : i32
    %run_scoped3A_45 = arith.constant 0 : i32
    "tpu.region"() ({
      %run_scoped3A_141 = tpu.sem_alloc : memref<!tpu.dma_semaphore, #tpu.memory_space<semaphore_mem>>
      %dma_start3A_142 = arith.constant 0 : i32
      %dma_start3A_143 = arith.constant 0 : i32
      %dma_start3A_144 = tpu.memref_slice %arg7[%run_scoped3A_45, %dma_start3A_142, %dma_start3A_143] : memref<4x128x16xf32, #tpu.memory_space<vmem>> -> memref<1x128x16xf32, #tpu.memory_space<vmem>>
      %dma_start3A_145 = tpu.memref_squeeze %dma_start3A_144 : memref<1x128x16xf32, #tpu.memory_space<vmem>> -> memref<128x16xf32, #tpu.memory_space<vmem>>
      %dma_start3A_146 = arith.constant 0 : i32
      %dma_start3A_147 = tpu.memref_slice %arg8[%add3A_44, %dma_start3A_146] : memref<10240x16xf32, #tpu.memory_space<vmem_shared>> -> memref<128x16xf32, #tpu.memory_space<vmem_shared>>
      %dma_start3A_148 = arith.constant 0 : i32
      %dma_start3A_149 = tpu.memref_slice %arg8[%add3A_44, %dma_start3A_148] : memref<10240x16xf32, #tpu.memory_space<vmem_shared>> -> memref<128x16xf32, #tpu.memory_space<vmem_shared>>
      %dma_start3A_150 = arith.constant 0 : i32
      %dma_start3A_151 = arith.constant 0 : i32
      %dma_start3A_152 = tpu.memref_slice %arg7[%run_scoped3A_45, %dma_start3A_150, %dma_start3A_151] : memref<4x128x16xf32, #tpu.memory_space<vmem>> -> memref<1x128x16xf32, #tpu.memory_space<vmem>>
      %dma_start3A_153 = tpu.memref_squeeze %dma_start3A_152 : memref<1x128x16xf32, #tpu.memory_space<vmem>> -> memref<128x16xf32, #tpu.memory_space<vmem>>
      tpu.enqueue_dma source(%dma_start3A_153 : memref<128x16xf32, #tpu.memory_space<vmem>>) target(%dma_start3A_149 : memref<128x16xf32, #tpu.memory_space<vmem_shared>>) target_semaphore(%run_scoped3A_141 : memref<!tpu.dma_semaphore, #tpu.memory_space<semaphore_mem>>)
      %dma_wait3A = arith.constant 0 : i32
      %dma_wait3A_154 = arith.constant 0 : i32
      %dma_wait3A_155 = tpu.memref_slice %arg7[%run_scoped3A_45, %dma_wait3A, %dma_wait3A_154] : memref<4x128x16xf32, #tpu.memory_space<vmem>> -> memref<1x128x16xf32, #tpu.memory_space<vmem>>
      %dma_wait3A_156 = tpu.memref_squeeze %dma_wait3A_155 : memref<1x128x16xf32, #tpu.memory_space<vmem>> -> memref<128x16xf32, #tpu.memory_space<vmem>>
      %dma_wait3A_157 = arith.constant 0 : i32
      %dma_wait3A_158 = tpu.memref_slice %arg8[%add3A_44, %dma_wait3A_157] : memref<10240x16xf32, #tpu.memory_space<vmem_shared>> -> memref<128x16xf32, #tpu.memory_space<vmem_shared>>
      %dma_wait3A_159 = arith.constant 0 : i32
      %dma_wait3A_160 = tpu.memref_slice %arg8[%add3A_44, %dma_wait3A_159] : memref<10240x16xf32, #tpu.memory_space<vmem_shared>> -> memref<128x16xf32, #tpu.memory_space<vmem_shared>>
      %dma_wait3A_161 = arith.constant 0 : i32
      %dma_wait3A_162 = arith.constant 0 : i32
      %dma_wait3A_163 = tpu.memref_slice %arg7[%run_scoped3A_45, %dma_wait3A_161, %dma_wait3A_162] : memref<4x128x16xf32, #tpu.memory_space<vmem>> -> memref<1x128x16xf32, #tpu.memory_space<vmem>>
      %dma_wait3A_164 = tpu.memref_squeeze %dma_wait3A_163 : memref<1x128x16xf32, #tpu.memory_space<vmem>> -> memref<128x16xf32, #tpu.memory_space<vmem>>
      tpu.wait_dma2 semaphore(%run_scoped3A_141 : memref<!tpu.dma_semaphore, #tpu.memory_space<semaphore_mem>>) src(%dma_wait3A_164 : memref<128x16xf32, #tpu.memory_space<vmem>>) dst(%dma_wait3A_160 : memref<128x16xf32, #tpu.memory_space<vmem_shared>>)
      tpu.yield
    }) : () -> ()
    %mul3A_46 = arith.constant 640 : i32
    %mul3A_47 = arith.muli %arg1, %mul3A_46 : i32
    %mul3A_48 = arith.constant 640 : i32
    %mul3A_49 = arith.muli %arg1, %mul3A_48 : i32
    "tpu.region"() ({
      %run_scoped3A_141 = tpu.sem_alloc : memref<!tpu.dma_semaphore, #tpu.memory_space<semaphore_mem>>
      %dma_start3A_142 = arith.constant 0 : i32
      %dma_start3A_143 = tpu.memref_slice %arg9[%mul3A_49, %dma_start3A_142] : memref<10240x16xf32, #tpu.memory_space<vmem_shared>> -> memref<640x16xf32, #tpu.memory_space<vmem_shared>>
      %dma_start3A_144 = arith.constant 0 : i32
      %dma_start3A_145 = tpu.memref_slice %arg2[%mul3A_47, %dma_start3A_144] : memref<10240x16xf32, #tpu.memory_space<hbm>> -> memref<640x16xf32, #tpu.memory_space<hbm>>
      tpu.enqueue_dma source(%dma_start3A_145 : memref<640x16xf32, #tpu.memory_space<hbm>>) target(%dma_start3A_143 : memref<640x16xf32, #tpu.memory_space<vmem_shared>>) target_semaphore(%run_scoped3A_141 : memref<!tpu.dma_semaphore, #tpu.memory_space<semaphore_mem>>)
      %dma_wait3A = arith.constant 0 : i32
      %dma_wait3A_146 = tpu.memref_slice %arg9[%mul3A_49, %dma_wait3A] : memref<10240x16xf32, #tpu.memory_space<vmem_shared>> -> memref<640x16xf32, #tpu.memory_space<vmem_shared>>
      %dma_wait3A_147 = arith.constant 0 : i32
      %dma_wait3A_148 = tpu.memref_slice %arg2[%mul3A_47, %dma_wait3A_147] : memref<10240x16xf32, #tpu.memory_space<hbm>> -> memref<640x16xf32, #tpu.memory_space<hbm>>
      tpu.wait_dma2 semaphore(%run_scoped3A_141 : memref<!tpu.dma_semaphore, #tpu.memory_space<semaphore_mem>>) src(%dma_wait3A_148 : memref<640x16xf32, #tpu.memory_space<hbm>>) dst(%dma_wait3A_146 : memref<640x16xf32, #tpu.memory_space<vmem_shared>>)
      tpu.yield
    }) : () -> ()
    %barrier3A = arith.constant 0 : index
    tpu.barrier barrier_id(%barrier3A)
    %dma_start3A = arith.constant 0 : i32
    %dma_start3A_50 = arith.constant 0 : i32
    %dma_start3A_51 = arith.constant 0 : i32
    %dma_start3A_52 = arith.constant 0 : i32
    %dma_start3A_53 = arith.constant 0 : i32
    %dma_start3A_54 = tpu.memref_slice %arg7[%dma_start3A_50, %dma_start3A_52, %dma_start3A_53] : memref<4x128x16xf32, #tpu.memory_space<vmem>> -> memref<1x128x16xf32, #tpu.memory_space<vmem>>
    %dma_start3A_55 = tpu.memref_squeeze %dma_start3A_54 : memref<1x128x16xf32, #tpu.memory_space<vmem>> -> memref<128x16xf32, #tpu.memory_space<vmem>>
    %dma_start3A_56 = arith.constant 0 : i32
    %dma_start3A_57 = tpu.memref_slice %arg5[%dma_start3A, %dma_start3A_56] : memref<88x128xi32, #tpu.memory_space<vmem>> -> memref<1x128xi32, #tpu.memory_space<vmem>>
    %dma_start3A_58 = tpu.memref_squeeze %dma_start3A_57 : memref<1x128xi32, #tpu.memory_space<vmem>> -> memref<128xi32, #tpu.memory_space<vmem>>
    %dma_start3A_59 = arith.constant 0 : i32
    %dma_start3A_60 = arith.constant 0 : i32
    %dma_start3A_61 = tpu.memref_slice %arg9[%dma_start3A_59, %dma_start3A_60] : memref<10240x16xf32, #tpu.memory_space<vmem_shared>> -> memref<10240x16xf32, #tpu.memory_space<vmem_shared>>
    %dma_start3A_62 = tpu.memref_slice %arg10[%dma_start3A_51] : memref<4x!tpu.dma_semaphore, #tpu.memory_space<semaphore_mem>> -> memref<1x!tpu.dma_semaphore, #tpu.memory_space<semaphore_mem>>
    %dma_start3A_63 = tpu.memref_squeeze %dma_start3A_62 : memref<1x!tpu.dma_semaphore, #tpu.memory_space<semaphore_mem>> -> memref<!tpu.dma_semaphore, #tpu.memory_space<semaphore_mem>>
    tpu.enqueue_indirect_dma source(%dma_start3A_61 : memref<10240x16xf32, #tpu.memory_space<vmem_shared>>) target(%dma_start3A_55 : memref<128x16xf32, #tpu.memory_space<vmem>>) offsets(%dma_start3A_58 : memref<128xi32, #tpu.memory_space<vmem>>) semaphore(%dma_start3A_63 : memref<!tpu.dma_semaphore, #tpu.memory_space<semaphore_mem>>)
    %dma_start3A_64 = arith.constant 1 : i32
    %dma_start3A_65 = arith.constant 1 : i32
    %dma_start3A_66 = arith.constant 1 : i32
    %dma_start3A_67 = arith.constant 0 : i32
    %dma_start3A_68 = arith.constant 0 : i32
    %dma_start3A_69 = tpu.memref_slice %arg7[%dma_start3A_65, %dma_start3A_67, %dma_start3A_68] : memref<4x128x16xf32, #tpu.memory_space<vmem>> -> memref<1x128x16xf32, #tpu.memory_space<vmem>>
    %dma_start3A_70 = tpu.memref_squeeze %dma_start3A_69 : memref<1x128x16xf32, #tpu.memory_space<vmem>> -> memref<128x16xf32, #tpu.memory_space<vmem>>
    %dma_start3A_71 = arith.constant 0 : i32
    %dma_start3A_72 = tpu.memref_slice %arg5[%dma_start3A_64, %dma_start3A_71] : memref<88x128xi32, #tpu.memory_space<vmem>> -> memref<1x128xi32, #tpu.memory_space<vmem>>
    %dma_start3A_73 = tpu.memref_squeeze %dma_start3A_72 : memref<1x128xi32, #tpu.memory_space<vmem>> -> memref<128xi32, #tpu.memory_space<vmem>>
    %dma_start3A_74 = arith.constant 0 : i32
    %dma_start3A_75 = arith.constant 0 : i32
    %dma_start3A_76 = tpu.memref_slice %arg9[%dma_start3A_74, %dma_start3A_75] : memref<10240x16xf32, #tpu.memory_space<vmem_shared>> -> memref<10240x16xf32, #tpu.memory_space<vmem_shared>>
    %dma_start3A_77 = tpu.memref_slice %arg10[%dma_start3A_66] : memref<4x!tpu.dma_semaphore, #tpu.memory_space<semaphore_mem>> -> memref<1x!tpu.dma_semaphore, #tpu.memory_space<semaphore_mem>>
    %dma_start3A_78 = tpu.memref_squeeze %dma_start3A_77 : memref<1x!tpu.dma_semaphore, #tpu.memory_space<semaphore_mem>> -> memref<!tpu.dma_semaphore, #tpu.memory_space<semaphore_mem>>
    tpu.enqueue_indirect_dma source(%dma_start3A_76 : memref<10240x16xf32, #tpu.memory_space<vmem_shared>>) target(%dma_start3A_70 : memref<128x16xf32, #tpu.memory_space<vmem>>) offsets(%dma_start3A_73 : memref<128xi32, #tpu.memory_space<vmem>>) semaphore(%dma_start3A_78 : memref<!tpu.dma_semaphore, #tpu.memory_space<semaphore_mem>>)
    %dma_start3A_79 = arith.constant 2 : i32
    %dma_start3A_80 = arith.constant 2 : i32
    %dma_start3A_81 = arith.constant 2 : i32
    %dma_start3A_82 = arith.constant 0 : i32
    %dma_start3A_83 = arith.constant 0 : i32
    %dma_start3A_84 = tpu.memref_slice %arg7[%dma_start3A_80, %dma_start3A_82, %dma_start3A_83] : memref<4x128x16xf32, #tpu.memory_space<vmem>> -> memref<1x128x16xf32, #tpu.memory_space<vmem>>
    %dma_start3A_85 = tpu.memref_squeeze %dma_start3A_84 : memref<1x128x16xf32, #tpu.memory_space<vmem>> -> memref<128x16xf32, #tpu.memory_space<vmem>>
    %dma_start3A_86 = arith.constant 0 : i32
    %dma_start3A_87 = tpu.memref_slice %arg5[%dma_start3A_79, %dma_start3A_86] : memref<88x128xi32, #tpu.memory_space<vmem>> -> memref<1x128xi32, #tpu.memory_space<vmem>>
    %dma_start3A_88 = tpu.memref_squeeze %dma_start3A_87 : memref<1x128xi32, #tpu.memory_space<vmem>> -> memref<128xi32, #tpu.memory_space<vmem>>
    %dma_start3A_89 = arith.constant 0 : i32
    %dma_start3A_90 = arith.constant 0 : i32
    %dma_start3A_91 = tpu.memref_slice %arg9[%dma_start3A_89, %dma_start3A_90] : memref<10240x16xf32, #tpu.memory_space<vmem_shared>> -> memref<10240x16xf32, #tpu.memory_space<vmem_shared>>
    %dma_start3A_92 = tpu.memref_slice %arg10[%dma_start3A_81] : memref<4x!tpu.dma_semaphore, #tpu.memory_space<semaphore_mem>> -> memref<1x!tpu.dma_semaphore, #tpu.memory_space<semaphore_mem>>
    %dma_start3A_93 = tpu.memref_squeeze %dma_start3A_92 : memref<1x!tpu.dma_semaphore, #tpu.memory_space<semaphore_mem>> -> memref<!tpu.dma_semaphore, #tpu.memory_space<semaphore_mem>>
    tpu.enqueue_indirect_dma source(%dma_start3A_91 : memref<10240x16xf32, #tpu.memory_space<vmem_shared>>) target(%dma_start3A_85 : memref<128x16xf32, #tpu.memory_space<vmem>>) offsets(%dma_start3A_88 : memref<128xi32, #tpu.memory_space<vmem>>) semaphore(%dma_start3A_93 : memref<!tpu.dma_semaphore, #tpu.memory_space<semaphore_mem>>)
    %dma_start3A_94 = arith.constant 3 : i32
    %dma_start3A_95 = arith.constant 3 : i32
    %dma_start3A_96 = arith.constant 3 : i32
    %dma_start3A_97 = arith.constant 0 : i32
    %dma_start3A_98 = arith.constant 0 : i32
    %dma_start3A_99 = tpu.memref_slice %arg7[%dma_start3A_95, %dma_start3A_97, %dma_start3A_98] : memref<4x128x16xf32, #tpu.memory_space<vmem>> -> memref<1x128x16xf32, #tpu.memory_space<vmem>>
    %dma_start3A_100 = tpu.memref_squeeze %dma_start3A_99 : memref<1x128x16xf32, #tpu.memory_space<vmem>> -> memref<128x16xf32, #tpu.memory_space<vmem>>
    %dma_start3A_101 = arith.constant 0 : i32
    %dma_start3A_102 = tpu.memref_slice %arg5[%dma_start3A_94, %dma_start3A_101] : memref<88x128xi32, #tpu.memory_space<vmem>> -> memref<1x128xi32, #tpu.memory_space<vmem>>
    %dma_start3A_103 = tpu.memref_squeeze %dma_start3A_102 : memref<1x128xi32, #tpu.memory_space<vmem>> -> memref<128xi32, #tpu.memory_space<vmem>>
    %dma_start3A_104 = arith.constant 0 : i32
    %dma_start3A_105 = arith.constant 0 : i32
    %dma_start3A_106 = tpu.memref_slice %arg9[%dma_start3A_104, %dma_start3A_105] : memref<10240x16xf32, #tpu.memory_space<vmem_shared>> -> memref<10240x16xf32, #tpu.memory_space<vmem_shared>>
    %dma_start3A_107 = tpu.memref_slice %arg10[%dma_start3A_96] : memref<4x!tpu.dma_semaphore, #tpu.memory_space<semaphore_mem>> -> memref<1x!tpu.dma_semaphore, #tpu.memory_space<semaphore_mem>>
    %dma_start3A_108 = tpu.memref_squeeze %dma_start3A_107 : memref<1x!tpu.dma_semaphore, #tpu.memory_space<semaphore_mem>> -> memref<!tpu.dma_semaphore, #tpu.memory_space<semaphore_mem>>
    tpu.enqueue_indirect_dma source(%dma_start3A_106 : memref<10240x16xf32, #tpu.memory_space<vmem_shared>>) target(%dma_start3A_100 : memref<128x16xf32, #tpu.memory_space<vmem>>) offsets(%dma_start3A_103 : memref<128xi32, #tpu.memory_space<vmem>>) semaphore(%dma_start3A_108 : memref<!tpu.dma_semaphore, #tpu.memory_space<semaphore_mem>>)
    %jit3A_109 = arith.constant 4 : i32
    %div3A = arith.divsi %select_n3A_8, %jit3A_109 : i32
    %sign3A = arith.constant 0 : i32
    %sign3A_110 = arith.cmpi sgt, %select_n3A_8, %sign3A : i32
    %sign3A_111 = arith.extui %sign3A_110 : i1 to i32
    %sign3A_112 = arith.constant 0 : i32
    %sign3A_113 = arith.cmpi slt, %select_n3A_8, %sign3A_112 : i32
    %sign3A_114 = arith.extui %sign3A_113 : i1 to i32
    %sign3A_115 = arith.subi %sign3A_111, %sign3A_114 : i32
    %sign3A_116 = arith.constant 0 : i32
    %sign3A_117 = arith.cmpi sgt, %jit3A_109, %sign3A_116 : i32
    %sign3A_118 = arith.extui %sign3A_117 : i1 to i32
    %sign3A_119 = arith.constant 0 : i32
    %sign3A_120 = arith.cmpi slt, %jit3A_109, %sign3A_119 : i32
    %sign3A_121 = arith.extui %sign3A_120 : i1 to i32
    %sign3A_122 = arith.subi %sign3A_118, %sign3A_121 : i32
    %ne3A = arith.cmpi ne, %sign3A_115, %sign3A_122 : i32
    %rem3A = arith.remsi %select_n3A_8, %jit3A_109 : i32
    %ne3A_123 = arith.constant 0 : i32
    %ne3A_124 = arith.cmpi ne, %rem3A, %ne3A_123 : i32
    %and3A = arith.andi %ne3A, %ne3A_124 : i1
    %sub3A = arith.constant 1 : i32
    %sub3A_125 = arith.subi %div3A, %sub3A : i32
    %select_n3A_126 = arith.select %and3A, %sub3A_125, %div3A : i32
    %while3A = arith.constant 0 : i32
    %while3A_127 = arith.constant 0 : i32
    %while3A_128 = arith.subi %select_n3A_126, %while3A_127 : i32
    %while3A_129 = arith.addi %while3A_127, %while3A_128 : i32
    %while3A_130 = arith.constant 1 : i32
    %while3A_131 = arith.divsi %while3A_128, %while3A_130 : i32
    %while3A_132 = arith.muli %while3A_131, %while3A_130 : i32
    %while3A_133 = arith.addi %while3A_127, %while3A_132 : i32
    %while3A_134 = arith.constant 1 : i32
    scf.for %while3A_141 = %while3A_127 to %while3A_133 step %while3A_134  : i32 {
      %mul3A_142 = arith.constant 4 : i32
      %mul3A_143 = arith.muli %while3A_141, %mul3A_142 : i32
      %add3A_144 = arith.constant 0 : i32
      %add3A_145 = arith.addi %mul3A_143, %add3A_144 : i32
      %dma_wait3A = arith.constant 0 : i32
      %dma_wait3A_146 = arith.constant 0 : i32
      %dma_wait3A_147 = arith.constant 0 : i32
      %dma_wait3A_148 = arith.constant 0 : i32
      %dma_wait3A_149 = arith.constant 0 : i32
      %dma_wait3A_150 = tpu.memref_slice %arg7[%dma_wait3A_146, %dma_wait3A_148, %dma_wait3A_149] : memref<4x128x16xf32, #tpu.memory_space<vmem>> -> memref<1x128x16xf32, #tpu.memory_space<vmem>>
      %dma_wait3A_151 = tpu.memref_squeeze %dma_wait3A_150 : memref<1x128x16xf32, #tpu.memory_space<vmem>> -> memref<128x16xf32, #tpu.memory_space<vmem>>
      %dma_wait3A_152 = arith.constant 0 : i32
      %dma_wait3A_153 = tpu.memref_slice %arg5[%dma_wait3A, %dma_wait3A_152] : memref<88x128xi32, #tpu.memory_space<vmem>> -> memref<1x128xi32, #tpu.memory_space<vmem>>
      %dma_wait3A_154 = tpu.memref_squeeze %dma_wait3A_153 : memref<1x128xi32, #tpu.memory_space<vmem>> -> memref<128xi32, #tpu.memory_space<vmem>>
      %dma_wait3A_155 = arith.constant 0 : i32
      %dma_wait3A_156 = arith.constant 0 : i32
      %dma_wait3A_157 = tpu.memref_slice %arg9[%dma_wait3A_155, %dma_wait3A_156] : memref<10240x16xf32, #tpu.memory_space<vmem_shared>> -> memref<10240x16xf32, #tpu.memory_space<vmem_shared>>
      %dma_wait3A_158 = tpu.memref_slice %arg10[%dma_wait3A_147] : memref<4x!tpu.dma_semaphore, #tpu.memory_space<semaphore_mem>> -> memref<1x!tpu.dma_semaphore, #tpu.memory_space<semaphore_mem>>
      %dma_wait3A_159 = tpu.memref_squeeze %dma_wait3A_158 : memref<1x!tpu.dma_semaphore, #tpu.memory_space<semaphore_mem>> -> memref<!tpu.dma_semaphore, #tpu.memory_space<semaphore_mem>>
      tpu.wait_indirect_dma semaphore(%dma_wait3A_159 : memref<!tpu.dma_semaphore, #tpu.memory_space<semaphore_mem>>) src(%dma_wait3A_157 : memref<10240x16xf32, #tpu.memory_space<vmem_shared>>) dst(%dma_wait3A_151 : memref<128x16xf32, #tpu.memory_space<vmem>>)
      %run_scoped3A_160 = arith.constant 0 : i32
      "tpu.region"() ({
        %run_scoped3A_244 = tpu.sem_alloc : memref<!tpu.dma_semaphore, #tpu.memory_space<semaphore_mem>>
        %dma_start3A_245 = arith.constant 0 : i32
        %dma_start3A_246 = arith.constant 0 : i32
        %dma_start3A_247 = tpu.memref_slice %arg7[%run_scoped3A_160, %dma_start3A_245, %dma_start3A_246] : memref<4x128x16xf32, #tpu.memory_space<vmem>> -> memref<1x128x16xf32, #tpu.memory_space<vmem>>
        %dma_start3A_248 = tpu.memref_squeeze %dma_start3A_247 : memref<1x128x16xf32, #tpu.memory_space<vmem>> -> memref<128x16xf32, #tpu.memory_space<vmem>>
        %dma_start3A_249 = arith.constant 0 : i32
        %dma_start3A_250 = tpu.memref_slice %arg6[%add3A_145, %dma_start3A_249] : memref<88x128xi32, #tpu.memory_space<vmem>> -> memref<1x128xi32, #tpu.memory_space<vmem>>
        %dma_start3A_251 = tpu.memref_squeeze %dma_start3A_250 : memref<1x128xi32, #tpu.memory_space<vmem>> -> memref<128xi32, #tpu.memory_space<vmem>>
        %dma_start3A_252 = arith.constant 0 : i32
        %dma_start3A_253 = arith.constant 0 : i32
        %dma_start3A_254 = tpu.memref_slice %arg8[%dma_start3A_252, %dma_start3A_253] : memref<10240x16xf32, #tpu.memory_space<vmem_shared>> -> memref<10240x16xf32, #tpu.memory_space<vmem_shared>>
        tpu.enqueue_indirect_dma source(%dma_start3A_248 : memref<128x16xf32, #tpu.memory_space<vmem>>) target(%dma_start3A_254 : memref<10240x16xf32, #tpu.memory_space<vmem_shared>>) offsets(%dma_start3A_251 : memref<128xi32, #tpu.memory_space<vmem>>) semaphore(%run_scoped3A_244 : memref<!tpu.dma_semaphore, #tpu.memory_space<semaphore_mem>>) {add = true}
        %dma_wait3A_255 = arith.constant 0 : i32
        %dma_wait3A_256 = arith.constant 0 : i32
        %dma_wait3A_257 = tpu.memref_slice %arg7[%run_scoped3A_160, %dma_wait3A_255, %dma_wait3A_256] : memref<4x128x16xf32, #tpu.memory_space<vmem>> -> memref<1x128x16xf32, #tpu.memory_space<vmem>>
        %dma_wait3A_258 = tpu.memref_squeeze %dma_wait3A_257 : memref<1x128x16xf32, #tpu.memory_space<vmem>> -> memref<128x16xf32, #tpu.memory_space<vmem>>
        %dma_wait3A_259 = arith.constant 0 : i32
        %dma_wait3A_260 = tpu.memref_slice %arg6[%add3A_145, %dma_wait3A_259] : memref<88x128xi32, #tpu.memory_space<vmem>> -> memref<1x128xi32, #tpu.memory_space<vmem>>
        %dma_wait3A_261 = tpu.memref_squeeze %dma_wait3A_260 : memref<1x128xi32, #tpu.memory_space<vmem>> -> memref<128xi32, #tpu.memory_space<vmem>>
        %dma_wait3A_262 = arith.constant 0 : i32
        %dma_wait3A_263 = arith.constant 0 : i32
        %dma_wait3A_264 = tpu.memref_slice %arg8[%dma_wait3A_262, %dma_wait3A_263] : memref<10240x16xf32, #tpu.memory_space<vmem_shared>> -> memref<10240x16xf32, #tpu.memory_space<vmem_shared>>
        tpu.wait_indirect_dma semaphore(%run_scoped3A_244 : memref<!tpu.dma_semaphore, #tpu.memory_space<semaphore_mem>>) src(%dma_wait3A_258 : memref<128x16xf32, #tpu.memory_space<vmem>>) dst(%dma_wait3A_264 : memref<10240x16xf32, #tpu.memory_space<vmem_shared>>)
        tpu.yield
      }) : () -> ()
      %add3A_161 = arith.constant 4 : i32
      %add3A_162 = arith.addi %add3A_145, %add3A_161 : i32
      %lt3A = arith.cmpi slt, %add3A_162, %select_n3A_8 : i32
      %convert_element_type3A_163 = arith.extui %lt3A : i1 to i32
      %cond3A_164 = arith.constant 0 : i32
      %cond3A_165 = arith.cmpi ne, %convert_element_type3A_163, %cond3A_164 : i32
      scf.if %cond3A_165 {
        %dma_start3A_244 = arith.constant 0 : i32
        %dma_start3A_245 = arith.constant 0 : i32
        %dma_start3A_246 = arith.constant 0 : i32
        %dma_start3A_247 = arith.constant 0 : i32
        %dma_start3A_248 = tpu.memref_slice %arg7[%dma_start3A_244, %dma_start3A_246, %dma_start3A_247] : memref<4x128x16xf32, #tpu.memory_space<vmem>> -> memref<1x128x16xf32, #tpu.memory_space<vmem>>
        %dma_start3A_249 = tpu.memref_squeeze %dma_start3A_248 : memref<1x128x16xf32, #tpu.memory_space<vmem>> -> memref<128x16xf32, #tpu.memory_space<vmem>>
        %dma_start3A_250 = arith.constant 0 : i32
        %dma_start3A_251 = tpu.memref_slice %arg5[%add3A_162, %dma_start3A_250] : memref<88x128xi32, #tpu.memory_space<vmem>> -> memref<1x128xi32, #tpu.memory_space<vmem>>
        %dma_start3A_252 = tpu.memref_squeeze %dma_start3A_251 : memref<1x128xi32, #tpu.memory_space<vmem>> -> memref<128xi32, #tpu.memory_space<vmem>>
        %dma_start3A_253 = arith.constant 0 : i32
        %dma_start3A_254 = arith.constant 0 : i32
        %dma_start3A_255 = tpu.memref_slice %arg9[%dma_start3A_253, %dma_start3A_254] : memref<10240x16xf32, #tpu.memory_space<vmem_shared>> -> memref<10240x16xf32, #tpu.memory_space<vmem_shared>>
        %dma_start3A_256 = tpu.memref_slice %arg10[%dma_start3A_245] : memref<4x!tpu.dma_semaphore, #tpu.memory_space<semaphore_mem>> -> memref<1x!tpu.dma_semaphore, #tpu.memory_space<semaphore_mem>>
        %dma_start3A_257 = tpu.memref_squeeze %dma_start3A_256 : memref<1x!tpu.dma_semaphore, #tpu.memory_space<semaphore_mem>> -> memref<!tpu.dma_semaphore, #tpu.memory_space<semaphore_mem>>
        tpu.enqueue_indirect_dma source(%dma_start3A_255 : memref<10240x16xf32, #tpu.memory_space<vmem_shared>>) target(%dma_start3A_249 : memref<128x16xf32, #tpu.memory_space<vmem>>) offsets(%dma_start3A_252 : memref<128xi32, #tpu.memory_space<vmem>>) semaphore(%dma_start3A_257 : memref<!tpu.dma_semaphore, #tpu.memory_space<semaphore_mem>>)
      } else {
      }
      %mul3A_166 = arith.constant 4 : i32
      %mul3A_167 = arith.muli %while3A_141, %mul3A_166 : i32
      %add3A_168 = arith.constant 1 : i32
      %add3A_169 = arith.addi %mul3A_167, %add3A_168 : i32
      %dma_wait3A_170 = arith.constant 0 : i32
      %dma_wait3A_171 = arith.constant 1 : i32
      %dma_wait3A_172 = arith.constant 1 : i32
      %dma_wait3A_173 = arith.constant 0 : i32
      %dma_wait3A_174 = arith.constant 0 : i32
      %dma_wait3A_175 = tpu.memref_slice %arg7[%dma_wait3A_171, %dma_wait3A_173, %dma_wait3A_174] : memref<4x128x16xf32, #tpu.memory_space<vmem>> -> memref<1x128x16xf32, #tpu.memory_space<vmem>>
      %dma_wait3A_176 = tpu.memref_squeeze %dma_wait3A_175 : memref<1x128x16xf32, #tpu.memory_space<vmem>> -> memref<128x16xf32, #tpu.memory_space<vmem>>
      %dma_wait3A_177 = arith.constant 0 : i32
      %dma_wait3A_178 = tpu.memref_slice %arg5[%dma_wait3A_170, %dma_wait3A_177] : memref<88x128xi32, #tpu.memory_space<vmem>> -> memref<1x128xi32, #tpu.memory_space<vmem>>
      %dma_wait3A_179 = tpu.memref_squeeze %dma_wait3A_178 : memref<1x128xi32, #tpu.memory_space<vmem>> -> memref<128xi32, #tpu.memory_space<vmem>>
      %dma_wait3A_180 = arith.constant 0 : i32
      %dma_wait3A_181 = arith.constant 0 : i32
      %dma_wait3A_182 = tpu.memref_slice %arg9[%dma_wait3A_180, %dma_wait3A_181] : memref<10240x16xf32, #tpu.memory_space<vmem_shared>> -> memref<10240x16xf32, #tpu.memory_space<vmem_shared>>
      %dma_wait3A_183 = tpu.memref_slice %arg10[%dma_wait3A_172] : memref<4x!tpu.dma_semaphore, #tpu.memory_space<semaphore_mem>> -> memref<1x!tpu.dma_semaphore, #tpu.memory_space<semaphore_mem>>
      %dma_wait3A_184 = tpu.memref_squeeze %dma_wait3A_183 : memref<1x!tpu.dma_semaphore, #tpu.memory_space<semaphore_mem>> -> memref<!tpu.dma_semaphore, #tpu.memory_space<semaphore_mem>>
      tpu.wait_indirect_dma semaphore(%dma_wait3A_184 : memref<!tpu.dma_semaphore, #tpu.memory_space<semaphore_mem>>) src(%dma_wait3A_182 : memref<10240x16xf32, #tpu.memory_space<vmem_shared>>) dst(%dma_wait3A_176 : memref<128x16xf32, #tpu.memory_space<vmem>>)
      %run_scoped3A_185 = arith.constant 1 : i32
      "tpu.region"() ({
        %run_scoped3A_244 = tpu.sem_alloc : memref<!tpu.dma_semaphore, #tpu.memory_space<semaphore_mem>>
        %dma_start3A_245 = arith.constant 0 : i32
        %dma_start3A_246 = arith.constant 0 : i32
        %dma_start3A_247 = tpu.memref_slice %arg7[%run_scoped3A_185, %dma_start3A_245, %dma_start3A_246] : memref<4x128x16xf32, #tpu.memory_space<vmem>> -> memref<1x128x16xf32, #tpu.memory_space<vmem>>
        %dma_start3A_248 = tpu.memref_squeeze %dma_start3A_247 : memref<1x128x16xf32, #tpu.memory_space<vmem>> -> memref<128x16xf32, #tpu.memory_space<vmem>>
        %dma_start3A_249 = arith.constant 0 : i32
        %dma_start3A_250 = tpu.memref_slice %arg6[%add3A_169, %dma_start3A_249] : memref<88x128xi32, #tpu.memory_space<vmem>> -> memref<1x128xi32, #tpu.memory_space<vmem>>
        %dma_start3A_251 = tpu.memref_squeeze %dma_start3A_250 : memref<1x128xi32, #tpu.memory_space<vmem>> -> memref<128xi32, #tpu.memory_space<vmem>>
        %dma_start3A_252 = arith.constant 0 : i32
        %dma_start3A_253 = arith.constant 0 : i32
        %dma_start3A_254 = tpu.memref_slice %arg8[%dma_start3A_252, %dma_start3A_253] : memref<10240x16xf32, #tpu.memory_space<vmem_shared>> -> memref<10240x16xf32, #tpu.memory_space<vmem_shared>>
        tpu.enqueue_indirect_dma source(%dma_start3A_248 : memref<128x16xf32, #tpu.memory_space<vmem>>) target(%dma_start3A_254 : memref<10240x16xf32, #tpu.memory_space<vmem_shared>>) offsets(%dma_start3A_251 : memref<128xi32, #tpu.memory_space<vmem>>) semaphore(%run_scoped3A_244 : memref<!tpu.dma_semaphore, #tpu.memory_space<semaphore_mem>>) {add = true}
        %dma_wait3A_255 = arith.constant 0 : i32
        %dma_wait3A_256 = arith.constant 0 : i32
        %dma_wait3A_257 = tpu.memref_slice %arg7[%run_scoped3A_185, %dma_wait3A_255, %dma_wait3A_256] : memref<4x128x16xf32, #tpu.memory_space<vmem>> -> memref<1x128x16xf32, #tpu.memory_space<vmem>>
        %dma_wait3A_258 = tpu.memref_squeeze %dma_wait3A_257 : memref<1x128x16xf32, #tpu.memory_space<vmem>> -> memref<128x16xf32, #tpu.memory_space<vmem>>
        %dma_wait3A_259 = arith.constant 0 : i32
        %dma_wait3A_260 = tpu.memref_slice %arg6[%add3A_169, %dma_wait3A_259] : memref<88x128xi32, #tpu.memory_space<vmem>> -> memref<1x128xi32, #tpu.memory_space<vmem>>
        %dma_wait3A_261 = tpu.memref_squeeze %dma_wait3A_260 : memref<1x128xi32, #tpu.memory_space<vmem>> -> memref<128xi32, #tpu.memory_space<vmem>>
        %dma_wait3A_262 = arith.constant 0 : i32
        %dma_wait3A_263 = arith.constant 0 : i32
        %dma_wait3A_264 = tpu.memref_slice %arg8[%dma_wait3A_262, %dma_wait3A_263] : memref<10240x16xf32, #tpu.memory_space<vmem_shared>> -> memref<10240x16xf32, #tpu.memory_space<vmem_shared>>
        tpu.wait_indirect_dma semaphore(%run_scoped3A_244 : memref<!tpu.dma_semaphore, #tpu.memory_space<semaphore_mem>>) src(%dma_wait3A_258 : memref<128x16xf32, #tpu.memory_space<vmem>>) dst(%dma_wait3A_264 : memref<10240x16xf32, #tpu.memory_space<vmem_shared>>)
        tpu.yield
      }) : () -> ()
      %add3A_186 = arith.constant 4 : i32
      %add3A_187 = arith.addi %add3A_169, %add3A_186 : i32
      %lt3A_188 = arith.cmpi slt, %add3A_187, %select_n3A_8 : i32
      %convert_element_type3A_189 = arith.extui %lt3A_188 : i1 to i32
      %cond3A_190 = arith.constant 0 : i32
      %cond3A_191 = arith.cmpi ne, %convert_element_type3A_189, %cond3A_190 : i32
      scf.if %cond3A_191 {
        %dma_start3A_244 = arith.constant 1 : i32
        %dma_start3A_245 = arith.constant 1 : i32
        %dma_start3A_246 = arith.constant 0 : i32
        %dma_start3A_247 = arith.constant 0 : i32
        %dma_start3A_248 = tpu.memref_slice %arg7[%dma_start3A_244, %dma_start3A_246, %dma_start3A_247] : memref<4x128x16xf32, #tpu.memory_space<vmem>> -> memref<1x128x16xf32, #tpu.memory_space<vmem>>
        %dma_start3A_249 = tpu.memref_squeeze %dma_start3A_248 : memref<1x128x16xf32, #tpu.memory_space<vmem>> -> memref<128x16xf32, #tpu.memory_space<vmem>>
        %dma_start3A_250 = arith.constant 0 : i32
        %dma_start3A_251 = tpu.memref_slice %arg5[%add3A_187, %dma_start3A_250] : memref<88x128xi32, #tpu.memory_space<vmem>> -> memref<1x128xi32, #tpu.memory_space<vmem>>
        %dma_start3A_252 = tpu.memref_squeeze %dma_start3A_251 : memref<1x128xi32, #tpu.memory_space<vmem>> -> memref<128xi32, #tpu.memory_space<vmem>>
        %dma_start3A_253 = arith.constant 0 : i32
        %dma_start3A_254 = arith.constant 0 : i32
        %dma_start3A_255 = tpu.memref_slice %arg9[%dma_start3A_253, %dma_start3A_254] : memref<10240x16xf32, #tpu.memory_space<vmem_shared>> -> memref<10240x16xf32, #tpu.memory_space<vmem_shared>>
        %dma_start3A_256 = tpu.memref_slice %arg10[%dma_start3A_245] : memref<4x!tpu.dma_semaphore, #tpu.memory_space<semaphore_mem>> -> memref<1x!tpu.dma_semaphore, #tpu.memory_space<semaphore_mem>>
        %dma_start3A_257 = tpu.memref_squeeze %dma_start3A_256 : memref<1x!tpu.dma_semaphore, #tpu.memory_space<semaphore_mem>> -> memref<!tpu.dma_semaphore, #tpu.memory_space<semaphore_mem>>
        tpu.enqueue_indirect_dma source(%dma_start3A_255 : memref<10240x16xf32, #tpu.memory_space<vmem_shared>>) target(%dma_start3A_249 : memref<128x16xf32, #tpu.memory_space<vmem>>) offsets(%dma_start3A_252 : memref<128xi32, #tpu.memory_space<vmem>>) semaphore(%dma_start3A_257 : memref<!tpu.dma_semaphore, #tpu.memory_space<semaphore_mem>>)
      } else {
      }
      %mul3A_192 = arith.constant 4 : i32
      %mul3A_193 = arith.muli %while3A_141, %mul3A_192 : i32
      %add3A_194 = arith.constant 2 : i32
      %add3A_195 = arith.addi %mul3A_193, %add3A_194 : i32
      %dma_wait3A_196 = arith.constant 0 : i32
      %dma_wait3A_197 = arith.constant 2 : i32
      %dma_wait3A_198 = arith.constant 2 : i32
      %dma_wait3A_199 = arith.constant 0 : i32
      %dma_wait3A_200 = arith.constant 0 : i32
      %dma_wait3A_201 = tpu.memref_slice %arg7[%dma_wait3A_197, %dma_wait3A_199, %dma_wait3A_200] : memref<4x128x16xf32, #tpu.memory_space<vmem>> -> memref<1x128x16xf32, #tpu.memory_space<vmem>>
      %dma_wait3A_202 = tpu.memref_squeeze %dma_wait3A_201 : memref<1x128x16xf32, #tpu.memory_space<vmem>> -> memref<128x16xf32, #tpu.memory_space<vmem>>
      %dma_wait3A_203 = arith.constant 0 : i32
      %dma_wait3A_204 = tpu.memref_slice %arg5[%dma_wait3A_196, %dma_wait3A_203] : memref<88x128xi32, #tpu.memory_space<vmem>> -> memref<1x128xi32, #tpu.memory_space<vmem>>
      %dma_wait3A_205 = tpu.memref_squeeze %dma_wait3A_204 : memref<1x128xi32, #tpu.memory_space<vmem>> -> memref<128xi32, #tpu.memory_space<vmem>>
      %dma_wait3A_206 = arith.constant 0 : i32
      %dma_wait3A_207 = arith.constant 0 : i32
      %dma_wait3A_208 = tpu.memref_slice %arg9[%dma_wait3A_206, %dma_wait3A_207] : memref<10240x16xf32, #tpu.memory_space<vmem_shared>> -> memref<10240x16xf32, #tpu.memory_space<vmem_shared>>
      %dma_wait3A_209 = tpu.memref_slice %arg10[%dma_wait3A_198] : memref<4x!tpu.dma_semaphore, #tpu.memory_space<semaphore_mem>> -> memref<1x!tpu.dma_semaphore, #tpu.memory_space<semaphore_mem>>
      %dma_wait3A_210 = tpu.memref_squeeze %dma_wait3A_209 : memref<1x!tpu.dma_semaphore, #tpu.memory_space<semaphore_mem>> -> memref<!tpu.dma_semaphore, #tpu.memory_space<semaphore_mem>>
      tpu.wait_indirect_dma semaphore(%dma_wait3A_210 : memref<!tpu.dma_semaphore, #tpu.memory_space<semaphore_mem>>) src(%dma_wait3A_208 : memref<10240x16xf32, #tpu.memory_space<vmem_shared>>) dst(%dma_wait3A_202 : memref<128x16xf32, #tpu.memory_space<vmem>>)
      %run_scoped3A_211 = arith.constant 2 : i32
      "tpu.region"() ({
        %run_scoped3A_244 = tpu.sem_alloc : memref<!tpu.dma_semaphore, #tpu.memory_space<semaphore_mem>>
        %dma_start3A_245 = arith.constant 0 : i32
        %dma_start3A_246 = arith.constant 0 : i32
        %dma_start3A_247 = tpu.memref_slice %arg7[%run_scoped3A_211, %dma_start3A_245, %dma_start3A_246] : memref<4x128x16xf32, #tpu.memory_space<vmem>> -> memref<1x128x16xf32, #tpu.memory_space<vmem>>
        %dma_start3A_248 = tpu.memref_squeeze %dma_start3A_247 : memref<1x128x16xf32, #tpu.memory_space<vmem>> -> memref<128x16xf32, #tpu.memory_space<vmem>>
        %dma_start3A_249 = arith.constant 0 : i32
        %dma_start3A_250 = tpu.memref_slice %arg6[%add3A_195, %dma_start3A_249] : memref<88x128xi32, #tpu.memory_space<vmem>> -> memref<1x128xi32, #tpu.memory_space<vmem>>
        %dma_start3A_251 = tpu.memref_squeeze %dma_start3A_250 : memref<1x128xi32, #tpu.memory_space<vmem>> -> memref<128xi32, #tpu.memory_space<vmem>>
        %dma_start3A_252 = arith.constant 0 : i32
        %dma_start3A_253 = arith.constant 0 : i32
        %dma_start3A_254 = tpu.memref_slice %arg8[%dma_start3A_252, %dma_start3A_253] : memref<10240x16xf32, #tpu.memory_space<vmem_shared>> -> memref<10240x16xf32, #tpu.memory_space<vmem_shared>>
        tpu.enqueue_indirect_dma source(%dma_start3A_248 : memref<128x16xf32, #tpu.memory_space<vmem>>) target(%dma_start3A_254 : memref<10240x16xf32, #tpu.memory_space<vmem_shared>>) offsets(%dma_start3A_251 : memref<128xi32, #tpu.memory_space<vmem>>) semaphore(%run_scoped3A_244 : memref<!tpu.dma_semaphore, #tpu.memory_space<semaphore_mem>>) {add = true}
        %dma_wait3A_255 = arith.constant 0 : i32
        %dma_wait3A_256 = arith.constant 0 : i32
        %dma_wait3A_257 = tpu.memref_slice %arg7[%run_scoped3A_211, %dma_wait3A_255, %dma_wait3A_256] : memref<4x128x16xf32, #tpu.memory_space<vmem>> -> memref<1x128x16xf32, #tpu.memory_space<vmem>>
        %dma_wait3A_258 = tpu.memref_squeeze %dma_wait3A_257 : memref<1x128x16xf32, #tpu.memory_space<vmem>> -> memref<128x16xf32, #tpu.memory_space<vmem>>
        %dma_wait3A_259 = arith.constant 0 : i32
        %dma_wait3A_260 = tpu.memref_slice %arg6[%add3A_195, %dma_wait3A_259] : memref<88x128xi32, #tpu.memory_space<vmem>> -> memref<1x128xi32, #tpu.memory_space<vmem>>
        %dma_wait3A_261 = tpu.memref_squeeze %dma_wait3A_260 : memref<1x128xi32, #tpu.memory_space<vmem>> -> memref<128xi32, #tpu.memory_space<vmem>>
        %dma_wait3A_262 = arith.constant 0 : i32
        %dma_wait3A_263 = arith.constant 0 : i32
        %dma_wait3A_264 = tpu.memref_slice %arg8[%dma_wait3A_262, %dma_wait3A_263] : memref<10240x16xf32, #tpu.memory_space<vmem_shared>> -> memref<10240x16xf32, #tpu.memory_space<vmem_shared>>
        tpu.wait_indirect_dma semaphore(%run_scoped3A_244 : memref<!tpu.dma_semaphore, #tpu.memory_space<semaphore_mem>>) src(%dma_wait3A_258 : memref<128x16xf32, #tpu.memory_space<vmem>>) dst(%dma_wait3A_264 : memref<10240x16xf32, #tpu.memory_space<vmem_shared>>)
        tpu.yield
      }) : () -> ()
      %add3A_212 = arith.constant 4 : i32
      %add3A_213 = arith.addi %add3A_195, %add3A_212 : i32
      %lt3A_214 = arith.cmpi slt, %add3A_213, %select_n3A_8 : i32
      %convert_element_type3A_215 = arith.extui %lt3A_214 : i1 to i32
      %cond3A_216 = arith.constant 0 : i32
      %cond3A_217 = arith.cmpi ne, %convert_element_type3A_215, %cond3A_216 : i32
      scf.if %cond3A_217 {
        %dma_start3A_244 = arith.constant 2 : i32
        %dma_start3A_245 = arith.constant 2 : i32
        %dma_start3A_246 = arith.constant 0 : i32
        %dma_start3A_247 = arith.constant 0 : i32
        %dma_start3A_248 = tpu.memref_slice %arg7[%dma_start3A_244, %dma_start3A_246, %dma_start3A_247] : memref<4x128x16xf32, #tpu.memory_space<vmem>> -> memref<1x128x16xf32, #tpu.memory_space<vmem>>
        %dma_start3A_249 = tpu.memref_squeeze %dma_start3A_248 : memref<1x128x16xf32, #tpu.memory_space<vmem>> -> memref<128x16xf32, #tpu.memory_space<vmem>>
        %dma_start3A_250 = arith.constant 0 : i32
        %dma_start3A_251 = tpu.memref_slice %arg5[%add3A_213, %dma_start3A_250] : memref<88x128xi32, #tpu.memory_space<vmem>> -> memref<1x128xi32, #tpu.memory_space<vmem>>
        %dma_start3A_252 = tpu.memref_squeeze %dma_start3A_251 : memref<1x128xi32, #tpu.memory_space<vmem>> -> memref<128xi32, #tpu.memory_space<vmem>>
        %dma_start3A_253 = arith.constant 0 : i32
        %dma_start3A_254 = arith.constant 0 : i32
        %dma_start3A_255 = tpu.memref_slice %arg9[%dma_start3A_253, %dma_start3A_254] : memref<10240x16xf32, #tpu.memory_space<vmem_shared>> -> memref<10240x16xf32, #tpu.memory_space<vmem_shared>>
        %dma_start3A_256 = tpu.memref_slice %arg10[%dma_start3A_245] : memref<4x!tpu.dma_semaphore, #tpu.memory_space<semaphore_mem>> -> memref<1x!tpu.dma_semaphore, #tpu.memory_space<semaphore_mem>>
        %dma_start3A_257 = tpu.memref_squeeze %dma_start3A_256 : memref<1x!tpu.dma_semaphore, #tpu.memory_space<semaphore_mem>> -> memref<!tpu.dma_semaphore, #tpu.memory_space<semaphore_mem>>
        tpu.enqueue_indirect_dma source(%dma_start3A_255 : memref<10240x16xf32, #tpu.memory_space<vmem_shared>>) target(%dma_start3A_249 : memref<128x16xf32, #tpu.memory_space<vmem>>) offsets(%dma_start3A_252 : memref<128xi32, #tpu.memory_space<vmem>>) semaphore(%dma_start3A_257 : memref<!tpu.dma_semaphore, #tpu.memory_space<semaphore_mem>>)
      } else {
      }
      %mul3A_218 = arith.constant 4 : i32
      %mul3A_219 = arith.muli %while3A_141, %mul3A_218 : i32
      %add3A_220 = arith.constant 3 : i32
      %add3A_221 = arith.addi %mul3A_219, %add3A_220 : i32
      %dma_wait3A_222 = arith.constant 0 : i32
      %dma_wait3A_223 = arith.constant 3 : i32
      %dma_wait3A_224 = arith.constant 3 : i32
      %dma_wait3A_225 = arith.constant 0 : i32
      %dma_wait3A_226 = arith.constant 0 : i32
      %dma_wait3A_227 = tpu.memref_slice %arg7[%dma_wait3A_223, %dma_wait3A_225, %dma_wait3A_226] : memref<4x128x16xf32, #tpu.memory_space<vmem>> -> memref<1x128x16xf32, #tpu.memory_space<vmem>>
      %dma_wait3A_228 = tpu.memref_squeeze %dma_wait3A_227 : memref<1x128x16xf32, #tpu.memory_space<vmem>> -> memref<128x16xf32, #tpu.memory_space<vmem>>
      %dma_wait3A_229 = arith.constant 0 : i32
      %dma_wait3A_230 = tpu.memref_slice %arg5[%dma_wait3A_222, %dma_wait3A_229] : memref<88x128xi32, #tpu.memory_space<vmem>> -> memref<1x128xi32, #tpu.memory_space<vmem>>
      %dma_wait3A_231 = tpu.memref_squeeze %dma_wait3A_230 : memref<1x128xi32, #tpu.memory_space<vmem>> -> memref<128xi32, #tpu.memory_space<vmem>>
      %dma_wait3A_232 = arith.constant 0 : i32
      %dma_wait3A_233 = arith.constant 0 : i32
      %dma_wait3A_234 = tpu.memref_slice %arg9[%dma_wait3A_232, %dma_wait3A_233] : memref<10240x16xf32, #tpu.memory_space<vmem_shared>> -> memref<10240x16xf32, #tpu.memory_space<vmem_shared>>
      %dma_wait3A_235 = tpu.memref_slice %arg10[%dma_wait3A_224] : memref<4x!tpu.dma_semaphore, #tpu.memory_space<semaphore_mem>> -> memref<1x!tpu.dma_semaphore, #tpu.memory_space<semaphore_mem>>
      %dma_wait3A_236 = tpu.memref_squeeze %dma_wait3A_235 : memref<1x!tpu.dma_semaphore, #tpu.memory_space<semaphore_mem>> -> memref<!tpu.dma_semaphore, #tpu.memory_space<semaphore_mem>>
      tpu.wait_indirect_dma semaphore(%dma_wait3A_236 : memref<!tpu.dma_semaphore, #tpu.memory_space<semaphore_mem>>) src(%dma_wait3A_234 : memref<10240x16xf32, #tpu.memory_space<vmem_shared>>) dst(%dma_wait3A_228 : memref<128x16xf32, #tpu.memory_space<vmem>>)
      %run_scoped3A_237 = arith.constant 3 : i32
      "tpu.region"() ({
        %run_scoped3A_244 = tpu.sem_alloc : memref<!tpu.dma_semaphore, #tpu.memory_space<semaphore_mem>>
        %dma_start3A_245 = arith.constant 0 : i32
        %dma_start3A_246 = arith.constant 0 : i32
        %dma_start3A_247 = tpu.memref_slice %arg7[%run_scoped3A_237, %dma_start3A_245, %dma_start3A_246] : memref<4x128x16xf32, #tpu.memory_space<vmem>> -> memref<1x128x16xf32, #tpu.memory_space<vmem>>
        %dma_start3A_248 = tpu.memref_squeeze %dma_start3A_247 : memref<1x128x16xf32, #tpu.memory_space<vmem>> -> memref<128x16xf32, #tpu.memory_space<vmem>>
        %dma_start3A_249 = arith.constant 0 : i32
        %dma_start3A_250 = tpu.memref_slice %arg6[%add3A_221, %dma_start3A_249] : memref<88x128xi32, #tpu.memory_space<vmem>> -> memref<1x128xi32, #tpu.memory_space<vmem>>
        %dma_start3A_251 = tpu.memref_squeeze %dma_start3A_250 : memref<1x128xi32, #tpu.memory_space<vmem>> -> memref<128xi32, #tpu.memory_space<vmem>>
        %dma_start3A_252 = arith.constant 0 : i32
        %dma_start3A_253 = arith.constant 0 : i32
        %dma_start3A_254 = tpu.memref_slice %arg8[%dma_start3A_252, %dma_start3A_253] : memref<10240x16xf32, #tpu.memory_space<vmem_shared>> -> memref<10240x16xf32, #tpu.memory_space<vmem_shared>>
        tpu.enqueue_indirect_dma source(%dma_start3A_248 : memref<128x16xf32, #tpu.memory_space<vmem>>) target(%dma_start3A_254 : memref<10240x16xf32, #tpu.memory_space<vmem_shared>>) offsets(%dma_start3A_251 : memref<128xi32, #tpu.memory_space<vmem>>) semaphore(%run_scoped3A_244 : memref<!tpu.dma_semaphore, #tpu.memory_space<semaphore_mem>>) {add = true}
        %dma_wait3A_255 = arith.constant 0 : i32
        %dma_wait3A_256 = arith.constant 0 : i32
        %dma_wait3A_257 = tpu.memref_slice %arg7[%run_scoped3A_237, %dma_wait3A_255, %dma_wait3A_256] : memref<4x128x16xf32, #tpu.memory_space<vmem>> -> memref<1x128x16xf32, #tpu.memory_space<vmem>>
        %dma_wait3A_258 = tpu.memref_squeeze %dma_wait3A_257 : memref<1x128x16xf32, #tpu.memory_space<vmem>> -> memref<128x16xf32, #tpu.memory_space<vmem>>
        %dma_wait3A_259 = arith.constant 0 : i32
        %dma_wait3A_260 = tpu.memref_slice %arg6[%add3A_221, %dma_wait3A_259] : memref<88x128xi32, #tpu.memory_space<vmem>> -> memref<1x128xi32, #tpu.memory_space<vmem>>
        %dma_wait3A_261 = tpu.memref_squeeze %dma_wait3A_260 : memref<1x128xi32, #tpu.memory_space<vmem>> -> memref<128xi32, #tpu.memory_space<vmem>>
        %dma_wait3A_262 = arith.constant 0 : i32
        %dma_wait3A_263 = arith.constant 0 : i32
        %dma_wait3A_264 = tpu.memref_slice %arg8[%dma_wait3A_262, %dma_wait3A_263] : memref<10240x16xf32, #tpu.memory_space<vmem_shared>> -> memref<10240x16xf32, #tpu.memory_space<vmem_shared>>
        tpu.wait_indirect_dma semaphore(%run_scoped3A_244 : memref<!tpu.dma_semaphore, #tpu.memory_space<semaphore_mem>>) src(%dma_wait3A_258 : memref<128x16xf32, #tpu.memory_space<vmem>>) dst(%dma_wait3A_264 : memref<10240x16xf32, #tpu.memory_space<vmem_shared>>)
        tpu.yield
      }) : () -> ()
      %add3A_238 = arith.constant 4 : i32
      %add3A_239 = arith.addi %add3A_221, %add3A_238 : i32
      %lt3A_240 = arith.cmpi slt, %add3A_239, %select_n3A_8 : i32
      %convert_element_type3A_241 = arith.extui %lt3A_240 : i1 to i32
      %cond3A_242 = arith.constant 0 : i32
      %cond3A_243 = arith.cmpi ne, %convert_element_type3A_241, %cond3A_242 : i32
      scf.if %cond3A_243 {
        %dma_start3A_244 = arith.constant 3 : i32
        %dma_start3A_245 = arith.constant 3 : i32
        %dma_start3A_246 = arith.constant 0 : i32
        %dma_start3A_247 = arith.constant 0 : i32
        %dma_start3A_248 = tpu.memref_slice %arg7[%dma_start3A_244, %dma_start3A_246, %dma_start3A_247] : memref<4x128x16xf32, #tpu.memory_space<vmem>> -> memref<1x128x16xf32, #tpu.memory_space<vmem>>
        %dma_start3A_249 = tpu.memref_squeeze %dma_start3A_248 : memref<1x128x16xf32, #tpu.memory_space<vmem>> -> memref<128x16xf32, #tpu.memory_space<vmem>>
        %dma_start3A_250 = arith.constant 0 : i32
        %dma_start3A_251 = tpu.memref_slice %arg5[%add3A_239, %dma_start3A_250] : memref<88x128xi32, #tpu.memory_space<vmem>> -> memref<1x128xi32, #tpu.memory_space<vmem>>
        %dma_start3A_252 = tpu.memref_squeeze %dma_start3A_251 : memref<1x128xi32, #tpu.memory_space<vmem>> -> memref<128xi32, #tpu.memory_space<vmem>>
        %dma_start3A_253 = arith.constant 0 : i32
        %dma_start3A_254 = arith.constant 0 : i32
        %dma_start3A_255 = tpu.memref_slice %arg9[%dma_start3A_253, %dma_start3A_254] : memref<10240x16xf32, #tpu.memory_space<vmem_shared>> -> memref<10240x16xf32, #tpu.memory_space<vmem_shared>>
        %dma_start3A_256 = tpu.memref_slice %arg10[%dma_start3A_245] : memref<4x!tpu.dma_semaphore, #tpu.memory_space<semaphore_mem>> -> memref<1x!tpu.dma_semaphore, #tpu.memory_space<semaphore_mem>>
        %dma_start3A_257 = tpu.memref_squeeze %dma_start3A_256 : memref<1x!tpu.dma_semaphore, #tpu.memory_space<semaphore_mem>> -> memref<!tpu.dma_semaphore, #tpu.memory_space<semaphore_mem>>
        tpu.enqueue_indirect_dma source(%dma_start3A_255 : memref<10240x16xf32, #tpu.memory_space<vmem_shared>>) target(%dma_start3A_249 : memref<128x16xf32, #tpu.memory_space<vmem>>) offsets(%dma_start3A_252 : memref<128xi32, #tpu.memory_space<vmem>>) semaphore(%dma_start3A_257 : memref<!tpu.dma_semaphore, #tpu.memory_space<semaphore_mem>>)
      } else {
      }
    }
    %while3A_135 = arith.constant 1 : i32
    scf.for %while3A_141 = %while3A_133 to %while3A_129 step %while3A_135  : i32 {
      %mul3A_142 = arith.constant 4 : i32
      %mul3A_143 = arith.muli %while3A_141, %mul3A_142 : i32
      %add3A_144 = arith.constant 0 : i32
      %add3A_145 = arith.addi %mul3A_143, %add3A_144 : i32
      %dma_wait3A = arith.constant 0 : i32
      %dma_wait3A_146 = arith.constant 0 : i32
      %dma_wait3A_147 = arith.constant 0 : i32
      %dma_wait3A_148 = arith.constant 0 : i32
      %dma_wait3A_149 = arith.constant 0 : i32
      %dma_wait3A_150 = tpu.memref_slice %arg7[%dma_wait3A_146, %dma_wait3A_148, %dma_wait3A_149] : memref<4x128x16xf32, #tpu.memory_space<vmem>> -> memref<1x128x16xf32, #tpu.memory_space<vmem>>
      %dma_wait3A_151 = tpu.memref_squeeze %dma_wait3A_150 : memref<1x128x16xf32, #tpu.memory_space<vmem>> -> memref<128x16xf32, #tpu.memory_space<vmem>>
      %dma_wait3A_152 = arith.constant 0 : i32
      %dma_wait3A_153 = tpu.memref_slice %arg5[%dma_wait3A, %dma_wait3A_152] : memref<88x128xi32, #tpu.memory_space<vmem>> -> memref<1x128xi32, #tpu.memory_space<vmem>>
      %dma_wait3A_154 = tpu.memref_squeeze %dma_wait3A_153 : memref<1x128xi32, #tpu.memory_space<vmem>> -> memref<128xi32, #tpu.memory_space<vmem>>
      %dma_wait3A_155 = arith.constant 0 : i32
      %dma_wait3A_156 = arith.constant 0 : i32
      %dma_wait3A_157 = tpu.memref_slice %arg9[%dma_wait3A_155, %dma_wait3A_156] : memref<10240x16xf32, #tpu.memory_space<vmem_shared>> -> memref<10240x16xf32, #tpu.memory_space<vmem_shared>>
      %dma_wait3A_158 = tpu.memref_slice %arg10[%dma_wait3A_147] : memref<4x!tpu.dma_semaphore, #tpu.memory_space<semaphore_mem>> -> memref<1x!tpu.dma_semaphore, #tpu.memory_space<semaphore_mem>>
      %dma_wait3A_159 = tpu.memref_squeeze %dma_wait3A_158 : memref<1x!tpu.dma_semaphore, #tpu.memory_space<semaphore_mem>> -> memref<!tpu.dma_semaphore, #tpu.memory_space<semaphore_mem>>
      tpu.wait_indirect_dma semaphore(%dma_wait3A_159 : memref<!tpu.dma_semaphore, #tpu.memory_space<semaphore_mem>>) src(%dma_wait3A_157 : memref<10240x16xf32, #tpu.memory_space<vmem_shared>>) dst(%dma_wait3A_151 : memref<128x16xf32, #tpu.memory_space<vmem>>)
      %run_scoped3A_160 = arith.constant 0 : i32
      "tpu.region"() ({
        %run_scoped3A_244 = tpu.sem_alloc : memref<!tpu.dma_semaphore, #tpu.memory_space<semaphore_mem>>
        %dma_start3A_245 = arith.constant 0 : i32
        %dma_start3A_246 = arith.constant 0 : i32
        %dma_start3A_247 = tpu.memref_slice %arg7[%run_scoped3A_160, %dma_start3A_245, %dma_start3A_246] : memref<4x128x16xf32, #tpu.memory_space<vmem>> -> memref<1x128x16xf32, #tpu.memory_space<vmem>>
        %dma_start3A_248 = tpu.memref_squeeze %dma_start3A_247 : memref<1x128x16xf32, #tpu.memory_space<vmem>> -> memref<128x16xf32, #tpu.memory_space<vmem>>
        %dma_start3A_249 = arith.constant 0 : i32
        %dma_start3A_250 = tpu.memref_slice %arg6[%add3A_145, %dma_start3A_249] : memref<88x128xi32, #tpu.memory_space<vmem>> -> memref<1x128xi32, #tpu.memory_space<vmem>>
        %dma_start3A_251 = tpu.memref_squeeze %dma_start3A_250 : memref<1x128xi32, #tpu.memory_space<vmem>> -> memref<128xi32, #tpu.memory_space<vmem>>
        %dma_start3A_252 = arith.constant 0 : i32
        %dma_start3A_253 = arith.constant 0 : i32
        %dma_start3A_254 = tpu.memref_slice %arg8[%dma_start3A_252, %dma_start3A_253] : memref<10240x16xf32, #tpu.memory_space<vmem_shared>> -> memref<10240x16xf32, #tpu.memory_space<vmem_shared>>
        tpu.enqueue_indirect_dma source(%dma_start3A_248 : memref<128x16xf32, #tpu.memory_space<vmem>>) target(%dma_start3A_254 : memref<10240x16xf32, #tpu.memory_space<vmem_shared>>) offsets(%dma_start3A_251 : memref<128xi32, #tpu.memory_space<vmem>>) semaphore(%run_scoped3A_244 : memref<!tpu.dma_semaphore, #tpu.memory_space<semaphore_mem>>) {add = true}
        %dma_wait3A_255 = arith.constant 0 : i32
        %dma_wait3A_256 = arith.constant 0 : i32
        %dma_wait3A_257 = tpu.memref_slice %arg7[%run_scoped3A_160, %dma_wait3A_255, %dma_wait3A_256] : memref<4x128x16xf32, #tpu.memory_space<vmem>> -> memref<1x128x16xf32, #tpu.memory_space<vmem>>
        %dma_wait3A_258 = tpu.memref_squeeze %dma_wait3A_257 : memref<1x128x16xf32, #tpu.memory_space<vmem>> -> memref<128x16xf32, #tpu.memory_space<vmem>>
        %dma_wait3A_259 = arith.constant 0 : i32
        %dma_wait3A_260 = tpu.memref_slice %arg6[%add3A_145, %dma_wait3A_259] : memref<88x128xi32, #tpu.memory_space<vmem>> -> memref<1x128xi32, #tpu.memory_space<vmem>>
        %dma_wait3A_261 = tpu.memref_squeeze %dma_wait3A_260 : memref<1x128xi32, #tpu.memory_space<vmem>> -> memref<128xi32, #tpu.memory_space<vmem>>
        %dma_wait3A_262 = arith.constant 0 : i32
        %dma_wait3A_263 = arith.constant 0 : i32
        %dma_wait3A_264 = tpu.memref_slice %arg8[%dma_wait3A_262, %dma_wait3A_263] : memref<10240x16xf32, #tpu.memory_space<vmem_shared>> -> memref<10240x16xf32, #tpu.memory_space<vmem_shared>>
        tpu.wait_indirect_dma semaphore(%run_scoped3A_244 : memref<!tpu.dma_semaphore, #tpu.memory_space<semaphore_mem>>) src(%dma_wait3A_258 : memref<128x16xf32, #tpu.memory_space<vmem>>) dst(%dma_wait3A_264 : memref<10240x16xf32, #tpu.memory_space<vmem_shared>>)
        tpu.yield
      }) : () -> ()
      %add3A_161 = arith.constant 4 : i32
      %add3A_162 = arith.addi %add3A_145, %add3A_161 : i32
      %lt3A = arith.cmpi slt, %add3A_162, %select_n3A_8 : i32
      %convert_element_type3A_163 = arith.extui %lt3A : i1 to i32
      %cond3A_164 = arith.constant 0 : i32
      %cond3A_165 = arith.cmpi ne, %convert_element_type3A_163, %cond3A_164 : i32
      scf.if %cond3A_165 {
        %dma_start3A_244 = arith.constant 0 : i32
        %dma_start3A_245 = arith.constant 0 : i32
        %dma_start3A_246 = arith.constant 0 : i32
        %dma_start3A_247 = arith.constant 0 : i32
        %dma_start3A_248 = tpu.memref_slice %arg7[%dma_start3A_244, %dma_start3A_246, %dma_start3A_247] : memref<4x128x16xf32, #tpu.memory_space<vmem>> -> memref<1x128x16xf32, #tpu.memory_space<vmem>>
        %dma_start3A_249 = tpu.memref_squeeze %dma_start3A_248 : memref<1x128x16xf32, #tpu.memory_space<vmem>> -> memref<128x16xf32, #tpu.memory_space<vmem>>
        %dma_start3A_250 = arith.constant 0 : i32
        %dma_start3A_251 = tpu.memref_slice %arg5[%add3A_162, %dma_start3A_250] : memref<88x128xi32, #tpu.memory_space<vmem>> -> memref<1x128xi32, #tpu.memory_space<vmem>>
        %dma_start3A_252 = tpu.memref_squeeze %dma_start3A_251 : memref<1x128xi32, #tpu.memory_space<vmem>> -> memref<128xi32, #tpu.memory_space<vmem>>
        %dma_start3A_253 = arith.constant 0 : i32
        %dma_start3A_254 = arith.constant 0 : i32
        %dma_start3A_255 = tpu.memref_slice %arg9[%dma_start3A_253, %dma_start3A_254] : memref<10240x16xf32, #tpu.memory_space<vmem_shared>> -> memref<10240x16xf32, #tpu.memory_space<vmem_shared>>
        %dma_start3A_256 = tpu.memref_slice %arg10[%dma_start3A_245] : memref<4x!tpu.dma_semaphore, #tpu.memory_space<semaphore_mem>> -> memref<1x!tpu.dma_semaphore, #tpu.memory_space<semaphore_mem>>
        %dma_start3A_257 = tpu.memref_squeeze %dma_start3A_256 : memref<1x!tpu.dma_semaphore, #tpu.memory_space<semaphore_mem>> -> memref<!tpu.dma_semaphore, #tpu.memory_space<semaphore_mem>>
        tpu.enqueue_indirect_dma source(%dma_start3A_255 : memref<10240x16xf32, #tpu.memory_space<vmem_shared>>) target(%dma_start3A_249 : memref<128x16xf32, #tpu.memory_space<vmem>>) offsets(%dma_start3A_252 : memref<128xi32, #tpu.memory_space<vmem>>) semaphore(%dma_start3A_257 : memref<!tpu.dma_semaphore, #tpu.memory_space<semaphore_mem>>)
      } else {
      }
      %mul3A_166 = arith.constant 4 : i32
      %mul3A_167 = arith.muli %while3A_141, %mul3A_166 : i32
      %add3A_168 = arith.constant 1 : i32
      %add3A_169 = arith.addi %mul3A_167, %add3A_168 : i32
      %dma_wait3A_170 = arith.constant 0 : i32
      %dma_wait3A_171 = arith.constant 1 : i32
      %dma_wait3A_172 = arith.constant 1 : i32
      %dma_wait3A_173 = arith.constant 0 : i32
      %dma_wait3A_174 = arith.constant 0 : i32
      %dma_wait3A_175 = tpu.memref_slice %arg7[%dma_wait3A_171, %dma_wait3A_173, %dma_wait3A_174] : memref<4x128x16xf32, #tpu.memory_space<vmem>> -> memref<1x128x16xf32, #tpu.memory_space<vmem>>
      %dma_wait3A_176 = tpu.memref_squeeze %dma_wait3A_175 : memref<1x128x16xf32, #tpu.memory_space<vmem>> -> memref<128x16xf32, #tpu.memory_space<vmem>>
      %dma_wait3A_177 = arith.constant 0 : i32
      %dma_wait3A_178 = tpu.memref_slice %arg5[%dma_wait3A_170, %dma_wait3A_177] : memref<88x128xi32, #tpu.memory_space<vmem>> -> memref<1x128xi32, #tpu.memory_space<vmem>>
      %dma_wait3A_179 = tpu.memref_squeeze %dma_wait3A_178 : memref<1x128xi32, #tpu.memory_space<vmem>> -> memref<128xi32, #tpu.memory_space<vmem>>
      %dma_wait3A_180 = arith.constant 0 : i32
      %dma_wait3A_181 = arith.constant 0 : i32
      %dma_wait3A_182 = tpu.memref_slice %arg9[%dma_wait3A_180, %dma_wait3A_181] : memref<10240x16xf32, #tpu.memory_space<vmem_shared>> -> memref<10240x16xf32, #tpu.memory_space<vmem_shared>>
      %dma_wait3A_183 = tpu.memref_slice %arg10[%dma_wait3A_172] : memref<4x!tpu.dma_semaphore, #tpu.memory_space<semaphore_mem>> -> memref<1x!tpu.dma_semaphore, #tpu.memory_space<semaphore_mem>>
      %dma_wait3A_184 = tpu.memref_squeeze %dma_wait3A_183 : memref<1x!tpu.dma_semaphore, #tpu.memory_space<semaphore_mem>> -> memref<!tpu.dma_semaphore, #tpu.memory_space<semaphore_mem>>
      tpu.wait_indirect_dma semaphore(%dma_wait3A_184 : memref<!tpu.dma_semaphore, #tpu.memory_space<semaphore_mem>>) src(%dma_wait3A_182 : memref<10240x16xf32, #tpu.memory_space<vmem_shared>>) dst(%dma_wait3A_176 : memref<128x16xf32, #tpu.memory_space<vmem>>)
      %run_scoped3A_185 = arith.constant 1 : i32
      "tpu.region"() ({
        %run_scoped3A_244 = tpu.sem_alloc : memref<!tpu.dma_semaphore, #tpu.memory_space<semaphore_mem>>
        %dma_start3A_245 = arith.constant 0 : i32
        %dma_start3A_246 = arith.constant 0 : i32
        %dma_start3A_247 = tpu.memref_slice %arg7[%run_scoped3A_185, %dma_start3A_245, %dma_start3A_246] : memref<4x128x16xf32, #tpu.memory_space<vmem>> -> memref<1x128x16xf32, #tpu.memory_space<vmem>>
        %dma_start3A_248 = tpu.memref_squeeze %dma_start3A_247 : memref<1x128x16xf32, #tpu.memory_space<vmem>> -> memref<128x16xf32, #tpu.memory_space<vmem>>
        %dma_start3A_249 = arith.constant 0 : i32
        %dma_start3A_250 = tpu.memref_slice %arg6[%add3A_169, %dma_start3A_249] : memref<88x128xi32, #tpu.memory_space<vmem>> -> memref<1x128xi32, #tpu.memory_space<vmem>>
        %dma_start3A_251 = tpu.memref_squeeze %dma_start3A_250 : memref<1x128xi32, #tpu.memory_space<vmem>> -> memref<128xi32, #tpu.memory_space<vmem>>
        %dma_start3A_252 = arith.constant 0 : i32
        %dma_start3A_253 = arith.constant 0 : i32
        %dma_start3A_254 = tpu.memref_slice %arg8[%dma_start3A_252, %dma_start3A_253] : memref<10240x16xf32, #tpu.memory_space<vmem_shared>> -> memref<10240x16xf32, #tpu.memory_space<vmem_shared>>
        tpu.enqueue_indirect_dma source(%dma_start3A_248 : memref<128x16xf32, #tpu.memory_space<vmem>>) target(%dma_start3A_254 : memref<10240x16xf32, #tpu.memory_space<vmem_shared>>) offsets(%dma_start3A_251 : memref<128xi32, #tpu.memory_space<vmem>>) semaphore(%run_scoped3A_244 : memref<!tpu.dma_semaphore, #tpu.memory_space<semaphore_mem>>) {add = true}
        %dma_wait3A_255 = arith.constant 0 : i32
        %dma_wait3A_256 = arith.constant 0 : i32
        %dma_wait3A_257 = tpu.memref_slice %arg7[%run_scoped3A_185, %dma_wait3A_255, %dma_wait3A_256] : memref<4x128x16xf32, #tpu.memory_space<vmem>> -> memref<1x128x16xf32, #tpu.memory_space<vmem>>
        %dma_wait3A_258 = tpu.memref_squeeze %dma_wait3A_257 : memref<1x128x16xf32, #tpu.memory_space<vmem>> -> memref<128x16xf32, #tpu.memory_space<vmem>>
        %dma_wait3A_259 = arith.constant 0 : i32
        %dma_wait3A_260 = tpu.memref_slice %arg6[%add3A_169, %dma_wait3A_259] : memref<88x128xi32, #tpu.memory_space<vmem>> -> memref<1x128xi32, #tpu.memory_space<vmem>>
        %dma_wait3A_261 = tpu.memref_squeeze %dma_wait3A_260 : memref<1x128xi32, #tpu.memory_space<vmem>> -> memref<128xi32, #tpu.memory_space<vmem>>
        %dma_wait3A_262 = arith.constant 0 : i32
        %dma_wait3A_263 = arith.constant 0 : i32
        %dma_wait3A_264 = tpu.memref_slice %arg8[%dma_wait3A_262, %dma_wait3A_263] : memref<10240x16xf32, #tpu.memory_space<vmem_shared>> -> memref<10240x16xf32, #tpu.memory_space<vmem_shared>>
        tpu.wait_indirect_dma semaphore(%run_scoped3A_244 : memref<!tpu.dma_semaphore, #tpu.memory_space<semaphore_mem>>) src(%dma_wait3A_258 : memref<128x16xf32, #tpu.memory_space<vmem>>) dst(%dma_wait3A_264 : memref<10240x16xf32, #tpu.memory_space<vmem_shared>>)
        tpu.yield
      }) : () -> ()
      %add3A_186 = arith.constant 4 : i32
      %add3A_187 = arith.addi %add3A_169, %add3A_186 : i32
      %lt3A_188 = arith.cmpi slt, %add3A_187, %select_n3A_8 : i32
      %convert_element_type3A_189 = arith.extui %lt3A_188 : i1 to i32
      %cond3A_190 = arith.constant 0 : i32
      %cond3A_191 = arith.cmpi ne, %convert_element_type3A_189, %cond3A_190 : i32
      scf.if %cond3A_191 {
        %dma_start3A_244 = arith.constant 1 : i32
        %dma_start3A_245 = arith.constant 1 : i32
        %dma_start3A_246 = arith.constant 0 : i32
        %dma_start3A_247 = arith.constant 0 : i32
        %dma_start3A_248 = tpu.memref_slice %arg7[%dma_start3A_244, %dma_start3A_246, %dma_start3A_247] : memref<4x128x16xf32, #tpu.memory_space<vmem>> -> memref<1x128x16xf32, #tpu.memory_space<vmem>>
        %dma_start3A_249 = tpu.memref_squeeze %dma_start3A_248 : memref<1x128x16xf32, #tpu.memory_space<vmem>> -> memref<128x16xf32, #tpu.memory_space<vmem>>
        %dma_start3A_250 = arith.constant 0 : i32
        %dma_start3A_251 = tpu.memref_slice %arg5[%add3A_187, %dma_start3A_250] : memref<88x128xi32, #tpu.memory_space<vmem>> -> memref<1x128xi32, #tpu.memory_space<vmem>>
        %dma_start3A_252 = tpu.memref_squeeze %dma_start3A_251 : memref<1x128xi32, #tpu.memory_space<vmem>> -> memref<128xi32, #tpu.memory_space<vmem>>
        %dma_start3A_253 = arith.constant 0 : i32
        %dma_start3A_254 = arith.constant 0 : i32
        %dma_start3A_255 = tpu.memref_slice %arg9[%dma_start3A_253, %dma_start3A_254] : memref<10240x16xf32, #tpu.memory_space<vmem_shared>> -> memref<10240x16xf32, #tpu.memory_space<vmem_shared>>
        %dma_start3A_256 = tpu.memref_slice %arg10[%dma_start3A_245] : memref<4x!tpu.dma_semaphore, #tpu.memory_space<semaphore_mem>> -> memref<1x!tpu.dma_semaphore, #tpu.memory_space<semaphore_mem>>
        %dma_start3A_257 = tpu.memref_squeeze %dma_start3A_256 : memref<1x!tpu.dma_semaphore, #tpu.memory_space<semaphore_mem>> -> memref<!tpu.dma_semaphore, #tpu.memory_space<semaphore_mem>>
        tpu.enqueue_indirect_dma source(%dma_start3A_255 : memref<10240x16xf32, #tpu.memory_space<vmem_shared>>) target(%dma_start3A_249 : memref<128x16xf32, #tpu.memory_space<vmem>>) offsets(%dma_start3A_252 : memref<128xi32, #tpu.memory_space<vmem>>) semaphore(%dma_start3A_257 : memref<!tpu.dma_semaphore, #tpu.memory_space<semaphore_mem>>)
      } else {
      }
      %mul3A_192 = arith.constant 4 : i32
      %mul3A_193 = arith.muli %while3A_141, %mul3A_192 : i32
      %add3A_194 = arith.constant 2 : i32
      %add3A_195 = arith.addi %mul3A_193, %add3A_194 : i32
      %dma_wait3A_196 = arith.constant 0 : i32
      %dma_wait3A_197 = arith.constant 2 : i32
      %dma_wait3A_198 = arith.constant 2 : i32
      %dma_wait3A_199 = arith.constant 0 : i32
      %dma_wait3A_200 = arith.constant 0 : i32
      %dma_wait3A_201 = tpu.memref_slice %arg7[%dma_wait3A_197, %dma_wait3A_199, %dma_wait3A_200] : memref<4x128x16xf32, #tpu.memory_space<vmem>> -> memref<1x128x16xf32, #tpu.memory_space<vmem>>
      %dma_wait3A_202 = tpu.memref_squeeze %dma_wait3A_201 : memref<1x128x16xf32, #tpu.memory_space<vmem>> -> memref<128x16xf32, #tpu.memory_space<vmem>>
      %dma_wait3A_203 = arith.constant 0 : i32
      %dma_wait3A_204 = tpu.memref_slice %arg5[%dma_wait3A_196, %dma_wait3A_203] : memref<88x128xi32, #tpu.memory_space<vmem>> -> memref<1x128xi32, #tpu.memory_space<vmem>>
      %dma_wait3A_205 = tpu.memref_squeeze %dma_wait3A_204 : memref<1x128xi32, #tpu.memory_space<vmem>> -> memref<128xi32, #tpu.memory_space<vmem>>
      %dma_wait3A_206 = arith.constant 0 : i32
      %dma_wait3A_207 = arith.constant 0 : i32
      %dma_wait3A_208 = tpu.memref_slice %arg9[%dma_wait3A_206, %dma_wait3A_207] : memref<10240x16xf32, #tpu.memory_space<vmem_shared>> -> memref<10240x16xf32, #tpu.memory_space<vmem_shared>>
      %dma_wait3A_209 = tpu.memref_slice %arg10[%dma_wait3A_198] : memref<4x!tpu.dma_semaphore, #tpu.memory_space<semaphore_mem>> -> memref<1x!tpu.dma_semaphore, #tpu.memory_space<semaphore_mem>>
      %dma_wait3A_210 = tpu.memref_squeeze %dma_wait3A_209 : memref<1x!tpu.dma_semaphore, #tpu.memory_space<semaphore_mem>> -> memref<!tpu.dma_semaphore, #tpu.memory_space<semaphore_mem>>
      tpu.wait_indirect_dma semaphore(%dma_wait3A_210 : memref<!tpu.dma_semaphore, #tpu.memory_space<semaphore_mem>>) src(%dma_wait3A_208 : memref<10240x16xf32, #tpu.memory_space<vmem_shared>>) dst(%dma_wait3A_202 : memref<128x16xf32, #tpu.memory_space<vmem>>)
      %run_scoped3A_211 = arith.constant 2 : i32
      "tpu.region"() ({
        %run_scoped3A_244 = tpu.sem_alloc : memref<!tpu.dma_semaphore, #tpu.memory_space<semaphore_mem>>
        %dma_start3A_245 = arith.constant 0 : i32
        %dma_start3A_246 = arith.constant 0 : i32
        %dma_start3A_247 = tpu.memref_slice %arg7[%run_scoped3A_211, %dma_start3A_245, %dma_start3A_246] : memref<4x128x16xf32, #tpu.memory_space<vmem>> -> memref<1x128x16xf32, #tpu.memory_space<vmem>>
        %dma_start3A_248 = tpu.memref_squeeze %dma_start3A_247 : memref<1x128x16xf32, #tpu.memory_space<vmem>> -> memref<128x16xf32, #tpu.memory_space<vmem>>
        %dma_start3A_249 = arith.constant 0 : i32
        %dma_start3A_250 = tpu.memref_slice %arg6[%add3A_195, %dma_start3A_249] : memref<88x128xi32, #tpu.memory_space<vmem>> -> memref<1x128xi32, #tpu.memory_space<vmem>>
        %dma_start3A_251 = tpu.memref_squeeze %dma_start3A_250 : memref<1x128xi32, #tpu.memory_space<vmem>> -> memref<128xi32, #tpu.memory_space<vmem>>
        %dma_start3A_252 = arith.constant 0 : i32
        %dma_start3A_253 = arith.constant 0 : i32
        %dma_start3A_254 = tpu.memref_slice %arg8[%dma_start3A_252, %dma_start3A_253] : memref<10240x16xf32, #tpu.memory_space<vmem_shared>> -> memref<10240x16xf32, #tpu.memory_space<vmem_shared>>
        tpu.enqueue_indirect_dma source(%dma_start3A_248 : memref<128x16xf32, #tpu.memory_space<vmem>>) target(%dma_start3A_254 : memref<10240x16xf32, #tpu.memory_space<vmem_shared>>) offsets(%dma_start3A_251 : memref<128xi32, #tpu.memory_space<vmem>>) semaphore(%run_scoped3A_244 : memref<!tpu.dma_semaphore, #tpu.memory_space<semaphore_mem>>) {add = true}
        %dma_wait3A_255 = arith.constant 0 : i32
        %dma_wait3A_256 = arith.constant 0 : i32
        %dma_wait3A_257 = tpu.memref_slice %arg7[%run_scoped3A_211, %dma_wait3A_255, %dma_wait3A_256] : memref<4x128x16xf32, #tpu.memory_space<vmem>> -> memref<1x128x16xf32, #tpu.memory_space<vmem>>
        %dma_wait3A_258 = tpu.memref_squeeze %dma_wait3A_257 : memref<1x128x16xf32, #tpu.memory_space<vmem>> -> memref<128x16xf32, #tpu.memory_space<vmem>>
        %dma_wait3A_259 = arith.constant 0 : i32
        %dma_wait3A_260 = tpu.memref_slice %arg6[%add3A_195, %dma_wait3A_259] : memref<88x128xi32, #tpu.memory_space<vmem>> -> memref<1x128xi32, #tpu.memory_space<vmem>>
        %dma_wait3A_261 = tpu.memref_squeeze %dma_wait3A_260 : memref<1x128xi32, #tpu.memory_space<vmem>> -> memref<128xi32, #tpu.memory_space<vmem>>
        %dma_wait3A_262 = arith.constant 0 : i32
        %dma_wait3A_263 = arith.constant 0 : i32
        %dma_wait3A_264 = tpu.memref_slice %arg8[%dma_wait3A_262, %dma_wait3A_263] : memref<10240x16xf32, #tpu.memory_space<vmem_shared>> -> memref<10240x16xf32, #tpu.memory_space<vmem_shared>>
        tpu.wait_indirect_dma semaphore(%run_scoped3A_244 : memref<!tpu.dma_semaphore, #tpu.memory_space<semaphore_mem>>) src(%dma_wait3A_258 : memref<128x16xf32, #tpu.memory_space<vmem>>) dst(%dma_wait3A_264 : memref<10240x16xf32, #tpu.memory_space<vmem_shared>>)
        tpu.yield
      }) : () -> ()
      %add3A_212 = arith.constant 4 : i32
      %add3A_213 = arith.addi %add3A_195, %add3A_212 : i32
      %lt3A_214 = arith.cmpi slt, %add3A_213, %select_n3A_8 : i32
      %convert_element_type3A_215 = arith.extui %lt3A_214 : i1 to i32
      %cond3A_216 = arith.constant 0 : i32
      %cond3A_217 = arith.cmpi ne, %convert_element_type3A_215, %cond3A_216 : i32
      scf.if %cond3A_217 {
        %dma_start3A_244 = arith.constant 2 : i32
        %dma_start3A_245 = arith.constant 2 : i32
        %dma_start3A_246 = arith.constant 0 : i32
        %dma_start3A_247 = arith.constant 0 : i32
        %dma_start3A_248 = tpu.memref_slice %arg7[%dma_start3A_244, %dma_start3A_246, %dma_start3A_247] : memref<4x128x16xf32, #tpu.memory_space<vmem>> -> memref<1x128x16xf32, #tpu.memory_space<vmem>>
        %dma_start3A_249 = tpu.memref_squeeze %dma_start3A_248 : memref<1x128x16xf32, #tpu.memory_space<vmem>> -> memref<128x16xf32, #tpu.memory_space<vmem>>
        %dma_start3A_250 = arith.constant 0 : i32
        %dma_start3A_251 = tpu.memref_slice %arg5[%add3A_213, %dma_start3A_250] : memref<88x128xi32, #tpu.memory_space<vmem>> -> memref<1x128xi32, #tpu.memory_space<vmem>>
        %dma_start3A_252 = tpu.memref_squeeze %dma_start3A_251 : memref<1x128xi32, #tpu.memory_space<vmem>> -> memref<128xi32, #tpu.memory_space<vmem>>
        %dma_start3A_253 = arith.constant 0 : i32
        %dma_start3A_254 = arith.constant 0 : i32
        %dma_start3A_255 = tpu.memref_slice %arg9[%dma_start3A_253, %dma_start3A_254] : memref<10240x16xf32, #tpu.memory_space<vmem_shared>> -> memref<10240x16xf32, #tpu.memory_space<vmem_shared>>
        %dma_start3A_256 = tpu.memref_slice %arg10[%dma_start3A_245] : memref<4x!tpu.dma_semaphore, #tpu.memory_space<semaphore_mem>> -> memref<1x!tpu.dma_semaphore, #tpu.memory_space<semaphore_mem>>
        %dma_start3A_257 = tpu.memref_squeeze %dma_start3A_256 : memref<1x!tpu.dma_semaphore, #tpu.memory_space<semaphore_mem>> -> memref<!tpu.dma_semaphore, #tpu.memory_space<semaphore_mem>>
        tpu.enqueue_indirect_dma source(%dma_start3A_255 : memref<10240x16xf32, #tpu.memory_space<vmem_shared>>) target(%dma_start3A_249 : memref<128x16xf32, #tpu.memory_space<vmem>>) offsets(%dma_start3A_252 : memref<128xi32, #tpu.memory_space<vmem>>) semaphore(%dma_start3A_257 : memref<!tpu.dma_semaphore, #tpu.memory_space<semaphore_mem>>)
      } else {
      }
      %mul3A_218 = arith.constant 4 : i32
      %mul3A_219 = arith.muli %while3A_141, %mul3A_218 : i32
      %add3A_220 = arith.constant 3 : i32
      %add3A_221 = arith.addi %mul3A_219, %add3A_220 : i32
      %dma_wait3A_222 = arith.constant 0 : i32
      %dma_wait3A_223 = arith.constant 3 : i32
      %dma_wait3A_224 = arith.constant 3 : i32
      %dma_wait3A_225 = arith.constant 0 : i32
      %dma_wait3A_226 = arith.constant 0 : i32
      %dma_wait3A_227 = tpu.memref_slice %arg7[%dma_wait3A_223, %dma_wait3A_225, %dma_wait3A_226] : memref<4x128x16xf32, #tpu.memory_space<vmem>> -> memref<1x128x16xf32, #tpu.memory_space<vmem>>
      %dma_wait3A_228 = tpu.memref_squeeze %dma_wait3A_227 : memref<1x128x16xf32, #tpu.memory_space<vmem>> -> memref<128x16xf32, #tpu.memory_space<vmem>>
      %dma_wait3A_229 = arith.constant 0 : i32
      %dma_wait3A_230 = tpu.memref_slice %arg5[%dma_wait3A_222, %dma_wait3A_229] : memref<88x128xi32, #tpu.memory_space<vmem>> -> memref<1x128xi32, #tpu.memory_space<vmem>>
      %dma_wait3A_231 = tpu.memref_squeeze %dma_wait3A_230 : memref<1x128xi32, #tpu.memory_space<vmem>> -> memref<128xi32, #tpu.memory_space<vmem>>
      %dma_wait3A_232 = arith.constant 0 : i32
      %dma_wait3A_233 = arith.constant 0 : i32
      %dma_wait3A_234 = tpu.memref_slice %arg9[%dma_wait3A_232, %dma_wait3A_233] : memref<10240x16xf32, #tpu.memory_space<vmem_shared>> -> memref<10240x16xf32, #tpu.memory_space<vmem_shared>>
      %dma_wait3A_235 = tpu.memref_slice %arg10[%dma_wait3A_224] : memref<4x!tpu.dma_semaphore, #tpu.memory_space<semaphore_mem>> -> memref<1x!tpu.dma_semaphore, #tpu.memory_space<semaphore_mem>>
      %dma_wait3A_236 = tpu.memref_squeeze %dma_wait3A_235 : memref<1x!tpu.dma_semaphore, #tpu.memory_space<semaphore_mem>> -> memref<!tpu.dma_semaphore, #tpu.memory_space<semaphore_mem>>
      tpu.wait_indirect_dma semaphore(%dma_wait3A_236 : memref<!tpu.dma_semaphore, #tpu.memory_space<semaphore_mem>>) src(%dma_wait3A_234 : memref<10240x16xf32, #tpu.memory_space<vmem_shared>>) dst(%dma_wait3A_228 : memref<128x16xf32, #tpu.memory_space<vmem>>)
      %run_scoped3A_237 = arith.constant 3 : i32
      "tpu.region"() ({
        %run_scoped3A_244 = tpu.sem_alloc : memref<!tpu.dma_semaphore, #tpu.memory_space<semaphore_mem>>
        %dma_start3A_245 = arith.constant 0 : i32
        %dma_start3A_246 = arith.constant 0 : i32
        %dma_start3A_247 = tpu.memref_slice %arg7[%run_scoped3A_237, %dma_start3A_245, %dma_start3A_246] : memref<4x128x16xf32, #tpu.memory_space<vmem>> -> memref<1x128x16xf32, #tpu.memory_space<vmem>>
        %dma_start3A_248 = tpu.memref_squeeze %dma_start3A_247 : memref<1x128x16xf32, #tpu.memory_space<vmem>> -> memref<128x16xf32, #tpu.memory_space<vmem>>
        %dma_start3A_249 = arith.constant 0 : i32
        %dma_start3A_250 = tpu.memref_slice %arg6[%add3A_221, %dma_start3A_249] : memref<88x128xi32, #tpu.memory_space<vmem>> -> memref<1x128xi32, #tpu.memory_space<vmem>>
        %dma_start3A_251 = tpu.memref_squeeze %dma_start3A_250 : memref<1x128xi32, #tpu.memory_space<vmem>> -> memref<128xi32, #tpu.memory_space<vmem>>
        %dma_start3A_252 = arith.constant 0 : i32
        %dma_start3A_253 = arith.constant 0 : i32
        %dma_start3A_254 = tpu.memref_slice %arg8[%dma_start3A_252, %dma_start3A_253] : memref<10240x16xf32, #tpu.memory_space<vmem_shared>> -> memref<10240x16xf32, #tpu.memory_space<vmem_shared>>
        tpu.enqueue_indirect_dma source(%dma_start3A_248 : memref<128x16xf32, #tpu.memory_space<vmem>>) target(%dma_start3A_254 : memref<10240x16xf32, #tpu.memory_space<vmem_shared>>) offsets(%dma_start3A_251 : memref<128xi32, #tpu.memory_space<vmem>>) semaphore(%run_scoped3A_244 : memref<!tpu.dma_semaphore, #tpu.memory_space<semaphore_mem>>) {add = true}
        %dma_wait3A_255 = arith.constant 0 : i32
        %dma_wait3A_256 = arith.constant 0 : i32
        %dma_wait3A_257 = tpu.memref_slice %arg7[%run_scoped3A_237, %dma_wait3A_255, %dma_wait3A_256] : memref<4x128x16xf32, #tpu.memory_space<vmem>> -> memref<1x128x16xf32, #tpu.memory_space<vmem>>
        %dma_wait3A_258 = tpu.memref_squeeze %dma_wait3A_257 : memref<1x128x16xf32, #tpu.memory_space<vmem>> -> memref<128x16xf32, #tpu.memory_space<vmem>>
        %dma_wait3A_259 = arith.constant 0 : i32
        %dma_wait3A_260 = tpu.memref_slice %arg6[%add3A_221, %dma_wait3A_259] : memref<88x128xi32, #tpu.memory_space<vmem>> -> memref<1x128xi32, #tpu.memory_space<vmem>>
        %dma_wait3A_261 = tpu.memref_squeeze %dma_wait3A_260 : memref<1x128xi32, #tpu.memory_space<vmem>> -> memref<128xi32, #tpu.memory_space<vmem>>
        %dma_wait3A_262 = arith.constant 0 : i32
        %dma_wait3A_263 = arith.constant 0 : i32
        %dma_wait3A_264 = tpu.memref_slice %arg8[%dma_wait3A_262, %dma_wait3A_263] : memref<10240x16xf32, #tpu.memory_space<vmem_shared>> -> memref<10240x16xf32, #tpu.memory_space<vmem_shared>>
        tpu.wait_indirect_dma semaphore(%run_scoped3A_244 : memref<!tpu.dma_semaphore, #tpu.memory_space<semaphore_mem>>) src(%dma_wait3A_258 : memref<128x16xf32, #tpu.memory_space<vmem>>) dst(%dma_wait3A_264 : memref<10240x16xf32, #tpu.memory_space<vmem_shared>>)
        tpu.yield
      }) : () -> ()
      %add3A_238 = arith.constant 4 : i32
      %add3A_239 = arith.addi %add3A_221, %add3A_238 : i32
      %lt3A_240 = arith.cmpi slt, %add3A_239, %select_n3A_8 : i32
      %convert_element_type3A_241 = arith.extui %lt3A_240 : i1 to i32
      %cond3A_242 = arith.constant 0 : i32
      %cond3A_243 = arith.cmpi ne, %convert_element_type3A_241, %cond3A_242 : i32
      scf.if %cond3A_243 {
        %dma_start3A_244 = arith.constant 3 : i32
        %dma_start3A_245 = arith.constant 3 : i32
        %dma_start3A_246 = arith.constant 0 : i32
        %dma_start3A_247 = arith.constant 0 : i32
        %dma_start3A_248 = tpu.memref_slice %arg7[%dma_start3A_244, %dma_start3A_246, %dma_start3A_247] : memref<4x128x16xf32, #tpu.memory_space<vmem>> -> memref<1x128x16xf32, #tpu.memory_space<vmem>>
        %dma_start3A_249 = tpu.memref_squeeze %dma_start3A_248 : memref<1x128x16xf32, #tpu.memory_space<vmem>> -> memref<128x16xf32, #tpu.memory_space<vmem>>
        %dma_start3A_250 = arith.constant 0 : i32
        %dma_start3A_251 = tpu.memref_slice %arg5[%add3A_239, %dma_start3A_250] : memref<88x128xi32, #tpu.memory_space<vmem>> -> memref<1x128xi32, #tpu.memory_space<vmem>>
        %dma_start3A_252 = tpu.memref_squeeze %dma_start3A_251 : memref<1x128xi32, #tpu.memory_space<vmem>> -> memref<128xi32, #tpu.memory_space<vmem>>
        %dma_start3A_253 = arith.constant 0 : i32
        %dma_start3A_254 = arith.constant 0 : i32
        %dma_start3A_255 = tpu.memref_slice %arg9[%dma_start3A_253, %dma_start3A_254] : memref<10240x16xf32, #tpu.memory_space<vmem_shared>> -> memref<10240x16xf32, #tpu.memory_space<vmem_shared>>
        %dma_start3A_256 = tpu.memref_slice %arg10[%dma_start3A_245] : memref<4x!tpu.dma_semaphore, #tpu.memory_space<semaphore_mem>> -> memref<1x!tpu.dma_semaphore, #tpu.memory_space<semaphore_mem>>
        %dma_start3A_257 = tpu.memref_squeeze %dma_start3A_256 : memref<1x!tpu.dma_semaphore, #tpu.memory_space<semaphore_mem>> -> memref<!tpu.dma_semaphore, #tpu.memory_space<semaphore_mem>>
        tpu.enqueue_indirect_dma source(%dma_start3A_255 : memref<10240x16xf32, #tpu.memory_space<vmem_shared>>) target(%dma_start3A_249 : memref<128x16xf32, #tpu.memory_space<vmem>>) offsets(%dma_start3A_252 : memref<128xi32, #tpu.memory_space<vmem>>) semaphore(%dma_start3A_257 : memref<!tpu.dma_semaphore, #tpu.memory_space<semaphore_mem>>)
      } else {
      }
    }
    %barrier3A_136 = arith.constant 0 : index
    tpu.barrier barrier_id(%barrier3A_136)
    %mul3A_137 = arith.constant 640 : i32
    %mul3A_138 = arith.muli %arg1, %mul3A_137 : i32
    %mul3A_139 = arith.constant 640 : i32
    %mul3A_140 = arith.muli %arg1, %mul3A_139 : i32
    "tpu.region"() ({
      %run_scoped3A_141 = tpu.sem_alloc : memref<!tpu.dma_semaphore, #tpu.memory_space<semaphore_mem>>
      %dma_start3A_142 = arith.constant 0 : i32
      %dma_start3A_143 = tpu.memref_slice %arg4[%arg0, %mul3A_140, %dma_start3A_142] : memref<2x10240x16xf32, #tpu.memory_space<hbm>> -> memref<1x640x16xf32, #tpu.memory_space<hbm>>
      %dma_start3A_144 = tpu.memref_squeeze %dma_start3A_143 : memref<1x640x16xf32, #tpu.memory_space<hbm>> -> memref<640x16xf32, #tpu.memory_space<hbm>>
      %dma_start3A_145 = arith.constant 0 : i32
      %dma_start3A_146 = tpu.memref_slice %arg8[%mul3A_138, %dma_start3A_145] : memref<10240x16xf32, #tpu.memory_space<vmem_shared>> -> memref<640x16xf32, #tpu.memory_space<vmem_shared>>
      tpu.enqueue_dma source(%dma_start3A_146 : memref<640x16xf32, #tpu.memory_space<vmem_shared>>) target(%dma_start3A_144 : memref<640x16xf32, #tpu.memory_space<hbm>>) target_semaphore(%run_scoped3A_141 : memref<!tpu.dma_semaphore, #tpu.memory_space<semaphore_mem>>)
      %dma_wait3A = arith.constant 0 : i32
      %dma_wait3A_147 = tpu.memref_slice %arg4[%arg0, %mul3A_140, %dma_wait3A] : memref<2x10240x16xf32, #tpu.memory_space<hbm>> -> memref<1x640x16xf32, #tpu.memory_space<hbm>>
      %dma_wait3A_148 = tpu.memref_squeeze %dma_wait3A_147 : memref<1x640x16xf32, #tpu.memory_space<hbm>> -> memref<640x16xf32, #tpu.memory_space<hbm>>
      %dma_wait3A_149 = arith.constant 0 : i32
      %dma_wait3A_150 = tpu.memref_slice %arg8[%mul3A_138, %dma_wait3A_149] : memref<10240x16xf32, #tpu.memory_space<vmem_shared>> -> memref<640x16xf32, #tpu.memory_space<vmem_shared>>
      tpu.wait_dma2 semaphore(%run_scoped3A_141 : memref<!tpu.dma_semaphore, #tpu.memory_space<semaphore_mem>>) src(%dma_wait3A_150 : memref<640x16xf32, #tpu.memory_space<vmem_shared>>) dst(%dma_wait3A_148 : memref<640x16xf32, #tpu.memory_space<hbm>>)
      tpu.yield
    }) : () -> ()
    return
  }
}

#map = affine_map<(d0, d1) -> (0, 0)>
#map1 = affine_map<(d0, d1) -> (0, 0, 0)>
module attributes {stable_mosaic.version = 14 : i64} {
  func.func @body(%arg0: i32, %arg1: i32, %arg2: memref<10240x16xf32, #tpu.memory_space<hbm>>, %arg3: memref<2x2560x128xi32, #tpu.memory_space<hbm>>, %arg4: memref<2x10240x16xf32, #tpu.memory_space<hbm>>, %arg5: memref<80x128xi32, #tpu.memory_space<vmem>>, %arg6: memref<80x128xi32, #tpu.memory_space<vmem>>, %arg7: memref<4x128x16xf32, #tpu.memory_space<vmem>>, %arg8: memref<10240x16xf32, #tpu.memory_space<vmem_shared>>, %arg9: memref<10240x16xf32, #tpu.memory_space<vmem_shared>>, %arg10: memref<4x!tpu.dma_semaphore, #tpu.memory_space<semaphore_mem>>) attributes {dimension_semantics = [#tpu.dimension_semantics<core_parallel>, #tpu.dimension_semantics<subcore_parallel>], iteration_bounds = array<i64: 2, 16>, scalar_prefetch = 0 : i64, scratch_operands = 6 : i64, tpu.core_type = #tpu.core_type<sc_vector_subcore>, window_params = [{transform_indices = #map}, {transform_indices = #map1}, {transform_indices = #map1}]} {
    %eq3A = arith.constant 0 : i32
    %eq3A_0 = arith.cmpi eq, %arg0, %eq3A : i32
    %mul3A = arith.constant 80 : i32
    %mul3A_1 = arith.muli %arg1, %mul3A : i32
    %mul3A_2 = arith.constant 80 : i32
    %mul3A_3 = arith.muli %arg1, %mul3A_2 : i32
    %add3A = arith.constant 1280 : i32
    %add3A_4 = arith.addi %add3A, %mul3A_3 : i32
    %select_n3A = arith.select %eq3A_0, %mul3A_1, %add3A_4 : i32
    %eq3A_5 = arith.constant 0 : i32
    %eq3A_6 = arith.cmpi eq, %arg0, %eq3A_5 : i32
    %jit3A = arith.constant 80 : i32
    %jit3A_7 = arith.constant 80 : i32
    %select_n3A_8 = arith.select %eq3A_6, %jit3A, %jit3A_7 : i32
    %eq3A_9 = arith.constant 0 : i32
    %eq3A_10 = arith.cmpi eq, %arg0, %eq3A_9 : i32
    %convert_element_type3A = arith.extui %eq3A_10 : i1 to i32
    %cond3A = arith.constant 0 : i32
    %cond3A_11 = arith.cmpi ne, %convert_element_type3A, %cond3A : i32
    scf.if %cond3A_11 {
      %run_scoped3A_141 = arith.constant 0 : i32
      "tpu.region"() ({
        %run_scoped3A_143 = tpu.sem_alloc : memref<!tpu.dma_semaphore, #tpu.memory_space<semaphore_mem>>
        %dma_start3A_144 = arith.constant 0 : i32
        %dma_start3A_145 = arith.constant 0 : i32
        %dma_start3A_146 = tpu.memref_slice %arg5[%dma_start3A_144, %dma_start3A_145] : memref<80x128xi32, #tpu.memory_space<vmem>> -> memref<80x128xi32, #tpu.memory_space<vmem>>
        %dma_start3A_147 = arith.constant 0 : i32
        %dma_start3A_148 = tpu.memref_slice %arg3[%run_scoped3A_141, %select_n3A, %dma_start3A_147] : memref<2x2560x128xi32, #tpu.memory_space<hbm>> -> memref<1x80x128xi32, #tpu.memory_space<hbm>>
        %dma_start3A_149 = tpu.memref_squeeze %dma_start3A_148 : memref<1x80x128xi32, #tpu.memory_space<hbm>> -> memref<80x128xi32, #tpu.memory_space<hbm>>
        %dma_start3A_150 = arith.constant 0 : i32
        %dma_start3A_151 = arith.constant 0 : i32
        %dma_start3A_152 = tpu.memref_slice %arg5[%dma_start3A_150, %dma_start3A_151] : memref<80x128xi32, #tpu.memory_space<vmem>> -> memref<80x128xi32, #tpu.memory_space<vmem>>
        %dma_start3A_153 = arith.constant 0 : i32
        %dma_start3A_154 = tpu.memref_slice %arg3[%run_scoped3A_141, %select_n3A, %dma_start3A_153] : memref<2x2560x128xi32, #tpu.memory_space<hbm>> -> memref<1x80x128xi32, #tpu.memory_space<hbm>>
        %dma_start3A_155 = tpu.memref_squeeze %dma_start3A_154 : memref<1x80x128xi32, #tpu.memory_space<hbm>> -> memref<80x128xi32, #tpu.memory_space<hbm>>
        tpu.enqueue_dma source(%dma_start3A_155 : memref<80x128xi32, #tpu.memory_space<hbm>>) target(%dma_start3A_152 : memref<80x128xi32, #tpu.memory_space<vmem>>) target_semaphore(%run_scoped3A_143 : memref<!tpu.dma_semaphore, #tpu.memory_space<semaphore_mem>>)
        %dma_wait3A = arith.constant 0 : i32
        %dma_wait3A_156 = arith.constant 0 : i32
        %dma_wait3A_157 = tpu.memref_slice %arg5[%dma_wait3A, %dma_wait3A_156] : memref<80x128xi32, #tpu.memory_space<vmem>> -> memref<80x128xi32, #tpu.memory_space<vmem>>
        %dma_wait3A_158 = arith.constant 0 : i32
        %dma_wait3A_159 = tpu.memref_slice %arg3[%run_scoped3A_141, %select_n3A, %dma_wait3A_158] : memref<2x2560x128xi32, #tpu.memory_space<hbm>> -> memref<1x80x128xi32, #tpu.memory_space<hbm>>
        %dma_wait3A_160 = tpu.memref_squeeze %dma_wait3A_159 : memref<1x80x128xi32, #tpu.memory_space<hbm>> -> memref<80x128xi32, #tpu.memory_space<hbm>>
        %dma_wait3A_161 = arith.constant 0 : i32
        %dma_wait3A_162 = arith.constant 0 : i32
        %dma_wait3A_163 = tpu.memref_slice %arg5[%dma_wait3A_161, %dma_wait3A_162] : memref<80x128xi32, #tpu.memory_space<vmem>> -> memref<80x128xi32, #tpu.memory_space<vmem>>
        %dma_wait3A_164 = arith.constant 0 : i32
        %dma_wait3A_165 = tpu.memref_slice %arg3[%run_scoped3A_141, %select_n3A, %dma_wait3A_164] : memref<2x2560x128xi32, #tpu.memory_space<hbm>> -> memref<1x80x128xi32, #tpu.memory_space<hbm>>
        %dma_wait3A_166 = tpu.memref_squeeze %dma_wait3A_165 : memref<1x80x128xi32, #tpu.memory_space<hbm>> -> memref<80x128xi32, #tpu.memory_space<hbm>>
        tpu.wait_dma2 semaphore(%run_scoped3A_143 : memref<!tpu.dma_semaphore, #tpu.memory_space<semaphore_mem>>) src(%dma_wait3A_166 : memref<80x128xi32, #tpu.memory_space<hbm>>) dst(%dma_wait3A_163 : memref<80x128xi32, #tpu.memory_space<vmem>>)
        tpu.yield
      }) : () -> ()
      %run_scoped3A_142 = arith.constant 1 : i32
      "tpu.region"() ({
        %run_scoped3A_143 = tpu.sem_alloc : memref<!tpu.dma_semaphore, #tpu.memory_space<semaphore_mem>>
        %dma_start3A_144 = arith.constant 0 : i32
        %dma_start3A_145 = arith.constant 0 : i32
        %dma_start3A_146 = tpu.memref_slice %arg6[%dma_start3A_144, %dma_start3A_145] : memref<80x128xi32, #tpu.memory_space<vmem>> -> memref<80x128xi32, #tpu.memory_space<vmem>>
        %dma_start3A_147 = arith.constant 0 : i32
        %dma_start3A_148 = tpu.memref_slice %arg3[%run_scoped3A_142, %select_n3A, %dma_start3A_147] : memref<2x2560x128xi32, #tpu.memory_space<hbm>> -> memref<1x80x128xi32, #tpu.memory_space<hbm>>
        %dma_start3A_149 = tpu.memref_squeeze %dma_start3A_148 : memref<1x80x128xi32, #tpu.memory_space<hbm>> -> memref<80x128xi32, #tpu.memory_space<hbm>>
        %dma_start3A_150 = arith.constant 0 : i32
        %dma_start3A_151 = arith.constant 0 : i32
        %dma_start3A_152 = tpu.memref_slice %arg6[%dma_start3A_150, %dma_start3A_151] : memref<80x128xi32, #tpu.memory_space<vmem>> -> memref<80x128xi32, #tpu.memory_space<vmem>>
        %dma_start3A_153 = arith.constant 0 : i32
        %dma_start3A_154 = tpu.memref_slice %arg3[%run_scoped3A_142, %select_n3A, %dma_start3A_153] : memref<2x2560x128xi32, #tpu.memory_space<hbm>> -> memref<1x80x128xi32, #tpu.memory_space<hbm>>
        %dma_start3A_155 = tpu.memref_squeeze %dma_start3A_154 : memref<1x80x128xi32, #tpu.memory_space<hbm>> -> memref<80x128xi32, #tpu.memory_space<hbm>>
        tpu.enqueue_dma source(%dma_start3A_155 : memref<80x128xi32, #tpu.memory_space<hbm>>) target(%dma_start3A_152 : memref<80x128xi32, #tpu.memory_space<vmem>>) target_semaphore(%run_scoped3A_143 : memref<!tpu.dma_semaphore, #tpu.memory_space<semaphore_mem>>)
        %dma_wait3A = arith.constant 0 : i32
        %dma_wait3A_156 = arith.constant 0 : i32
        %dma_wait3A_157 = tpu.memref_slice %arg6[%dma_wait3A, %dma_wait3A_156] : memref<80x128xi32, #tpu.memory_space<vmem>> -> memref<80x128xi32, #tpu.memory_space<vmem>>
        %dma_wait3A_158 = arith.constant 0 : i32
        %dma_wait3A_159 = tpu.memref_slice %arg3[%run_scoped3A_142, %select_n3A, %dma_wait3A_158] : memref<2x2560x128xi32, #tpu.memory_space<hbm>> -> memref<1x80x128xi32, #tpu.memory_space<hbm>>
        %dma_wait3A_160 = tpu.memref_squeeze %dma_wait3A_159 : memref<1x80x128xi32, #tpu.memory_space<hbm>> -> memref<80x128xi32, #tpu.memory_space<hbm>>
        %dma_wait3A_161 = arith.constant 0 : i32
        %dma_wait3A_162 = arith.constant 0 : i32
        %dma_wait3A_163 = tpu.memref_slice %arg6[%dma_wait3A_161, %dma_wait3A_162] : memref<80x128xi32, #tpu.memory_space<vmem>> -> memref<80x128xi32, #tpu.memory_space<vmem>>
        %dma_wait3A_164 = arith.constant 0 : i32
        %dma_wait3A_165 = tpu.memref_slice %arg3[%run_scoped3A_142, %select_n3A, %dma_wait3A_164] : memref<2x2560x128xi32, #tpu.memory_space<hbm>> -> memref<1x80x128xi32, #tpu.memory_space<hbm>>
        %dma_wait3A_166 = tpu.memref_squeeze %dma_wait3A_165 : memref<1x80x128xi32, #tpu.memory_space<hbm>> -> memref<80x128xi32, #tpu.memory_space<hbm>>
        tpu.wait_dma2 semaphore(%run_scoped3A_143 : memref<!tpu.dma_semaphore, #tpu.memory_space<semaphore_mem>>) src(%dma_wait3A_166 : memref<80x128xi32, #tpu.memory_space<hbm>>) dst(%dma_wait3A_163 : memref<80x128xi32, #tpu.memory_space<vmem>>)
        tpu.yield
      }) : () -> ()
    } else {
    }
    %eq3A_12 = arith.constant 1 : i32
    %eq3A_13 = arith.cmpi eq, %arg0, %eq3A_12 : i32
    %convert_element_type3A_14 = arith.extui %eq3A_13 : i1 to i32
    %cond3A_15 = arith.constant 0 : i32
    %cond3A_16 = arith.cmpi ne, %convert_element_type3A_14, %cond3A_15 : i32
    scf.if %cond3A_16 {
      %run_scoped3A_141 = arith.constant 0 : i32
      "tpu.region"() ({
        %run_scoped3A_143 = tpu.sem_alloc : memref<!tpu.dma_semaphore, #tpu.memory_space<semaphore_mem>>
        %dma_start3A_144 = arith.constant 0 : i32
        %dma_start3A_145 = arith.constant 0 : i32
        %dma_start3A_146 = tpu.memref_slice %arg5[%dma_start3A_144, %dma_start3A_145] : memref<80x128xi32, #tpu.memory_space<vmem>> -> memref<80x128xi32, #tpu.memory_space<vmem>>
        %dma_start3A_147 = arith.constant 0 : i32
        %dma_start3A_148 = tpu.memref_slice %arg3[%run_scoped3A_141, %select_n3A, %dma_start3A_147] : memref<2x2560x128xi32, #tpu.memory_space<hbm>> -> memref<1x80x128xi32, #tpu.memory_space<hbm>>
        %dma_start3A_149 = tpu.memref_squeeze %dma_start3A_148 : memref<1x80x128xi32, #tpu.memory_space<hbm>> -> memref<80x128xi32, #tpu.memory_space<hbm>>
        %dma_start3A_150 = arith.constant 0 : i32
        %dma_start3A_151 = arith.constant 0 : i32
        %dma_start3A_152 = tpu.memref_slice %arg5[%dma_start3A_150, %dma_start3A_151] : memref<80x128xi32, #tpu.memory_space<vmem>> -> memref<80x128xi32, #tpu.memory_space<vmem>>
        %dma_start3A_153 = arith.constant 0 : i32
        %dma_start3A_154 = tpu.memref_slice %arg3[%run_scoped3A_141, %select_n3A, %dma_start3A_153] : memref<2x2560x128xi32, #tpu.memory_space<hbm>> -> memref<1x80x128xi32, #tpu.memory_space<hbm>>
        %dma_start3A_155 = tpu.memref_squeeze %dma_start3A_154 : memref<1x80x128xi32, #tpu.memory_space<hbm>> -> memref<80x128xi32, #tpu.memory_space<hbm>>
        tpu.enqueue_dma source(%dma_start3A_155 : memref<80x128xi32, #tpu.memory_space<hbm>>) target(%dma_start3A_152 : memref<80x128xi32, #tpu.memory_space<vmem>>) target_semaphore(%run_scoped3A_143 : memref<!tpu.dma_semaphore, #tpu.memory_space<semaphore_mem>>)
        %dma_wait3A = arith.constant 0 : i32
        %dma_wait3A_156 = arith.constant 0 : i32
        %dma_wait3A_157 = tpu.memref_slice %arg5[%dma_wait3A, %dma_wait3A_156] : memref<80x128xi32, #tpu.memory_space<vmem>> -> memref<80x128xi32, #tpu.memory_space<vmem>>
        %dma_wait3A_158 = arith.constant 0 : i32
        %dma_wait3A_159 = tpu.memref_slice %arg3[%run_scoped3A_141, %select_n3A, %dma_wait3A_158] : memref<2x2560x128xi32, #tpu.memory_space<hbm>> -> memref<1x80x128xi32, #tpu.memory_space<hbm>>
        %dma_wait3A_160 = tpu.memref_squeeze %dma_wait3A_159 : memref<1x80x128xi32, #tpu.memory_space<hbm>> -> memref<80x128xi32, #tpu.memory_space<hbm>>
        %dma_wait3A_161 = arith.constant 0 : i32
        %dma_wait3A_162 = arith.constant 0 : i32
        %dma_wait3A_163 = tpu.memref_slice %arg5[%dma_wait3A_161, %dma_wait3A_162] : memref<80x128xi32, #tpu.memory_space<vmem>> -> memref<80x128xi32, #tpu.memory_space<vmem>>
        %dma_wait3A_164 = arith.constant 0 : i32
        %dma_wait3A_165 = tpu.memref_slice %arg3[%run_scoped3A_141, %select_n3A, %dma_wait3A_164] : memref<2x2560x128xi32, #tpu.memory_space<hbm>> -> memref<1x80x128xi32, #tpu.memory_space<hbm>>
        %dma_wait3A_166 = tpu.memref_squeeze %dma_wait3A_165 : memref<1x80x128xi32, #tpu.memory_space<hbm>> -> memref<80x128xi32, #tpu.memory_space<hbm>>
        tpu.wait_dma2 semaphore(%run_scoped3A_143 : memref<!tpu.dma_semaphore, #tpu.memory_space<semaphore_mem>>) src(%dma_wait3A_166 : memref<80x128xi32, #tpu.memory_space<hbm>>) dst(%dma_wait3A_163 : memref<80x128xi32, #tpu.memory_space<vmem>>)
        tpu.yield
      }) : () -> ()
      %run_scoped3A_142 = arith.constant 1 : i32
      "tpu.region"() ({
        %run_scoped3A_143 = tpu.sem_alloc : memref<!tpu.dma_semaphore, #tpu.memory_space<semaphore_mem>>
        %dma_start3A_144 = arith.constant 0 : i32
        %dma_start3A_145 = arith.constant 0 : i32
        %dma_start3A_146 = tpu.memref_slice %arg6[%dma_start3A_144, %dma_start3A_145] : memref<80x128xi32, #tpu.memory_space<vmem>> -> memref<80x128xi32, #tpu.memory_space<vmem>>
        %dma_start3A_147 = arith.constant 0 : i32
        %dma_start3A_148 = tpu.memref_slice %arg3[%run_scoped3A_142, %select_n3A, %dma_start3A_147] : memref<2x2560x128xi32, #tpu.memory_space<hbm>> -> memref<1x80x128xi32, #tpu.memory_space<hbm>>
        %dma_start3A_149 = tpu.memref_squeeze %dma_start3A_148 : memref<1x80x128xi32, #tpu.memory_space<hbm>> -> memref<80x128xi32, #tpu.memory_space<hbm>>
        %dma_start3A_150 = arith.constant 0 : i32
        %dma_start3A_151 = arith.constant 0 : i32
        %dma_start3A_152 = tpu.memref_slice %arg6[%dma_start3A_150, %dma_start3A_151] : memref<80x128xi32, #tpu.memory_space<vmem>> -> memref<80x128xi32, #tpu.memory_space<vmem>>
        %dma_start3A_153 = arith.constant 0 : i32
        %dma_start3A_154 = tpu.memref_slice %arg3[%run_scoped3A_142, %select_n3A, %dma_start3A_153] : memref<2x2560x128xi32, #tpu.memory_space<hbm>> -> memref<1x80x128xi32, #tpu.memory_space<hbm>>
        %dma_start3A_155 = tpu.memref_squeeze %dma_start3A_154 : memref<1x80x128xi32, #tpu.memory_space<hbm>> -> memref<80x128xi32, #tpu.memory_space<hbm>>
        tpu.enqueue_dma source(%dma_start3A_155 : memref<80x128xi32, #tpu.memory_space<hbm>>) target(%dma_start3A_152 : memref<80x128xi32, #tpu.memory_space<vmem>>) target_semaphore(%run_scoped3A_143 : memref<!tpu.dma_semaphore, #tpu.memory_space<semaphore_mem>>)
        %dma_wait3A = arith.constant 0 : i32
        %dma_wait3A_156 = arith.constant 0 : i32
        %dma_wait3A_157 = tpu.memref_slice %arg6[%dma_wait3A, %dma_wait3A_156] : memref<80x128xi32, #tpu.memory_space<vmem>> -> memref<80x128xi32, #tpu.memory_space<vmem>>
        %dma_wait3A_158 = arith.constant 0 : i32
        %dma_wait3A_159 = tpu.memref_slice %arg3[%run_scoped3A_142, %select_n3A, %dma_wait3A_158] : memref<2x2560x128xi32, #tpu.memory_space<hbm>> -> memref<1x80x128xi32, #tpu.memory_space<hbm>>
        %dma_wait3A_160 = tpu.memref_squeeze %dma_wait3A_159 : memref<1x80x128xi32, #tpu.memory_space<hbm>> -> memref<80x128xi32, #tpu.memory_space<hbm>>
        %dma_wait3A_161 = arith.constant 0 : i32
        %dma_wait3A_162 = arith.constant 0 : i32
        %dma_wait3A_163 = tpu.memref_slice %arg6[%dma_wait3A_161, %dma_wait3A_162] : memref<80x128xi32, #tpu.memory_space<vmem>> -> memref<80x128xi32, #tpu.memory_space<vmem>>
        %dma_wait3A_164 = arith.constant 0 : i32
        %dma_wait3A_165 = tpu.memref_slice %arg3[%run_scoped3A_142, %select_n3A, %dma_wait3A_164] : memref<2x2560x128xi32, #tpu.memory_space<hbm>> -> memref<1x80x128xi32, #tpu.memory_space<hbm>>
        %dma_wait3A_166 = tpu.memref_squeeze %dma_wait3A_165 : memref<1x80x128xi32, #tpu.memory_space<hbm>> -> memref<80x128xi32, #tpu.memory_space<hbm>>
        tpu.wait_dma2 semaphore(%run_scoped3A_143 : memref<!tpu.dma_semaphore, #tpu.memory_space<semaphore_mem>>) src(%dma_wait3A_166 : memref<80x128xi32, #tpu.memory_space<hbm>>) dst(%dma_wait3A_163 : memref<80x128xi32, #tpu.memory_space<vmem>>)
        tpu.yield
      }) : () -> ()
    } else {
    }
    %scan3A = arith.constant 0 : i32
    %scan3A_17 = arith.constant 0 : i32
    %scan3A_18 = arith.constant 128 : i32
    %scan3A_19 = arith.addi %scan3A_17, %scan3A_18 : i32
    %scan3A_20 = arith.constant 1 : i32
    scf.for %scan3A_141 = %scan3A_17 to %scan3A_19 step %scan3A_20  : i32 {
      %broadcast_in_dim3A = arith.constant 0.000000e+00 : f32
      %broadcast_in_dim3A_142 = vector.broadcast %broadcast_in_dim3A : f32 to vector<16xf32>
      %swap3A = arith.constant 0 : i32
      %swap3A_143 = arith.index_cast %swap3A : i32 to index
      %swap3A_144 = arith.index_cast %scan3A_141 : i32 to index
      %swap3A_145 = arith.constant 0 : index
      %swap3A_146 = tpu.vector_load %arg7[%swap3A_143, %swap3A_144, %swap3A_145] {strides = array<i32>} : memref<4x128x16xf32, #tpu.memory_space<vmem>>, vector<1x1x16xf32>,
      %swap3A_147 = vector.shape_cast %swap3A_146 : vector<1x1x16xf32> to vector<16xf32>
      %swap3A_148 = vector.shape_cast %broadcast_in_dim3A_142 : vector<16xf32> to vector<1x1x16xf32>
      tpu.vector_store %arg7[%swap3A_143, %swap3A_144, %swap3A_145], %swap3A_148 {strides = array<i32>} : memref<4x128x16xf32, #tpu.memory_space<vmem>>, vector<1x1x16xf32>,
    }
    %scan3A_21 = arith.constant 128 : i32
    %mul3A_22 = arith.constant 640 : i32
    %mul3A_23 = arith.muli %arg1, %mul3A_22 : i32
    %add3A_24 = arith.constant 0 : i32
    %add3A_25 = arith.addi %mul3A_23, %add3A_24 : i32
    %run_scoped3A = arith.constant 0 : i32
    "tpu.region"() ({
      %run_scoped3A_141 = tpu.sem_alloc : memref<!tpu.dma_semaphore, #tpu.memory_space<semaphore_mem>>
      %dma_start3A_142 = arith.constant 0 : i32
      %dma_start3A_143 = arith.constant 0 : i32
      %dma_start3A_144 = tpu.memref_slice %arg7[%run_scoped3A, %dma_start3A_142, %dma_start3A_143] : memref<4x128x16xf32, #tpu.memory_space<vmem>> -> memref<1x128x16xf32, #tpu.memory_space<vmem>>
      %dma_start3A_145 = tpu.memref_squeeze %dma_start3A_144 : memref<1x128x16xf32, #tpu.memory_space<vmem>> -> memref<128x16xf32, #tpu.memory_space<vmem>>
      %dma_start3A_146 = arith.constant 0 : i32
      %dma_start3A_147 = tpu.memref_slice %arg8[%add3A_25, %dma_start3A_146] : memref<10240x16xf32, #tpu.memory_space<vmem_shared>> -> memref<128x16xf32, #tpu.memory_space<vmem_shared>>
      %dma_start3A_148 = arith.constant 0 : i32
      %dma_start3A_149 = tpu.memref_slice %arg8[%add3A_25, %dma_start3A_148] : memref<10240x16xf32, #tpu.memory_space<vmem_shared>> -> memref<128x16xf32, #tpu.memory_space<vmem_shared>>
      %dma_start3A_150 = arith.constant 0 : i32
      %dma_start3A_151 = arith.constant 0 : i32
      %dma_start3A_152 = tpu.memref_slice %arg7[%run_scoped3A, %dma_start3A_150, %dma_start3A_151] : memref<4x128x16xf32, #tpu.memory_space<vmem>> -> memref<1x128x16xf32, #tpu.memory_space<vmem>>
      %dma_start3A_153 = tpu.memref_squeeze %dma_start3A_152 : memref<1x128x16xf32, #tpu.memory_space<vmem>> -> memref<128x16xf32, #tpu.memory_space<vmem>>
      tpu.enqueue_dma source(%dma_start3A_153 : memref<128x16xf32, #tpu.memory_space<vmem>>) target(%dma_start3A_149 : memref<128x16xf32, #tpu.memory_space<vmem_shared>>) target_semaphore(%run_scoped3A_141 : memref<!tpu.dma_semaphore, #tpu.memory_space<semaphore_mem>>)
      %dma_wait3A = arith.constant 0 : i32
      %dma_wait3A_154 = arith.constant 0 : i32
      %dma_wait3A_155 = tpu.memref_slice %arg7[%run_scoped3A, %dma_wait3A, %dma_wait3A_154] : memref<4x128x16xf32, #tpu.memory_space<vmem>> -> memref<1x128x16xf32, #tpu.memory_space<vmem>>
      %dma_wait3A_156 = tpu.memref_squeeze %dma_wait3A_155 : memref<1x128x16xf32, #tpu.memory_space<vmem>> -> memref<128x16xf32, #tpu.memory_space<vmem>>
      %dma_wait3A_157 = arith.constant 0 : i32
      %dma_wait3A_158 = tpu.memref_slice %arg8[%add3A_25, %dma_wait3A_157] : memref<10240x16xf32, #tpu.memory_space<vmem_shared>> -> memref<128x16xf32, #tpu.memory_space<vmem_shared>>
      %dma_wait3A_159 = arith.constant 0 : i32
      %dma_wait3A_160 = tpu.memref_slice %arg8[%add3A_25, %dma_wait3A_159] : memref<10240x16xf32, #tpu.memory_space<vmem_shared>> -> memref<128x16xf32, #tpu.memory_space<vmem_shared>>
      %dma_wait3A_161 = arith.constant 0 : i32
      %dma_wait3A_162 = arith.constant 0 : i32
      %dma_wait3A_163 = tpu.memref_slice %arg7[%run_scoped3A, %dma_wait3A_161, %dma_wait3A_162] : memref<4x128x16xf32, #tpu.memory_space<vmem>> -> memref<1x128x16xf32, #tpu.memory_space<vmem>>
      %dma_wait3A_164 = tpu.memref_squeeze %dma_wait3A_163 : memref<1x128x16xf32, #tpu.memory_space<vmem>> -> memref<128x16xf32, #tpu.memory_space<vmem>>
      tpu.wait_dma2 semaphore(%run_scoped3A_141 : memref<!tpu.dma_semaphore, #tpu.memory_space<semaphore_mem>>) src(%dma_wait3A_164 : memref<128x16xf32, #tpu.memory_space<vmem>>) dst(%dma_wait3A_160 : memref<128x16xf32, #tpu.memory_space<vmem_shared>>)
      tpu.yield
    }) : () -> ()
    %mul3A_26 = arith.constant 640 : i32
    %mul3A_27 = arith.muli %arg1, %mul3A_26 : i32
    %add3A_28 = arith.constant 128 : i32
    %add3A_29 = arith.addi %mul3A_27, %add3A_28 : i32
    %run_scoped3A_30 = arith.constant 0 : i32
    "tpu.region"() ({
      %run_scoped3A_141 = tpu.sem_alloc : memref<!tpu.dma_semaphore, #tpu.memory_space<semaphore_mem>>
      %dma_start3A_142 = arith.constant 0 : i32
      %dma_start3A_143 = arith.constant 0 : i32
      %dma_start3A_144 = tpu.memref_slice %arg7[%run_scoped3A_30, %dma_start3A_142, %dma_start3A_143] : memref<4x128x16xf32, #tpu.memory_space<vmem>> -> memref<1x128x16xf32, #tpu.memory_space<vmem>>
      %dma_start3A_145 = tpu.memref_squeeze %dma_start3A_144 : memref<1x128x16xf32, #tpu.memory_space<vmem>> -> memref<128x16xf32, #tpu.memory_space<vmem>>
      %dma_start3A_146 = arith.constant 0 : i32
      %dma_start3A_147 = tpu.memref_slice %arg8[%add3A_29, %dma_start3A_146] : memref<10240x16xf32, #tpu.memory_space<vmem_shared>> -> memref<128x16xf32, #tpu.memory_space<vmem_shared>>
      %dma_start3A_148 = arith.constant 0 : i32
      %dma_start3A_149 = tpu.memref_slice %arg8[%add3A_29, %dma_start3A_148] : memref<10240x16xf32, #tpu.memory_space<vmem_shared>> -> memref<128x16xf32, #tpu.memory_space<vmem_shared>>
      %dma_start3A_150 = arith.constant 0 : i32
      %dma_start3A_151 = arith.constant 0 : i32
      %dma_start3A_152 = tpu.memref_slice %arg7[%run_scoped3A_30, %dma_start3A_150, %dma_start3A_151] : memref<4x128x16xf32, #tpu.memory_space<vmem>> -> memref<1x128x16xf32, #tpu.memory_space<vmem>>
      %dma_start3A_153 = tpu.memref_squeeze %dma_start3A_152 : memref<1x128x16xf32, #tpu.memory_space<vmem>> -> memref<128x16xf32, #tpu.memory_space<vmem>>
      tpu.enqueue_dma source(%dma_start3A_153 : memref<128x16xf32, #tpu.memory_space<vmem>>) target(%dma_start3A_149 : memref<128x16xf32, #tpu.memory_space<vmem_shared>>) target_semaphore(%run_scoped3A_141 : memref<!tpu.dma_semaphore, #tpu.memory_space<semaphore_mem>>)
      %dma_wait3A = arith.constant 0 : i32
      %dma_wait3A_154 = arith.constant 0 : i32
      %dma_wait3A_155 = tpu.memref_slice %arg7[%run_scoped3A_30, %dma_wait3A, %dma_wait3A_154] : memref<4x128x16xf32, #tpu.memory_space<vmem>> -> memref<1x128x16xf32, #tpu.memory_space<vmem>>
      %dma_wait3A_156 = tpu.memref_squeeze %dma_wait3A_155 : memref<1x128x16xf32, #tpu.memory_space<vmem>> -> memref<128x16xf32, #tpu.memory_space<vmem>>
      %dma_wait3A_157 = arith.constant 0 : i32
      %dma_wait3A_158 = tpu.memref_slice %arg8[%add3A_29, %dma_wait3A_157] : memref<10240x16xf32, #tpu.memory_space<vmem_shared>> -> memref<128x16xf32, #tpu.memory_space<vmem_shared>>
      %dma_wait3A_159 = arith.constant 0 : i32
      %dma_wait3A_160 = tpu.memref_slice %arg8[%add3A_29, %dma_wait3A_159] : memref<10240x16xf32, #tpu.memory_space<vmem_shared>> -> memref<128x16xf32, #tpu.memory_space<vmem_shared>>
      %dma_wait3A_161 = arith.constant 0 : i32
      %dma_wait3A_162 = arith.constant 0 : i32
      %dma_wait3A_163 = tpu.memref_slice %arg7[%run_scoped3A_30, %dma_wait3A_161, %dma_wait3A_162] : memref<4x128x16xf32, #tpu.memory_space<vmem>> -> memref<1x128x16xf32, #tpu.memory_space<vmem>>
      %dma_wait3A_164 = tpu.memref_squeeze %dma_wait3A_163 : memref<1x128x16xf32, #tpu.memory_space<vmem>> -> memref<128x16xf32, #tpu.memory_space<vmem>>
      tpu.wait_dma2 semaphore(%run_scoped3A_141 : memref<!tpu.dma_semaphore, #tpu.memory_space<semaphore_mem>>) src(%dma_wait3A_164 : memref<128x16xf32, #tpu.memory_space<vmem>>) dst(%dma_wait3A_160 : memref<128x16xf32, #tpu.memory_space<vmem_shared>>)
      tpu.yield
    }) : () -> ()
    %mul3A_31 = arith.constant 640 : i32
    %mul3A_32 = arith.muli %arg1, %mul3A_31 : i32
    %add3A_33 = arith.constant 256 : i32
    %add3A_34 = arith.addi %mul3A_32, %add3A_33 : i32
    %run_scoped3A_35 = arith.constant 0 : i32
    "tpu.region"() ({
      %run_scoped3A_141 = tpu.sem_alloc : memref<!tpu.dma_semaphore, #tpu.memory_space<semaphore_mem>>
      %dma_start3A_142 = arith.constant 0 : i32
      %dma_start3A_143 = arith.constant 0 : i32
      %dma_start3A_144 = tpu.memref_slice %arg7[%run_scoped3A_35, %dma_start3A_142, %dma_start3A_143] : memref<4x128x16xf32, #tpu.memory_space<vmem>> -> memref<1x128x16xf32, #tpu.memory_space<vmem>>
      %dma_start3A_145 = tpu.memref_squeeze %dma_start3A_144 : memref<1x128x16xf32, #tpu.memory_space<vmem>> -> memref<128x16xf32, #tpu.memory_space<vmem>>
      %dma_start3A_146 = arith.constant 0 : i32
      %dma_start3A_147 = tpu.memref_slice %arg8[%add3A_34, %dma_start3A_146] : memref<10240x16xf32, #tpu.memory_space<vmem_shared>> -> memref<128x16xf32, #tpu.memory_space<vmem_shared>>
      %dma_start3A_148 = arith.constant 0 : i32
      %dma_start3A_149 = tpu.memref_slice %arg8[%add3A_34, %dma_start3A_148] : memref<10240x16xf32, #tpu.memory_space<vmem_shared>> -> memref<128x16xf32, #tpu.memory_space<vmem_shared>>
      %dma_start3A_150 = arith.constant 0 : i32
      %dma_start3A_151 = arith.constant 0 : i32
      %dma_start3A_152 = tpu.memref_slice %arg7[%run_scoped3A_35, %dma_start3A_150, %dma_start3A_151] : memref<4x128x16xf32, #tpu.memory_space<vmem>> -> memref<1x128x16xf32, #tpu.memory_space<vmem>>
      %dma_start3A_153 = tpu.memref_squeeze %dma_start3A_152 : memref<1x128x16xf32, #tpu.memory_space<vmem>> -> memref<128x16xf32, #tpu.memory_space<vmem>>
      tpu.enqueue_dma source(%dma_start3A_153 : memref<128x16xf32, #tpu.memory_space<vmem>>) target(%dma_start3A_149 : memref<128x16xf32, #tpu.memory_space<vmem_shared>>) target_semaphore(%run_scoped3A_141 : memref<!tpu.dma_semaphore, #tpu.memory_space<semaphore_mem>>)
      %dma_wait3A = arith.constant 0 : i32
      %dma_wait3A_154 = arith.constant 0 : i32
      %dma_wait3A_155 = tpu.memref_slice %arg7[%run_scoped3A_35, %dma_wait3A, %dma_wait3A_154] : memref<4x128x16xf32, #tpu.memory_space<vmem>> -> memref<1x128x16xf32, #tpu.memory_space<vmem>>
      %dma_wait3A_156 = tpu.memref_squeeze %dma_wait3A_155 : memref<1x128x16xf32, #tpu.memory_space<vmem>> -> memref<128x16xf32, #tpu.memory_space<vmem>>
      %dma_wait3A_157 = arith.constant 0 : i32
      %dma_wait3A_158 = tpu.memref_slice %arg8[%add3A_34, %dma_wait3A_157] : memref<10240x16xf32, #tpu.memory_space<vmem_shared>> -> memref<128x16xf32, #tpu.memory_space<vmem_shared>>
      %dma_wait3A_159 = arith.constant 0 : i32
      %dma_wait3A_160 = tpu.memref_slice %arg8[%add3A_34, %dma_wait3A_159] : memref<10240x16xf32, #tpu.memory_space<vmem_shared>> -> memref<128x16xf32, #tpu.memory_space<vmem_shared>>
      %dma_wait3A_161 = arith.constant 0 : i32
      %dma_wait3A_162 = arith.constant 0 : i32
      %dma_wait3A_163 = tpu.memref_slice %arg7[%run_scoped3A_35, %dma_wait3A_161, %dma_wait3A_162] : memref<4x128x16xf32, #tpu.memory_space<vmem>> -> memref<1x128x16xf32, #tpu.memory_space<vmem>>
      %dma_wait3A_164 = tpu.memref_squeeze %dma_wait3A_163 : memref<1x128x16xf32, #tpu.memory_space<vmem>> -> memref<128x16xf32, #tpu.memory_space<vmem>>
      tpu.wait_dma2 semaphore(%run_scoped3A_141 : memref<!tpu.dma_semaphore, #tpu.memory_space<semaphore_mem>>) src(%dma_wait3A_164 : memref<128x16xf32, #tpu.memory_space<vmem>>) dst(%dma_wait3A_160 : memref<128x16xf32, #tpu.memory_space<vmem_shared>>)
      tpu.yield
    }) : () -> ()
    %mul3A_36 = arith.constant 640 : i32
    %mul3A_37 = arith.muli %arg1, %mul3A_36 : i32
    %add3A_38 = arith.constant 384 : i32
    %add3A_39 = arith.addi %mul3A_37, %add3A_38 : i32
    %run_scoped3A_40 = arith.constant 0 : i32
    "tpu.region"() ({
      %run_scoped3A_141 = tpu.sem_alloc : memref<!tpu.dma_semaphore, #tpu.memory_space<semaphore_mem>>
      %dma_start3A_142 = arith.constant 0 : i32
      %dma_start3A_143 = arith.constant 0 : i32
      %dma_start3A_144 = tpu.memref_slice %arg7[%run_scoped3A_40, %dma_start3A_142, %dma_start3A_143] : memref<4x128x16xf32, #tpu.memory_space<vmem>> -> memref<1x128x16xf32, #tpu.memory_space<vmem>>
      %dma_start3A_145 = tpu.memref_squeeze %dma_start3A_144 : memref<1x128x16xf32, #tpu.memory_space<vmem>> -> memref<128x16xf32, #tpu.memory_space<vmem>>
      %dma_start3A_146 = arith.constant 0 : i32
      %dma_start3A_147 = tpu.memref_slice %arg8[%add3A_39, %dma_start3A_146] : memref<10240x16xf32, #tpu.memory_space<vmem_shared>> -> memref<128x16xf32, #tpu.memory_space<vmem_shared>>
      %dma_start3A_148 = arith.constant 0 : i32
      %dma_start3A_149 = tpu.memref_slice %arg8[%add3A_39, %dma_start3A_148] : memref<10240x16xf32, #tpu.memory_space<vmem_shared>> -> memref<128x16xf32, #tpu.memory_space<vmem_shared>>
      %dma_start3A_150 = arith.constant 0 : i32
      %dma_start3A_151 = arith.constant 0 : i32
      %dma_start3A_152 = tpu.memref_slice %arg7[%run_scoped3A_40, %dma_start3A_150, %dma_start3A_151] : memref<4x128x16xf32, #tpu.memory_space<vmem>> -> memref<1x128x16xf32, #tpu.memory_space<vmem>>
      %dma_start3A_153 = tpu.memref_squeeze %dma_start3A_152 : memref<1x128x16xf32, #tpu.memory_space<vmem>> -> memref<128x16xf32, #tpu.memory_space<vmem>>
      tpu.enqueue_dma source(%dma_start3A_153 : memref<128x16xf32, #tpu.memory_space<vmem>>) target(%dma_start3A_149 : memref<128x16xf32, #tpu.memory_space<vmem_shared>>) target_semaphore(%run_scoped3A_141 : memref<!tpu.dma_semaphore, #tpu.memory_space<semaphore_mem>>)
      %dma_wait3A = arith.constant 0 : i32
      %dma_wait3A_154 = arith.constant 0 : i32
      %dma_wait3A_155 = tpu.memref_slice %arg7[%run_scoped3A_40, %dma_wait3A, %dma_wait3A_154] : memref<4x128x16xf32, #tpu.memory_space<vmem>> -> memref<1x128x16xf32, #tpu.memory_space<vmem>>
      %dma_wait3A_156 = tpu.memref_squeeze %dma_wait3A_155 : memref<1x128x16xf32, #tpu.memory_space<vmem>> -> memref<128x16xf32, #tpu.memory_space<vmem>>
      %dma_wait3A_157 = arith.constant 0 : i32
      %dma_wait3A_158 = tpu.memref_slice %arg8[%add3A_39, %dma_wait3A_157] : memref<10240x16xf32, #tpu.memory_space<vmem_shared>> -> memref<128x16xf32, #tpu.memory_space<vmem_shared>>
      %dma_wait3A_159 = arith.constant 0 : i32
      %dma_wait3A_160 = tpu.memref_slice %arg8[%add3A_39, %dma_wait3A_159] : memref<10240x16xf32, #tpu.memory_space<vmem_shared>> -> memref<128x16xf32, #tpu.memory_space<vmem_shared>>
      %dma_wait3A_161 = arith.constant 0 : i32
      %dma_wait3A_162 = arith.constant 0 : i32
      %dma_wait3A_163 = tpu.memref_slice %arg7[%run_scoped3A_40, %dma_wait3A_161, %dma_wait3A_162] : memref<4x128x16xf32, #tpu.memory_space<vmem>> -> memref<1x128x16xf32, #tpu.memory_space<vmem>>
      %dma_wait3A_164 = tpu.memref_squeeze %dma_wait3A_163 : memref<1x128x16xf32, #tpu.memory_space<vmem>> -> memref<128x16xf32, #tpu.memory_space<vmem>>
      tpu.wait_dma2 semaphore(%run_scoped3A_141 : memref<!tpu.dma_semaphore, #tpu.memory_space<semaphore_mem>>) src(%dma_wait3A_164 : memref<128x16xf32, #tpu.memory_space<vmem>>) dst(%dma_wait3A_160 : memref<128x16xf32, #tpu.memory_space<vmem_shared>>)
      tpu.yield
    }) : () -> ()
    %mul3A_41 = arith.constant 640 : i32
    %mul3A_42 = arith.muli %arg1, %mul3A_41 : i32
    %add3A_43 = arith.constant 512 : i32
    %add3A_44 = arith.addi %mul3A_42, %add3A_43 : i32
    %run_scoped3A_45 = arith.constant 0 : i32
    "tpu.region"() ({
      %run_scoped3A_141 = tpu.sem_alloc : memref<!tpu.dma_semaphore, #tpu.memory_space<semaphore_mem>>
      %dma_start3A_142 = arith.constant 0 : i32
      %dma_start3A_143 = arith.constant 0 : i32
      %dma_start3A_144 = tpu.memref_slice %arg7[%run_scoped3A_45, %dma_start3A_142, %dma_start3A_143] : memref<4x128x16xf32, #tpu.memory_space<vmem>> -> memref<1x128x16xf32, #tpu.memory_space<vmem>>
      %dma_start3A_145 = tpu.memref_squeeze %dma_start3A_144 : memref<1x128x16xf32, #tpu.memory_space<vmem>> -> memref<128x16xf32, #tpu.memory_space<vmem>>
      %dma_start3A_146 = arith.constant 0 : i32
      %dma_start3A_147 = tpu.memref_slice %arg8[%add3A_44, %dma_start3A_146] : memref<10240x16xf32, #tpu.memory_space<vmem_shared>> -> memref<128x16xf32, #tpu.memory_space<vmem_shared>>
      %dma_start3A_148 = arith.constant 0 : i32
      %dma_start3A_149 = tpu.memref_slice %arg8[%add3A_44, %dma_start3A_148] : memref<10240x16xf32, #tpu.memory_space<vmem_shared>> -> memref<128x16xf32, #tpu.memory_space<vmem_shared>>
      %dma_start3A_150 = arith.constant 0 : i32
      %dma_start3A_151 = arith.constant 0 : i32
      %dma_start3A_152 = tpu.memref_slice %arg7[%run_scoped3A_45, %dma_start3A_150, %dma_start3A_151] : memref<4x128x16xf32, #tpu.memory_space<vmem>> -> memref<1x128x16xf32, #tpu.memory_space<vmem>>
      %dma_start3A_153 = tpu.memref_squeeze %dma_start3A_152 : memref<1x128x16xf32, #tpu.memory_space<vmem>> -> memref<128x16xf32, #tpu.memory_space<vmem>>
      tpu.enqueue_dma source(%dma_start3A_153 : memref<128x16xf32, #tpu.memory_space<vmem>>) target(%dma_start3A_149 : memref<128x16xf32, #tpu.memory_space<vmem_shared>>) target_semaphore(%run_scoped3A_141 : memref<!tpu.dma_semaphore, #tpu.memory_space<semaphore_mem>>)
      %dma_wait3A = arith.constant 0 : i32
      %dma_wait3A_154 = arith.constant 0 : i32
      %dma_wait3A_155 = tpu.memref_slice %arg7[%run_scoped3A_45, %dma_wait3A, %dma_wait3A_154] : memref<4x128x16xf32, #tpu.memory_space<vmem>> -> memref<1x128x16xf32, #tpu.memory_space<vmem>>
      %dma_wait3A_156 = tpu.memref_squeeze %dma_wait3A_155 : memref<1x128x16xf32, #tpu.memory_space<vmem>> -> memref<128x16xf32, #tpu.memory_space<vmem>>
      %dma_wait3A_157 = arith.constant 0 : i32
      %dma_wait3A_158 = tpu.memref_slice %arg8[%add3A_44, %dma_wait3A_157] : memref<10240x16xf32, #tpu.memory_space<vmem_shared>> -> memref<128x16xf32, #tpu.memory_space<vmem_shared>>
      %dma_wait3A_159 = arith.constant 0 : i32
      %dma_wait3A_160 = tpu.memref_slice %arg8[%add3A_44, %dma_wait3A_159] : memref<10240x16xf32, #tpu.memory_space<vmem_shared>> -> memref<128x16xf32, #tpu.memory_space<vmem_shared>>
      %dma_wait3A_161 = arith.constant 0 : i32
      %dma_wait3A_162 = arith.constant 0 : i32
      %dma_wait3A_163 = tpu.memref_slice %arg7[%run_scoped3A_45, %dma_wait3A_161, %dma_wait3A_162] : memref<4x128x16xf32, #tpu.memory_space<vmem>> -> memref<1x128x16xf32, #tpu.memory_space<vmem>>
      %dma_wait3A_164 = tpu.memref_squeeze %dma_wait3A_163 : memref<1x128x16xf32, #tpu.memory_space<vmem>> -> memref<128x16xf32, #tpu.memory_space<vmem>>
      tpu.wait_dma2 semaphore(%run_scoped3A_141 : memref<!tpu.dma_semaphore, #tpu.memory_space<semaphore_mem>>) src(%dma_wait3A_164 : memref<128x16xf32, #tpu.memory_space<vmem>>) dst(%dma_wait3A_160 : memref<128x16xf32, #tpu.memory_space<vmem_shared>>)
      tpu.yield
    }) : () -> ()
    %mul3A_46 = arith.constant 640 : i32
    %mul3A_47 = arith.muli %arg1, %mul3A_46 : i32
    %mul3A_48 = arith.constant 640 : i32
    %mul3A_49 = arith.muli %arg1, %mul3A_48 : i32
    "tpu.region"() ({
      %run_scoped3A_141 = tpu.sem_alloc : memref<!tpu.dma_semaphore, #tpu.memory_space<semaphore_mem>>
      %dma_start3A_142 = arith.constant 0 : i32
      %dma_start3A_143 = tpu.memref_slice %arg9[%mul3A_49, %dma_start3A_142] : memref<10240x16xf32, #tpu.memory_space<vmem_shared>> -> memref<640x16xf32, #tpu.memory_space<vmem_shared>>
      %dma_start3A_144 = arith.constant 0 : i32
      %dma_start3A_145 = tpu.memref_slice %arg2[%mul3A_47, %dma_start3A_144] : memref<10240x16xf32, #tpu.memory_space<hbm>> -> memref<640x16xf32, #tpu.memory_space<hbm>>
      tpu.enqueue_dma source(%dma_start3A_145 : memref<640x16xf32, #tpu.memory_space<hbm>>) target(%dma_start3A_143 : memref<640x16xf32, #tpu.memory_space<vmem_shared>>) target_semaphore(%run_scoped3A_141 : memref<!tpu.dma_semaphore, #tpu.memory_space<semaphore_mem>>)
      %dma_wait3A = arith.constant 0 : i32
      %dma_wait3A_146 = tpu.memref_slice %arg9[%mul3A_49, %dma_wait3A] : memref<10240x16xf32, #tpu.memory_space<vmem_shared>> -> memref<640x16xf32, #tpu.memory_space<vmem_shared>>
      %dma_wait3A_147 = arith.constant 0 : i32
      %dma_wait3A_148 = tpu.memref_slice %arg2[%mul3A_47, %dma_wait3A_147] : memref<10240x16xf32, #tpu.memory_space<hbm>> -> memref<640x16xf32, #tpu.memory_space<hbm>>
      tpu.wait_dma2 semaphore(%run_scoped3A_141 : memref<!tpu.dma_semaphore, #tpu.memory_space<semaphore_mem>>) src(%dma_wait3A_148 : memref<640x16xf32, #tpu.memory_space<hbm>>) dst(%dma_wait3A_146 : memref<640x16xf32, #tpu.memory_space<vmem_shared>>)
      tpu.yield
    }) : () -> ()
    %barrier3A = arith.constant 0 : index
    tpu.barrier barrier_id(%barrier3A)
    %dma_start3A = arith.constant 0 : i32
    %dma_start3A_50 = arith.constant 0 : i32
    %dma_start3A_51 = arith.constant 0 : i32
    %dma_start3A_52 = arith.constant 0 : i32
    %dma_start3A_53 = arith.constant 0 : i32
    %dma_start3A_54 = tpu.memref_slice %arg7[%dma_start3A_50, %dma_start3A_52, %dma_start3A_53] : memref<4x128x16xf32, #tpu.memory_space<vmem>> -> memref<1x128x16xf32, #tpu.memory_space<vmem>>
    %dma_start3A_55 = tpu.memref_squeeze %dma_start3A_54 : memref<1x128x16xf32, #tpu.memory_space<vmem>> -> memref<128x16xf32, #tpu.memory_space<vmem>>
    %dma_start3A_56 = arith.constant 0 : i32
    %dma_start3A_57 = tpu.memref_slice %arg5[%dma_start3A, %dma_start3A_56] : memref<80x128xi32, #tpu.memory_space<vmem>> -> memref<1x128xi32, #tpu.memory_space<vmem>>
    %dma_start3A_58 = tpu.memref_squeeze %dma_start3A_57 : memref<1x128xi32, #tpu.memory_space<vmem>> -> memref<128xi32, #tpu.memory_space<vmem>>
    %dma_start3A_59 = arith.constant 0 : i32
    %dma_start3A_60 = arith.constant 0 : i32
    %dma_start3A_61 = tpu.memref_slice %arg9[%dma_start3A_59, %dma_start3A_60] : memref<10240x16xf32, #tpu.memory_space<vmem_shared>> -> memref<10240x16xf32, #tpu.memory_space<vmem_shared>>
    %dma_start3A_62 = tpu.memref_slice %arg10[%dma_start3A_51] : memref<4x!tpu.dma_semaphore, #tpu.memory_space<semaphore_mem>> -> memref<1x!tpu.dma_semaphore, #tpu.memory_space<semaphore_mem>>
    %dma_start3A_63 = tpu.memref_squeeze %dma_start3A_62 : memref<1x!tpu.dma_semaphore, #tpu.memory_space<semaphore_mem>> -> memref<!tpu.dma_semaphore, #tpu.memory_space<semaphore_mem>>
    tpu.enqueue_indirect_dma source(%dma_start3A_61 : memref<10240x16xf32, #tpu.memory_space<vmem_shared>>) target(%dma_start3A_55 : memref<128x16xf32, #tpu.memory_space<vmem>>) offsets(%dma_start3A_58 : memref<128xi32, #tpu.memory_space<vmem>>) semaphore(%dma_start3A_63 : memref<!tpu.dma_semaphore, #tpu.memory_space<semaphore_mem>>)
    %dma_start3A_64 = arith.constant 1 : i32
    %dma_start3A_65 = arith.constant 1 : i32
    %dma_start3A_66 = arith.constant 1 : i32
    %dma_start3A_67 = arith.constant 0 : i32
    %dma_start3A_68 = arith.constant 0 : i32
    %dma_start3A_69 = tpu.memref_slice %arg7[%dma_start3A_65, %dma_start3A_67, %dma_start3A_68] : memref<4x128x16xf32, #tpu.memory_space<vmem>> -> memref<1x128x16xf32, #tpu.memory_space<vmem>>
    %dma_start3A_70 = tpu.memref_squeeze %dma_start3A_69 : memref<1x128x16xf32, #tpu.memory_space<vmem>> -> memref<128x16xf32, #tpu.memory_space<vmem>>
    %dma_start3A_71 = arith.constant 0 : i32
    %dma_start3A_72 = tpu.memref_slice %arg5[%dma_start3A_64, %dma_start3A_71] : memref<80x128xi32, #tpu.memory_space<vmem>> -> memref<1x128xi32, #tpu.memory_space<vmem>>
    %dma_start3A_73 = tpu.memref_squeeze %dma_start3A_72 : memref<1x128xi32, #tpu.memory_space<vmem>> -> memref<128xi32, #tpu.memory_space<vmem>>
    %dma_start3A_74 = arith.constant 0 : i32
    %dma_start3A_75 = arith.constant 0 : i32
    %dma_start3A_76 = tpu.memref_slice %arg9[%dma_start3A_74, %dma_start3A_75] : memref<10240x16xf32, #tpu.memory_space<vmem_shared>> -> memref<10240x16xf32, #tpu.memory_space<vmem_shared>>
    %dma_start3A_77 = tpu.memref_slice %arg10[%dma_start3A_66] : memref<4x!tpu.dma_semaphore, #tpu.memory_space<semaphore_mem>> -> memref<1x!tpu.dma_semaphore, #tpu.memory_space<semaphore_mem>>
    %dma_start3A_78 = tpu.memref_squeeze %dma_start3A_77 : memref<1x!tpu.dma_semaphore, #tpu.memory_space<semaphore_mem>> -> memref<!tpu.dma_semaphore, #tpu.memory_space<semaphore_mem>>
    tpu.enqueue_indirect_dma source(%dma_start3A_76 : memref<10240x16xf32, #tpu.memory_space<vmem_shared>>) target(%dma_start3A_70 : memref<128x16xf32, #tpu.memory_space<vmem>>) offsets(%dma_start3A_73 : memref<128xi32, #tpu.memory_space<vmem>>) semaphore(%dma_start3A_78 : memref<!tpu.dma_semaphore, #tpu.memory_space<semaphore_mem>>)
    %dma_start3A_79 = arith.constant 2 : i32
    %dma_start3A_80 = arith.constant 2 : i32
    %dma_start3A_81 = arith.constant 2 : i32
    %dma_start3A_82 = arith.constant 0 : i32
    %dma_start3A_83 = arith.constant 0 : i32
    %dma_start3A_84 = tpu.memref_slice %arg7[%dma_start3A_80, %dma_start3A_82, %dma_start3A_83] : memref<4x128x16xf32, #tpu.memory_space<vmem>> -> memref<1x128x16xf32, #tpu.memory_space<vmem>>
    %dma_start3A_85 = tpu.memref_squeeze %dma_start3A_84 : memref<1x128x16xf32, #tpu.memory_space<vmem>> -> memref<128x16xf32, #tpu.memory_space<vmem>>
    %dma_start3A_86 = arith.constant 0 : i32
    %dma_start3A_87 = tpu.memref_slice %arg5[%dma_start3A_79, %dma_start3A_86] : memref<80x128xi32, #tpu.memory_space<vmem>> -> memref<1x128xi32, #tpu.memory_space<vmem>>
    %dma_start3A_88 = tpu.memref_squeeze %dma_start3A_87 : memref<1x128xi32, #tpu.memory_space<vmem>> -> memref<128xi32, #tpu.memory_space<vmem>>
    %dma_start3A_89 = arith.constant 0 : i32
    %dma_start3A_90 = arith.constant 0 : i32
    %dma_start3A_91 = tpu.memref_slice %arg9[%dma_start3A_89, %dma_start3A_90] : memref<10240x16xf32, #tpu.memory_space<vmem_shared>> -> memref<10240x16xf32, #tpu.memory_space<vmem_shared>>
    %dma_start3A_92 = tpu.memref_slice %arg10[%dma_start3A_81] : memref<4x!tpu.dma_semaphore, #tpu.memory_space<semaphore_mem>> -> memref<1x!tpu.dma_semaphore, #tpu.memory_space<semaphore_mem>>
    %dma_start3A_93 = tpu.memref_squeeze %dma_start3A_92 : memref<1x!tpu.dma_semaphore, #tpu.memory_space<semaphore_mem>> -> memref<!tpu.dma_semaphore, #tpu.memory_space<semaphore_mem>>
    tpu.enqueue_indirect_dma source(%dma_start3A_91 : memref<10240x16xf32, #tpu.memory_space<vmem_shared>>) target(%dma_start3A_85 : memref<128x16xf32, #tpu.memory_space<vmem>>) offsets(%dma_start3A_88 : memref<128xi32, #tpu.memory_space<vmem>>) semaphore(%dma_start3A_93 : memref<!tpu.dma_semaphore, #tpu.memory_space<semaphore_mem>>)
    %dma_start3A_94 = arith.constant 3 : i32
    %dma_start3A_95 = arith.constant 3 : i32
    %dma_start3A_96 = arith.constant 3 : i32
    %dma_start3A_97 = arith.constant 0 : i32
    %dma_start3A_98 = arith.constant 0 : i32
    %dma_start3A_99 = tpu.memref_slice %arg7[%dma_start3A_95, %dma_start3A_97, %dma_start3A_98] : memref<4x128x16xf32, #tpu.memory_space<vmem>> -> memref<1x128x16xf32, #tpu.memory_space<vmem>>
    %dma_start3A_100 = tpu.memref_squeeze %dma_start3A_99 : memref<1x128x16xf32, #tpu.memory_space<vmem>> -> memref<128x16xf32, #tpu.memory_space<vmem>>
    %dma_start3A_101 = arith.constant 0 : i32
    %dma_start3A_102 = tpu.memref_slice %arg5[%dma_start3A_94, %dma_start3A_101] : memref<80x128xi32, #tpu.memory_space<vmem>> -> memref<1x128xi32, #tpu.memory_space<vmem>>
    %dma_start3A_103 = tpu.memref_squeeze %dma_start3A_102 : memref<1x128xi32, #tpu.memory_space<vmem>> -> memref<128xi32, #tpu.memory_space<vmem>>
    %dma_start3A_104 = arith.constant 0 : i32
    %dma_start3A_105 = arith.constant 0 : i32
    %dma_start3A_106 = tpu.memref_slice %arg9[%dma_start3A_104, %dma_start3A_105] : memref<10240x16xf32, #tpu.memory_space<vmem_shared>> -> memref<10240x16xf32, #tpu.memory_space<vmem_shared>>
    %dma_start3A_107 = tpu.memref_slice %arg10[%dma_start3A_96] : memref<4x!tpu.dma_semaphore, #tpu.memory_space<semaphore_mem>> -> memref<1x!tpu.dma_semaphore, #tpu.memory_space<semaphore_mem>>
    %dma_start3A_108 = tpu.memref_squeeze %dma_start3A_107 : memref<1x!tpu.dma_semaphore, #tpu.memory_space<semaphore_mem>> -> memref<!tpu.dma_semaphore, #tpu.memory_space<semaphore_mem>>
    tpu.enqueue_indirect_dma source(%dma_start3A_106 : memref<10240x16xf32, #tpu.memory_space<vmem_shared>>) target(%dma_start3A_100 : memref<128x16xf32, #tpu.memory_space<vmem>>) offsets(%dma_start3A_103 : memref<128xi32, #tpu.memory_space<vmem>>) semaphore(%dma_start3A_108 : memref<!tpu.dma_semaphore, #tpu.memory_space<semaphore_mem>>)
    %jit3A_109 = arith.constant 4 : i32
    %div3A = arith.divsi %select_n3A_8, %jit3A_109 : i32
    %sign3A = arith.constant 0 : i32
    %sign3A_110 = arith.cmpi sgt, %select_n3A_8, %sign3A : i32
    %sign3A_111 = arith.extui %sign3A_110 : i1 to i32
    %sign3A_112 = arith.constant 0 : i32
    %sign3A_113 = arith.cmpi slt, %select_n3A_8, %sign3A_112 : i32
    %sign3A_114 = arith.extui %sign3A_113 : i1 to i32
    %sign3A_115 = arith.subi %sign3A_111, %sign3A_114 : i32
    %sign3A_116 = arith.constant 0 : i32
    %sign3A_117 = arith.cmpi sgt, %jit3A_109, %sign3A_116 : i32
    %sign3A_118 = arith.extui %sign3A_117 : i1 to i32
    %sign3A_119 = arith.constant 0 : i32
    %sign3A_120 = arith.cmpi slt, %jit3A_109, %sign3A_119 : i32
    %sign3A_121 = arith.extui %sign3A_120 : i1 to i32
    %sign3A_122 = arith.subi %sign3A_118, %sign3A_121 : i32
    %ne3A = arith.cmpi ne, %sign3A_115, %sign3A_122 : i32
    %rem3A = arith.remsi %select_n3A_8, %jit3A_109 : i32
    %ne3A_123 = arith.constant 0 : i32
    %ne3A_124 = arith.cmpi ne, %rem3A, %ne3A_123 : i32
    %and3A = arith.andi %ne3A, %ne3A_124 : i1
    %sub3A = arith.constant 1 : i32
    %sub3A_125 = arith.subi %div3A, %sub3A : i32
    %select_n3A_126 = arith.select %and3A, %sub3A_125, %div3A : i32
    %while3A = arith.constant 0 : i32
    %while3A_127 = arith.constant 0 : i32
    %while3A_128 = arith.subi %select_n3A_126, %while3A_127 : i32
    %while3A_129 = arith.addi %while3A_127, %while3A_128 : i32
    %while3A_130 = arith.constant 1 : i32
    %while3A_131 = arith.divsi %while3A_128, %while3A_130 : i32
    %while3A_132 = arith.muli %while3A_131, %while3A_130 : i32
    %while3A_133 = arith.addi %while3A_127, %while3A_132 : i32
    %while3A_134 = arith.constant 1 : i32
    scf.for %while3A_141 = %while3A_127 to %while3A_133 step %while3A_134  : i32 {
      %mul3A_142 = arith.constant 4 : i32
      %mul3A_143 = arith.muli %while3A_141, %mul3A_142 : i32
      %add3A_144 = arith.constant 0 : i32
      %add3A_145 = arith.addi %mul3A_143, %add3A_144 : i32
      %dma_wait3A = arith.constant 0 : i32
      %dma_wait3A_146 = arith.constant 0 : i32
      %dma_wait3A_147 = arith.constant 0 : i32
      %dma_wait3A_148 = arith.constant 0 : i32
      %dma_wait3A_149 = arith.constant 0 : i32
      %dma_wait3A_150 = tpu.memref_slice %arg7[%dma_wait3A_146, %dma_wait3A_148, %dma_wait3A_149] : memref<4x128x16xf32, #tpu.memory_space<vmem>> -> memref<1x128x16xf32, #tpu.memory_space<vmem>>
      %dma_wait3A_151 = tpu.memref_squeeze %dma_wait3A_150 : memref<1x128x16xf32, #tpu.memory_space<vmem>> -> memref<128x16xf32, #tpu.memory_space<vmem>>
      %dma_wait3A_152 = arith.constant 0 : i32
      %dma_wait3A_153 = tpu.memref_slice %arg5[%dma_wait3A, %dma_wait3A_152] : memref<80x128xi32, #tpu.memory_space<vmem>> -> memref<1x128xi32, #tpu.memory_space<vmem>>
      %dma_wait3A_154 = tpu.memref_squeeze %dma_wait3A_153 : memref<1x128xi32, #tpu.memory_space<vmem>> -> memref<128xi32, #tpu.memory_space<vmem>>
      %dma_wait3A_155 = arith.constant 0 : i32
      %dma_wait3A_156 = arith.constant 0 : i32
      %dma_wait3A_157 = tpu.memref_slice %arg9[%dma_wait3A_155, %dma_wait3A_156] : memref<10240x16xf32, #tpu.memory_space<vmem_shared>> -> memref<10240x16xf32, #tpu.memory_space<vmem_shared>>
      %dma_wait3A_158 = tpu.memref_slice %arg10[%dma_wait3A_147] : memref<4x!tpu.dma_semaphore, #tpu.memory_space<semaphore_mem>> -> memref<1x!tpu.dma_semaphore, #tpu.memory_space<semaphore_mem>>
      %dma_wait3A_159 = tpu.memref_squeeze %dma_wait3A_158 : memref<1x!tpu.dma_semaphore, #tpu.memory_space<semaphore_mem>> -> memref<!tpu.dma_semaphore, #tpu.memory_space<semaphore_mem>>
      tpu.wait_indirect_dma semaphore(%dma_wait3A_159 : memref<!tpu.dma_semaphore, #tpu.memory_space<semaphore_mem>>) src(%dma_wait3A_157 : memref<10240x16xf32, #tpu.memory_space<vmem_shared>>) dst(%dma_wait3A_151 : memref<128x16xf32, #tpu.memory_space<vmem>>)
      %run_scoped3A_160 = arith.constant 0 : i32
      "tpu.region"() ({
        %run_scoped3A_244 = tpu.sem_alloc : memref<!tpu.dma_semaphore, #tpu.memory_space<semaphore_mem>>
        %dma_start3A_245 = arith.constant 0 : i32
        %dma_start3A_246 = arith.constant 0 : i32
        %dma_start3A_247 = tpu.memref_slice %arg7[%run_scoped3A_160, %dma_start3A_245, %dma_start3A_246] : memref<4x128x16xf32, #tpu.memory_space<vmem>> -> memref<1x128x16xf32, #tpu.memory_space<vmem>>
        %dma_start3A_248 = tpu.memref_squeeze %dma_start3A_247 : memref<1x128x16xf32, #tpu.memory_space<vmem>> -> memref<128x16xf32, #tpu.memory_space<vmem>>
        %dma_start3A_249 = arith.constant 0 : i32
        %dma_start3A_250 = tpu.memref_slice %arg6[%add3A_145, %dma_start3A_249] : memref<80x128xi32, #tpu.memory_space<vmem>> -> memref<1x128xi32, #tpu.memory_space<vmem>>
        %dma_start3A_251 = tpu.memref_squeeze %dma_start3A_250 : memref<1x128xi32, #tpu.memory_space<vmem>> -> memref<128xi32, #tpu.memory_space<vmem>>
        %dma_start3A_252 = arith.constant 0 : i32
        %dma_start3A_253 = arith.constant 0 : i32
        %dma_start3A_254 = tpu.memref_slice %arg8[%dma_start3A_252, %dma_start3A_253] : memref<10240x16xf32, #tpu.memory_space<vmem_shared>> -> memref<10240x16xf32, #tpu.memory_space<vmem_shared>>
        tpu.enqueue_indirect_dma source(%dma_start3A_248 : memref<128x16xf32, #tpu.memory_space<vmem>>) target(%dma_start3A_254 : memref<10240x16xf32, #tpu.memory_space<vmem_shared>>) offsets(%dma_start3A_251 : memref<128xi32, #tpu.memory_space<vmem>>) semaphore(%run_scoped3A_244 : memref<!tpu.dma_semaphore, #tpu.memory_space<semaphore_mem>>) {add = true}
        %dma_wait3A_255 = arith.constant 0 : i32
        %dma_wait3A_256 = arith.constant 0 : i32
        %dma_wait3A_257 = tpu.memref_slice %arg7[%run_scoped3A_160, %dma_wait3A_255, %dma_wait3A_256] : memref<4x128x16xf32, #tpu.memory_space<vmem>> -> memref<1x128x16xf32, #tpu.memory_space<vmem>>
        %dma_wait3A_258 = tpu.memref_squeeze %dma_wait3A_257 : memref<1x128x16xf32, #tpu.memory_space<vmem>> -> memref<128x16xf32, #tpu.memory_space<vmem>>
        %dma_wait3A_259 = arith.constant 0 : i32
        %dma_wait3A_260 = tpu.memref_slice %arg6[%add3A_145, %dma_wait3A_259] : memref<80x128xi32, #tpu.memory_space<vmem>> -> memref<1x128xi32, #tpu.memory_space<vmem>>
        %dma_wait3A_261 = tpu.memref_squeeze %dma_wait3A_260 : memref<1x128xi32, #tpu.memory_space<vmem>> -> memref<128xi32, #tpu.memory_space<vmem>>
        %dma_wait3A_262 = arith.constant 0 : i32
        %dma_wait3A_263 = arith.constant 0 : i32
        %dma_wait3A_264 = tpu.memref_slice %arg8[%dma_wait3A_262, %dma_wait3A_263] : memref<10240x16xf32, #tpu.memory_space<vmem_shared>> -> memref<10240x16xf32, #tpu.memory_space<vmem_shared>>
        tpu.wait_indirect_dma semaphore(%run_scoped3A_244 : memref<!tpu.dma_semaphore, #tpu.memory_space<semaphore_mem>>) src(%dma_wait3A_258 : memref<128x16xf32, #tpu.memory_space<vmem>>) dst(%dma_wait3A_264 : memref<10240x16xf32, #tpu.memory_space<vmem_shared>>)
        tpu.yield
      }) : () -> ()
      %add3A_161 = arith.constant 4 : i32
      %add3A_162 = arith.addi %add3A_145, %add3A_161 : i32
      %lt3A = arith.cmpi slt, %add3A_162, %select_n3A_8 : i32
      %convert_element_type3A_163 = arith.extui %lt3A : i1 to i32
      %cond3A_164 = arith.constant 0 : i32
      %cond3A_165 = arith.cmpi ne, %convert_element_type3A_163, %cond3A_164 : i32
      scf.if %cond3A_165 {
        %dma_start3A_244 = arith.constant 0 : i32
        %dma_start3A_245 = arith.constant 0 : i32
        %dma_start3A_246 = arith.constant 0 : i32
        %dma_start3A_247 = arith.constant 0 : i32
        %dma_start3A_248 = tpu.memref_slice %arg7[%dma_start3A_244, %dma_start3A_246, %dma_start3A_247] : memref<4x128x16xf32, #tpu.memory_space<vmem>> -> memref<1x128x16xf32, #tpu.memory_space<vmem>>
        %dma_start3A_249 = tpu.memref_squeeze %dma_start3A_248 : memref<1x128x16xf32, #tpu.memory_space<vmem>> -> memref<128x16xf32, #tpu.memory_space<vmem>>
        %dma_start3A_250 = arith.constant 0 : i32
        %dma_start3A_251 = tpu.memref_slice %arg5[%add3A_162, %dma_start3A_250] : memref<80x128xi32, #tpu.memory_space<vmem>> -> memref<1x128xi32, #tpu.memory_space<vmem>>
        %dma_start3A_252 = tpu.memref_squeeze %dma_start3A_251 : memref<1x128xi32, #tpu.memory_space<vmem>> -> memref<128xi32, #tpu.memory_space<vmem>>
        %dma_start3A_253 = arith.constant 0 : i32
        %dma_start3A_254 = arith.constant 0 : i32
        %dma_start3A_255 = tpu.memref_slice %arg9[%dma_start3A_253, %dma_start3A_254] : memref<10240x16xf32, #tpu.memory_space<vmem_shared>> -> memref<10240x16xf32, #tpu.memory_space<vmem_shared>>
        %dma_start3A_256 = tpu.memref_slice %arg10[%dma_start3A_245] : memref<4x!tpu.dma_semaphore, #tpu.memory_space<semaphore_mem>> -> memref<1x!tpu.dma_semaphore, #tpu.memory_space<semaphore_mem>>
        %dma_start3A_257 = tpu.memref_squeeze %dma_start3A_256 : memref<1x!tpu.dma_semaphore, #tpu.memory_space<semaphore_mem>> -> memref<!tpu.dma_semaphore, #tpu.memory_space<semaphore_mem>>
        tpu.enqueue_indirect_dma source(%dma_start3A_255 : memref<10240x16xf32, #tpu.memory_space<vmem_shared>>) target(%dma_start3A_249 : memref<128x16xf32, #tpu.memory_space<vmem>>) offsets(%dma_start3A_252 : memref<128xi32, #tpu.memory_space<vmem>>) semaphore(%dma_start3A_257 : memref<!tpu.dma_semaphore, #tpu.memory_space<semaphore_mem>>)
      } else {
      }
      %mul3A_166 = arith.constant 4 : i32
      %mul3A_167 = arith.muli %while3A_141, %mul3A_166 : i32
      %add3A_168 = arith.constant 1 : i32
      %add3A_169 = arith.addi %mul3A_167, %add3A_168 : i32
      %dma_wait3A_170 = arith.constant 0 : i32
      %dma_wait3A_171 = arith.constant 1 : i32
      %dma_wait3A_172 = arith.constant 1 : i32
      %dma_wait3A_173 = arith.constant 0 : i32
      %dma_wait3A_174 = arith.constant 0 : i32
      %dma_wait3A_175 = tpu.memref_slice %arg7[%dma_wait3A_171, %dma_wait3A_173, %dma_wait3A_174] : memref<4x128x16xf32, #tpu.memory_space<vmem>> -> memref<1x128x16xf32, #tpu.memory_space<vmem>>
      %dma_wait3A_176 = tpu.memref_squeeze %dma_wait3A_175 : memref<1x128x16xf32, #tpu.memory_space<vmem>> -> memref<128x16xf32, #tpu.memory_space<vmem>>
      %dma_wait3A_177 = arith.constant 0 : i32
      %dma_wait3A_178 = tpu.memref_slice %arg5[%dma_wait3A_170, %dma_wait3A_177] : memref<80x128xi32, #tpu.memory_space<vmem>> -> memref<1x128xi32, #tpu.memory_space<vmem>>
      %dma_wait3A_179 = tpu.memref_squeeze %dma_wait3A_178 : memref<1x128xi32, #tpu.memory_space<vmem>> -> memref<128xi32, #tpu.memory_space<vmem>>
      %dma_wait3A_180 = arith.constant 0 : i32
      %dma_wait3A_181 = arith.constant 0 : i32
      %dma_wait3A_182 = tpu.memref_slice %arg9[%dma_wait3A_180, %dma_wait3A_181] : memref<10240x16xf32, #tpu.memory_space<vmem_shared>> -> memref<10240x16xf32, #tpu.memory_space<vmem_shared>>
      %dma_wait3A_183 = tpu.memref_slice %arg10[%dma_wait3A_172] : memref<4x!tpu.dma_semaphore, #tpu.memory_space<semaphore_mem>> -> memref<1x!tpu.dma_semaphore, #tpu.memory_space<semaphore_mem>>
      %dma_wait3A_184 = tpu.memref_squeeze %dma_wait3A_183 : memref<1x!tpu.dma_semaphore, #tpu.memory_space<semaphore_mem>> -> memref<!tpu.dma_semaphore, #tpu.memory_space<semaphore_mem>>
      tpu.wait_indirect_dma semaphore(%dma_wait3A_184 : memref<!tpu.dma_semaphore, #tpu.memory_space<semaphore_mem>>) src(%dma_wait3A_182 : memref<10240x16xf32, #tpu.memory_space<vmem_shared>>) dst(%dma_wait3A_176 : memref<128x16xf32, #tpu.memory_space<vmem>>)
      %run_scoped3A_185 = arith.constant 1 : i32
      "tpu.region"() ({
        %run_scoped3A_244 = tpu.sem_alloc : memref<!tpu.dma_semaphore, #tpu.memory_space<semaphore_mem>>
        %dma_start3A_245 = arith.constant 0 : i32
        %dma_start3A_246 = arith.constant 0 : i32
        %dma_start3A_247 = tpu.memref_slice %arg7[%run_scoped3A_185, %dma_start3A_245, %dma_start3A_246] : memref<4x128x16xf32, #tpu.memory_space<vmem>> -> memref<1x128x16xf32, #tpu.memory_space<vmem>>
        %dma_start3A_248 = tpu.memref_squeeze %dma_start3A_247 : memref<1x128x16xf32, #tpu.memory_space<vmem>> -> memref<128x16xf32, #tpu.memory_space<vmem>>
        %dma_start3A_249 = arith.constant 0 : i32
        %dma_start3A_250 = tpu.memref_slice %arg6[%add3A_169, %dma_start3A_249] : memref<80x128xi32, #tpu.memory_space<vmem>> -> memref<1x128xi32, #tpu.memory_space<vmem>>
        %dma_start3A_251 = tpu.memref_squeeze %dma_start3A_250 : memref<1x128xi32, #tpu.memory_space<vmem>> -> memref<128xi32, #tpu.memory_space<vmem>>
        %dma_start3A_252 = arith.constant 0 : i32
        %dma_start3A_253 = arith.constant 0 : i32
        %dma_start3A_254 = tpu.memref_slice %arg8[%dma_start3A_252, %dma_start3A_253] : memref<10240x16xf32, #tpu.memory_space<vmem_shared>> -> memref<10240x16xf32, #tpu.memory_space<vmem_shared>>
        tpu.enqueue_indirect_dma source(%dma_start3A_248 : memref<128x16xf32, #tpu.memory_space<vmem>>) target(%dma_start3A_254 : memref<10240x16xf32, #tpu.memory_space<vmem_shared>>) offsets(%dma_start3A_251 : memref<128xi32, #tpu.memory_space<vmem>>) semaphore(%run_scoped3A_244 : memref<!tpu.dma_semaphore, #tpu.memory_space<semaphore_mem>>) {add = true}
        %dma_wait3A_255 = arith.constant 0 : i32
        %dma_wait3A_256 = arith.constant 0 : i32
        %dma_wait3A_257 = tpu.memref_slice %arg7[%run_scoped3A_185, %dma_wait3A_255, %dma_wait3A_256] : memref<4x128x16xf32, #tpu.memory_space<vmem>> -> memref<1x128x16xf32, #tpu.memory_space<vmem>>
        %dma_wait3A_258 = tpu.memref_squeeze %dma_wait3A_257 : memref<1x128x16xf32, #tpu.memory_space<vmem>> -> memref<128x16xf32, #tpu.memory_space<vmem>>
        %dma_wait3A_259 = arith.constant 0 : i32
        %dma_wait3A_260 = tpu.memref_slice %arg6[%add3A_169, %dma_wait3A_259] : memref<80x128xi32, #tpu.memory_space<vmem>> -> memref<1x128xi32, #tpu.memory_space<vmem>>
        %dma_wait3A_261 = tpu.memref_squeeze %dma_wait3A_260 : memref<1x128xi32, #tpu.memory_space<vmem>> -> memref<128xi32, #tpu.memory_space<vmem>>
        %dma_wait3A_262 = arith.constant 0 : i32
        %dma_wait3A_263 = arith.constant 0 : i32
        %dma_wait3A_264 = tpu.memref_slice %arg8[%dma_wait3A_262, %dma_wait3A_263] : memref<10240x16xf32, #tpu.memory_space<vmem_shared>> -> memref<10240x16xf32, #tpu.memory_space<vmem_shared>>
        tpu.wait_indirect_dma semaphore(%run_scoped3A_244 : memref<!tpu.dma_semaphore, #tpu.memory_space<semaphore_mem>>) src(%dma_wait3A_258 : memref<128x16xf32, #tpu.memory_space<vmem>>) dst(%dma_wait3A_264 : memref<10240x16xf32, #tpu.memory_space<vmem_shared>>)
        tpu.yield
      }) : () -> ()
      %add3A_186 = arith.constant 4 : i32
      %add3A_187 = arith.addi %add3A_169, %add3A_186 : i32
      %lt3A_188 = arith.cmpi slt, %add3A_187, %select_n3A_8 : i32
      %convert_element_type3A_189 = arith.extui %lt3A_188 : i1 to i32
      %cond3A_190 = arith.constant 0 : i32
      %cond3A_191 = arith.cmpi ne, %convert_element_type3A_189, %cond3A_190 : i32
      scf.if %cond3A_191 {
        %dma_start3A_244 = arith.constant 1 : i32
        %dma_start3A_245 = arith.constant 1 : i32
        %dma_start3A_246 = arith.constant 0 : i32
        %dma_start3A_247 = arith.constant 0 : i32
        %dma_start3A_248 = tpu.memref_slice %arg7[%dma_start3A_244, %dma_start3A_246, %dma_start3A_247] : memref<4x128x16xf32, #tpu.memory_space<vmem>> -> memref<1x128x16xf32, #tpu.memory_space<vmem>>
        %dma_start3A_249 = tpu.memref_squeeze %dma_start3A_248 : memref<1x128x16xf32, #tpu.memory_space<vmem>> -> memref<128x16xf32, #tpu.memory_space<vmem>>
        %dma_start3A_250 = arith.constant 0 : i32
        %dma_start3A_251 = tpu.memref_slice %arg5[%add3A_187, %dma_start3A_250] : memref<80x128xi32, #tpu.memory_space<vmem>> -> memref<1x128xi32, #tpu.memory_space<vmem>>
        %dma_start3A_252 = tpu.memref_squeeze %dma_start3A_251 : memref<1x128xi32, #tpu.memory_space<vmem>> -> memref<128xi32, #tpu.memory_space<vmem>>
        %dma_start3A_253 = arith.constant 0 : i32
        %dma_start3A_254 = arith.constant 0 : i32
        %dma_start3A_255 = tpu.memref_slice %arg9[%dma_start3A_253, %dma_start3A_254] : memref<10240x16xf32, #tpu.memory_space<vmem_shared>> -> memref<10240x16xf32, #tpu.memory_space<vmem_shared>>
        %dma_start3A_256 = tpu.memref_slice %arg10[%dma_start3A_245] : memref<4x!tpu.dma_semaphore, #tpu.memory_space<semaphore_mem>> -> memref<1x!tpu.dma_semaphore, #tpu.memory_space<semaphore_mem>>
        %dma_start3A_257 = tpu.memref_squeeze %dma_start3A_256 : memref<1x!tpu.dma_semaphore, #tpu.memory_space<semaphore_mem>> -> memref<!tpu.dma_semaphore, #tpu.memory_space<semaphore_mem>>
        tpu.enqueue_indirect_dma source(%dma_start3A_255 : memref<10240x16xf32, #tpu.memory_space<vmem_shared>>) target(%dma_start3A_249 : memref<128x16xf32, #tpu.memory_space<vmem>>) offsets(%dma_start3A_252 : memref<128xi32, #tpu.memory_space<vmem>>) semaphore(%dma_start3A_257 : memref<!tpu.dma_semaphore, #tpu.memory_space<semaphore_mem>>)
      } else {
      }
      %mul3A_192 = arith.constant 4 : i32
      %mul3A_193 = arith.muli %while3A_141, %mul3A_192 : i32
      %add3A_194 = arith.constant 2 : i32
      %add3A_195 = arith.addi %mul3A_193, %add3A_194 : i32
      %dma_wait3A_196 = arith.constant 0 : i32
      %dma_wait3A_197 = arith.constant 2 : i32
      %dma_wait3A_198 = arith.constant 2 : i32
      %dma_wait3A_199 = arith.constant 0 : i32
      %dma_wait3A_200 = arith.constant 0 : i32
      %dma_wait3A_201 = tpu.memref_slice %arg7[%dma_wait3A_197, %dma_wait3A_199, %dma_wait3A_200] : memref<4x128x16xf32, #tpu.memory_space<vmem>> -> memref<1x128x16xf32, #tpu.memory_space<vmem>>
      %dma_wait3A_202 = tpu.memref_squeeze %dma_wait3A_201 : memref<1x128x16xf32, #tpu.memory_space<vmem>> -> memref<128x16xf32, #tpu.memory_space<vmem>>
      %dma_wait3A_203 = arith.constant 0 : i32
      %dma_wait3A_204 = tpu.memref_slice %arg5[%dma_wait3A_196, %dma_wait3A_203] : memref<80x128xi32, #tpu.memory_space<vmem>> -> memref<1x128xi32, #tpu.memory_space<vmem>>
      %dma_wait3A_205 = tpu.memref_squeeze %dma_wait3A_204 : memref<1x128xi32, #tpu.memory_space<vmem>> -> memref<128xi32, #tpu.memory_space<vmem>>
      %dma_wait3A_206 = arith.constant 0 : i32
      %dma_wait3A_207 = arith.constant 0 : i32
      %dma_wait3A_208 = tpu.memref_slice %arg9[%dma_wait3A_206, %dma_wait3A_207] : memref<10240x16xf32, #tpu.memory_space<vmem_shared>> -> memref<10240x16xf32, #tpu.memory_space<vmem_shared>>
      %dma_wait3A_209 = tpu.memref_slice %arg10[%dma_wait3A_198] : memref<4x!tpu.dma_semaphore, #tpu.memory_space<semaphore_mem>> -> memref<1x!tpu.dma_semaphore, #tpu.memory_space<semaphore_mem>>
      %dma_wait3A_210 = tpu.memref_squeeze %dma_wait3A_209 : memref<1x!tpu.dma_semaphore, #tpu.memory_space<semaphore_mem>> -> memref<!tpu.dma_semaphore, #tpu.memory_space<semaphore_mem>>
      tpu.wait_indirect_dma semaphore(%dma_wait3A_210 : memref<!tpu.dma_semaphore, #tpu.memory_space<semaphore_mem>>) src(%dma_wait3A_208 : memref<10240x16xf32, #tpu.memory_space<vmem_shared>>) dst(%dma_wait3A_202 : memref<128x16xf32, #tpu.memory_space<vmem>>)
      %run_scoped3A_211 = arith.constant 2 : i32
      "tpu.region"() ({
        %run_scoped3A_244 = tpu.sem_alloc : memref<!tpu.dma_semaphore, #tpu.memory_space<semaphore_mem>>
        %dma_start3A_245 = arith.constant 0 : i32
        %dma_start3A_246 = arith.constant 0 : i32
        %dma_start3A_247 = tpu.memref_slice %arg7[%run_scoped3A_211, %dma_start3A_245, %dma_start3A_246] : memref<4x128x16xf32, #tpu.memory_space<vmem>> -> memref<1x128x16xf32, #tpu.memory_space<vmem>>
        %dma_start3A_248 = tpu.memref_squeeze %dma_start3A_247 : memref<1x128x16xf32, #tpu.memory_space<vmem>> -> memref<128x16xf32, #tpu.memory_space<vmem>>
        %dma_start3A_249 = arith.constant 0 : i32
        %dma_start3A_250 = tpu.memref_slice %arg6[%add3A_195, %dma_start3A_249] : memref<80x128xi32, #tpu.memory_space<vmem>> -> memref<1x128xi32, #tpu.memory_space<vmem>>
        %dma_start3A_251 = tpu.memref_squeeze %dma_start3A_250 : memref<1x128xi32, #tpu.memory_space<vmem>> -> memref<128xi32, #tpu.memory_space<vmem>>
        %dma_start3A_252 = arith.constant 0 : i32
        %dma_start3A_253 = arith.constant 0 : i32
        %dma_start3A_254 = tpu.memref_slice %arg8[%dma_start3A_252, %dma_start3A_253] : memref<10240x16xf32, #tpu.memory_space<vmem_shared>> -> memref<10240x16xf32, #tpu.memory_space<vmem_shared>>
        tpu.enqueue_indirect_dma source(%dma_start3A_248 : memref<128x16xf32, #tpu.memory_space<vmem>>) target(%dma_start3A_254 : memref<10240x16xf32, #tpu.memory_space<vmem_shared>>) offsets(%dma_start3A_251 : memref<128xi32, #tpu.memory_space<vmem>>) semaphore(%run_scoped3A_244 : memref<!tpu.dma_semaphore, #tpu.memory_space<semaphore_mem>>) {add = true}
        %dma_wait3A_255 = arith.constant 0 : i32
        %dma_wait3A_256 = arith.constant 0 : i32
        %dma_wait3A_257 = tpu.memref_slice %arg7[%run_scoped3A_211, %dma_wait3A_255, %dma_wait3A_256] : memref<4x128x16xf32, #tpu.memory_space<vmem>> -> memref<1x128x16xf32, #tpu.memory_space<vmem>>
        %dma_wait3A_258 = tpu.memref_squeeze %dma_wait3A_257 : memref<1x128x16xf32, #tpu.memory_space<vmem>> -> memref<128x16xf32, #tpu.memory_space<vmem>>
        %dma_wait3A_259 = arith.constant 0 : i32
        %dma_wait3A_260 = tpu.memref_slice %arg6[%add3A_195, %dma_wait3A_259] : memref<80x128xi32, #tpu.memory_space<vmem>> -> memref<1x128xi32, #tpu.memory_space<vmem>>
        %dma_wait3A_261 = tpu.memref_squeeze %dma_wait3A_260 : memref<1x128xi32, #tpu.memory_space<vmem>> -> memref<128xi32, #tpu.memory_space<vmem>>
        %dma_wait3A_262 = arith.constant 0 : i32
        %dma_wait3A_263 = arith.constant 0 : i32
        %dma_wait3A_264 = tpu.memref_slice %arg8[%dma_wait3A_262, %dma_wait3A_263] : memref<10240x16xf32, #tpu.memory_space<vmem_shared>> -> memref<10240x16xf32, #tpu.memory_space<vmem_shared>>
        tpu.wait_indirect_dma semaphore(%run_scoped3A_244 : memref<!tpu.dma_semaphore, #tpu.memory_space<semaphore_mem>>) src(%dma_wait3A_258 : memref<128x16xf32, #tpu.memory_space<vmem>>) dst(%dma_wait3A_264 : memref<10240x16xf32, #tpu.memory_space<vmem_shared>>)
        tpu.yield
      }) : () -> ()
      %add3A_212 = arith.constant 4 : i32
      %add3A_213 = arith.addi %add3A_195, %add3A_212 : i32
      %lt3A_214 = arith.cmpi slt, %add3A_213, %select_n3A_8 : i32
      %convert_element_type3A_215 = arith.extui %lt3A_214 : i1 to i32
      %cond3A_216 = arith.constant 0 : i32
      %cond3A_217 = arith.cmpi ne, %convert_element_type3A_215, %cond3A_216 : i32
      scf.if %cond3A_217 {
        %dma_start3A_244 = arith.constant 2 : i32
        %dma_start3A_245 = arith.constant 2 : i32
        %dma_start3A_246 = arith.constant 0 : i32
        %dma_start3A_247 = arith.constant 0 : i32
        %dma_start3A_248 = tpu.memref_slice %arg7[%dma_start3A_244, %dma_start3A_246, %dma_start3A_247] : memref<4x128x16xf32, #tpu.memory_space<vmem>> -> memref<1x128x16xf32, #tpu.memory_space<vmem>>
        %dma_start3A_249 = tpu.memref_squeeze %dma_start3A_248 : memref<1x128x16xf32, #tpu.memory_space<vmem>> -> memref<128x16xf32, #tpu.memory_space<vmem>>
        %dma_start3A_250 = arith.constant 0 : i32
        %dma_start3A_251 = tpu.memref_slice %arg5[%add3A_213, %dma_start3A_250] : memref<80x128xi32, #tpu.memory_space<vmem>> -> memref<1x128xi32, #tpu.memory_space<vmem>>
        %dma_start3A_252 = tpu.memref_squeeze %dma_start3A_251 : memref<1x128xi32, #tpu.memory_space<vmem>> -> memref<128xi32, #tpu.memory_space<vmem>>
        %dma_start3A_253 = arith.constant 0 : i32
        %dma_start3A_254 = arith.constant 0 : i32
        %dma_start3A_255 = tpu.memref_slice %arg9[%dma_start3A_253, %dma_start3A_254] : memref<10240x16xf32, #tpu.memory_space<vmem_shared>> -> memref<10240x16xf32, #tpu.memory_space<vmem_shared>>
        %dma_start3A_256 = tpu.memref_slice %arg10[%dma_start3A_245] : memref<4x!tpu.dma_semaphore, #tpu.memory_space<semaphore_mem>> -> memref<1x!tpu.dma_semaphore, #tpu.memory_space<semaphore_mem>>
        %dma_start3A_257 = tpu.memref_squeeze %dma_start3A_256 : memref<1x!tpu.dma_semaphore, #tpu.memory_space<semaphore_mem>> -> memref<!tpu.dma_semaphore, #tpu.memory_space<semaphore_mem>>
        tpu.enqueue_indirect_dma source(%dma_start3A_255 : memref<10240x16xf32, #tpu.memory_space<vmem_shared>>) target(%dma_start3A_249 : memref<128x16xf32, #tpu.memory_space<vmem>>) offsets(%dma_start3A_252 : memref<128xi32, #tpu.memory_space<vmem>>) semaphore(%dma_start3A_257 : memref<!tpu.dma_semaphore, #tpu.memory_space<semaphore_mem>>)
      } else {
      }
      %mul3A_218 = arith.constant 4 : i32
      %mul3A_219 = arith.muli %while3A_141, %mul3A_218 : i32
      %add3A_220 = arith.constant 3 : i32
      %add3A_221 = arith.addi %mul3A_219, %add3A_220 : i32
      %dma_wait3A_222 = arith.constant 0 : i32
      %dma_wait3A_223 = arith.constant 3 : i32
      %dma_wait3A_224 = arith.constant 3 : i32
      %dma_wait3A_225 = arith.constant 0 : i32
      %dma_wait3A_226 = arith.constant 0 : i32
      %dma_wait3A_227 = tpu.memref_slice %arg7[%dma_wait3A_223, %dma_wait3A_225, %dma_wait3A_226] : memref<4x128x16xf32, #tpu.memory_space<vmem>> -> memref<1x128x16xf32, #tpu.memory_space<vmem>>
      %dma_wait3A_228 = tpu.memref_squeeze %dma_wait3A_227 : memref<1x128x16xf32, #tpu.memory_space<vmem>> -> memref<128x16xf32, #tpu.memory_space<vmem>>
      %dma_wait3A_229 = arith.constant 0 : i32
      %dma_wait3A_230 = tpu.memref_slice %arg5[%dma_wait3A_222, %dma_wait3A_229] : memref<80x128xi32, #tpu.memory_space<vmem>> -> memref<1x128xi32, #tpu.memory_space<vmem>>
      %dma_wait3A_231 = tpu.memref_squeeze %dma_wait3A_230 : memref<1x128xi32, #tpu.memory_space<vmem>> -> memref<128xi32, #tpu.memory_space<vmem>>
      %dma_wait3A_232 = arith.constant 0 : i32
      %dma_wait3A_233 = arith.constant 0 : i32
      %dma_wait3A_234 = tpu.memref_slice %arg9[%dma_wait3A_232, %dma_wait3A_233] : memref<10240x16xf32, #tpu.memory_space<vmem_shared>> -> memref<10240x16xf32, #tpu.memory_space<vmem_shared>>
      %dma_wait3A_235 = tpu.memref_slice %arg10[%dma_wait3A_224] : memref<4x!tpu.dma_semaphore, #tpu.memory_space<semaphore_mem>> -> memref<1x!tpu.dma_semaphore, #tpu.memory_space<semaphore_mem>>
      %dma_wait3A_236 = tpu.memref_squeeze %dma_wait3A_235 : memref<1x!tpu.dma_semaphore, #tpu.memory_space<semaphore_mem>> -> memref<!tpu.dma_semaphore, #tpu.memory_space<semaphore_mem>>
      tpu.wait_indirect_dma semaphore(%dma_wait3A_236 : memref<!tpu.dma_semaphore, #tpu.memory_space<semaphore_mem>>) src(%dma_wait3A_234 : memref<10240x16xf32, #tpu.memory_space<vmem_shared>>) dst(%dma_wait3A_228 : memref<128x16xf32, #tpu.memory_space<vmem>>)
      %run_scoped3A_237 = arith.constant 3 : i32
      "tpu.region"() ({
        %run_scoped3A_244 = tpu.sem_alloc : memref<!tpu.dma_semaphore, #tpu.memory_space<semaphore_mem>>
        %dma_start3A_245 = arith.constant 0 : i32
        %dma_start3A_246 = arith.constant 0 : i32
        %dma_start3A_247 = tpu.memref_slice %arg7[%run_scoped3A_237, %dma_start3A_245, %dma_start3A_246] : memref<4x128x16xf32, #tpu.memory_space<vmem>> -> memref<1x128x16xf32, #tpu.memory_space<vmem>>
        %dma_start3A_248 = tpu.memref_squeeze %dma_start3A_247 : memref<1x128x16xf32, #tpu.memory_space<vmem>> -> memref<128x16xf32, #tpu.memory_space<vmem>>
        %dma_start3A_249 = arith.constant 0 : i32
        %dma_start3A_250 = tpu.memref_slice %arg6[%add3A_221, %dma_start3A_249] : memref<80x128xi32, #tpu.memory_space<vmem>> -> memref<1x128xi32, #tpu.memory_space<vmem>>
        %dma_start3A_251 = tpu.memref_squeeze %dma_start3A_250 : memref<1x128xi32, #tpu.memory_space<vmem>> -> memref<128xi32, #tpu.memory_space<vmem>>
        %dma_start3A_252 = arith.constant 0 : i32
        %dma_start3A_253 = arith.constant 0 : i32
        %dma_start3A_254 = tpu.memref_slice %arg8[%dma_start3A_252, %dma_start3A_253] : memref<10240x16xf32, #tpu.memory_space<vmem_shared>> -> memref<10240x16xf32, #tpu.memory_space<vmem_shared>>
        tpu.enqueue_indirect_dma source(%dma_start3A_248 : memref<128x16xf32, #tpu.memory_space<vmem>>) target(%dma_start3A_254 : memref<10240x16xf32, #tpu.memory_space<vmem_shared>>) offsets(%dma_start3A_251 : memref<128xi32, #tpu.memory_space<vmem>>) semaphore(%run_scoped3A_244 : memref<!tpu.dma_semaphore, #tpu.memory_space<semaphore_mem>>) {add = true}
        %dma_wait3A_255 = arith.constant 0 : i32
        %dma_wait3A_256 = arith.constant 0 : i32
        %dma_wait3A_257 = tpu.memref_slice %arg7[%run_scoped3A_237, %dma_wait3A_255, %dma_wait3A_256] : memref<4x128x16xf32, #tpu.memory_space<vmem>> -> memref<1x128x16xf32, #tpu.memory_space<vmem>>
        %dma_wait3A_258 = tpu.memref_squeeze %dma_wait3A_257 : memref<1x128x16xf32, #tpu.memory_space<vmem>> -> memref<128x16xf32, #tpu.memory_space<vmem>>
        %dma_wait3A_259 = arith.constant 0 : i32
        %dma_wait3A_260 = tpu.memref_slice %arg6[%add3A_221, %dma_wait3A_259] : memref<80x128xi32, #tpu.memory_space<vmem>> -> memref<1x128xi32, #tpu.memory_space<vmem>>
        %dma_wait3A_261 = tpu.memref_squeeze %dma_wait3A_260 : memref<1x128xi32, #tpu.memory_space<vmem>> -> memref<128xi32, #tpu.memory_space<vmem>>
        %dma_wait3A_262 = arith.constant 0 : i32
        %dma_wait3A_263 = arith.constant 0 : i32
        %dma_wait3A_264 = tpu.memref_slice %arg8[%dma_wait3A_262, %dma_wait3A_263] : memref<10240x16xf32, #tpu.memory_space<vmem_shared>> -> memref<10240x16xf32, #tpu.memory_space<vmem_shared>>
        tpu.wait_indirect_dma semaphore(%run_scoped3A_244 : memref<!tpu.dma_semaphore, #tpu.memory_space<semaphore_mem>>) src(%dma_wait3A_258 : memref<128x16xf32, #tpu.memory_space<vmem>>) dst(%dma_wait3A_264 : memref<10240x16xf32, #tpu.memory_space<vmem_shared>>)
        tpu.yield
      }) : () -> ()
      %add3A_238 = arith.constant 4 : i32
      %add3A_239 = arith.addi %add3A_221, %add3A_238 : i32
      %lt3A_240 = arith.cmpi slt, %add3A_239, %select_n3A_8 : i32
      %convert_element_type3A_241 = arith.extui %lt3A_240 : i1 to i32
      %cond3A_242 = arith.constant 0 : i32
      %cond3A_243 = arith.cmpi ne, %convert_element_type3A_241, %cond3A_242 : i32
      scf.if %cond3A_243 {
        %dma_start3A_244 = arith.constant 3 : i32
        %dma_start3A_245 = arith.constant 3 : i32
        %dma_start3A_246 = arith.constant 0 : i32
        %dma_start3A_247 = arith.constant 0 : i32
        %dma_start3A_248 = tpu.memref_slice %arg7[%dma_start3A_244, %dma_start3A_246, %dma_start3A_247] : memref<4x128x16xf32, #tpu.memory_space<vmem>> -> memref<1x128x16xf32, #tpu.memory_space<vmem>>
        %dma_start3A_249 = tpu.memref_squeeze %dma_start3A_248 : memref<1x128x16xf32, #tpu.memory_space<vmem>> -> memref<128x16xf32, #tpu.memory_space<vmem>>
        %dma_start3A_250 = arith.constant 0 : i32
        %dma_start3A_251 = tpu.memref_slice %arg5[%add3A_239, %dma_start3A_250] : memref<80x128xi32, #tpu.memory_space<vmem>> -> memref<1x128xi32, #tpu.memory_space<vmem>>
        %dma_start3A_252 = tpu.memref_squeeze %dma_start3A_251 : memref<1x128xi32, #tpu.memory_space<vmem>> -> memref<128xi32, #tpu.memory_space<vmem>>
        %dma_start3A_253 = arith.constant 0 : i32
        %dma_start3A_254 = arith.constant 0 : i32
        %dma_start3A_255 = tpu.memref_slice %arg9[%dma_start3A_253, %dma_start3A_254] : memref<10240x16xf32, #tpu.memory_space<vmem_shared>> -> memref<10240x16xf32, #tpu.memory_space<vmem_shared>>
        %dma_start3A_256 = tpu.memref_slice %arg10[%dma_start3A_245] : memref<4x!tpu.dma_semaphore, #tpu.memory_space<semaphore_mem>> -> memref<1x!tpu.dma_semaphore, #tpu.memory_space<semaphore_mem>>
        %dma_start3A_257 = tpu.memref_squeeze %dma_start3A_256 : memref<1x!tpu.dma_semaphore, #tpu.memory_space<semaphore_mem>> -> memref<!tpu.dma_semaphore, #tpu.memory_space<semaphore_mem>>
        tpu.enqueue_indirect_dma source(%dma_start3A_255 : memref<10240x16xf32, #tpu.memory_space<vmem_shared>>) target(%dma_start3A_249 : memref<128x16xf32, #tpu.memory_space<vmem>>) offsets(%dma_start3A_252 : memref<128xi32, #tpu.memory_space<vmem>>) semaphore(%dma_start3A_257 : memref<!tpu.dma_semaphore, #tpu.memory_space<semaphore_mem>>)
      } else {
      }
    }
    %while3A_135 = arith.constant 1 : i32
    scf.for %while3A_141 = %while3A_133 to %while3A_129 step %while3A_135  : i32 {
      %mul3A_142 = arith.constant 4 : i32
      %mul3A_143 = arith.muli %while3A_141, %mul3A_142 : i32
      %add3A_144 = arith.constant 0 : i32
      %add3A_145 = arith.addi %mul3A_143, %add3A_144 : i32
      %dma_wait3A = arith.constant 0 : i32
      %dma_wait3A_146 = arith.constant 0 : i32
      %dma_wait3A_147 = arith.constant 0 : i32
      %dma_wait3A_148 = arith.constant 0 : i32
      %dma_wait3A_149 = arith.constant 0 : i32
      %dma_wait3A_150 = tpu.memref_slice %arg7[%dma_wait3A_146, %dma_wait3A_148, %dma_wait3A_149] : memref<4x128x16xf32, #tpu.memory_space<vmem>> -> memref<1x128x16xf32, #tpu.memory_space<vmem>>
      %dma_wait3A_151 = tpu.memref_squeeze %dma_wait3A_150 : memref<1x128x16xf32, #tpu.memory_space<vmem>> -> memref<128x16xf32, #tpu.memory_space<vmem>>
      %dma_wait3A_152 = arith.constant 0 : i32
      %dma_wait3A_153 = tpu.memref_slice %arg5[%dma_wait3A, %dma_wait3A_152] : memref<80x128xi32, #tpu.memory_space<vmem>> -> memref<1x128xi32, #tpu.memory_space<vmem>>
      %dma_wait3A_154 = tpu.memref_squeeze %dma_wait3A_153 : memref<1x128xi32, #tpu.memory_space<vmem>> -> memref<128xi32, #tpu.memory_space<vmem>>
      %dma_wait3A_155 = arith.constant 0 : i32
      %dma_wait3A_156 = arith.constant 0 : i32
      %dma_wait3A_157 = tpu.memref_slice %arg9[%dma_wait3A_155, %dma_wait3A_156] : memref<10240x16xf32, #tpu.memory_space<vmem_shared>> -> memref<10240x16xf32, #tpu.memory_space<vmem_shared>>
      %dma_wait3A_158 = tpu.memref_slice %arg10[%dma_wait3A_147] : memref<4x!tpu.dma_semaphore, #tpu.memory_space<semaphore_mem>> -> memref<1x!tpu.dma_semaphore, #tpu.memory_space<semaphore_mem>>
      %dma_wait3A_159 = tpu.memref_squeeze %dma_wait3A_158 : memref<1x!tpu.dma_semaphore, #tpu.memory_space<semaphore_mem>> -> memref<!tpu.dma_semaphore, #tpu.memory_space<semaphore_mem>>
      tpu.wait_indirect_dma semaphore(%dma_wait3A_159 : memref<!tpu.dma_semaphore, #tpu.memory_space<semaphore_mem>>) src(%dma_wait3A_157 : memref<10240x16xf32, #tpu.memory_space<vmem_shared>>) dst(%dma_wait3A_151 : memref<128x16xf32, #tpu.memory_space<vmem>>)
      %run_scoped3A_160 = arith.constant 0 : i32
      "tpu.region"() ({
        %run_scoped3A_244 = tpu.sem_alloc : memref<!tpu.dma_semaphore, #tpu.memory_space<semaphore_mem>>
        %dma_start3A_245 = arith.constant 0 : i32
        %dma_start3A_246 = arith.constant 0 : i32
        %dma_start3A_247 = tpu.memref_slice %arg7[%run_scoped3A_160, %dma_start3A_245, %dma_start3A_246] : memref<4x128x16xf32, #tpu.memory_space<vmem>> -> memref<1x128x16xf32, #tpu.memory_space<vmem>>
        %dma_start3A_248 = tpu.memref_squeeze %dma_start3A_247 : memref<1x128x16xf32, #tpu.memory_space<vmem>> -> memref<128x16xf32, #tpu.memory_space<vmem>>
        %dma_start3A_249 = arith.constant 0 : i32
        %dma_start3A_250 = tpu.memref_slice %arg6[%add3A_145, %dma_start3A_249] : memref<80x128xi32, #tpu.memory_space<vmem>> -> memref<1x128xi32, #tpu.memory_space<vmem>>
        %dma_start3A_251 = tpu.memref_squeeze %dma_start3A_250 : memref<1x128xi32, #tpu.memory_space<vmem>> -> memref<128xi32, #tpu.memory_space<vmem>>
        %dma_start3A_252 = arith.constant 0 : i32
        %dma_start3A_253 = arith.constant 0 : i32
        %dma_start3A_254 = tpu.memref_slice %arg8[%dma_start3A_252, %dma_start3A_253] : memref<10240x16xf32, #tpu.memory_space<vmem_shared>> -> memref<10240x16xf32, #tpu.memory_space<vmem_shared>>
        tpu.enqueue_indirect_dma source(%dma_start3A_248 : memref<128x16xf32, #tpu.memory_space<vmem>>) target(%dma_start3A_254 : memref<10240x16xf32, #tpu.memory_space<vmem_shared>>) offsets(%dma_start3A_251 : memref<128xi32, #tpu.memory_space<vmem>>) semaphore(%run_scoped3A_244 : memref<!tpu.dma_semaphore, #tpu.memory_space<semaphore_mem>>) {add = true}
        %dma_wait3A_255 = arith.constant 0 : i32
        %dma_wait3A_256 = arith.constant 0 : i32
        %dma_wait3A_257 = tpu.memref_slice %arg7[%run_scoped3A_160, %dma_wait3A_255, %dma_wait3A_256] : memref<4x128x16xf32, #tpu.memory_space<vmem>> -> memref<1x128x16xf32, #tpu.memory_space<vmem>>
        %dma_wait3A_258 = tpu.memref_squeeze %dma_wait3A_257 : memref<1x128x16xf32, #tpu.memory_space<vmem>> -> memref<128x16xf32, #tpu.memory_space<vmem>>
        %dma_wait3A_259 = arith.constant 0 : i32
        %dma_wait3A_260 = tpu.memref_slice %arg6[%add3A_145, %dma_wait3A_259] : memref<80x128xi32, #tpu.memory_space<vmem>> -> memref<1x128xi32, #tpu.memory_space<vmem>>
        %dma_wait3A_261 = tpu.memref_squeeze %dma_wait3A_260 : memref<1x128xi32, #tpu.memory_space<vmem>> -> memref<128xi32, #tpu.memory_space<vmem>>
        %dma_wait3A_262 = arith.constant 0 : i32
        %dma_wait3A_263 = arith.constant 0 : i32
        %dma_wait3A_264 = tpu.memref_slice %arg8[%dma_wait3A_262, %dma_wait3A_263] : memref<10240x16xf32, #tpu.memory_space<vmem_shared>> -> memref<10240x16xf32, #tpu.memory_space<vmem_shared>>
        tpu.wait_indirect_dma semaphore(%run_scoped3A_244 : memref<!tpu.dma_semaphore, #tpu.memory_space<semaphore_mem>>) src(%dma_wait3A_258 : memref<128x16xf32, #tpu.memory_space<vmem>>) dst(%dma_wait3A_264 : memref<10240x16xf32, #tpu.memory_space<vmem_shared>>)
        tpu.yield
      }) : () -> ()
      %add3A_161 = arith.constant 4 : i32
      %add3A_162 = arith.addi %add3A_145, %add3A_161 : i32
      %lt3A = arith.cmpi slt, %add3A_162, %select_n3A_8 : i32
      %convert_element_type3A_163 = arith.extui %lt3A : i1 to i32
      %cond3A_164 = arith.constant 0 : i32
      %cond3A_165 = arith.cmpi ne, %convert_element_type3A_163, %cond3A_164 : i32
      scf.if %cond3A_165 {
        %dma_start3A_244 = arith.constant 0 : i32
        %dma_start3A_245 = arith.constant 0 : i32
        %dma_start3A_246 = arith.constant 0 : i32
        %dma_start3A_247 = arith.constant 0 : i32
        %dma_start3A_248 = tpu.memref_slice %arg7[%dma_start3A_244, %dma_start3A_246, %dma_start3A_247] : memref<4x128x16xf32, #tpu.memory_space<vmem>> -> memref<1x128x16xf32, #tpu.memory_space<vmem>>
        %dma_start3A_249 = tpu.memref_squeeze %dma_start3A_248 : memref<1x128x16xf32, #tpu.memory_space<vmem>> -> memref<128x16xf32, #tpu.memory_space<vmem>>
        %dma_start3A_250 = arith.constant 0 : i32
        %dma_start3A_251 = tpu.memref_slice %arg5[%add3A_162, %dma_start3A_250] : memref<80x128xi32, #tpu.memory_space<vmem>> -> memref<1x128xi32, #tpu.memory_space<vmem>>
        %dma_start3A_252 = tpu.memref_squeeze %dma_start3A_251 : memref<1x128xi32, #tpu.memory_space<vmem>> -> memref<128xi32, #tpu.memory_space<vmem>>
        %dma_start3A_253 = arith.constant 0 : i32
        %dma_start3A_254 = arith.constant 0 : i32
        %dma_start3A_255 = tpu.memref_slice %arg9[%dma_start3A_253, %dma_start3A_254] : memref<10240x16xf32, #tpu.memory_space<vmem_shared>> -> memref<10240x16xf32, #tpu.memory_space<vmem_shared>>
        %dma_start3A_256 = tpu.memref_slice %arg10[%dma_start3A_245] : memref<4x!tpu.dma_semaphore, #tpu.memory_space<semaphore_mem>> -> memref<1x!tpu.dma_semaphore, #tpu.memory_space<semaphore_mem>>
        %dma_start3A_257 = tpu.memref_squeeze %dma_start3A_256 : memref<1x!tpu.dma_semaphore, #tpu.memory_space<semaphore_mem>> -> memref<!tpu.dma_semaphore, #tpu.memory_space<semaphore_mem>>
        tpu.enqueue_indirect_dma source(%dma_start3A_255 : memref<10240x16xf32, #tpu.memory_space<vmem_shared>>) target(%dma_start3A_249 : memref<128x16xf32, #tpu.memory_space<vmem>>) offsets(%dma_start3A_252 : memref<128xi32, #tpu.memory_space<vmem>>) semaphore(%dma_start3A_257 : memref<!tpu.dma_semaphore, #tpu.memory_space<semaphore_mem>>)
      } else {
      }
      %mul3A_166 = arith.constant 4 : i32
      %mul3A_167 = arith.muli %while3A_141, %mul3A_166 : i32
      %add3A_168 = arith.constant 1 : i32
      %add3A_169 = arith.addi %mul3A_167, %add3A_168 : i32
      %dma_wait3A_170 = arith.constant 0 : i32
      %dma_wait3A_171 = arith.constant 1 : i32
      %dma_wait3A_172 = arith.constant 1 : i32
      %dma_wait3A_173 = arith.constant 0 : i32
      %dma_wait3A_174 = arith.constant 0 : i32
      %dma_wait3A_175 = tpu.memref_slice %arg7[%dma_wait3A_171, %dma_wait3A_173, %dma_wait3A_174] : memref<4x128x16xf32, #tpu.memory_space<vmem>> -> memref<1x128x16xf32, #tpu.memory_space<vmem>>
      %dma_wait3A_176 = tpu.memref_squeeze %dma_wait3A_175 : memref<1x128x16xf32, #tpu.memory_space<vmem>> -> memref<128x16xf32, #tpu.memory_space<vmem>>
      %dma_wait3A_177 = arith.constant 0 : i32
      %dma_wait3A_178 = tpu.memref_slice %arg5[%dma_wait3A_170, %dma_wait3A_177] : memref<80x128xi32, #tpu.memory_space<vmem>> -> memref<1x128xi32, #tpu.memory_space<vmem>>
      %dma_wait3A_179 = tpu.memref_squeeze %dma_wait3A_178 : memref<1x128xi32, #tpu.memory_space<vmem>> -> memref<128xi32, #tpu.memory_space<vmem>>
      %dma_wait3A_180 = arith.constant 0 : i32
      %dma_wait3A_181 = arith.constant 0 : i32
      %dma_wait3A_182 = tpu.memref_slice %arg9[%dma_wait3A_180, %dma_wait3A_181] : memref<10240x16xf32, #tpu.memory_space<vmem_shared>> -> memref<10240x16xf32, #tpu.memory_space<vmem_shared>>
      %dma_wait3A_183 = tpu.memref_slice %arg10[%dma_wait3A_172] : memref<4x!tpu.dma_semaphore, #tpu.memory_space<semaphore_mem>> -> memref<1x!tpu.dma_semaphore, #tpu.memory_space<semaphore_mem>>
      %dma_wait3A_184 = tpu.memref_squeeze %dma_wait3A_183 : memref<1x!tpu.dma_semaphore, #tpu.memory_space<semaphore_mem>> -> memref<!tpu.dma_semaphore, #tpu.memory_space<semaphore_mem>>
      tpu.wait_indirect_dma semaphore(%dma_wait3A_184 : memref<!tpu.dma_semaphore, #tpu.memory_space<semaphore_mem>>) src(%dma_wait3A_182 : memref<10240x16xf32, #tpu.memory_space<vmem_shared>>) dst(%dma_wait3A_176 : memref<128x16xf32, #tpu.memory_space<vmem>>)
      %run_scoped3A_185 = arith.constant 1 : i32
      "tpu.region"() ({
        %run_scoped3A_244 = tpu.sem_alloc : memref<!tpu.dma_semaphore, #tpu.memory_space<semaphore_mem>>
        %dma_start3A_245 = arith.constant 0 : i32
        %dma_start3A_246 = arith.constant 0 : i32
        %dma_start3A_247 = tpu.memref_slice %arg7[%run_scoped3A_185, %dma_start3A_245, %dma_start3A_246] : memref<4x128x16xf32, #tpu.memory_space<vmem>> -> memref<1x128x16xf32, #tpu.memory_space<vmem>>
        %dma_start3A_248 = tpu.memref_squeeze %dma_start3A_247 : memref<1x128x16xf32, #tpu.memory_space<vmem>> -> memref<128x16xf32, #tpu.memory_space<vmem>>
        %dma_start3A_249 = arith.constant 0 : i32
        %dma_start3A_250 = tpu.memref_slice %arg6[%add3A_169, %dma_start3A_249] : memref<80x128xi32, #tpu.memory_space<vmem>> -> memref<1x128xi32, #tpu.memory_space<vmem>>
        %dma_start3A_251 = tpu.memref_squeeze %dma_start3A_250 : memref<1x128xi32, #tpu.memory_space<vmem>> -> memref<128xi32, #tpu.memory_space<vmem>>
        %dma_start3A_252 = arith.constant 0 : i32
        %dma_start3A_253 = arith.constant 0 : i32
        %dma_start3A_254 = tpu.memref_slice %arg8[%dma_start3A_252, %dma_start3A_253] : memref<10240x16xf32, #tpu.memory_space<vmem_shared>> -> memref<10240x16xf32, #tpu.memory_space<vmem_shared>>
        tpu.enqueue_indirect_dma source(%dma_start3A_248 : memref<128x16xf32, #tpu.memory_space<vmem>>) target(%dma_start3A_254 : memref<10240x16xf32, #tpu.memory_space<vmem_shared>>) offsets(%dma_start3A_251 : memref<128xi32, #tpu.memory_space<vmem>>) semaphore(%run_scoped3A_244 : memref<!tpu.dma_semaphore, #tpu.memory_space<semaphore_mem>>) {add = true}
        %dma_wait3A_255 = arith.constant 0 : i32
        %dma_wait3A_256 = arith.constant 0 : i32
        %dma_wait3A_257 = tpu.memref_slice %arg7[%run_scoped3A_185, %dma_wait3A_255, %dma_wait3A_256] : memref<4x128x16xf32, #tpu.memory_space<vmem>> -> memref<1x128x16xf32, #tpu.memory_space<vmem>>
        %dma_wait3A_258 = tpu.memref_squeeze %dma_wait3A_257 : memref<1x128x16xf32, #tpu.memory_space<vmem>> -> memref<128x16xf32, #tpu.memory_space<vmem>>
        %dma_wait3A_259 = arith.constant 0 : i32
        %dma_wait3A_260 = tpu.memref_slice %arg6[%add3A_169, %dma_wait3A_259] : memref<80x128xi32, #tpu.memory_space<vmem>> -> memref<1x128xi32, #tpu.memory_space<vmem>>
        %dma_wait3A_261 = tpu.memref_squeeze %dma_wait3A_260 : memref<1x128xi32, #tpu.memory_space<vmem>> -> memref<128xi32, #tpu.memory_space<vmem>>
        %dma_wait3A_262 = arith.constant 0 : i32
        %dma_wait3A_263 = arith.constant 0 : i32
        %dma_wait3A_264 = tpu.memref_slice %arg8[%dma_wait3A_262, %dma_wait3A_263] : memref<10240x16xf32, #tpu.memory_space<vmem_shared>> -> memref<10240x16xf32, #tpu.memory_space<vmem_shared>>
        tpu.wait_indirect_dma semaphore(%run_scoped3A_244 : memref<!tpu.dma_semaphore, #tpu.memory_space<semaphore_mem>>) src(%dma_wait3A_258 : memref<128x16xf32, #tpu.memory_space<vmem>>) dst(%dma_wait3A_264 : memref<10240x16xf32, #tpu.memory_space<vmem_shared>>)
        tpu.yield
      }) : () -> ()
      %add3A_186 = arith.constant 4 : i32
      %add3A_187 = arith.addi %add3A_169, %add3A_186 : i32
      %lt3A_188 = arith.cmpi slt, %add3A_187, %select_n3A_8 : i32
      %convert_element_type3A_189 = arith.extui %lt3A_188 : i1 to i32
      %cond3A_190 = arith.constant 0 : i32
      %cond3A_191 = arith.cmpi ne, %convert_element_type3A_189, %cond3A_190 : i32
      scf.if %cond3A_191 {
        %dma_start3A_244 = arith.constant 1 : i32
        %dma_start3A_245 = arith.constant 1 : i32
        %dma_start3A_246 = arith.constant 0 : i32
        %dma_start3A_247 = arith.constant 0 : i32
        %dma_start3A_248 = tpu.memref_slice %arg7[%dma_start3A_244, %dma_start3A_246, %dma_start3A_247] : memref<4x128x16xf32, #tpu.memory_space<vmem>> -> memref<1x128x16xf32, #tpu.memory_space<vmem>>
        %dma_start3A_249 = tpu.memref_squeeze %dma_start3A_248 : memref<1x128x16xf32, #tpu.memory_space<vmem>> -> memref<128x16xf32, #tpu.memory_space<vmem>>
        %dma_start3A_250 = arith.constant 0 : i32
        %dma_start3A_251 = tpu.memref_slice %arg5[%add3A_187, %dma_start3A_250] : memref<80x128xi32, #tpu.memory_space<vmem>> -> memref<1x128xi32, #tpu.memory_space<vmem>>
        %dma_start3A_252 = tpu.memref_squeeze %dma_start3A_251 : memref<1x128xi32, #tpu.memory_space<vmem>> -> memref<128xi32, #tpu.memory_space<vmem>>
        %dma_start3A_253 = arith.constant 0 : i32
        %dma_start3A_254 = arith.constant 0 : i32
        %dma_start3A_255 = tpu.memref_slice %arg9[%dma_start3A_253, %dma_start3A_254] : memref<10240x16xf32, #tpu.memory_space<vmem_shared>> -> memref<10240x16xf32, #tpu.memory_space<vmem_shared>>
        %dma_start3A_256 = tpu.memref_slice %arg10[%dma_start3A_245] : memref<4x!tpu.dma_semaphore, #tpu.memory_space<semaphore_mem>> -> memref<1x!tpu.dma_semaphore, #tpu.memory_space<semaphore_mem>>
        %dma_start3A_257 = tpu.memref_squeeze %dma_start3A_256 : memref<1x!tpu.dma_semaphore, #tpu.memory_space<semaphore_mem>> -> memref<!tpu.dma_semaphore, #tpu.memory_space<semaphore_mem>>
        tpu.enqueue_indirect_dma source(%dma_start3A_255 : memref<10240x16xf32, #tpu.memory_space<vmem_shared>>) target(%dma_start3A_249 : memref<128x16xf32, #tpu.memory_space<vmem>>) offsets(%dma_start3A_252 : memref<128xi32, #tpu.memory_space<vmem>>) semaphore(%dma_start3A_257 : memref<!tpu.dma_semaphore, #tpu.memory_space<semaphore_mem>>)
      } else {
      }
      %mul3A_192 = arith.constant 4 : i32
      %mul3A_193 = arith.muli %while3A_141, %mul3A_192 : i32
      %add3A_194 = arith.constant 2 : i32
      %add3A_195 = arith.addi %mul3A_193, %add3A_194 : i32
      %dma_wait3A_196 = arith.constant 0 : i32
      %dma_wait3A_197 = arith.constant 2 : i32
      %dma_wait3A_198 = arith.constant 2 : i32
      %dma_wait3A_199 = arith.constant 0 : i32
      %dma_wait3A_200 = arith.constant 0 : i32
      %dma_wait3A_201 = tpu.memref_slice %arg7[%dma_wait3A_197, %dma_wait3A_199, %dma_wait3A_200] : memref<4x128x16xf32, #tpu.memory_space<vmem>> -> memref<1x128x16xf32, #tpu.memory_space<vmem>>
      %dma_wait3A_202 = tpu.memref_squeeze %dma_wait3A_201 : memref<1x128x16xf32, #tpu.memory_space<vmem>> -> memref<128x16xf32, #tpu.memory_space<vmem>>
      %dma_wait3A_203 = arith.constant 0 : i32
      %dma_wait3A_204 = tpu.memref_slice %arg5[%dma_wait3A_196, %dma_wait3A_203] : memref<80x128xi32, #tpu.memory_space<vmem>> -> memref<1x128xi32, #tpu.memory_space<vmem>>
      %dma_wait3A_205 = tpu.memref_squeeze %dma_wait3A_204 : memref<1x128xi32, #tpu.memory_space<vmem>> -> memref<128xi32, #tpu.memory_space<vmem>>
      %dma_wait3A_206 = arith.constant 0 : i32
      %dma_wait3A_207 = arith.constant 0 : i32
      %dma_wait3A_208 = tpu.memref_slice %arg9[%dma_wait3A_206, %dma_wait3A_207] : memref<10240x16xf32, #tpu.memory_space<vmem_shared>> -> memref<10240x16xf32, #tpu.memory_space<vmem_shared>>
      %dma_wait3A_209 = tpu.memref_slice %arg10[%dma_wait3A_198] : memref<4x!tpu.dma_semaphore, #tpu.memory_space<semaphore_mem>> -> memref<1x!tpu.dma_semaphore, #tpu.memory_space<semaphore_mem>>
      %dma_wait3A_210 = tpu.memref_squeeze %dma_wait3A_209 : memref<1x!tpu.dma_semaphore, #tpu.memory_space<semaphore_mem>> -> memref<!tpu.dma_semaphore, #tpu.memory_space<semaphore_mem>>
      tpu.wait_indirect_dma semaphore(%dma_wait3A_210 : memref<!tpu.dma_semaphore, #tpu.memory_space<semaphore_mem>>) src(%dma_wait3A_208 : memref<10240x16xf32, #tpu.memory_space<vmem_shared>>) dst(%dma_wait3A_202 : memref<128x16xf32, #tpu.memory_space<vmem>>)
      %run_scoped3A_211 = arith.constant 2 : i32
      "tpu.region"() ({
        %run_scoped3A_244 = tpu.sem_alloc : memref<!tpu.dma_semaphore, #tpu.memory_space<semaphore_mem>>
        %dma_start3A_245 = arith.constant 0 : i32
        %dma_start3A_246 = arith.constant 0 : i32
        %dma_start3A_247 = tpu.memref_slice %arg7[%run_scoped3A_211, %dma_start3A_245, %dma_start3A_246] : memref<4x128x16xf32, #tpu.memory_space<vmem>> -> memref<1x128x16xf32, #tpu.memory_space<vmem>>
        %dma_start3A_248 = tpu.memref_squeeze %dma_start3A_247 : memref<1x128x16xf32, #tpu.memory_space<vmem>> -> memref<128x16xf32, #tpu.memory_space<vmem>>
        %dma_start3A_249 = arith.constant 0 : i32
        %dma_start3A_250 = tpu.memref_slice %arg6[%add3A_195, %dma_start3A_249] : memref<80x128xi32, #tpu.memory_space<vmem>> -> memref<1x128xi32, #tpu.memory_space<vmem>>
        %dma_start3A_251 = tpu.memref_squeeze %dma_start3A_250 : memref<1x128xi32, #tpu.memory_space<vmem>> -> memref<128xi32, #tpu.memory_space<vmem>>
        %dma_start3A_252 = arith.constant 0 : i32
        %dma_start3A_253 = arith.constant 0 : i32
        %dma_start3A_254 = tpu.memref_slice %arg8[%dma_start3A_252, %dma_start3A_253] : memref<10240x16xf32, #tpu.memory_space<vmem_shared>> -> memref<10240x16xf32, #tpu.memory_space<vmem_shared>>
        tpu.enqueue_indirect_dma source(%dma_start3A_248 : memref<128x16xf32, #tpu.memory_space<vmem>>) target(%dma_start3A_254 : memref<10240x16xf32, #tpu.memory_space<vmem_shared>>) offsets(%dma_start3A_251 : memref<128xi32, #tpu.memory_space<vmem>>) semaphore(%run_scoped3A_244 : memref<!tpu.dma_semaphore, #tpu.memory_space<semaphore_mem>>) {add = true}
        %dma_wait3A_255 = arith.constant 0 : i32
        %dma_wait3A_256 = arith.constant 0 : i32
        %dma_wait3A_257 = tpu.memref_slice %arg7[%run_scoped3A_211, %dma_wait3A_255, %dma_wait3A_256] : memref<4x128x16xf32, #tpu.memory_space<vmem>> -> memref<1x128x16xf32, #tpu.memory_space<vmem>>
        %dma_wait3A_258 = tpu.memref_squeeze %dma_wait3A_257 : memref<1x128x16xf32, #tpu.memory_space<vmem>> -> memref<128x16xf32, #tpu.memory_space<vmem>>
        %dma_wait3A_259 = arith.constant 0 : i32
        %dma_wait3A_260 = tpu.memref_slice %arg6[%add3A_195, %dma_wait3A_259] : memref<80x128xi32, #tpu.memory_space<vmem>> -> memref<1x128xi32, #tpu.memory_space<vmem>>
        %dma_wait3A_261 = tpu.memref_squeeze %dma_wait3A_260 : memref<1x128xi32, #tpu.memory_space<vmem>> -> memref<128xi32, #tpu.memory_space<vmem>>
        %dma_wait3A_262 = arith.constant 0 : i32
        %dma_wait3A_263 = arith.constant 0 : i32
        %dma_wait3A_264 = tpu.memref_slice %arg8[%dma_wait3A_262, %dma_wait3A_263] : memref<10240x16xf32, #tpu.memory_space<vmem_shared>> -> memref<10240x16xf32, #tpu.memory_space<vmem_shared>>
        tpu.wait_indirect_dma semaphore(%run_scoped3A_244 : memref<!tpu.dma_semaphore, #tpu.memory_space<semaphore_mem>>) src(%dma_wait3A_258 : memref<128x16xf32, #tpu.memory_space<vmem>>) dst(%dma_wait3A_264 : memref<10240x16xf32, #tpu.memory_space<vmem_shared>>)
        tpu.yield
      }) : () -> ()
      %add3A_212 = arith.constant 4 : i32
      %add3A_213 = arith.addi %add3A_195, %add3A_212 : i32
      %lt3A_214 = arith.cmpi slt, %add3A_213, %select_n3A_8 : i32
      %convert_element_type3A_215 = arith.extui %lt3A_214 : i1 to i32
      %cond3A_216 = arith.constant 0 : i32
      %cond3A_217 = arith.cmpi ne, %convert_element_type3A_215, %cond3A_216 : i32
      scf.if %cond3A_217 {
        %dma_start3A_244 = arith.constant 2 : i32
        %dma_start3A_245 = arith.constant 2 : i32
        %dma_start3A_246 = arith.constant 0 : i32
        %dma_start3A_247 = arith.constant 0 : i32
        %dma_start3A_248 = tpu.memref_slice %arg7[%dma_start3A_244, %dma_start3A_246, %dma_start3A_247] : memref<4x128x16xf32, #tpu.memory_space<vmem>> -> memref<1x128x16xf32, #tpu.memory_space<vmem>>
        %dma_start3A_249 = tpu.memref_squeeze %dma_start3A_248 : memref<1x128x16xf32, #tpu.memory_space<vmem>> -> memref<128x16xf32, #tpu.memory_space<vmem>>
        %dma_start3A_250 = arith.constant 0 : i32
        %dma_start3A_251 = tpu.memref_slice %arg5[%add3A_213, %dma_start3A_250] : memref<80x128xi32, #tpu.memory_space<vmem>> -> memref<1x128xi32, #tpu.memory_space<vmem>>
        %dma_start3A_252 = tpu.memref_squeeze %dma_start3A_251 : memref<1x128xi32, #tpu.memory_space<vmem>> -> memref<128xi32, #tpu.memory_space<vmem>>
        %dma_start3A_253 = arith.constant 0 : i32
        %dma_start3A_254 = arith.constant 0 : i32
        %dma_start3A_255 = tpu.memref_slice %arg9[%dma_start3A_253, %dma_start3A_254] : memref<10240x16xf32, #tpu.memory_space<vmem_shared>> -> memref<10240x16xf32, #tpu.memory_space<vmem_shared>>
        %dma_start3A_256 = tpu.memref_slice %arg10[%dma_start3A_245] : memref<4x!tpu.dma_semaphore, #tpu.memory_space<semaphore_mem>> -> memref<1x!tpu.dma_semaphore, #tpu.memory_space<semaphore_mem>>
        %dma_start3A_257 = tpu.memref_squeeze %dma_start3A_256 : memref<1x!tpu.dma_semaphore, #tpu.memory_space<semaphore_mem>> -> memref<!tpu.dma_semaphore, #tpu.memory_space<semaphore_mem>>
        tpu.enqueue_indirect_dma source(%dma_start3A_255 : memref<10240x16xf32, #tpu.memory_space<vmem_shared>>) target(%dma_start3A_249 : memref<128x16xf32, #tpu.memory_space<vmem>>) offsets(%dma_start3A_252 : memref<128xi32, #tpu.memory_space<vmem>>) semaphore(%dma_start3A_257 : memref<!tpu.dma_semaphore, #tpu.memory_space<semaphore_mem>>)
      } else {
      }
      %mul3A_218 = arith.constant 4 : i32
      %mul3A_219 = arith.muli %while3A_141, %mul3A_218 : i32
      %add3A_220 = arith.constant 3 : i32
      %add3A_221 = arith.addi %mul3A_219, %add3A_220 : i32
      %dma_wait3A_222 = arith.constant 0 : i32
      %dma_wait3A_223 = arith.constant 3 : i32
      %dma_wait3A_224 = arith.constant 3 : i32
      %dma_wait3A_225 = arith.constant 0 : i32
      %dma_wait3A_226 = arith.constant 0 : i32
      %dma_wait3A_227 = tpu.memref_slice %arg7[%dma_wait3A_223, %dma_wait3A_225, %dma_wait3A_226] : memref<4x128x16xf32, #tpu.memory_space<vmem>> -> memref<1x128x16xf32, #tpu.memory_space<vmem>>
      %dma_wait3A_228 = tpu.memref_squeeze %dma_wait3A_227 : memref<1x128x16xf32, #tpu.memory_space<vmem>> -> memref<128x16xf32, #tpu.memory_space<vmem>>
      %dma_wait3A_229 = arith.constant 0 : i32
      %dma_wait3A_230 = tpu.memref_slice %arg5[%dma_wait3A_222, %dma_wait3A_229] : memref<80x128xi32, #tpu.memory_space<vmem>> -> memref<1x128xi32, #tpu.memory_space<vmem>>
      %dma_wait3A_231 = tpu.memref_squeeze %dma_wait3A_230 : memref<1x128xi32, #tpu.memory_space<vmem>> -> memref<128xi32, #tpu.memory_space<vmem>>
      %dma_wait3A_232 = arith.constant 0 : i32
      %dma_wait3A_233 = arith.constant 0 : i32
      %dma_wait3A_234 = tpu.memref_slice %arg9[%dma_wait3A_232, %dma_wait3A_233] : memref<10240x16xf32, #tpu.memory_space<vmem_shared>> -> memref<10240x16xf32, #tpu.memory_space<vmem_shared>>
      %dma_wait3A_235 = tpu.memref_slice %arg10[%dma_wait3A_224] : memref<4x!tpu.dma_semaphore, #tpu.memory_space<semaphore_mem>> -> memref<1x!tpu.dma_semaphore, #tpu.memory_space<semaphore_mem>>
      %dma_wait3A_236 = tpu.memref_squeeze %dma_wait3A_235 : memref<1x!tpu.dma_semaphore, #tpu.memory_space<semaphore_mem>> -> memref<!tpu.dma_semaphore, #tpu.memory_space<semaphore_mem>>
      tpu.wait_indirect_dma semaphore(%dma_wait3A_236 : memref<!tpu.dma_semaphore, #tpu.memory_space<semaphore_mem>>) src(%dma_wait3A_234 : memref<10240x16xf32, #tpu.memory_space<vmem_shared>>) dst(%dma_wait3A_228 : memref<128x16xf32, #tpu.memory_space<vmem>>)
      %run_scoped3A_237 = arith.constant 3 : i32
      "tpu.region"() ({
        %run_scoped3A_244 = tpu.sem_alloc : memref<!tpu.dma_semaphore, #tpu.memory_space<semaphore_mem>>
        %dma_start3A_245 = arith.constant 0 : i32
        %dma_start3A_246 = arith.constant 0 : i32
        %dma_start3A_247 = tpu.memref_slice %arg7[%run_scoped3A_237, %dma_start3A_245, %dma_start3A_246] : memref<4x128x16xf32, #tpu.memory_space<vmem>> -> memref<1x128x16xf32, #tpu.memory_space<vmem>>
        %dma_start3A_248 = tpu.memref_squeeze %dma_start3A_247 : memref<1x128x16xf32, #tpu.memory_space<vmem>> -> memref<128x16xf32, #tpu.memory_space<vmem>>
        %dma_start3A_249 = arith.constant 0 : i32
        %dma_start3A_250 = tpu.memref_slice %arg6[%add3A_221, %dma_start3A_249] : memref<80x128xi32, #tpu.memory_space<vmem>> -> memref<1x128xi32, #tpu.memory_space<vmem>>
        %dma_start3A_251 = tpu.memref_squeeze %dma_start3A_250 : memref<1x128xi32, #tpu.memory_space<vmem>> -> memref<128xi32, #tpu.memory_space<vmem>>
        %dma_start3A_252 = arith.constant 0 : i32
        %dma_start3A_253 = arith.constant 0 : i32
        %dma_start3A_254 = tpu.memref_slice %arg8[%dma_start3A_252, %dma_start3A_253] : memref<10240x16xf32, #tpu.memory_space<vmem_shared>> -> memref<10240x16xf32, #tpu.memory_space<vmem_shared>>
        tpu.enqueue_indirect_dma source(%dma_start3A_248 : memref<128x16xf32, #tpu.memory_space<vmem>>) target(%dma_start3A_254 : memref<10240x16xf32, #tpu.memory_space<vmem_shared>>) offsets(%dma_start3A_251 : memref<128xi32, #tpu.memory_space<vmem>>) semaphore(%run_scoped3A_244 : memref<!tpu.dma_semaphore, #tpu.memory_space<semaphore_mem>>) {add = true}
        %dma_wait3A_255 = arith.constant 0 : i32
        %dma_wait3A_256 = arith.constant 0 : i32
        %dma_wait3A_257 = tpu.memref_slice %arg7[%run_scoped3A_237, %dma_wait3A_255, %dma_wait3A_256] : memref<4x128x16xf32, #tpu.memory_space<vmem>> -> memref<1x128x16xf32, #tpu.memory_space<vmem>>
        %dma_wait3A_258 = tpu.memref_squeeze %dma_wait3A_257 : memref<1x128x16xf32, #tpu.memory_space<vmem>> -> memref<128x16xf32, #tpu.memory_space<vmem>>
        %dma_wait3A_259 = arith.constant 0 : i32
        %dma_wait3A_260 = tpu.memref_slice %arg6[%add3A_221, %dma_wait3A_259] : memref<80x128xi32, #tpu.memory_space<vmem>> -> memref<1x128xi32, #tpu.memory_space<vmem>>
        %dma_wait3A_261 = tpu.memref_squeeze %dma_wait3A_260 : memref<1x128xi32, #tpu.memory_space<vmem>> -> memref<128xi32, #tpu.memory_space<vmem>>
        %dma_wait3A_262 = arith.constant 0 : i32
        %dma_wait3A_263 = arith.constant 0 : i32
        %dma_wait3A_264 = tpu.memref_slice %arg8[%dma_wait3A_262, %dma_wait3A_263] : memref<10240x16xf32, #tpu.memory_space<vmem_shared>> -> memref<10240x16xf32, #tpu.memory_space<vmem_shared>>
        tpu.wait_indirect_dma semaphore(%run_scoped3A_244 : memref<!tpu.dma_semaphore, #tpu.memory_space<semaphore_mem>>) src(%dma_wait3A_258 : memref<128x16xf32, #tpu.memory_space<vmem>>) dst(%dma_wait3A_264 : memref<10240x16xf32, #tpu.memory_space<vmem_shared>>)
        tpu.yield
      }) : () -> ()
      %add3A_238 = arith.constant 4 : i32
      %add3A_239 = arith.addi %add3A_221, %add3A_238 : i32
      %lt3A_240 = arith.cmpi slt, %add3A_239, %select_n3A_8 : i32
      %convert_element_type3A_241 = arith.extui %lt3A_240 : i1 to i32
      %cond3A_242 = arith.constant 0 : i32
      %cond3A_243 = arith.cmpi ne, %convert_element_type3A_241, %cond3A_242 : i32
      scf.if %cond3A_243 {
        %dma_start3A_244 = arith.constant 3 : i32
        %dma_start3A_245 = arith.constant 3 : i32
        %dma_start3A_246 = arith.constant 0 : i32
        %dma_start3A_247 = arith.constant 0 : i32
        %dma_start3A_248 = tpu.memref_slice %arg7[%dma_start3A_244, %dma_start3A_246, %dma_start3A_247] : memref<4x128x16xf32, #tpu.memory_space<vmem>> -> memref<1x128x16xf32, #tpu.memory_space<vmem>>
        %dma_start3A_249 = tpu.memref_squeeze %dma_start3A_248 : memref<1x128x16xf32, #tpu.memory_space<vmem>> -> memref<128x16xf32, #tpu.memory_space<vmem>>
        %dma_start3A_250 = arith.constant 0 : i32
        %dma_start3A_251 = tpu.memref_slice %arg5[%add3A_239, %dma_start3A_250] : memref<80x128xi32, #tpu.memory_space<vmem>> -> memref<1x128xi32, #tpu.memory_space<vmem>>
        %dma_start3A_252 = tpu.memref_squeeze %dma_start3A_251 : memref<1x128xi32, #tpu.memory_space<vmem>> -> memref<128xi32, #tpu.memory_space<vmem>>
        %dma_start3A_253 = arith.constant 0 : i32
        %dma_start3A_254 = arith.constant 0 : i32
        %dma_start3A_255 = tpu.memref_slice %arg9[%dma_start3A_253, %dma_start3A_254] : memref<10240x16xf32, #tpu.memory_space<vmem_shared>> -> memref<10240x16xf32, #tpu.memory_space<vmem_shared>>
        %dma_start3A_256 = tpu.memref_slice %arg10[%dma_start3A_245] : memref<4x!tpu.dma_semaphore, #tpu.memory_space<semaphore_mem>> -> memref<1x!tpu.dma_semaphore, #tpu.memory_space<semaphore_mem>>
        %dma_start3A_257 = tpu.memref_squeeze %dma_start3A_256 : memref<1x!tpu.dma_semaphore, #tpu.memory_space<semaphore_mem>> -> memref<!tpu.dma_semaphore, #tpu.memory_space<semaphore_mem>>
        tpu.enqueue_indirect_dma source(%dma_start3A_255 : memref<10240x16xf32, #tpu.memory_space<vmem_shared>>) target(%dma_start3A_249 : memref<128x16xf32, #tpu.memory_space<vmem>>) offsets(%dma_start3A_252 : memref<128xi32, #tpu.memory_space<vmem>>) semaphore(%dma_start3A_257 : memref<!tpu.dma_semaphore, #tpu.memory_space<semaphore_mem>>)
      } else {
      }
    }
    %barrier3A_136 = arith.constant 0 : index
    tpu.barrier barrier_id(%barrier3A_136)
    %mul3A_137 = arith.constant 640 : i32
    %mul3A_138 = arith.muli %arg1, %mul3A_137 : i32
    %mul3A_139 = arith.constant 640 : i32
    %mul3A_140 = arith.muli %arg1, %mul3A_139 : i32
    "tpu.region"() ({
      %run_scoped3A_141 = tpu.sem_alloc : memref<!tpu.dma_semaphore, #tpu.memory_space<semaphore_mem>>
      %dma_start3A_142 = arith.constant 0 : i32
      %dma_start3A_143 = tpu.memref_slice %arg4[%arg0, %mul3A_140, %dma_start3A_142] : memref<2x10240x16xf32, #tpu.memory_space<hbm>> -> memref<1x640x16xf32, #tpu.memory_space<hbm>>
      %dma_start3A_144 = tpu.memref_squeeze %dma_start3A_143 : memref<1x640x16xf32, #tpu.memory_space<hbm>> -> memref<640x16xf32, #tpu.memory_space<hbm>>
      %dma_start3A_145 = arith.constant 0 : i32
      %dma_start3A_146 = tpu.memref_slice %arg8[%mul3A_138, %dma_start3A_145] : memref<10240x16xf32, #tpu.memory_space<vmem_shared>> -> memref<640x16xf32, #tpu.memory_space<vmem_shared>>
      tpu.enqueue_dma source(%dma_start3A_146 : memref<640x16xf32, #tpu.memory_space<vmem_shared>>) target(%dma_start3A_144 : memref<640x16xf32, #tpu.memory_space<hbm>>) target_semaphore(%run_scoped3A_141 : memref<!tpu.dma_semaphore, #tpu.memory_space<semaphore_mem>>)
      %dma_wait3A = arith.constant 0 : i32
      %dma_wait3A_147 = tpu.memref_slice %arg4[%arg0, %mul3A_140, %dma_wait3A] : memref<2x10240x16xf32, #tpu.memory_space<hbm>> -> memref<1x640x16xf32, #tpu.memory_space<hbm>>
      %dma_wait3A_148 = tpu.memref_squeeze %dma_wait3A_147 : memref<1x640x16xf32, #tpu.memory_space<hbm>> -> memref<640x16xf32, #tpu.memory_space<hbm>>
      %dma_wait3A_149 = arith.constant 0 : i32
      %dma_wait3A_150 = tpu.memref_slice %arg8[%mul3A_138, %dma_wait3A_149] : memref<10240x16xf32, #tpu.memory_space<vmem_shared>> -> memref<640x16xf32, #tpu.memory_space<vmem_shared>>
      tpu.wait_dma2 semaphore(%run_scoped3A_141 : memref<!tpu.dma_semaphore, #tpu.memory_space<semaphore_mem>>) src(%dma_wait3A_150 : memref<640x16xf32, #tpu.memory_space<vmem_shared>>) dst(%dma_wait3A_148 : memref<640x16xf32, #tpu.memory_space<hbm>>)
      tpu.yield
    }) : () -> ()
    return
  }
}

module attributes {stable_mosaic.version = 14 : i64} {
  func.func @_tc1a_body(%arg0: i32, %arg1: memref<10000x128xf32, #tpu.memory_space<vmem>>, %arg2: memref<128x16xf32, #tpu.memory_space<vmem>>, %arg3: memref<1280x128xf32, #tpu.memory_space<vmem>>) attributes {dimension_semantics = [#tpu.dimension_semantics<arbitrary>], iteration_bounds = array<i64: 1>, scalar_prefetch = 0 : i64, scratch_operands = 0 : i64, tpu.core_type = #tpu.core_type<tc>, window_params = [{pipeline_mode = #tpu.pipeline_mode<synchronous>, transform_indices = @transform_0, window_bounds = array<i64: 10000, 128>}, {pipeline_mode = #tpu.pipeline_mode<synchronous>, transform_indices = @transform_1, window_bounds = array<i64: 128, 16>}, {pipeline_mode = #tpu.pipeline_mode<synchronous>, transform_indices = @transform_2, window_bounds = array<i64: 1280, 128>}]} {
    %get3A = arith.constant 0 : index
    %get3A_0 = arith.constant 0 : index
    %get3A_1 = vector.load %arg1[%get3A, %get3A_0] : memref<10000x128xf32, #tpu.memory_space<vmem>>, vector<10000x128xf32>
    %get3A_2 = arith.constant 0 : index
    %get3A_3 = arith.constant 0 : index
    %get3A_4 = vector.load %arg2[%get3A_2, %get3A_3] : memref<128x16xf32, #tpu.memory_space<vmem>>, vector<128x16xf32>
    %dot_general3A = arith.constant dense<0.000000e+00> : vector<10000x16xf32>
    %dot_general3A_5 = tpu.matmul %get3A_1, %get3A_4, %dot_general3A {dimension_numbers = #tpu.dot_dimension_numbers<[1], [0], [0], [1], [0, 0, 1, 1], [], []>, precision = #tpu.contract_precision<fp32>, transpose_lhs_hint = false} : vector<10000x128xf32>, vector<128x16xf32>, vector<10000x16xf32> -> vector<10000x16xf32>
    %broadcast_in_dim3A = arith.constant 0.000000e+00 : f32
    %broadcast_in_dim3A_6 = vector.broadcast %broadcast_in_dim3A : f32 to vector<240x16xf32>
    %concatenate3A = tpu.concatenate %dot_general3A_5, %broadcast_in_dim3A_6 in 0 : vector<10000x16xf32>, vector<240x16xf32> -> vector<10240x16xf32>
    %slice3A = vector.extract_strided_slice %concatenate3A {offsets = [0, 0], sizes = [1280, 16], strides = [1, 1]} : vector<10240x16xf32> to vector<1280x16xf32>
    %slice3A_7 = vector.extract_strided_slice %concatenate3A {offsets = [1280, 0], sizes = [1280, 16], strides = [1, 1]} : vector<10240x16xf32> to vector<1280x16xf32>
    %slice3A_8 = vector.extract_strided_slice %concatenate3A {offsets = [2560, 0], sizes = [1280, 16], strides = [1, 1]} : vector<10240x16xf32> to vector<1280x16xf32>
    %slice3A_9 = vector.extract_strided_slice %concatenate3A {offsets = [3840, 0], sizes = [1280, 16], strides = [1, 1]} : vector<10240x16xf32> to vector<1280x16xf32>
    %slice3A_10 = vector.extract_strided_slice %concatenate3A {offsets = [5120, 0], sizes = [1280, 16], strides = [1, 1]} : vector<10240x16xf32> to vector<1280x16xf32>
    %slice3A_11 = vector.extract_strided_slice %concatenate3A {offsets = [6400, 0], sizes = [1280, 16], strides = [1, 1]} : vector<10240x16xf32> to vector<1280x16xf32>
    %slice3A_12 = vector.extract_strided_slice %concatenate3A {offsets = [7680, 0], sizes = [1280, 16], strides = [1, 1]} : vector<10240x16xf32> to vector<1280x16xf32>
    %slice3A_13 = vector.extract_strided_slice %concatenate3A {offsets = [8960, 0], sizes = [1280, 16], strides = [1, 1]} : vector<10240x16xf32> to vector<1280x16xf32>
    %concatenate3A_14 = tpu.concatenate %slice3A, %slice3A_7, %slice3A_8, %slice3A_9, %slice3A_10, %slice3A_11, %slice3A_12, %slice3A_13 in 1 : vector<1280x16xf32>, vector<1280x16xf32>, vector<1280x16xf32>, vector<1280x16xf32>, vector<1280x16xf32>, vector<1280x16xf32>, vector<1280x16xf32>, vector<1280x16xf32> -> vector<1280x128xf32>
    %swap3A = arith.constant 0 : index
    %swap3A_15 = arith.constant 0 : index
    %swap3A_16 = vector.load %arg3[%swap3A, %swap3A_15] : memref<1280x128xf32, #tpu.memory_space<vmem>>, vector<1280x128xf32>
    tpu.vector_store %arg3[%swap3A, %swap3A_15], %concatenate3A_14 {strides = array<i32>} : memref<1280x128xf32, #tpu.memory_space<vmem>>, vector<1280x128xf32>,
    return
  }
  func.func @transform_0(%arg0: i32) -> (i32, i32) {
    %c0_i32 = arith.constant 0 : i32
    %c0_i32_0 = arith.constant 0 : i32
    %c0_i32_1 = arith.constant 0 : i32
    return %c0_i32, %c0_i32_0 : i32, i32
  }
  func.func @transform_1(%arg0: i32) -> (i32, i32) {
    %c0_i32 = arith.constant 0 : i32
    %c0_i32_0 = arith.constant 0 : i32
    %c0_i32_1 = arith.constant 0 : i32
    return %c0_i32, %c0_i32_0 : i32, i32
  }
  func.func @transform_2(%arg0: i32) -> (i32, i32) {
    %c0_i32 = arith.constant 0 : i32
    %c0_i32_0 = arith.constant 0 : i32
    %c0_i32_1 = arith.constant 0 : i32
    return %c0_i32, %c0_i32_0 : i32, i32
  }
}

module attributes {stable_mosaic.version = 14 : i64} {
  func.func @_tc1b_body(%arg0: i32, %arg1: memref<1280x128xf32, #tpu.memory_space<vmem>>, %arg2: memref<2x1280x128xf32, #tpu.memory_space<vmem>>, %arg3: memref<1280x128xf32, #tpu.memory_space<vmem>>, %arg4: memref<1280x128xf32, #tpu.memory_space<vmem>>) attributes {dimension_semantics = [#tpu.dimension_semantics<arbitrary>], iteration_bounds = array<i64: 1>, scalar_prefetch = 0 : i64, scratch_operands = 0 : i64, tpu.core_type = #tpu.core_type<tc>, window_params = [{pipeline_mode = #tpu.pipeline_mode<synchronous>, transform_indices = @transform_0, window_bounds = array<i64: 1280, 128>}, {pipeline_mode = #tpu.pipeline_mode<synchronous>, transform_indices = @transform_1, window_bounds = array<i64: 2, 1280, 128>}, {pipeline_mode = #tpu.pipeline_mode<synchronous>, transform_indices = @transform_2, window_bounds = array<i64: 1280, 128>}, {pipeline_mode = #tpu.pipeline_mode<synchronous>, transform_indices = @transform_3, window_bounds = array<i64: 1280, 128>}]} {
    %get3A = arith.constant 0 : index
    %get3A_0 = arith.constant 0 : index
    %get3A_1 = arith.constant 0 : index
    %get3A_2 = vector.load %arg2[%get3A, %get3A_0, %get3A_1] : memref<2x1280x128xf32, #tpu.memory_space<vmem>>, vector<1x1280x128xf32>
    %get3A_3 = vector.shape_cast %get3A_2 : vector<1x1280x128xf32> to vector<1280x128xf32>
    %get3A_4 = arith.constant 1 : index
    %get3A_5 = arith.constant 0 : index
    %get3A_6 = arith.constant 0 : index
    %get3A_7 = vector.load %arg2[%get3A_4, %get3A_5, %get3A_6] : memref<2x1280x128xf32, #tpu.memory_space<vmem>>, vector<1x1280x128xf32>
    %get3A_8 = vector.shape_cast %get3A_7 : vector<1x1280x128xf32> to vector<1280x128xf32>
    %add3A = arith.addf %get3A_3, %get3A_8 : vector<1280x128xf32>
    %add3A_9 = arith.constant 1.000000e+00 : f32
    %add3A_10 = vector.broadcast %add3A_9 : f32 to vector<1280x128xf32>
    %add3A_11 = arith.addf %add3A, %add3A_10 : vector<1280x128xf32>
    %rsqrt3A = math.rsqrt %add3A_11 : vector<1280x128xf32>
    %swap3A = arith.constant 0 : index
    %swap3A_12 = arith.constant 0 : index
    %swap3A_13 = vector.load %arg4[%swap3A, %swap3A_12] : memref<1280x128xf32, #tpu.memory_space<vmem>>, vector<1280x128xf32>
    tpu.vector_store %arg4[%swap3A, %swap3A_12], %rsqrt3A {strides = array<i32>} : memref<1280x128xf32, #tpu.memory_space<vmem>>, vector<1280x128xf32>,
    %get3A_14 = arith.constant 0 : index
    %get3A_15 = arith.constant 0 : index
    %get3A_16 = vector.load %arg1[%get3A_14, %get3A_15] : memref<1280x128xf32, #tpu.memory_space<vmem>>, vector<1280x128xf32>
    %mul3A = arith.mulf %get3A_16, %rsqrt3A : vector<1280x128xf32>
    %swap3A_17 = arith.constant 0 : index
    %swap3A_18 = arith.constant 0 : index
    %swap3A_19 = vector.load %arg3[%swap3A_17, %swap3A_18] : memref<1280x128xf32, #tpu.memory_space<vmem>>, vector<1280x128xf32>
    tpu.vector_store %arg3[%swap3A_17, %swap3A_18], %mul3A {strides = array<i32>} : memref<1280x128xf32, #tpu.memory_space<vmem>>, vector<1280x128xf32>,
    return
  }
  func.func @transform_0(%arg0: i32) -> (i32, i32) {
    %c0_i32 = arith.constant 0 : i32
    %c0_i32_0 = arith.constant 0 : i32
    %c0_i32_1 = arith.constant 0 : i32
    return %c0_i32, %c0_i32_0 : i32, i32
  }
  func.func @transform_1(%arg0: i32) -> (i32, i32, i32) {
    %c0_i32 = arith.constant 0 : i32
    %c0_i32_0 = arith.constant 0 : i32
    %c0_i32_1 = arith.constant 0 : i32
    %c0_i32_2 = arith.constant 0 : i32
    return %c0_i32, %c0_i32_0, %c0_i32_1 : i32, i32, i32
  }
  func.func @transform_2(%arg0: i32) -> (i32, i32) {
    %c0_i32 = arith.constant 0 : i32
    %c0_i32_0 = arith.constant 0 : i32
    %c0_i32_1 = arith.constant 0 : i32
    return %c0_i32, %c0_i32_0 : i32, i32
  }
  func.func @transform_3(%arg0: i32) -> (i32, i32) {
    %c0_i32 = arith.constant 0 : i32
    %c0_i32_0 = arith.constant 0 : i32
    %c0_i32_1 = arith.constant 0 : i32
    return %c0_i32, %c0_i32_0 : i32, i32
  }
}

module attributes {stable_mosaic.version = 14 : i64} {
  func.func @_tc2_body(%arg0: i32, %arg1: memref<2x1280x128xf32, #tpu.memory_space<vmem>>, %arg2: memref<1280x128xf32, #tpu.memory_space<vmem>>, %arg3: memref<1280x128xf32, #tpu.memory_space<vmem>>, %arg4: memref<1x128xf32, #tpu.memory_space<vmem>>, %arg5: memref<1280x128xf32, #tpu.memory_space<vmem>>) attributes {dimension_semantics = [#tpu.dimension_semantics<arbitrary>], iteration_bounds = array<i64: 1>, scalar_prefetch = 0 : i64, scratch_operands = 0 : i64, tpu.core_type = #tpu.core_type<tc>, window_params = [{pipeline_mode = #tpu.pipeline_mode<synchronous>, transform_indices = @transform_0, window_bounds = array<i64: 2, 1280, 128>}, {pipeline_mode = #tpu.pipeline_mode<synchronous>, transform_indices = @transform_1, window_bounds = array<i64: 1280, 128>}, {pipeline_mode = #tpu.pipeline_mode<synchronous>, transform_indices = @transform_2, window_bounds = array<i64: 1280, 128>}, {pipeline_mode = #tpu.pipeline_mode<synchronous>, transform_indices = @transform_3, window_bounds = array<i64: 1, 128>}, {pipeline_mode = #tpu.pipeline_mode<synchronous>, transform_indices = @transform_4, window_bounds = array<i64: 1280, 128>}]} {
    %get3A = arith.constant 0 : index
    %get3A_0 = arith.constant 0 : index
    %get3A_1 = vector.load %arg3[%get3A, %get3A_0] : memref<1280x128xf32, #tpu.memory_space<vmem>>, vector<1280x128xf32>
    %get3A_2 = arith.constant 0 : index
    %get3A_3 = arith.constant 0 : index
    %get3A_4 = arith.constant 0 : index
    %get3A_5 = vector.load %arg1[%get3A_2, %get3A_3, %get3A_4] : memref<2x1280x128xf32, #tpu.memory_space<vmem>>, vector<1x1280x128xf32>
    %get3A_6 = vector.shape_cast %get3A_5 : vector<1x1280x128xf32> to vector<1280x128xf32>
    %get3A_7 = arith.constant 1 : index
    %get3A_8 = arith.constant 0 : index
    %get3A_9 = arith.constant 0 : index
    %get3A_10 = vector.load %arg1[%get3A_7, %get3A_8, %get3A_9] : memref<2x1280x128xf32, #tpu.memory_space<vmem>>, vector<1x1280x128xf32>
    %get3A_11 = vector.shape_cast %get3A_10 : vector<1x1280x128xf32> to vector<1280x128xf32>
    %add3A = arith.addf %get3A_6, %get3A_11 : vector<1280x128xf32>
    %get3A_12 = arith.constant 0 : index
    %get3A_13 = arith.constant 0 : index
    %get3A_14 = vector.load %arg2[%get3A_12, %get3A_13] : memref<1280x128xf32, #tpu.memory_space<vmem>>, vector<1280x128xf32>
    %add3A_15 = arith.addf %add3A, %get3A_14 : vector<1280x128xf32>
    %mul3A = arith.mulf %get3A_1, %add3A_15 : vector<1280x128xf32>
    %get3A_16 = arith.constant 0 : index
    %get3A_17 = arith.constant 0 : index
    %get3A_18 = vector.load %arg4[%get3A_16, %get3A_17] : memref<1x128xf32, #tpu.memory_space<vmem>>, vector<1x128xf32>
    %add3A_19 = vector.broadcast %get3A_18 : vector<1x128xf32> to vector<1280x128xf32>
    %add3A_20 = arith.addf %mul3A, %add3A_19 : vector<1280x128xf32>
    %max3A = arith.constant 0.000000e+00 : f32
    %max3A_21 = vector.broadcast %max3A : f32 to vector<1280x128xf32>
    %max3A_22 = arith.maximumf %add3A_20, %max3A_21 : vector<1280x128xf32>
    %mul3A_23 = arith.mulf %max3A_22, %get3A_1 : vector<1280x128xf32>
    %swap3A = arith.constant 0 : index
    %swap3A_24 = arith.constant 0 : index
    %swap3A_25 = vector.load %arg5[%swap3A, %swap3A_24] : memref<1280x128xf32, #tpu.memory_space<vmem>>, vector<1280x128xf32>
    tpu.vector_store %arg5[%swap3A, %swap3A_24], %mul3A_23 {strides = array<i32>} : memref<1280x128xf32, #tpu.memory_space<vmem>>, vector<1280x128xf32>,
    return
  }
  func.func @transform_0(%arg0: i32) -> (i32, i32, i32) {
    %c0_i32 = arith.constant 0 : i32
    %c0_i32_0 = arith.constant 0 : i32
    %c0_i32_1 = arith.constant 0 : i32
    %c0_i32_2 = arith.constant 0 : i32
    return %c0_i32, %c0_i32_0, %c0_i32_1 : i32, i32, i32
  }
  func.func @transform_1(%arg0: i32) -> (i32, i32) {
    %c0_i32 = arith.constant 0 : i32
    %c0_i32_0 = arith.constant 0 : i32
    %c0_i32_1 = arith.constant 0 : i32
    return %c0_i32, %c0_i32_0 : i32, i32
  }
  func.func @transform_2(%arg0: i32) -> (i32, i32) {
    %c0_i32 = arith.constant 0 : i32
    %c0_i32_0 = arith.constant 0 : i32
    %c0_i32_1 = arith.constant 0 : i32
    return %c0_i32, %c0_i32_0 : i32, i32
  }
  func.func @transform_3(%arg0: i32) -> (i32, i32) {
    %c0_i32 = arith.constant 0 : i32
    %c0_i32_0 = arith.constant 0 : i32
    %c0_i32_1 = arith.constant 0 : i32
    return %c0_i32, %c0_i32_0 : i32, i32
  }
  func.func @transform_4(%arg0: i32) -> (i32, i32) {
    %c0_i32 = arith.constant 0 : i32
    %c0_i32_0 = arith.constant 0 : i32
    %c0_i32_1 = arith.constant 0 : i32
    return %c0_i32, %c0_i32_0 : i32, i32
  }
}

module attributes {stable_mosaic.version = 14 : i64} {
  func.func @_tc3_body(%arg0: i32, %arg1: memref<2x1280x128xf32, #tpu.memory_space<vmem>>, %arg2: memref<1280x128xf32, #tpu.memory_space<vmem>>, %arg3: memref<1280x128xf32, #tpu.memory_space<vmem>>, %arg4: memref<16x128xf32, #tpu.memory_space<vmem>>, %arg5: memref<1x128xf32, #tpu.memory_space<vmem>>, %arg6: memref<10000x128xf32, #tpu.memory_space<vmem>>) attributes {dimension_semantics = [#tpu.dimension_semantics<arbitrary>], iteration_bounds = array<i64: 1>, scalar_prefetch = 0 : i64, scratch_operands = 0 : i64, tpu.core_type = #tpu.core_type<tc>, window_params = [{pipeline_mode = #tpu.pipeline_mode<synchronous>, transform_indices = @transform_0, window_bounds = array<i64: 2, 1280, 128>}, {pipeline_mode = #tpu.pipeline_mode<synchronous>, transform_indices = @transform_1, window_bounds = array<i64: 1280, 128>}, {pipeline_mode = #tpu.pipeline_mode<synchronous>, transform_indices = @transform_2, window_bounds = array<i64: 1280, 128>}, {pipeline_mode = #tpu.pipeline_mode<synchronous>, transform_indices = @transform_3, window_bounds = array<i64: 16, 128>}, {pipeline_mode = #tpu.pipeline_mode<synchronous>, transform_indices = @transform_4, window_bounds = array<i64: 1, 128>}, {pipeline_mode = #tpu.pipeline_mode<synchronous>, transform_indices = @transform_5, window_bounds = array<i64: 10000, 128>}]} {
    %get3A = arith.constant 0 : index
    %get3A_0 = arith.constant 0 : index
    %get3A_1 = vector.load %arg3[%get3A, %get3A_0] : memref<1280x128xf32, #tpu.memory_space<vmem>>, vector<1280x128xf32>
    %get3A_2 = arith.constant 0 : index
    %get3A_3 = arith.constant 0 : index
    %get3A_4 = arith.constant 0 : index
    %get3A_5 = vector.load %arg1[%get3A_2, %get3A_3, %get3A_4] : memref<2x1280x128xf32, #tpu.memory_space<vmem>>, vector<1x1280x128xf32>
    %get3A_6 = vector.shape_cast %get3A_5 : vector<1x1280x128xf32> to vector<1280x128xf32>
    %get3A_7 = arith.constant 1 : index
    %get3A_8 = arith.constant 0 : index
    %get3A_9 = arith.constant 0 : index
    %get3A_10 = vector.load %arg1[%get3A_7, %get3A_8, %get3A_9] : memref<2x1280x128xf32, #tpu.memory_space<vmem>>, vector<1x1280x128xf32>
    %get3A_11 = vector.shape_cast %get3A_10 : vector<1x1280x128xf32> to vector<1280x128xf32>
    %add3A = arith.addf %get3A_6, %get3A_11 : vector<1280x128xf32>
    %get3A_12 = arith.constant 0 : index
    %get3A_13 = arith.constant 0 : index
    %get3A_14 = vector.load %arg2[%get3A_12, %get3A_13] : memref<1280x128xf32, #tpu.memory_space<vmem>>, vector<1280x128xf32>
    %add3A_15 = arith.addf %add3A, %get3A_14 : vector<1280x128xf32>
    %mul3A = arith.mulf %get3A_1, %add3A_15 : vector<1280x128xf32>
    %slice3A = vector.extract_strided_slice %mul3A {offsets = [0, 0], sizes = [1280, 16], strides = [1, 1]} : vector<1280x128xf32> to vector<1280x16xf32>
    %slice3A_16 = vector.extract_strided_slice %mul3A {offsets = [0, 16], sizes = [1280, 16], strides = [1, 1]} : vector<1280x128xf32> to vector<1280x16xf32>
    %slice3A_17 = vector.extract_strided_slice %mul3A {offsets = [0, 32], sizes = [1280, 16], strides = [1, 1]} : vector<1280x128xf32> to vector<1280x16xf32>
    %slice3A_18 = vector.extract_strided_slice %mul3A {offsets = [0, 48], sizes = [1280, 16], strides = [1, 1]} : vector<1280x128xf32> to vector<1280x16xf32>
    %slice3A_19 = vector.extract_strided_slice %mul3A {offsets = [0, 64], sizes = [1280, 16], strides = [1, 1]} : vector<1280x128xf32> to vector<1280x16xf32>
    %slice3A_20 = vector.extract_strided_slice %mul3A {offsets = [0, 80], sizes = [1280, 16], strides = [1, 1]} : vector<1280x128xf32> to vector<1280x16xf32>
    %slice3A_21 = vector.extract_strided_slice %mul3A {offsets = [0, 96], sizes = [1280, 16], strides = [1, 1]} : vector<1280x128xf32> to vector<1280x16xf32>
    %slice3A_22 = vector.extract_strided_slice %mul3A {offsets = [0, 112], sizes = [1280, 16], strides = [1, 1]} : vector<1280x128xf32> to vector<1280x16xf32>
    %concatenate3A = tpu.concatenate %slice3A, %slice3A_16, %slice3A_17, %slice3A_18, %slice3A_19, %slice3A_20, %slice3A_21, %slice3A_22 in 0 : vector<1280x16xf32>, vector<1280x16xf32>, vector<1280x16xf32>, vector<1280x16xf32>, vector<1280x16xf32>, vector<1280x16xf32>, vector<1280x16xf32>, vector<1280x16xf32> -> vector<10240x16xf32>
    %slice3A_23 = vector.extract_strided_slice %concatenate3A {offsets = [0, 0], sizes = [10000, 16], strides = [1, 1]} : vector<10240x16xf32> to vector<10000x16xf32>
    %get3A_24 = arith.constant 0 : index
    %get3A_25 = arith.constant 0 : index
    %get3A_26 = vector.load %arg4[%get3A_24, %get3A_25] : memref<16x128xf32, #tpu.memory_space<vmem>>, vector<16x128xf32>
    %dot_general3A = arith.constant dense<0.000000e+00> : vector<10000x128xf32>
    %dot_general3A_27 = tpu.matmul %slice3A_23, %get3A_26, %dot_general3A {dimension_numbers = #tpu.dot_dimension_numbers<[1], [0], [0], [1], [0, 0, 1, 1], [], []>, precision = #tpu.contract_precision<fp32>, transpose_lhs_hint = false} : vector<10000x16xf32>, vector<16x128xf32>, vector<10000x128xf32> -> vector<10000x128xf32>
    %get3A_28 = arith.constant 0 : index
    %get3A_29 = arith.constant 0 : index
    %get3A_30 = vector.load %arg5[%get3A_28, %get3A_29] : memref<1x128xf32, #tpu.memory_space<vmem>>, vector<1x128xf32>
    %add3A_31 = vector.broadcast %get3A_30 : vector<1x128xf32> to vector<10000x128xf32>
    %add3A_32 = arith.addf %dot_general3A_27, %add3A_31 : vector<10000x128xf32>
    %reduce_max3A = arith.constant dense<0xFF800000> : vector<10000xf32>
    %reduce_max3A_33 = vector.multi_reduction <maximumf>, %add3A_32, %reduce_max3A [1] : vector<10000x128xf32> to vector<10000xf32>
    %broadcast_in_dim3A = vector.shape_cast %reduce_max3A_33 : vector<10000xf32> to vector<10000x1xf32>
    %sub3A = vector.broadcast %broadcast_in_dim3A : vector<10000x1xf32> to vector<10000x128xf32>
    %sub3A_34 = arith.subf %add3A_32, %sub3A : vector<10000x128xf32>
    %exp3A = math.exp %sub3A_34 : vector<10000x128xf32>
    %reduce_sum3A = arith.constant dense<0.000000e+00> : vector<10000xf32>
    %reduce_sum3A_35 = vector.multi_reduction <add>, %exp3A, %reduce_sum3A [1] : vector<10000x128xf32> to vector<10000xf32>
    %broadcast_in_dim3A_36 = vector.shape_cast %reduce_sum3A_35 : vector<10000xf32> to vector<10000x1xf32>
    %log3A = math.log %broadcast_in_dim3A_36 : vector<10000x1xf32>
    %sub3A_37 = vector.broadcast %broadcast_in_dim3A : vector<10000x1xf32> to vector<10000x128xf32>
    %sub3A_38 = arith.subf %add3A_32, %sub3A_37 : vector<10000x128xf32>
    %sub3A_39 = vector.broadcast %log3A : vector<10000x1xf32> to vector<10000x128xf32>
    %sub3A_40 = arith.subf %sub3A_38, %sub3A_39 : vector<10000x128xf32>
    %swap3A = arith.constant 0 : index
    %swap3A_41 = arith.constant 0 : index
    %swap3A_42 = vector.load %arg6[%swap3A, %swap3A_41] : memref<10000x128xf32, #tpu.memory_space<vmem>>, vector<10000x128xf32>
    tpu.vector_store %arg6[%swap3A, %swap3A_41], %sub3A_40 {strides = array<i32>} : memref<10000x128xf32, #tpu.memory_space<vmem>>, vector<10000x128xf32>,
    return
  }
  func.func @transform_0(%arg0: i32) -> (i32, i32, i32) {
    %c0_i32 = arith.constant 0 : i32
    %c0_i32_0 = arith.constant 0 : i32
    %c0_i32_1 = arith.constant 0 : i32
    %c0_i32_2 = arith.constant 0 : i32
    return %c0_i32, %c0_i32_0, %c0_i32_1 : i32, i32, i32
  }
  func.func @transform_1(%arg0: i32) -> (i32, i32) {
    %c0_i32 = arith.constant 0 : i32
    %c0_i32_0 = arith.constant 0 : i32
    %c0_i32_1 = arith.constant 0 : i32
    return %c0_i32, %c0_i32_0 : i32, i32
  }
  func.func @transform_2(%arg0: i32) -> (i32, i32) {
    %c0_i32 = arith.constant 0 : i32
    %c0_i32_0 = arith.constant 0 : i32
    %c0_i32_1 = arith.constant 0 : i32
    return %c0_i32, %c0_i32_0 : i32, i32
  }
  func.func @transform_3(%arg0: i32) -> (i32, i32) {
    %c0_i32 = arith.constant 0 : i32
    %c0_i32_0 = arith.constant 0 : i32
    %c0_i32_1 = arith.constant 0 : i32
    return %c0_i32, %c0_i32_0 : i32, i32
  }
  func.func @transform_4(%arg0: i32) -> (i32, i32) {
    %c0_i32 = arith.constant 0 : i32
    %c0_i32_0 = arith.constant 0 : i32
    %c0_i32_1 = arith.constant 0 : i32
    return %c0_i32, %c0_i32_0 : i32, i32
  }
  func.func @transform_5(%arg0: i32) -> (i32, i32) {
    %c0_i32 = arith.constant 0 : i32
    %c0_i32_0 = arith.constant 0 : i32
    %c0_i32_1 = arith.constant 0 : i32
    return %c0_i32, %c0_i32_0 : i32, i32
  }
}

</mosaic_0001>

<sc_bundles>
// kernel: kernel.12.cloned.1.call-start
scs
__scs_entry_jumppad:
0x0: {  	(pc) =	sbr.rel $0x88, $3  }
0x1: {  	(tag) =	ssettag $0x0;
	lr =	simm.s32 $0x1  }
0x2: {  	[smem:$0x3F9B] =	sst lr;
	_ =	strace $0xD0000000  }
0x3: {  	_ = 	snop  }
0x4: {  	_ = 	snop  }
0x5: {  	_ = 	snop  }
0x6: {  	_ = 	snop  }
0x7: {  	_ = 	snop  }
__scs_overlays_trampoline_lowered:
0x8: {  	[smem:$0x3FAA] =	sst s0  }
0x9: {  	[smem:$0x3FAB] =	sst s1  }
0xa: {  	[smem:$0x3FAC] =	sst s2  }
0xb: {  	[smem:$0x3FAD] =	sst s3  }
0xc: {  	[smem:$0x3FAE] =	sst s4  }
0xd: {  	[smem:$0x3FAF] =	sst s5  }
0xe: {  	[smem:$0x3FB0] =	sst s6  }
0xf: {  	[smem:$0x3FB1] =	sst s7  }
0x10: {  	[smem:$0x3FB2] =	sst s8  }
0x11: {  	[smem:$0x3FB3] =	sst s9;
	s0 =	simm.s32 @!p0 $0x0  }
0x12: {  	s1 =	sld [smem:$0x3F99];
	s0 =	simm.s32 @p0 $0x1  }
0x13: {  	[smem:$0x3FB4] =	sst s0;
	s0 =	simm.s32 @!p1 $0x0  }
0x14: {  	s2 =	sld [smem:$0x3F98];
	s0 =	simm.s32 @p1 $0x1  }
0x15: {  	[smem:$0x3FB5] =	sst s0;
	s0 =	simm.s32 @!p2 $0x0  }
0x16: {  	s3 =	sld [smem:$0x3FDB];
	s0 =	simm.s32 @p2 $0x1  }
0x17: {  	s4 =	simm.s32 $0x1BF5;
	[smem:$0x3FB7] =	sst s0  }
0x18: {  	s0 =	sld [smem:$0x3F9A];
	_ =	swait.ge [sflag:s4], $0x0  }
0x19: {  	s7 =	sld [smem:$0x3F9B]  }
0x1a: {  	s8 =	sadd.s32 $0xFFFFE003, lr  }
0x1b: {  	s9 =	sadd.s32 $0xFFFFFEF7, lr;
	s5 =	simm.s32 $0xFFFFFFFF;
	p2 =	slt.u32 s8, $0xFFFFF086  }
0x1c: {  	p1 =	slt.u32 s9, $0xF7A;
	s5 =	simm.s32 @!p2 $0x0  }
0x1d: {  	s5 =	simm.s32 @p1 $0x1;
	p0 =	seq.s32 s7, s2  }
0x1e: {  	s7 =	smul.u32 @!p0 $0xF7A, s2;
	p2 =	seq.s32 @!p0 s5, $0x0  }
0x1f: {  	s9 =	smul.u32 $0xF7A, s1;
	s8 =	simm.s32 @!p0 $0x1BF5;
	p2 =	por !p2, p0  }
0x20: {  	[sflag:s8] =	ssyncset.s32 @!p0 $0xFFFFF086;
	s6 =	sadd.s32 @!p0 s3, s7;
	s7 =	simm.s32 @!p0 $0x108  }
0x21: {  	s3 =	sadd.s32 s3, s9;
	s6 =	sadd.s32 @!p0 $0x88, s6;
	s7 =	simm.s32 @p2 $0x1082  }
0x22: {  	[simem:s7], [sflag:s8] =	dma.local @!p0 [hbm:s6], $0xF7A  }
0x23: {  	s9 =	sor.u32 $0xD0000000, s2;
	s6 =	simm.s32 $0x108;
	_ =	swait.ge @!p0 [sflag:s8], $0x0  }
0x24: {  	s3 =	sadd.s32 $0x88, s3;
	s6 =	simm.s32 @!p1 $0x1082;
	[sflag:s4] =	ssyncset.s32 $0xFFFFF086  }
0x25: {  	[simem:s6], [sflag:s4] =	dma.local [hbm:s3], $0xF7A  }
0x26: {  	[smem:$0x3F9B] =	sst s1;
	(tag) =	ssettag s2;
	_ =	strace s9  }
0x27: {  	s1 =	sld [smem:$0x3FAB]  }
0x28: {  	s2 =	sld [smem:$0x3FAC]  }
0x29: {  	s4 =	sld [smem:$0x3FAE]  }
0x2a: {  	p0 =	seq.s32 s5, $0x0;
	s5 =	sld [smem:$0x3FAF]  }
0x2b: {  	s6 =	sld [smem:$0x3FB0]  }
0x2c: {  	s7 =	sld [smem:$0x3FB1]  }
0x2d: {  	s3 =	simm.s32 $0x108;
	s8 =	sld [smem:$0x3FB2]  }
0x2e: {  	s3 =	simm.s32 @!p0 $0x1082;
	s9 =	sld [smem:$0x3FB3]  }
0x2f: {  	lr =	sadd.s32 s0, s3;
	s0 =	sld [smem:$0x3FAA]  }
0x30: {  	s3 =	sld [smem:$0x3FAD]  }
0x31: {  	[smem:$0x3FB6] =	sst s10  }
0x32: {  	s10 =	sld [smem:$0x3FB4];
	_ =	sdelay $0x3  }
0x33: {  	p0 =	seq.s32 s10, $0x1;
	s10 =	sld [smem:$0x3FB6];
	_ =	sdelay $0x3  }
0x34: {  	[smem:$0x3FB6] =	sst s10  }
0x35: {  	s10 =	sld [smem:$0x3FB5];
	_ =	sdelay $0x3  }
0x36: {  	p1 =	seq.s32 s10, $0x1;
	s10 =	sld [smem:$0x3FB6];
	_ =	sdelay $0x3  }
0x37: {  	[smem:$0x3FB6] =	sst s10  }
0x38: {  	s10 =	sld [smem:$0x3FB7]  }
0x39: {  	_ = 	snop;
	(pc) =	sbr.ind lr, $3  }
0x3a: {  	_ = 	snop  }
0x3b: {  	_ = 	snop  }
0x3c: {  	p2 =	seq.s32 s10, $0x1;
	s10 =	sld [smem:$0x3FB6]  }
0x3d: {  	_ =	shalt  }
0x3e: {  	_ =	shalt  }
0x3f: {  	_ =	shalt  }
0x40: {  	_ =	shalt  }
0x41: {  	_ =	shalt  }
0x42: {  	_ =	shalt  }
0x43: {  	_ =	shalt  }
0x44: {  	_ =	shalt  }
0x45: {  	_ =	shalt  }
0x46: {  	_ =	shalt  }
0x47: {  	_ =	shalt  }
0x48: {  	_ =	shalt  }
0x49: {  	_ =	shalt  }
0x4a: {  	_ =	shalt  }
0x4b: {  	_ =	shalt  }
0x4c: {  	_ =	shalt  }
0x4d: {  	_ =	shalt  }
0x4e: {  	_ =	shalt  }
0x4f: {  	_ =	shalt  }
0x50: {  	_ =	shalt  }
0x51: {  	_ =	shalt  }
0x52: {  	_ =	shalt  }
0x53: {  	_ =	shalt  }
0x54: {  	_ =	shalt  }
0x55: {  	_ =	shalt  }
0x56: {  	_ =	shalt  }
0x57: {  	_ =	shalt  }
0x58: {  	_ =	shalt  }
0x59: {  	_ =	shalt  }
0x5a: {  	_ =	shalt  }
0x5b: {  	_ =	shalt  }
0x5c: {  	_ =	shalt  }
0x5d: {  	_ =	shalt  }
0x5e: {  	_ =	shalt  }
0x5f: {  	_ =	shalt  }
0x60: {  	_ =	shalt  }
0x61: {  	_ =	shalt  }
0x62: {  	_ =	shalt  }
0x63: {  	_ =	shalt  }
0x64: {  	_ =	shalt  }
0x65: {  	_ =	shalt  }
0x66: {  	_ =	shalt  }
0x67: {  	_ =	shalt  }
0x68: {  	_ =	shalt  }
0x69: {  	_ =	shalt  }
0x6a: {  	_ =	shalt  }
0x6b: {  	_ =	shalt  }
0x6c: {  	_ =	shalt  }
0x6d: {  	_ =	shalt  }
0x6e: {  	_ =	shalt  }
0x6f: {  	_ =	shalt  }
0x70: {  	_ =	shalt  }
0x71: {  	_ =	shalt  }
0x72: {  	_ =	shalt  }
0x73: {  	_ =	shalt  }
0x74: {  	_ =	shalt  }
0x75: {  	_ =	shalt  }
0x76: {  	_ =	shalt  }
0x77: {  	_ =	shalt  }
0x78: {  	_ =	shalt  }
0x79: {  	_ =	shalt  }
0x7a: {  	_ =	shalt  }
0x7b: {  	_ =	shalt  }
0x7c: {  	_ =	shalt  }
0x7d: {  	_ =	shalt  }
0x7e: {  	_ =	shalt  }
0x7f: {  	_ =	shalt  }
0x80: {  	_ =	shalt  }
0x81: {  	_ =	shalt  }
0x82: {  	_ =	shalt  }
0x83: {  	_ =	shalt  }
0x84: {  	_ =	shalt  }
0x85: {  	_ =	shalt  }
0x86: {  	_ =	shalt  }
0x87: {  	_ =	shalt  }
.Lfunc_end0:
.L_simem_size_0:
called_computation.1_lowered:
.L_overlay_start_0:
0x88: {  	s2 =	sld [smem:$0x3FD9]  }
0x89: {  	s3 =	sld [smem:$0x3FFE];
	_ =	sdelay $0x1  }
0x8a: {  	s1 =	srdreg.scid  }
0x8b: {  	s0 =	sand.u32 $0x1, s1  }
0x8c: {  	s17 =	sshll.u32 s0, $0xA;
	s2 =	sadd.s32 s3, s2  }
0x8d: {  	s2 =	sadd.s32 s2, s17  }
0x8e: {  	[smem:$0x3FC2] =	sst s2  }
0x8f: {  	_ = 	snop  }
0x90: {  	s2 =	sld [smem:$0x3FD0];
	(tm) =	ssettm $0x1  }
0x91: {  	s18 =	sld [smem:$0x3FFB];
	_ =	sdelay $0x3  }
0x92: {  	_ =	strace s18  }
0x93: {  	s3 =	sld [smem:$0x3FFC];
	_ =	sdelay $0x3  }
0x94: {  	_ =	strace s3  }
0x95: {  	s3 =	sld [smem:$0x3FFD];
	_ =	sdelay $0x3  }
0x96: {  	_ =	strace s3  }
0x97: {  	_ =	strace $0x8FFFFFFF  }
0x98: {  	s19 =	sld [smem:$0x3FDB];
	_ =	sdelay $0x1  }
0x99: {  	s4 =	simm.s32 $_scs_section_size  }
0x9a: {  	s5 =	simm.s32 $_size__tile_overlayer_lowered;
	s6 =	simm.s32 $_tile_overlayer_lowered  }
0x9b: {  	s22 =	simm.s32 $0x1BFF;
	s21 =	sshll.u32 s6, $0x1;
	s3 =	sadd.s32 s4, s19  }
0x9c: {  	s7 =	simm.s32 $0x0;
	s20 =	sshll.u32 s5, $0x1;
	s5 =	sadd.s32 s21, s3  }
0x9d: {  	[timem:s7], [sflag:s22] =	dma.local [hbm:s5], s20  }
0x9e: {  	_ =	swait.ge [sflag:s22], s20  }
0x9f: {  	s4 =	ssub.s32 $0x0, s20;
	[sflag:s22] =	ssyncset.done $0x0  }
0xa0: {  	[sflag:s22] =	ssyncadd.s32 s4;
	_ =	sdelay $0x1  }
0xa1: {  	s23 =	simm.s32 $0x1B8B  }
0xa2: {  	_ =	swait.ge [sflag:s23], $0x1  }
0xa3: {  	[sflag:s23] =	ssyncset.done $0x0  }
0xa4: {  	s25 =	simm.s32 $0x1B8E;
	s24 =	sld [smem:$0x3FFE];
	[sflag:s23] =	ssyncadd.s32 $0xFFFFFFFF  }
0xa5: {  	s26 =	simm.s32 $execute0_lowered;
	[smem:$0x3FD2] =	sst s25  }
0xa6: {  	s5 =	sshll.u32 s26, $0x1;
	_ =	strace $0x80000049;
	[dreg:$0x1] =	wrdreg $0xFFFFFFFF  }
0xa7: {  	s28 =	simm.s32 $_size_execute0_lowered;
	s3 =	sadd.s32 s3, s5;
	[dreg:$0x0] =	wrdreg $0x0  }
0xa8: {  	s5 =	sshll.u32 s28, $0x1;
	[dreg:$0x2] =	wrdreg s3  }
0xa9: {  	[dreg:$0x3] =	wrdreg s5  }
0xaa: {  	[dreg:$0x4] =	wrdreg $0xC0  }
0xab: {  	_ =	task [dreg:s7], $0x5FFFF  }
0xac: {  	[dreg:$0x1] =	wrdreg $0xFFFFFFFF  }
0xad: {  	[dreg:$0x0] =	wrdreg $0x60  }
0xae: {  	[dreg:$0x2] =	wrdreg s24  }
0xaf: {  	[dreg:$0x3] =	wrdreg s2  }
0xb0: {  	[dreg:$0x4] =	wrdreg $0x70000  }
0xb1: {  	[dreg:$0x5] =	wrdreg $0x98000  }
0xb2: {  	[dreg:$0x6] =	wrdreg $0x9  }
0xb3: {  	_ =	task.clear_ibuf [dreg:s7], $0x7FFFF;
	_ =	strace $0x90000049  }
0xb4: {  	s29 =	simm.s32 $0x9;
	_ =	strace $0x8000004B  }
0xb5: {  	_ =	swait.ge [sflag:s29], $0x1  }
0xb6: {  	[sflag:s29] =	ssyncadd.s32 $0xFFFFFFFF  }
0xb7: {  	_ =	strace $0x9000004B  }
0xb8: {  	_ =	sfence  }
0xb9: {  	s30 =	sld [smem:$0x0];
	_ =	sdelay $0x2  }
0xba: {  	s31 =	sshll.u32 s1, $0xD;
	s1 =	sshrl.u32 s1, $0x2  }
0xbb: {  	s3 =	sand.u32 $0x4000, s31;
	s1 =	sadd.s32 s1, s30  }
0xbc: {  	s0 =	sor.u32 s3, s0;
	s1 =	sshll.u32 s1, $0x11  }
0xbd: {  	s0 =	sor.u32 s1, s0  }
0xbe: {  	s0 =	sadd.s32 $0x8F2B, s0  }
0xbf: {  	[sflag:s0] =	ssyncadd.remote.s32 $0x1  }
0xc0: {  	_ =	sfence.sel $0xFFFF  }
0xc1: {  	[dreg:$0x0] =	wrdreg $0xFFFFFFFF;
	(pc) =	sbr.abs _section_cstart, $3  }
0xc2: {  	[dreg:$0x1] =	wrdreg $0xFFFFFFFF  }
0xc3: {  	_ =	task.clear_ibuf [dreg:s7], $0x2FFFF;
	_ =	strace $0x9FFFFFFF  }
0xc4: {  	(tm) =	ssettm $0x7FFFFFFF  }
0xc5: {  	_ =	shalt  }
tec
execute0_lowered:
.L_overlay_start_1:
0x0: {  	(tag) =	ssettag $0x1  }
0x1: {  	s0 =	rddreg [dreg:$0x0]  }
0x2: {  	s1 =	rddreg [dreg:$0x1]  }
0x3: {  	s2 =	rddreg [dreg:$0x2]  }
0x4: {  	s3 =	rddreg [dreg:$0x3]  }
0x5: {  	s17 =	stileid.u32;
	s5 =	srdreg.scid  }
0x6: {  	s4 =	simm.s32 $0x0;
	s20 =	simm.s32 $0x80;
	s21 =	simm.s32 $0x5800  }
0x7: {  	s23 =	simm.s32 $0x6000;
	s28 =	simm.s32 $0x2;
	s29 =	simm.s32 $0x3  }
0x8: {  	s30 =	simm.s32 $0x4;
	s22 =	simm.s32 $0x0;
	s11 =	smul.u32 $0x2800, s17  }
0x9: {  	s5 =	sand.u32 $0x1, s5;
	[smem:$0x7FF] =	sst s4;
	s13 =	smul.u32 $0x500, s17  }
0xa: {  	s10 =	smul.u32 $0xA000, s17;
	s25 =	sadd.s32 $0xA000, s1;
	s31 =	sshll.u32 s17, $0x6  }
0xb: {  	s17 =	simm.s32 $0x5000;
	s7 =	smul.u32 $0x28000, s5;
	_ =	strace $0x8000004A  }
0xc: {  	s8 =	ssub.s32 $0x2, s5;
	p0 =	seq.s32 s5, $0x0;
	s18 =	sor.u32 $0x1C05, s31  }
0xd: {  	s6 =	sshrl.u32 s11, $0x3;
	s9 =	sshrl.u32 s8, $0x1;
	s15 =	sadd.s32 $0x5000, s13  }
0xe: {  	s26 =	sshrl.u32 s10, $0x2;
	s19 =	sadd.s32 s11, s3;
	s12 =	sadd.s32 s6, s0  }
0xf: {  	s7 =	sadd.s32 s11, s7;
	s14 =	ssub.s32 s8, s9;
	s5 =	sadd.s32 s15, s25  }
0x10: {  	s16 =	sadd.s32 s6, s25;
	s10 =	sadd.s32 s26, s2;
	s6 =	sadd.s32 s11, s2  }
0x11: {  	s15 =	smov.u32 @p0 s13;
	s19 =	sshrl.u32 s19, $0x3;
	s25 =	simm.s32 $0x6800  }
0x12: {  	s26 =	simm.s32 $0x1;
	s7 =	sshrl.u32 s7, $0x3;
	s8 =	sadd.s32 $0x1000, s10  }
0x13: {  	s9 =	sadd.s32 $0x1800, s10;
	s11 =	sadd.s32 $0x2C00, s12;
	s13 =	smax.u32 s14, $0x1  }
0x14: {  	s14 =	sadd.s32 s1, s15;
	s5 =	smov.u32 @p0 s16;
	s15 =	simm.s32 $0x5  }
0x15: {  	s16 =	simm.s32 $0x4F80;
	s0 =	sadd.s32 s7, s0;
	s7 =	sadd.s32 $0x800, s10  }
0x16: {  	v0 =	vimm.f32 $0.0e+00;
	s10 =	sadd.s32 $0x2000, s10;
	s12 =	sadd.s32 $0x7C00, s0;
	s0 =	simm.s32 $0x4F00  }
.LBB2_1:
0x17: {  	[tilespmem:s4], [sflag:$0x5] =	stream.linear.gather [hbm4b:s14+s4], $0x2800, $0x38;
	[tilespmem:$0xC000] =	vst v63  }
0x18: {  	_ =	swait.ge [sflag:s15], $0x2800  }
0x19: {  	[sflag:s15] =	ssyncset.done $0x0  }
0x1a: {  	s1 =	simm.s32 $0x2800;
	[sflag:s15] =	ssyncadd.s32 $0xFFFFD800  }
0x1b: {  	[tilespmem:s1], [sflag:$0x5] =	stream.linear.gather [hbm4b:s5+s4], $0x2800, $0x38;
	[tilespmem:$0xC000] =	vst v63  }
0x1c: {  	_ =	swait.ge [sflag:s15], $0x2800  }
0x1d: {  	[sflag:s15] =	ssyncset.done $0x0  }
0x1e: {  	s24 =	simm.s32 $0x40;
	s31 =	simm.s32 $0x0;
	[sflag:s15] =	ssyncadd.s32 $0xFFFFD800  }
.LBB2_2:
0x1f: {  	p0 =	sne.s32 s24, $0x1FC0;
	[tilespmem:s31+$0x5000] =	vst v0;
	s31 =	smov.u32 s24;
	s24 =	sadd.s32 $0x40, s24  }
.Ltmp0:
0x20: {  	(pc) =	sbr.rel @p0 .LBB2_2-.Ltmp0, $2  }
0x21: {  	_ =	sdelay $0x2  }
0x22: {  	s31 =	sshra.s32 s31, $0x2  }
0x23: {  	[tilespmem:s31+$0x5000] =	vst v0  }
0x24: {  	[spmem:s6] =	stream.linear.scatter [tilespmem:s17], [sflag:$0x5], $0x800, $0x38;
	[tilespmem:$0xC000] =	vst v63  }
0x25: {  	_ =	swait.ge [sflag:s15], $0x800  }
0x26: {  	[sflag:s15] =	ssyncset.done $0x0  }
0x27: {  	[sflag:s15] =	ssyncadd.s32 $0xFFFFF800  }
0x28: {  	[spmem:s7] =	stream.linear.scatter [tilespmem:s17], [sflag:$0x5], $0x800, $0x38;
	[tilespmem:$0xC000] =	vst v63  }
0x29: {  	_ =	swait.ge [sflag:s15], $0x800  }
0x2a: {  	[sflag:s15] =	ssyncset.done $0x0  }
0x2b: {  	[sflag:s15] =	ssyncadd.s32 $0xFFFFF800  }
0x2c: {  	[spmem:s8] =	stream.linear.scatter [tilespmem:s17], [sflag:$0x5], $0x800, $0x38;
	[tilespmem:$0xC000] =	vst v63  }
0x2d: {  	_ =	swait.ge [sflag:s15], $0x800  }
0x2e: {  	[sflag:s15] =	ssyncset.done $0x0  }
0x2f: {  	[sflag:s15] =	ssyncadd.s32 $0xFFFFF800  }
0x30: {  	[spmem:s9] =	stream.linear.scatter [tilespmem:s17], [sflag:$0x5], $0x800, $0x38;
	[tilespmem:$0xC000] =	vst v63  }
0x31: {  	_ =	swait.ge [sflag:s15], $0x800  }
0x32: {  	[sflag:s15] =	ssyncset.done $0x0  }
0x33: {  	[sflag:s15] =	ssyncadd.s32 $0xFFFFF800  }
0x34: {  	[spmem:s10] =	stream.linear.scatter [tilespmem:s17], [sflag:$0x5], $0x800, $0x38;
	[tilespmem:$0xC000] =	vst v63  }
0x35: {  	_ =	swait.ge [sflag:s15], $0x800  }
0x36: {  	[sflag:s15] =	ssyncset.done $0x0  }
0x37: {  	[sflag:s15] =	ssyncadd.s32 $0xFFFFF800  }
0x38: {  	[spmem:s19], [sflag:s18] =	dma.local [hbm:s11], $0x500  }
0x39: {  	_ =	swait.ge [sflag:s15], $0x500  }
0x3a: {  	[sflag:s15] =	ssyncset.done $0x0  }
0x3b: {  	[sflag:s15] =	ssyncadd.s32 $0xFFFFFB00  }
0x3c: {  	s24 =	simm.s32 $0x0;
	[bflag:$0x0] =	sbarrier.arrive $0xFFFF  }
0x3d: {  	[tilespmem:s17], [sflag:$0x1] =	stream.indirect.gather [spmem:s3], $0x10, s24, s20, $0xb8;
	[tilespmem:$0xC000] =	vst v63  }
0x3e: {  	_ = 	snop  }
0x3f: {  	[tilespmem:s21], [sflag:$0x2] =	stream.indirect.gather [spmem:s3], $0x10, s20, s20, $0xb8;
	[tilespmem:$0xC000] =	vst v63  }
0x40: {  	s1 =	simm.s32 $0x100  }
0x41: {  	[tilespmem:s23], [sflag:$0x3] =	stream.indirect.gather [spmem:s3], $0x10, s1, s20, $0xb8;
	[tilespmem:$0xC000] =	vst v63  }
0x42: {  	s24 =	simm.s32 $0x180  }
0x43: {  	[tilespmem:s25], [sflag:$0x4] =	stream.indirect.gather [spmem:s3], $0x10, s24, s20, $0xb8;
	[tilespmem:$0xC000] =	vst v63  }
0x44: {  	_ =	swait.ge [sflag:s26], $0x800  }
0x45: {  	[sflag:s26] =	ssyncset.done $0x0  }
0x46: {  	s1 =	simm.s32 $0x2800;
	[sflag:s26] =	ssyncadd.s32 $0xFFFFF800  }
0x47: {  	[spmem:s2] =	stream.indirect.scatter.add.f32 [tilespmem:s17], [sflag:$0x5], $0x10, s1, s20, $0xb8;
	[tilespmem:$0xC000] =	vst v63  }
0x48: {  	_ =	swait.ge [sflag:s15], $0x800  }
0x49: {  	[sflag:s15] =	ssyncset.done $0x0  }
0x4a: {  	s1 =	simm.s32 $0x200;
	[sflag:s15] =	ssyncadd.s32 $0xFFFFF800  }
0x4b: {  	[tilespmem:s17], [sflag:$0x1] =	stream.indirect.gather [spmem:s3], $0x10, s1, s20, $0xb8;
	[tilespmem:$0xC000] =	vst v63  }
0x4c: {  	_ =	swait.ge [sflag:s28], $0x800  }
0x4d: {  	[sflag:s28] =	ssyncset.done $0x0  }
0x4e: {  	s1 =	simm.s32 $0x2880;
	[sflag:s28] =	ssyncadd.s32 $0xFFFFF800  }
0x4f: {  	[spmem:s2] =	stream.indirect.scatter.add.f32 [tilespmem:s21], [sflag:$0x5], $0x10, s1, s20, $0xb8;
	[tilespmem:$0xC000] =	vst v63  }
0x50: {  	_ =	swait.ge [sflag:s15], $0x800  }
0x51: {  	[sflag:s15] =	ssyncset.done $0x0  }
0x52: {  	s1 =	simm.s32 $0x280;
	[sflag:s15] =	ssyncadd.s32 $0xFFFFF800  }
0x53: {  	[tilespmem:s21], [sflag:$0x2] =	stream.indirect.gather [spmem:s3], $0x10, s1, s20, $0xb8;
	[tilespmem:$0xC000] =	vst v63  }
0x54: {  	_ =	swait.ge [sflag:s29], $0x800  }
0x55: {  	[sflag:s29] =	ssyncset.done $0x0  }
0x56: {  	s1 =	simm.s32 $0x2900;
	[sflag:s29] =	ssyncadd.s32 $0xFFFFF800  }
0x57: {  	[spmem:s2] =	stream.indirect.scatter.add.f32 [tilespmem:s23], [sflag:$0x5], $0x10, s1, s20, $0xb8;
	[tilespmem:$0xC000] =	vst v63  }
0x58: {  	_ =	swait.ge [sflag:s15], $0x800  }
0x59: {  	[sflag:s15] =	ssyncset.done $0x0  }
0x5a: {  	s1 =	simm.s32 $0x300;
	[sflag:s15] =	ssyncadd.s32 $0xFFFFF800  }
0x5b: {  	[tilespmem:s23], [sflag:$0x3] =	stream.indirect.gather [spmem:s3], $0x10, s1, s20, $0xb8;
	[tilespmem:$0xC000] =	vst v63  }
0x5c: {  	_ =	swait.ge [sflag:s30], $0x800  }
0x5d: {  	[sflag:s30] =	ssyncset.done $0x0  }
0x5e: {  	s1 =	simm.s32 $0x2980;
	[sflag:s30] =	ssyncadd.s32 $0xFFFFF800  }
0x5f: {  	[spmem:s2] =	stream.indirect.scatter.add.f32 [tilespmem:s25], [sflag:$0x5], $0x10, s1, s20, $0xb8;
	[tilespmem:$0xC000] =	vst v63  }
0x60: {  	_ =	swait.ge [sflag:s15], $0x800  }
0x61: {  	[sflag:s15] =	ssyncset.done $0x0  }
0x62: {  	s31 =	simm.s32 $0x380;
	s24 =	simm.s32 $0x800;
	[sflag:s15] =	ssyncadd.s32 $0xFFFFF800  }
.LBB2_4:
0x63: {  	[tilespmem:s25], [sflag:$0x4] =	stream.indirect.gather [spmem:s3], $0x10, s31, s20, $0xb8;
	[tilespmem:$0xC000] =	vst v63  }
0x64: {  	s31 =	smov.u32 s24  }
0x65: {  	p0 =	sne.s32 s24, $0x9000;
	s24 =	sadd.s32 $0x800, s24;
	_ =	swait.ge [sflag:s26], $0x800  }
0x66: {  	s31 =	sshra.s32 s31, $0x2;
	[sflag:s26] =	ssyncset.done $0x0  }
0x67: {  	s1 =	sadd.s32 $0x2800, s31;
	[sflag:s26] =	ssyncadd.s32 $0xFFFFF800  }
0x68: {  	[spmem:s2] =	stream.indirect.scatter.add.f32 [tilespmem:s17], [sflag:$0x5], $0x10, s1, s20, $0xb8;
	[tilespmem:$0xC000] =	vst v63  }
0x69: {  	_ =	swait.ge [sflag:s15], $0x800  }
0x6a: {  	[sflag:s15] =	ssyncset.done $0x0  }
0x6b: {  	s1 =	sadd.s32 $0x200, s31;
	[sflag:s15] =	ssyncadd.s32 $0xFFFFF800  }
0x6c: {  	[tilespmem:s17], [sflag:$0x1] =	stream.indirect.gather [spmem:s3], $0x10, s1, s20, $0xb8;
	[tilespmem:$0xC000] =	vst v63  }
0x6d: {  	_ =	swait.ge [sflag:s28], $0x800  }
0x6e: {  	[sflag:s28] =	ssyncset.done $0x0  }
0x6f: {  	s1 =	sadd.s32 $0x2880, s31;
	[sflag:s28] =	ssyncadd.s32 $0xFFFFF800  }
0x70: {  	[spmem:s2] =	stream.indirect.scatter.add.f32 [tilespmem:s21], [sflag:$0x5], $0x10, s1, s20, $0xb8;
	[tilespmem:$0xC000] =	vst v63  }
0x71: {  	_ =	swait.ge [sflag:s15], $0x800  }
0x72: {  	[sflag:s15] =	ssyncset.done $0x0  }
0x73: {  	s1 =	sadd.s32 $0x280, s31;
	[sflag:s15] =	ssyncadd.s32 $0xFFFFF800  }
0x74: {  	[tilespmem:s21], [sflag:$0x2] =	stream.indirect.gather [spmem:s3], $0x10, s1, s20, $0xb8;
	[tilespmem:$0xC000] =	vst v63  }
0x75: {  	_ =	swait.ge [sflag:s29], $0x800  }
0x76: {  	[sflag:s29] =	ssyncset.done $0x0  }
0x77: {  	s1 =	sadd.s32 $0x2900, s31;
	[sflag:s29] =	ssyncadd.s32 $0xFFFFF800  }
0x78: {  	[spmem:s2] =	stream.indirect.scatter.add.f32 [tilespmem:s23], [sflag:$0x5], $0x10, s1, s20, $0xb8;
	[tilespmem:$0xC000] =	vst v63  }
0x79: {  	_ =	swait.ge [sflag:s15], $0x800  }
0x7a: {  	[sflag:s15] =	ssyncset.done $0x0  }
0x7b: {  	s1 =	sadd.s32 $0x300, s31;
	[sflag:s15] =	ssyncadd.s32 $0xFFFFF800  }
0x7c: {  	[tilespmem:s23], [sflag:$0x3] =	stream.indirect.gather [spmem:s3], $0x10, s1, s20, $0xb8;
	[tilespmem:$0xC000] =	vst v63  }
0x7d: {  	_ =	swait.ge [sflag:s30], $0x800  }
0x7e: {  	[sflag:s30] =	ssyncset.done $0x0  }
.Ltmp1:
0x7f: {  	s1 =	sadd.s32 $0x2980, s31;
	[sflag:s30] =	ssyncadd.s32 $0xFFFFF800;
	(pc) =	sbr.rel @p0 .LBB2_4-.Ltmp1, $4  }
0x80: {  	[spmem:s2] =	stream.indirect.scatter.add.f32 [tilespmem:s25], [sflag:$0x5], $0x10, s1, s20, $0xb8;
	[tilespmem:$0xC000] =	vst v63  }
0x81: {  	_ =	swait.ge [sflag:s15], $0x800  }
0x82: {  	[sflag:s15] =	ssyncset.done $0x0  }
0x83: {  	s31 =	sadd.s32 $0x380, s31;
	[sflag:s15] =	ssyncadd.s32 $0xFFFFF800  }
0x84: {  	[tilespmem:s25], [sflag:$0x4] =	stream.indirect.gather [spmem:s3], $0x10, s31, s20, $0xb8;
	[tilespmem:$0xC000] =	vst v63  }
0x85: {  	_ =	swait.ge [sflag:s26], $0x800  }
0x86: {  	[sflag:s26] =	ssyncset.done $0x0  }
0x87: {  	s1 =	simm.s32 $0x4E00;
	[sflag:s26] =	ssyncadd.s32 $0xFFFFF800  }
0x88: {  	[spmem:s2] =	stream.indirect.scatter.add.f32 [tilespmem:s17], [sflag:$0x5], $0x10, s1, s20, $0xb8;
	[tilespmem:$0xC000] =	vst v63  }
0x89: {  	_ =	swait.ge [sflag:s15], $0x800  }
0x8a: {  	[sflag:s15] =	ssyncset.done $0x0  }
0x8b: {  	[sflag:s15] =	ssyncadd.s32 $0xFFFFF800  }
0x8c: {  	_ =	swait.ge [sflag:s28], $0x800  }
0x8d: {  	[sflag:s28] =	ssyncset.done $0x0  }
0x8e: {  	s24 =	simm.s32 $0x4E80;
	[sflag:s28] =	ssyncadd.s32 $0xFFFFF800  }
0x8f: {  	[spmem:s2] =	stream.indirect.scatter.add.f32 [tilespmem:s21], [sflag:$0x5], $0x10, s24, s20, $0xb8;
	[tilespmem:$0xC000] =	vst v63  }
0x90: {  	_ =	swait.ge [sflag:s15], $0x800  }
0x91: {  	[sflag:s15] =	ssyncset.done $0x0  }
0x92: {  	[sflag:s15] =	ssyncadd.s32 $0xFFFFF800  }
0x93: {  	_ =	swait.ge [sflag:s29], $0x800  }
0x94: {  	[sflag:s29] =	ssyncset.done $0x0  }
0x95: {  	[sflag:s29] =	ssyncadd.s32 $0xFFFFF800  }
0x96: {  	[spmem:s2] =	stream.indirect.scatter.add.f32 [tilespmem:s23], [sflag:$0x5], $0x10, s0, s20, $0xb8;
	[tilespmem:$0xC000] =	vst v63  }
0x97: {  	_ =	swait.ge [sflag:s15], $0x800  }
0x98: {  	[sflag:s15] =	ssyncset.done $0x0  }
0x99: {  	[sflag:s15] =	ssyncadd.s32 $0xFFFFF800  }
0x9a: {  	_ =	swait.ge [sflag:s30], $0x800  }
0x9b: {  	[sflag:s30] =	ssyncset.done $0x0  }
0x9c: {  	[sflag:s30] =	ssyncadd.s32 $0xFFFFF800  }
0x9d: {  	[spmem:s2] =	stream.indirect.scatter.add.f32 [tilespmem:s25], [sflag:$0x5], $0x10, s16, s20, $0xb8;
	[tilespmem:$0xC000] =	vst v63  }
0x9e: {  	_ =	swait.ge [sflag:s15], $0x800  }
0x9f: {  	s22 =	sadd.s32 $0x1, s22;
	[sflag:s15] =	ssyncset.done $0x0  }
0xa0: {  	p0 =	sne.s32 s22, s13;
	[sflag:s15] =	ssyncadd.s32 $0xFFFFF800  }
.Ltmp2:
0xa1: {  	s31 =	sshrl.u32 s6, $0x3;
	[bflag:$0x0] =	sbarrier.arrive $0xFFFF;
	(pc) =	sbr.rel @p0 .LBB2_1-.Ltmp2, $4  }
0xa2: {  	[hbm:s12], [sflag:s18] =	dma.local [spmem:s31], $0x500  }
0xa3: {  	_ =	swait.ge [sflag:s15], $0x500  }
0xa4: {  	[sflag:s15] =	ssyncset.done $0x0  }
0xa5: {  	[sflag:s15] =	ssyncadd.s32 $0xFFFFFB00  }
0xa6: {  	_ =	sfence.sel $0x180000  }
0xa7: {  	[bflag:$0x0] =	sbarrier.arrive $0xFFFF  }
0xa8: {  	_ =	strace $0x9000004A  }
0xa9: {  	s0 =	stileid.u32;
	[bflag:$0x2] =	sbarrier.arrive $0xFFFF  }
0xaa: {  	p0 =	sne.s32 s0, $0x0;
	s0 =	rddreg [dreg:$0x4]  }
0xab: {  	s0 =	sadd.s32 @!p0 $0x100000, s0  }
0xac: {  	[sflag:s0] =	ssyncadd.tile.s32 @!p0 $0x1;
	_ =	shalt  }
.Lfunc_end2:
_tile_overlayer_lowered:
.L_overlay_start_2:
0xad: {  	(tag) =	ssettag $0x2  }
0xae: {  	s0 =	rddreg [dreg:$0x0];
	s2 =	stileid.u32  }
0xaf: {  	s1 =	rddreg [dreg:$0x1];
	p0 =	sne.s32 s2, $0x0  }
0xb0: {  	s3 =	rddreg [dreg:$0x2];
	[bflag:$0x3] =	sbarrier.arrive $0xFFFF;
	s2 =	simm.s32 @!p0 $0x1C05  }
0xb1: {  	[timem:s3], [sflag:s2] =	dma.local @!p0 [hbm:s0], s1  }
0xb2: {  	s0 =	simm.s32 @!p0 $0x5  }
0xb3: {  	_ =	swait.ge @!p0 [sflag:s0], s1  }
0xb4: {  	s1 =	ssub.s32 @!p0 $0x0, s1;
	[sflag:s0] =	ssyncset.done @!p0 $0x0  }
0xb5: {  	[sflag:s0] =	ssyncadd.s32 @!p0 s1  }
0xb6: {  	[bflag:$0x3] =	sbarrier.arrive $0xFFFF  }
0xb7: {  	_ =	shalt  }

// kernel: kernel.15.cloned.1.call-start
scs
__scs_entry_jumppad:
0x0: {  	(pc) =	sbr.rel $0x88, $3  }
0x1: {  	(tag) =	ssettag $0x0;
	lr =	simm.s32 $0x1  }
0x2: {  	[smem:$0x3F9B] =	sst lr;
	_ =	strace $0xD0000000  }
0x3: {  	_ = 	snop  }
0x4: {  	_ = 	snop  }
0x5: {  	_ = 	snop  }
0x6: {  	_ = 	snop  }
0x7: {  	_ = 	snop  }
__scs_overlays_trampoline_lowered:
0x8: {  	[smem:$0x3FAA] =	sst s0  }
0x9: {  	[smem:$0x3FAB] =	sst s1  }
0xa: {  	[smem:$0x3FAC] =	sst s2  }
0xb: {  	[smem:$0x3FAD] =	sst s3  }
0xc: {  	[smem:$0x3FAE] =	sst s4  }
0xd: {  	[smem:$0x3FAF] =	sst s5  }
0xe: {  	[smem:$0x3FB0] =	sst s6  }
0xf: {  	[smem:$0x3FB1] =	sst s7  }
0x10: {  	[smem:$0x3FB2] =	sst s8  }
0x11: {  	[smem:$0x3FB3] =	sst s9;
	s0 =	simm.s32 @!p0 $0x0  }
0x12: {  	s1 =	sld [smem:$0x3F99];
	s0 =	simm.s32 @p0 $0x1  }
0x13: {  	[smem:$0x3FB4] =	sst s0;
	s0 =	simm.s32 @!p1 $0x0  }
0x14: {  	s2 =	sld [smem:$0x3F98];
	s0 =	simm.s32 @p1 $0x1  }
0x15: {  	[smem:$0x3FB5] =	sst s0;
	s0 =	simm.s32 @!p2 $0x0  }
0x16: {  	s3 =	sld [smem:$0x3FDB];
	s0 =	simm.s32 @p2 $0x1  }
0x17: {  	s4 =	simm.s32 $0x1BF5;
	[smem:$0x3FB7] =	sst s0  }
0x18: {  	s0 =	sld [smem:$0x3F9A];
	_ =	swait.ge [sflag:s4], $0x0  }
0x19: {  	s7 =	sld [smem:$0x3F9B]  }
0x1a: {  	s8 =	sadd.s32 $0xFFFFE003, lr  }
0x1b: {  	s9 =	sadd.s32 $0xFFFFFEF7, lr;
	s5 =	simm.s32 $0xFFFFFFFF;
	p2 =	slt.u32 s8, $0xFFFFF086  }
0x1c: {  	p1 =	slt.u32 s9, $0xF7A;
	s5 =	simm.s32 @!p2 $0x0  }
0x1d: {  	s5 =	simm.s32 @p1 $0x1;
	p0 =	seq.s32 s7, s2  }
0x1e: {  	s7 =	smul.u32 @!p0 $0xF7A, s2;
	p2 =	seq.s32 @!p0 s5, $0x0  }
0x1f: {  	s9 =	smul.u32 $0xF7A, s1;
	s8 =	simm.s32 @!p0 $0x1BF5;
	p2 =	por !p2, p0  }
0x20: {  	[sflag:s8] =	ssyncset.s32 @!p0 $0xFFFFF086;
	s6 =	sadd.s32 @!p0 s3, s7;
	s7 =	simm.s32 @!p0 $0x108  }
0x21: {  	s3 =	sadd.s32 s3, s9;
	s6 =	sadd.s32 @!p0 $0x88, s6;
	s7 =	simm.s32 @p2 $0x1082  }
0x22: {  	[simem:s7], [sflag:s8] =	dma.local @!p0 [hbm:s6], $0xF7A  }
0x23: {  	s9 =	sor.u32 $0xD0000000, s2;
	s6 =	simm.s32 $0x108;
	_ =	swait.ge @!p0 [sflag:s8], $0x0  }
0x24: {  	s3 =	sadd.s32 $0x88, s3;
	s6 =	simm.s32 @!p1 $0x1082;
	[sflag:s4] =	ssyncset.s32 $0xFFFFF086  }
0x25: {  	[simem:s6], [sflag:s4] =	dma.local [hbm:s3], $0xF7A  }
0x26: {  	[smem:$0x3F9B] =	sst s1;
	(tag) =	ssettag s2;
	_ =	strace s9  }
0x27: {  	s1 =	sld [smem:$0x3FAB]  }
0x28: {  	s2 =	sld [smem:$0x3FAC]  }
0x29: {  	s4 =	sld [smem:$0x3FAE]  }
0x2a: {  	p0 =	seq.s32 s5, $0x0;
	s5 =	sld [smem:$0x3FAF]  }
0x2b: {  	s6 =	sld [smem:$0x3FB0]  }
0x2c: {  	s7 =	sld [smem:$0x3FB1]  }
0x2d: {  	s3 =	simm.s32 $0x108;
	s8 =	sld [smem:$0x3FB2]  }
0x2e: {  	s3 =	simm.s32 @!p0 $0x1082;
	s9 =	sld [smem:$0x3FB3]  }
0x2f: {  	lr =	sadd.s32 s0, s3;
	s0 =	sld [smem:$0x3FAA]  }
0x30: {  	s3 =	sld [smem:$0x3FAD]  }
0x31: {  	[smem:$0x3FB6] =	sst s10  }
0x32: {  	s10 =	sld [smem:$0x3FB4];
	_ =	sdelay $0x3  }
0x33: {  	p0 =	seq.s32 s10, $0x1;
	s10 =	sld [smem:$0x3FB6];
	_ =	sdelay $0x3  }
0x34: {  	[smem:$0x3FB6] =	sst s10  }
0x35: {  	s10 =	sld [smem:$0x3FB5];
	_ =	sdelay $0x3  }
0x36: {  	p1 =	seq.s32 s10, $0x1;
	s10 =	sld [smem:$0x3FB6];
	_ =	sdelay $0x3  }
0x37: {  	[smem:$0x3FB6] =	sst s10  }
0x38: {  	s10 =	sld [smem:$0x3FB7]  }
0x39: {  	_ = 	snop;
	(pc) =	sbr.ind lr, $3  }
0x3a: {  	_ = 	snop  }
0x3b: {  	_ = 	snop  }
0x3c: {  	p2 =	seq.s32 s10, $0x1;
	s10 =	sld [smem:$0x3FB6]  }
0x3d: {  	_ =	shalt  }
0x3e: {  	_ =	shalt  }
0x3f: {  	_ =	shalt  }
0x40: {  	_ =	shalt  }
0x41: {  	_ =	shalt  }
0x42: {  	_ =	shalt  }
0x43: {  	_ =	shalt  }
0x44: {  	_ =	shalt  }
0x45: {  	_ =	shalt  }
0x46: {  	_ =	shalt  }
0x47: {  	_ =	shalt  }
0x48: {  	_ =	shalt  }
0x49: {  	_ =	shalt  }
0x4a: {  	_ =	shalt  }
0x4b: {  	_ =	shalt  }
0x4c: {  	_ =	shalt  }
0x4d: {  	_ =	shalt  }
0x4e: {  	_ =	shalt  }
0x4f: {  	_ =	shalt  }
0x50: {  	_ =	shalt  }
0x51: {  	_ =	shalt  }
0x52: {  	_ =	shalt  }
0x53: {  	_ =	shalt  }
0x54: {  	_ =	shalt  }
0x55: {  	_ =	shalt  }
0x56: {  	_ =	shalt  }
0x57: {  	_ =	shalt  }
0x58: {  	_ =	shalt  }
0x59: {  	_ =	shalt  }
0x5a: {  	_ =	shalt  }
0x5b: {  	_ =	shalt  }
0x5c: {  	_ =	shalt  }
0x5d: {  	_ =	shalt  }
0x5e: {  	_ =	shalt  }
0x5f: {  	_ =	shalt  }
0x60: {  	_ =	shalt  }
0x61: {  	_ =	shalt  }
0x62: {  	_ =	shalt  }
0x63: {  	_ =	shalt  }
0x64: {  	_ =	shalt  }
0x65: {  	_ =	shalt  }
0x66: {  	_ =	shalt  }
0x67: {  	_ =	shalt  }
0x68: {  	_ =	shalt  }
0x69: {  	_ =	shalt  }
0x6a: {  	_ =	shalt  }
0x6b: {  	_ =	shalt  }
0x6c: {  	_ =	shalt  }
0x6d: {  	_ =	shalt  }
0x6e: {  	_ =	shalt  }
0x6f: {  	_ =	shalt  }
0x70: {  	_ =	shalt  }
0x71: {  	_ =	shalt  }
0x72: {  	_ =	shalt  }
0x73: {  	_ =	shalt  }
0x74: {  	_ =	shalt  }
0x75: {  	_ =	shalt  }
0x76: {  	_ =	shalt  }
0x77: {  	_ =	shalt  }
0x78: {  	_ =	shalt  }
0x79: {  	_ =	shalt  }
0x7a: {  	_ =	shalt  }
0x7b: {  	_ =	shalt  }
0x7c: {  	_ =	shalt  }
0x7d: {  	_ =	shalt  }
0x7e: {  	_ =	shalt  }
0x7f: {  	_ =	shalt  }
0x80: {  	_ =	shalt  }
0x81: {  	_ =	shalt  }
0x82: {  	_ =	shalt  }
0x83: {  	_ =	shalt  }
0x84: {  	_ =	shalt  }
0x85: {  	_ =	shalt  }
0x86: {  	_ =	shalt  }
0x87: {  	_ =	shalt  }
.Lfunc_end0:
.L_simem_size_0:
called_computation.2_lowered:
.L_overlay_start_0:
0x88: {  	s2 =	sld [smem:$0x3FD9]  }
0x89: {  	s3 =	sld [smem:$0x3FFE];
	_ =	sdelay $0x1  }
0x8a: {  	s1 =	srdreg.scid  }
0x8b: {  	s0 =	sand.u32 $0x1, s1  }
0x8c: {  	s17 =	sshll.u32 s0, $0xA;
	s2 =	sadd.s32 s3, s2  }
0x8d: {  	s2 =	sadd.s32 s2, s17  }
0x8e: {  	[smem:$0x3FC2] =	sst s2  }
0x8f: {  	_ = 	snop  }
0x90: {  	s2 =	sld [smem:$0x3FD0];
	(tm) =	ssettm $0x1  }
0x91: {  	s18 =	sld [smem:$0x3FFB];
	_ =	sdelay $0x3  }
0x92: {  	_ =	strace s18  }
0x93: {  	s3 =	sld [smem:$0x3FFC];
	_ =	sdelay $0x3  }
0x94: {  	_ =	strace s3  }
0x95: {  	s3 =	sld [smem:$0x3FFD];
	_ =	sdelay $0x3  }
0x96: {  	_ =	strace s3  }
0x97: {  	_ =	strace $0x8FFFFFFF  }
0x98: {  	s19 =	sld [smem:$0x3FDB];
	_ =	sdelay $0x1  }
0x99: {  	s4 =	simm.s32 $_scs_section_size  }
0x9a: {  	s5 =	simm.s32 $_size__tile_overlayer_lowered;
	s6 =	simm.s32 $_tile_overlayer_lowered  }
0x9b: {  	s22 =	simm.s32 $0x1BFF;
	s21 =	sshll.u32 s6, $0x1;
	s3 =	sadd.s32 s4, s19  }
0x9c: {  	s7 =	simm.s32 $0x0;
	s20 =	sshll.u32 s5, $0x1;
	s5 =	sadd.s32 s21, s3  }
0x9d: {  	[timem:s7], [sflag:s22] =	dma.local [hbm:s5], s20  }
0x9e: {  	_ =	swait.ge [sflag:s22], s20  }
0x9f: {  	s4 =	ssub.s32 $0x0, s20;
	[sflag:s22] =	ssyncset.done $0x0  }
0xa0: {  	[sflag:s22] =	ssyncadd.s32 s4;
	_ =	sdelay $0x1  }
0xa1: {  	s23 =	simm.s32 $0x1B8B  }
0xa2: {  	_ =	swait.ge [sflag:s23], $0x1  }
0xa3: {  	[sflag:s23] =	ssyncset.done $0x0  }
0xa4: {  	s25 =	simm.s32 $0x1B8E;
	s24 =	sld [smem:$0x3FFE];
	[sflag:s23] =	ssyncadd.s32 $0xFFFFFFFF  }
0xa5: {  	s26 =	simm.s32 $execute0_lowered;
	[smem:$0x3FD2] =	sst s25  }
0xa6: {  	s5 =	sshll.u32 s26, $0x1;
	_ =	strace $0x8000004C;
	[dreg:$0x1] =	wrdreg $0xFFFFFFFF  }
0xa7: {  	s28 =	simm.s32 $_size_execute0_lowered;
	s3 =	sadd.s32 s3, s5;
	[dreg:$0x0] =	wrdreg $0x0  }
0xa8: {  	s5 =	sshll.u32 s28, $0x1;
	[dreg:$0x2] =	wrdreg s3  }
0xa9: {  	[dreg:$0x3] =	wrdreg s5  }
0xaa: {  	[dreg:$0x4] =	wrdreg $0xC0  }
0xab: {  	_ =	task [dreg:s7], $0x5FFFF  }
0xac: {  	[dreg:$0x1] =	wrdreg $0xFFFFFFFF  }
0xad: {  	[dreg:$0x0] =	wrdreg $0x60  }
0xae: {  	[dreg:$0x2] =	wrdreg s24  }
0xaf: {  	[dreg:$0x3] =	wrdreg s2  }
0xb0: {  	[dreg:$0x4] =	wrdreg $0x78000  }
0xb1: {  	[dreg:$0x5] =	wrdreg $0xA0000  }
0xb2: {  	[dreg:$0x6] =	wrdreg $0x9  }
0xb3: {  	_ =	task.clear_ibuf [dreg:s7], $0x7FFFF;
	_ =	strace $0x9000004C  }
0xb4: {  	s29 =	simm.s32 $0x9;
	_ =	strace $0x8000004E  }
0xb5: {  	_ =	swait.ge [sflag:s29], $0x1  }
0xb6: {  	[sflag:s29] =	ssyncadd.s32 $0xFFFFFFFF  }
0xb7: {  	_ =	strace $0x9000004E  }
0xb8: {  	_ =	sfence  }
0xb9: {  	s30 =	sld [smem:$0x0];
	_ =	sdelay $0x2  }
0xba: {  	s31 =	sshll.u32 s1, $0xD;
	s1 =	sshrl.u32 s1, $0x2  }
0xbb: {  	s3 =	sand.u32 $0x4000, s31;
	s1 =	sadd.s32 s1, s30  }
0xbc: {  	s0 =	sor.u32 s3, s0;
	s1 =	sshll.u32 s1, $0x11  }
0xbd: {  	s0 =	sor.u32 s1, s0  }
0xbe: {  	s0 =	sadd.s32 $0x8F2B, s0  }
0xbf: {  	[sflag:s0] =	ssyncadd.remote.s32 $0x1  }
0xc0: {  	_ =	sfence.sel $0xFFFF  }
0xc1: {  	[dreg:$0x0] =	wrdreg $0xFFFFFFFF;
	(pc) =	sbr.abs _section_cstart, $3  }
0xc2: {  	[dreg:$0x1] =	wrdreg $0xFFFFFFFF  }
0xc3: {  	_ =	task.clear_ibuf [dreg:s7], $0x2FFFF;
	_ =	strace $0x9FFFFFFF  }
0xc4: {  	(tm) =	ssettm $0x7FFFFFFF  }
0xc5: {  	_ =	shalt  }
tec
execute0_lowered:
.L_overlay_start_1:
0x0: {  	(tag) =	ssettag $0x1  }
0x1: {  	s0 =	rddreg [dreg:$0x0]  }
0x2: {  	s1 =	rddreg [dreg:$0x1]  }
0x3: {  	s2 =	rddreg [dreg:$0x2];
	s12 =	stileid.u32  }
0x4: {  	s4 =	srdreg.scid;
	s15 =	smul.u32 $0x2800, s12  }
0x5: {  	s3 =	rddreg [dreg:$0x3];
	s28 =	simm.s32 $0x1;
	s8 =	smul.u32 $0x480, s12  }
0x6: {  	s29 =	simm.s32 $0x2;
	s30 =	simm.s32 $0x3;
	s9 =	smul.u32 $0x580, s12  }
0x7: {  	s31 =	simm.s32 $0x4;
	s18 =	sand.u32 $0x1, s4;
	s10 =	smul.u32 $0xA000, s12  }
0x8: {  	s4 =	simm.s32 $0x0;
	s11 =	sadd.s32 $0xA000, s1;
	s12 =	smul.u32 $0x2C00, s12  }
0x9: {  	s5 =	smul.u32 $0x28000, s18;
	[smem:$0x7FF] =	sst s4;
	s20 =	ssub.s32 $0x2, s18  }
0xa: {  	p0 =	seq.s32 s18, $0x0;
	_ =	strace $0x8000004D;
	s6 =	sshrl.u32 s15, $0x3  }
0xb: {  	s7 =	sshrl.u32 s20, $0x1;
	s21 =	sadd.s32 $0x5800, s8;
	s10 =	sshrl.u32 s10, $0x2  }
0xc: {  	s24 =	sshrl.u32 s12, $0x3;
	s25 =	sadd.s32 s15, s3;
	s5 =	sadd.s32 s15, s5  }
0xd: {  	s16 =	sadd.s32 s6, s0;
	s17 =	ssub.s32 s20, s7;
	s22 =	sadd.s32 s1, s21  }
0xe: {  	s23 =	sadd.s32 s21, s11;
	s1 =	sadd.s32 s1, s9;
	s14 =	sadd.s32 s10, s2  }
0xf: {  	s9 =	sadd.s32 s24, s11;
	s10 =	sadd.s32 s15, s2;
	[dreg:$0x6] =	wrdreg s22  }
0x10: {  	s20 =	sshrl.u32 s25, $0x3;
	s21 =	simm.s32 $0x80;
	[dreg:$0x7] =	wrdreg s23  }
0x11: {  	s24 =	simm.s32 $0x6800;
	s5 =	sshrl.u32 s5, $0x3;
	[dreg:$0x8] =	wrdreg s1  }
0x12: {  	s11 =	sadd.s32 $0x800, s14;
	s12 =	sadd.s32 $0x1000, s14;
	s13 =	sadd.s32 $0x1800, s14  }
0x13: {  	s14 =	sadd.s32 $0x2000, s14;
	s0 =	sadd.s32 s5, s0;
	s5 =	simm.s32 $0x58  }
0x14: {  	s15 =	sadd.s32 $0x2C00, s16;
	s17 =	smax.u32 s17, $0x1;
	s5 =	simm.s32 @!p0 $0x48  }
0x15: {  	s22 =	simm.s32 $0x6000;
	s16 =	sadd.s32 $0x7C00, s0;
	s19 =	sshll.u32 s5, $0x9  }
0x16: {  	p0 =	sne.s32 s18, $0x0;
	s18 =	simm.s32 $0x5800;
	s26 =	sadd.s32 $0xFFFFF800, s19  }
0x17: {  	v0 =	vimm.f32 $0.0e+00;
	s19 =	simm.s32 $0x5;
	[dreg:$0x5] =	wrdreg s26;
	s26 =	simm.s32 $0x7000  }
.LBB2_1:
0x18: {  	s0 =	simm.s32 @p0 $0x0;
	s1 =	rddreg [dreg:$0x6]  }
0x19: {  	[tilespmem:s0], [sflag:$0x5] =	stream.linear.gather @p0 [hbm4b:s1+s0], $0x2400, $0x38;
	[tilespmem:$0xC800] =	vst v63  }
0x1a: {  	s1 =	simm.s32 @p0 $0x5  }
0x1b: {  	_ =	swait.ge @p0 [sflag:s1], $0x2400  }
0x1c: {  	[sflag:s1] =	ssyncset.done @p0 $0x0  }
0x1d: {  	s23 =	simm.s32 @p0 $0x2C00;
	s6 =	rddreg [dreg:$0x7];
	[sflag:s1] =	ssyncadd.s32 @p0 $0xFFFFDC00  }
0x1e: {  	[tilespmem:s23], [sflag:$0x5] =	stream.linear.gather @p0 [hbm4b:s6+s0], $0x2400, $0x38;
	[tilespmem:$0xC800] =	vst v63  }
0x1f: {  	_ =	swait.ge @p0 [sflag:s1], $0x2400  }
0x20: {  	[sflag:s1] =	ssyncset.done @p0 $0x0  }
0x21: {  	s0 =	simm.s32 @!p0 $0x0;
	[sflag:s1] =	ssyncadd.s32 @p0 $0xFFFFDC00;
	s1 =	rddreg [dreg:$0x8]  }
0x22: {  	[tilespmem:s0], [sflag:$0x5] =	stream.linear.gather @!p0 [hbm4b:s1+s0], $0x2C00, $0x38;
	[tilespmem:$0xC800] =	vst v63  }
0x23: {  	s1 =	simm.s32 @!p0 $0x5  }
0x24: {  	_ =	swait.ge @!p0 [sflag:s1], $0x2C00  }
0x25: {  	[sflag:s1] =	ssyncset.done @!p0 $0x0  }
0x26: {  	s23 =	simm.s32 @!p0 $0x2C00;
	[sflag:s1] =	ssyncadd.s32 @!p0 $0xFFFFD400  }
0x27: {  	[tilespmem:s23], [sflag:$0x5] =	stream.linear.gather @!p0 [hbm4b:s9+s0], $0x2C00, $0x38;
	[tilespmem:$0xC800] =	vst v63  }
0x28: {  	_ =	swait.ge @!p0 [sflag:s1], $0x2C00  }
0x29: {  	[sflag:s1] =	ssyncset.done @!p0 $0x0  }
0x2a: {  	s0 =	simm.s32 $0x40;
	[sflag:s1] =	ssyncadd.s32 @!p0 $0xFFFFD400;
	s1 =	simm.s32 $0x0  }
.LBB2_2:
0x2b: {  	p1 =	sne.s32 s0, $0x1FC0;
	[tilespmem:s1+$0x5800] =	vst v0;
	s1 =	smov.u32 s0;
	s0 =	sadd.s32 $0x40, s0  }
.Ltmp0:
0x2c: {  	(pc) =	sbr.rel @p1 .LBB2_2-.Ltmp0, $2  }
0x2d: {  	_ =	sdelay $0x2  }
0x2e: {  	s1 =	sshra.s32 s1, $0x2  }
0x2f: {  	[tilespmem:s1+$0x5800] =	vst v0  }
0x30: {  	[spmem:s10] =	stream.linear.scatter [tilespmem:s18], [sflag:$0x5], $0x800, $0x38;
	[tilespmem:$0xC800] =	vst v63  }
0x31: {  	_ =	swait.ge [sflag:s19], $0x800  }
0x32: {  	[sflag:s19] =	ssyncset.done $0x0  }
0x33: {  	[sflag:s19] =	ssyncadd.s32 $0xFFFFF800  }
0x34: {  	[spmem:s11] =	stream.linear.scatter [tilespmem:s18], [sflag:$0x5], $0x800, $0x38;
	[tilespmem:$0xC800] =	vst v63  }
0x35: {  	_ =	swait.ge [sflag:s19], $0x800  }
0x36: {  	[sflag:s19] =	ssyncset.done $0x0  }
0x37: {  	[sflag:s19] =	ssyncadd.s32 $0xFFFFF800  }
0x38: {  	[spmem:s12] =	stream.linear.scatter [tilespmem:s18], [sflag:$0x5], $0x800, $0x38;
	[tilespmem:$0xC800] =	vst v63  }
0x39: {  	_ =	swait.ge [sflag:s19], $0x800  }
0x3a: {  	[sflag:s19] =	ssyncset.done $0x0  }
0x3b: {  	[sflag:s19] =	ssyncadd.s32 $0xFFFFF800  }
0x3c: {  	[spmem:s13] =	stream.linear.scatter [tilespmem:s18], [sflag:$0x5], $0x800, $0x38;
	[tilespmem:$0xC800] =	vst v63  }
0x3d: {  	_ =	swait.ge [sflag:s19], $0x800  }
0x3e: {  	[sflag:s19] =	ssyncset.done $0x0  }
0x3f: {  	[sflag:s19] =	ssyncadd.s32 $0xFFFFF800  }
0x40: {  	[spmem:s14] =	stream.linear.scatter [tilespmem:s18], [sflag:$0x5], $0x800, $0x38;
	[tilespmem:$0xC800] =	vst v63  }
0x41: {  	s0 =	stileid.u32;
	_ =	swait.ge [sflag:s19], $0x800  }
0x42: {  	s0 =	sshll.u32 s0, $0x6;
	[sflag:s19] =	ssyncset.done $0x0  }
0x43: {  	s1 =	sor.u32 $0x1C05, s0;
	[sflag:s19] =	ssyncadd.s32 $0xFFFFF800  }
0x44: {  	[spmem:s20], [sflag:s1] =	dma.local [hbm:s15], $0x500  }
0x45: {  	_ =	swait.ge [sflag:s19], $0x500  }
0x46: {  	[sflag:s19] =	ssyncset.done $0x0  }
0x47: {  	[sflag:s19] =	ssyncadd.s32 $0xFFFFFB00  }
0x48: {  	s0 =	simm.s32 $0x0;
	[bflag:$0x0] =	sbarrier.arrive $0xFFFF  }
0x49: {  	[tilespmem:s18], [sflag:$0x1] =	stream.indirect.gather [spmem:s3], $0x10, s0, s21, $0xb8;
	[tilespmem:$0xC800] =	vst v63  }
0x4a: {  	_ = 	snop  }
0x4b: {  	[tilespmem:s22], [sflag:$0x2] =	stream.indirect.gather [spmem:s3], $0x10, s21, s21, $0xb8;
	[tilespmem:$0xC800] =	vst v63  }
0x4c: {  	s6 =	simm.s32 $0x100  }
0x4d: {  	[tilespmem:s24], [sflag:$0x3] =	stream.indirect.gather [spmem:s3], $0x10, s6, s21, $0xb8;
	[tilespmem:$0xC800] =	vst v63  }
0x4e: {  	s25 =	simm.s32 $0x180;
	s23 =	simm.s32 $0x7  }
0x4f: {  	[tilespmem:s26], [sflag:$0x4] =	stream.indirect.gather [spmem:s3], $0x10, s25, s21, $0xb8;
	[tilespmem:$0xC800] =	vst v63  }
.LBB2_4:
0x50: {  	_ =	swait.ge [sflag:s28], $0x800  }
0x51: {  	s25 =	sshra.s32 s0, $0x2;
	[sflag:s28] =	ssyncset.done $0x0  }
0x52: {  	s8 =	sadd.s32 $0xFFFFFFFD, s23;
	s6 =	sadd.s32 $0x2C00, s25;
	[sflag:s28] =	ssyncadd.s32 $0xFFFFF800  }
0x53: {  	[spmem:s2] =	stream.indirect.scatter.add.f32 [tilespmem:s18], [sflag:$0x5], $0x10, s6, s21, $0xb8;
	[tilespmem:$0xC800] =	vst v63  }
0x54: {  	p1 =	sge.u32 s8, s5;
	_ =	swait.ge [sflag:s19], $0x800  }
0x55: {  	s7 =	simm.s32 @!p1 $0x80;
	s6 =	sshra.s32 @!p1 s0, $0x2;
	[sflag:s19] =	ssyncset.done $0x0  }
0x56: {  	s8 =	simm.s32 @!p1 $0x5800;
	s6 =	sadd.s32 @!p1 $0x200, s6;
	[sflag:s19] =	ssyncadd.s32 $0xFFFFF800  }
0x57: {  	[tilespmem:s8], [sflag:$0x1] =	stream.indirect.gather @!p1 [spmem:s3], $0x10, s6, s7, $0xb8;
	[tilespmem:$0xC800] =	vst v63  }
0x58: {  	_ =	swait.ge [sflag:s29], $0x800  }
0x59: {  	[sflag:s29] =	ssyncset.done $0x0  }
0x5a: {  	s7 =	sadd.s32 $0x2C80, s25;
	s8 =	sadd.s32 $0xFFFFFFFE, s23;
	[sflag:s29] =	ssyncadd.s32 $0xFFFFF800  }
0x5b: {  	[spmem:s2] =	stream.indirect.scatter.add.f32 [tilespmem:s22], [sflag:$0x5], $0x10, s7, s21, $0xb8;
	[tilespmem:$0xC800] =	vst v63  }
0x5c: {  	p1 =	sge.u32 s8, s5;
	_ =	swait.ge [sflag:s19], $0x800  }
0x5d: {  	s6 =	sshra.s32 @!p1 s0, $0x2;
	s8 =	simm.s32 @!p1 $0x6000;
	[sflag:s19] =	ssyncset.done $0x0  }
0x5e: {  	s6 =	sadd.s32 @!p1 $0x280, s6;
	s7 =	simm.s32 @!p1 $0x80;
	[sflag:s19] =	ssyncadd.s32 $0xFFFFF800  }
0x5f: {  	[tilespmem:s8], [sflag:$0x2] =	stream.indirect.gather @!p1 [spmem:s3], $0x10, s6, s7, $0xb8;
	[tilespmem:$0xC800] =	vst v63  }
0x60: {  	_ =	swait.ge [sflag:s30], $0x800  }
0x61: {  	[sflag:s30] =	ssyncset.done $0x0  }
0x62: {  	s7 =	sadd.s32 $0x2D00, s25;
	s8 =	sadd.s32 $0xFFFFFFFF, s23;
	[sflag:s30] =	ssyncadd.s32 $0xFFFFF800  }
0x63: {  	[spmem:s2] =	stream.indirect.scatter.add.f32 [tilespmem:s24], [sflag:$0x5], $0x10, s7, s21, $0xb8;
	[tilespmem:$0xC800] =	vst v63  }
0x64: {  	p1 =	sge.u32 s8, s5;
	_ =	swait.ge [sflag:s19], $0x800  }
0x65: {  	s6 =	sshra.s32 @!p1 s0, $0x2;
	s8 =	simm.s32 @!p1 $0x6800;
	[sflag:s19] =	ssyncset.done $0x0  }
0x66: {  	s6 =	sadd.s32 @!p1 $0x300, s6;
	s7 =	simm.s32 @!p1 $0x80;
	[sflag:s19] =	ssyncadd.s32 $0xFFFFF800  }
0x67: {  	[tilespmem:s8], [sflag:$0x3] =	stream.indirect.gather @!p1 [spmem:s3], $0x10, s6, s7, $0xb8;
	[tilespmem:$0xC800] =	vst v63  }
0x68: {  	_ =	swait.ge [sflag:s31], $0x800  }
0x69: {  	[sflag:s31] =	ssyncset.done $0x0  }
0x6a: {  	s25 =	sadd.s32 $0x2D80, s25;
	p1 =	sge.u32 s23, s5;
	[sflag:s31] =	ssyncadd.s32 $0xFFFFF800  }
0x6b: {  	[spmem:s2] =	stream.indirect.scatter.add.f32 [tilespmem:s26], [sflag:$0x5], $0x10, s25, s21, $0xb8;
	[tilespmem:$0xC800] =	vst v63  }
0x6c: {  	s6 =	sshra.s32 @!p1 s0, $0x2;
	s7 =	simm.s32 @!p1 $0x80;
	_ =	swait.ge [sflag:s19], $0x800  }
0x6d: {  	s8 =	simm.s32 @!p1 $0x7000;
	s0 =	sadd.s32 $0x800, s0;
	[sflag:s19] =	ssyncset.done $0x0  }
0x6e: {  	s6 =	sadd.s32 @!p1 $0x380, s6;
	s25 =	rddreg [dreg:$0x5];
	[sflag:s19] =	ssyncadd.s32 $0xFFFFF800  }
0x6f: {  	[tilespmem:s8], [sflag:$0x4] =	stream.indirect.gather @!p1 [spmem:s3], $0x10, s6, s7, $0xb8;
	[tilespmem:$0xC800] =	vst v63  }
0x70: {  	p1 =	sne.s32 s25, s0  }
.Ltmp1:
0x71: {  	_ = 	snop;
	(pc) =	sbr.rel @p1 .LBB2_4-.Ltmp1, $2  }
0x72: {  	_ =	sdelay $0x2  }
0x73: {  	s23 =	sadd.s32 $0x4, s23  }
0x74: {  	_ =	swait.ge [sflag:s28], $0x800  }
0x75: {  	s6 =	sshra.s32 s0, $0x2;
	[sflag:s28] =	ssyncset.done $0x0  }
0x76: {  	s8 =	sadd.s32 $0xFFFFFFFD, s23;
	s7 =	sadd.s32 $0x2C00, s6;
	[sflag:s28] =	ssyncadd.s32 $0xFFFFF800  }
0x77: {  	[spmem:s2] =	stream.indirect.scatter.add.f32 [tilespmem:s18], [sflag:$0x5], $0x10, s7, s21, $0xb8;
	[tilespmem:$0xC800] =	vst v63  }
0x78: {  	p1 =	sge.u32 s8, s5;
	_ =	swait.ge [sflag:s19], $0x800  }
0x79: {  	s8 =	simm.s32 @!p1 $0x80;
	s7 =	sshra.s32 @!p1 s0, $0x2;
	[sflag:s19] =	ssyncset.done $0x0  }
0x7a: {  	s25 =	simm.s32 @!p1 $0x5800;
	s7 =	sadd.s32 @!p1 $0x200, s7;
	[sflag:s19] =	ssyncadd.s32 $0xFFFFF800  }
0x7b: {  	[tilespmem:s25], [sflag:$0x1] =	stream.indirect.gather @!p1 [spmem:s3], $0x10, s7, s8, $0xb8;
	[tilespmem:$0xC800] =	vst v63  }
0x7c: {  	_ =	swait.ge [sflag:s29], $0x800  }
0x7d: {  	[sflag:s29] =	ssyncset.done $0x0  }
0x7e: {  	s25 =	sadd.s32 $0x2C80, s6;
	s8 =	sadd.s32 $0xFFFFFFFE, s23;
	[sflag:s29] =	ssyncadd.s32 $0xFFFFF800  }
0x7f: {  	[spmem:s2] =	stream.indirect.scatter.add.f32 [tilespmem:s22], [sflag:$0x5], $0x10, s25, s21, $0xb8;
	[tilespmem:$0xC800] =	vst v63  }
0x80: {  	p1 =	sge.u32 s8, s5;
	_ =	swait.ge [sflag:s19], $0x800  }
0x81: {  	s7 =	sshra.s32 @!p1 s0, $0x2;
	s8 =	simm.s32 @!p1 $0x80;
	[sflag:s19] =	ssyncset.done $0x0  }
0x82: {  	s7 =	sadd.s32 @!p1 $0x280, s7;
	s25 =	simm.s32 @!p1 $0x6000;
	[sflag:s19] =	ssyncadd.s32 $0xFFFFF800  }
0x83: {  	[tilespmem:s25], [sflag:$0x2] =	stream.indirect.gather @!p1 [spmem:s3], $0x10, s7, s8, $0xb8;
	[tilespmem:$0xC800] =	vst v63  }
0x84: {  	_ =	swait.ge [sflag:s30], $0x800  }
0x85: {  	[sflag:s30] =	ssyncset.done $0x0  }
0x86: {  	s25 =	sadd.s32 $0x2D00, s6;
	s8 =	sadd.s32 $0xFFFFFFFF, s23;
	[sflag:s30] =	ssyncadd.s32 $0xFFFFF800  }
0x87: {  	[spmem:s2] =	stream.indirect.scatter.add.f32 [tilespmem:s24], [sflag:$0x5], $0x10, s25, s21, $0xb8;
	[tilespmem:$0xC800] =	vst v63  }
0x88: {  	p1 =	sge.u32 s8, s5;
	_ =	swait.ge [sflag:s19], $0x800  }
0x89: {  	s7 =	sshra.s32 @!p1 s0, $0x2;
	s8 =	simm.s32 @!p1 $0x80;
	[sflag:s19] =	ssyncset.done $0x0  }
0x8a: {  	s7 =	sadd.s32 @!p1 $0x300, s7;
	s25 =	simm.s32 @!p1 $0x6800;
	[sflag:s19] =	ssyncadd.s32 $0xFFFFF800  }
0x8b: {  	[tilespmem:s25], [sflag:$0x3] =	stream.indirect.gather @!p1 [spmem:s3], $0x10, s7, s8, $0xb8;
	[tilespmem:$0xC800] =	vst v63  }
0x8c: {  	_ =	swait.ge [sflag:s31], $0x800  }
0x8d: {  	[sflag:s31] =	ssyncset.done $0x0  }
0x8e: {  	s6 =	sadd.s32 $0x2D80, s6;
	[sflag:s31] =	ssyncadd.s32 $0xFFFFF800  }
0x8f: {  	[spmem:s2] =	stream.indirect.scatter.add.f32 [tilespmem:s26], [sflag:$0x5], $0x10, s6, s21, $0xb8;
	[tilespmem:$0xC800] =	vst v63  }
0x90: {  	s4 =	sadd.s32 $0x1, s4;
	p1 =	sge.u32 s23, s5;
	_ =	swait.ge [sflag:s19], $0x800  }
0x91: {  	s0 =	sshra.s32 @!p1 s0, $0x2;
	s7 =	simm.s32 @!p1 $0x7000;
	[sflag:s19] =	ssyncset.done $0x0  }
0x92: {  	s0 =	sadd.s32 @!p1 $0x380, s0;
	s6 =	simm.s32 @!p1 $0x80;
	[sflag:s19] =	ssyncadd.s32 $0xFFFFF800  }
0x93: {  	[tilespmem:s7], [sflag:$0x4] =	stream.indirect.gather @!p1 [spmem:s3], $0x10, s0, s6, $0xb8;
	[tilespmem:$0xC800] =	vst v63  }
0x94: {  	p1 =	sne.s32 s4, s17  }
.Ltmp2:
0x95: {  	s25 =	sshrl.u32 s10, $0x3;
	[bflag:$0x0] =	sbarrier.arrive $0xFFFF;
	(pc) =	sbr.rel @p1 .LBB2_1-.Ltmp2, $4  }
0x96: {  	[hbm:s16], [sflag:s1] =	dma.local [spmem:s25], $0x500  }
0x97: {  	_ =	swait.ge [sflag:s19], $0x500  }
0x98: {  	[sflag:s19] =	ssyncset.done $0x0  }
0x99: {  	[sflag:s19] =	ssyncadd.s32 $0xFFFFFB00  }
0x9a: {  	_ =	sfence.sel $0x180000  }
0x9b: {  	[bflag:$0x0] =	sbarrier.arrive $0xFFFF  }
0x9c: {  	_ =	strace $0x9000004D  }
0x9d: {  	s0 =	stileid.u32;
	[bflag:$0x2] =	sbarrier.arrive $0xFFFF  }
0x9e: {  	p0 =	sne.s32 s0, $0x0;
	s0 =	rddreg [dreg:$0x4]  }
0x9f: {  	s0 =	sadd.s32 @!p0 $0x100000, s0  }
0xa0: {  	[sflag:s0] =	ssyncadd.tile.s32 @!p0 $0x1;
	_ =	shalt  }
.Lfunc_end2:
_tile_overlayer_lowered:
.L_overlay_start_2:
0xa1: {  	(tag) =	ssettag $0x2  }
0xa2: {  	s0 =	rddreg [dreg:$0x0];
	s2 =	stileid.u32  }
0xa3: {  	s1 =	rddreg [dreg:$0x1];
	p0 =	sne.s32 s2, $0x0  }
0xa4: {  	s3 =	rddreg [dreg:$0x2];
	[bflag:$0x3] =	sbarrier.arrive $0xFFFF;
	s2 =	simm.s32 @!p0 $0x1C05  }
0xa5: {  	[timem:s3], [sflag:s2] =	dma.local @!p0 [hbm:s0], s1  }
0xa6: {  	s0 =	simm.s32 @!p0 $0x5  }
0xa7: {  	_ =	swait.ge @!p0 [sflag:s0], s1  }
0xa8: {  	s1 =	ssub.s32 @!p0 $0x0, s1;
	[sflag:s0] =	ssyncset.done @!p0 $0x0  }
0xa9: {  	[sflag:s0] =	ssyncadd.s32 @!p0 s1  }
0xaa: {  	[bflag:$0x3] =	sbarrier.arrive $0xFFFF  }
0xab: {  	_ =	shalt  }

// kernel: kernel.9.cloned.1.call-start
scs
__scs_entry_jumppad:
0x0: {  	(pc) =	sbr.rel $0x88, $3  }
0x1: {  	(tag) =	ssettag $0x0;
	lr =	simm.s32 $0x1  }
0x2: {  	[smem:$0x3F9B] =	sst lr;
	_ =	strace $0xD0000000  }
0x3: {  	_ = 	snop  }
0x4: {  	_ = 	snop  }
0x5: {  	_ = 	snop  }
0x6: {  	_ = 	snop  }
0x7: {  	_ = 	snop  }
__scs_overlays_trampoline_lowered:
0x8: {  	[smem:$0x3FAA] =	sst s0  }
0x9: {  	[smem:$0x3FAB] =	sst s1  }
0xa: {  	[smem:$0x3FAC] =	sst s2  }
0xb: {  	[smem:$0x3FAD] =	sst s3  }
0xc: {  	[smem:$0x3FAE] =	sst s4  }
0xd: {  	[smem:$0x3FAF] =	sst s5  }
0xe: {  	[smem:$0x3FB0] =	sst s6  }
0xf: {  	[smem:$0x3FB1] =	sst s7  }
0x10: {  	[smem:$0x3FB2] =	sst s8  }
0x11: {  	[smem:$0x3FB3] =	sst s9;
	s0 =	simm.s32 @!p0 $0x0  }
0x12: {  	s1 =	sld [smem:$0x3F99];
	s0 =	simm.s32 @p0 $0x1  }
0x13: {  	[smem:$0x3FB4] =	sst s0;
	s0 =	simm.s32 @!p1 $0x0  }
0x14: {  	s2 =	sld [smem:$0x3F98];
	s0 =	simm.s32 @p1 $0x1  }
0x15: {  	[smem:$0x3FB5] =	sst s0;
	s0 =	simm.s32 @!p2 $0x0  }
0x16: {  	s3 =	sld [smem:$0x3FDB];
	s0 =	simm.s32 @p2 $0x1  }
0x17: {  	s4 =	simm.s32 $0x1BF5;
	[smem:$0x3FB7] =	sst s0  }
0x18: {  	s0 =	sld [smem:$0x3F9A];
	_ =	swait.ge [sflag:s4], $0x0  }
0x19: {  	s7 =	sld [smem:$0x3F9B]  }
0x1a: {  	s8 =	sadd.s32 $0xFFFFE003, lr  }
0x1b: {  	s9 =	sadd.s32 $0xFFFFFEF7, lr;
	s5 =	simm.s32 $0xFFFFFFFF;
	p2 =	slt.u32 s8, $0xFFFFF086  }
0x1c: {  	p1 =	slt.u32 s9, $0xF7A;
	s5 =	simm.s32 @!p2 $0x0  }
0x1d: {  	s5 =	simm.s32 @p1 $0x1;
	p0 =	seq.s32 s7, s2  }
0x1e: {  	s7 =	smul.u32 @!p0 $0xF7A, s2;
	p2 =	seq.s32 @!p0 s5, $0x0  }
0x1f: {  	s9 =	smul.u32 $0xF7A, s1;
	s8 =	simm.s32 @!p0 $0x1BF5;
	p2 =	por !p2, p0  }
0x20: {  	[sflag:s8] =	ssyncset.s32 @!p0 $0xFFFFF086;
	s6 =	sadd.s32 @!p0 s3, s7;
	s7 =	simm.s32 @!p0 $0x108  }
0x21: {  	s3 =	sadd.s32 s3, s9;
	s6 =	sadd.s32 @!p0 $0x88, s6;
	s7 =	simm.s32 @p2 $0x1082  }
0x22: {  	[simem:s7], [sflag:s8] =	dma.local @!p0 [hbm:s6], $0xF7A  }
0x23: {  	s9 =	sor.u32 $0xD0000000, s2;
	s6 =	simm.s32 $0x108;
	_ =	swait.ge @!p0 [sflag:s8], $0x0  }
0x24: {  	s3 =	sadd.s32 $0x88, s3;
	s6 =	simm.s32 @!p1 $0x1082;
	[sflag:s4] =	ssyncset.s32 $0xFFFFF086  }
0x25: {  	[simem:s6], [sflag:s4] =	dma.local [hbm:s3], $0xF7A  }
0x26: {  	[smem:$0x3F9B] =	sst s1;
	(tag) =	ssettag s2;
	_ =	strace s9  }
0x27: {  	s1 =	sld [smem:$0x3FAB]  }
0x28: {  	s2 =	sld [smem:$0x3FAC]  }
0x29: {  	s4 =	sld [smem:$0x3FAE]  }
0x2a: {  	p0 =	seq.s32 s5, $0x0;
	s5 =	sld [smem:$0x3FAF]  }
0x2b: {  	s6 =	sld [smem:$0x3FB0]  }
0x2c: {  	s7 =	sld [smem:$0x3FB1]  }
0x2d: {  	s3 =	simm.s32 $0x108;
	s8 =	sld [smem:$0x3FB2]  }
0x2e: {  	s3 =	simm.s32 @!p0 $0x1082;
	s9 =	sld [smem:$0x3FB3]  }
0x2f: {  	lr =	sadd.s32 s0, s3;
	s0 =	sld [smem:$0x3FAA]  }
0x30: {  	s3 =	sld [smem:$0x3FAD]  }
0x31: {  	[smem:$0x3FB6] =	sst s10  }
0x32: {  	s10 =	sld [smem:$0x3FB4];
	_ =	sdelay $0x3  }
0x33: {  	p0 =	seq.s32 s10, $0x1;
	s10 =	sld [smem:$0x3FB6];
	_ =	sdelay $0x3  }
0x34: {  	[smem:$0x3FB6] =	sst s10  }
0x35: {  	s10 =	sld [smem:$0x3FB5];
	_ =	sdelay $0x3  }
0x36: {  	p1 =	seq.s32 s10, $0x1;
	s10 =	sld [smem:$0x3FB6];
	_ =	sdelay $0x3  }
0x37: {  	[smem:$0x3FB6] =	sst s10  }
0x38: {  	s10 =	sld [smem:$0x3FB7]  }
0x39: {  	_ = 	snop;
	(pc) =	sbr.ind lr, $3  }
0x3a: {  	_ = 	snop  }
0x3b: {  	_ = 	snop  }
0x3c: {  	p2 =	seq.s32 s10, $0x1;
	s10 =	sld [smem:$0x3FB6]  }
0x3d: {  	_ =	shalt  }
0x3e: {  	_ =	shalt  }
0x3f: {  	_ =	shalt  }
0x40: {  	_ =	shalt  }
0x41: {  	_ =	shalt  }
0x42: {  	_ =	shalt  }
0x43: {  	_ =	shalt  }
0x44: {  	_ =	shalt  }
0x45: {  	_ =	shalt  }
0x46: {  	_ =	shalt  }
0x47: {  	_ =	shalt  }
0x48: {  	_ =	shalt  }
0x49: {  	_ =	shalt  }
0x4a: {  	_ =	shalt  }
0x4b: {  	_ =	shalt  }
0x4c: {  	_ =	shalt  }
0x4d: {  	_ =	shalt  }
0x4e: {  	_ =	shalt  }
0x4f: {  	_ =	shalt  }
0x50: {  	_ =	shalt  }
0x51: {  	_ =	shalt  }
0x52: {  	_ =	shalt  }
0x53: {  	_ =	shalt  }
0x54: {  	_ =	shalt  }
0x55: {  	_ =	shalt  }
0x56: {  	_ =	shalt  }
0x57: {  	_ =	shalt  }
0x58: {  	_ =	shalt  }
0x59: {  	_ =	shalt  }
0x5a: {  	_ =	shalt  }
0x5b: {  	_ =	shalt  }
0x5c: {  	_ =	shalt  }
0x5d: {  	_ =	shalt  }
0x5e: {  	_ =	shalt  }
0x5f: {  	_ =	shalt  }
0x60: {  	_ =	shalt  }
0x61: {  	_ =	shalt  }
0x62: {  	_ =	shalt  }
0x63: {  	_ =	shalt  }
0x64: {  	_ =	shalt  }
0x65: {  	_ =	shalt  }
0x66: {  	_ =	shalt  }
0x67: {  	_ =	shalt  }
0x68: {  	_ =	shalt  }
0x69: {  	_ =	shalt  }
0x6a: {  	_ =	shalt  }
0x6b: {  	_ =	shalt  }
0x6c: {  	_ =	shalt  }
0x6d: {  	_ =	shalt  }
0x6e: {  	_ =	shalt  }
0x6f: {  	_ =	shalt  }
0x70: {  	_ =	shalt  }
0x71: {  	_ =	shalt  }
0x72: {  	_ =	shalt  }
0x73: {  	_ =	shalt  }
0x74: {  	_ =	shalt  }
0x75: {  	_ =	shalt  }
0x76: {  	_ =	shalt  }
0x77: {  	_ =	shalt  }
0x78: {  	_ =	shalt  }
0x79: {  	_ =	shalt  }
0x7a: {  	_ =	shalt  }
0x7b: {  	_ =	shalt  }
0x7c: {  	_ =	shalt  }
0x7d: {  	_ =	shalt  }
0x7e: {  	_ =	shalt  }
0x7f: {  	_ =	shalt  }
0x80: {  	_ =	shalt  }
0x81: {  	_ =	shalt  }
0x82: {  	_ =	shalt  }
0x83: {  	_ =	shalt  }
0x84: {  	_ =	shalt  }
0x85: {  	_ =	shalt  }
0x86: {  	_ =	shalt  }
0x87: {  	_ =	shalt  }
.Lfunc_end0:
.L_simem_size_0:
called_computation_lowered:
.L_overlay_start_0:
0x88: {  	s2 =	sld [smem:$0x3FD9]  }
0x89: {  	s3 =	sld [smem:$0x3FFE];
	_ =	sdelay $0x1  }
0x8a: {  	s1 =	srdreg.scid  }
0x8b: {  	s0 =	sand.u32 $0x1, s1  }
0x8c: {  	s17 =	sshll.u32 s0, $0xA;
	s2 =	sadd.s32 s3, s2  }
0x8d: {  	s2 =	sadd.s32 s2, s17  }
0x8e: {  	[smem:$0x3FC2] =	sst s2  }
0x8f: {  	_ = 	snop  }
0x90: {  	s2 =	sld [smem:$0x3FD0];
	(tm) =	ssettm $0x1  }
0x91: {  	s18 =	sld [smem:$0x3FFB];
	_ =	sdelay $0x3  }
0x92: {  	_ =	strace s18  }
0x93: {  	s3 =	sld [smem:$0x3FFC];
	_ =	sdelay $0x3  }
0x94: {  	_ =	strace s3  }
0x95: {  	s3 =	sld [smem:$0x3FFD];
	_ =	sdelay $0x3  }
0x96: {  	_ =	strace s3  }
0x97: {  	_ =	strace $0x8FFFFFFF  }
0x98: {  	s19 =	sld [smem:$0x3FDB];
	_ =	sdelay $0x1  }
0x99: {  	s4 =	simm.s32 $_scs_section_size  }
0x9a: {  	s5 =	simm.s32 $_size__tile_overlayer_lowered;
	s6 =	simm.s32 $_tile_overlayer_lowered  }
0x9b: {  	s22 =	simm.s32 $0x1BFF;
	s21 =	sshll.u32 s6, $0x1;
	s3 =	sadd.s32 s4, s19  }
0x9c: {  	s7 =	simm.s32 $0x0;
	s20 =	sshll.u32 s5, $0x1;
	s5 =	sadd.s32 s21, s3  }
0x9d: {  	[timem:s7], [sflag:s22] =	dma.local [hbm:s5], s20  }
0x9e: {  	_ =	swait.ge [sflag:s22], s20  }
0x9f: {  	s4 =	ssub.s32 $0x0, s20;
	[sflag:s22] =	ssyncset.done $0x0  }
0xa0: {  	[sflag:s22] =	ssyncadd.s32 s4;
	_ =	sdelay $0x1  }
0xa1: {  	s23 =	simm.s32 $0x1B8B  }
0xa2: {  	_ =	swait.ge [sflag:s23], $0x1  }
0xa3: {  	[sflag:s23] =	ssyncset.done $0x0  }
0xa4: {  	s25 =	simm.s32 $0x1B8E;
	s24 =	sld [smem:$0x3FFE];
	[sflag:s23] =	ssyncadd.s32 $0xFFFFFFFF  }
0xa5: {  	s26 =	simm.s32 $execute0_lowered;
	[smem:$0x3FD2] =	sst s25  }
0xa6: {  	s5 =	sshll.u32 s26, $0x1;
	_ =	strace $0x80000046;
	[dreg:$0x1] =	wrdreg $0xFFFFFFFF  }
0xa7: {  	s28 =	simm.s32 $_size_execute0_lowered;
	s3 =	sadd.s32 s3, s5;
	[dreg:$0x0] =	wrdreg $0x0  }
0xa8: {  	s5 =	sshll.u32 s28, $0x1;
	[dreg:$0x2] =	wrdreg s3  }
0xa9: {  	[dreg:$0x3] =	wrdreg s5  }
0xaa: {  	[dreg:$0x4] =	wrdreg $0xC0  }
0xab: {  	_ =	task [dreg:s7], $0x5FFFF  }
0xac: {  	[dreg:$0x1] =	wrdreg $0xFFFFFFFF  }
0xad: {  	[dreg:$0x0] =	wrdreg $0x60  }
0xae: {  	[dreg:$0x2] =	wrdreg s2  }
0xaf: {  	[dreg:$0x3] =	wrdreg s24  }
0xb0: {  	[dreg:$0x4] =	wrdreg $0x70000  }
0xb1: {  	[dreg:$0x5] =	wrdreg $0x9  }
0xb2: {  	_ =	task.clear_ibuf [dreg:s7], $0x6FFFF;
	_ =	strace $0x90000046  }
0xb3: {  	s29 =	simm.s32 $0x9;
	_ =	strace $0x80000048  }
0xb4: {  	_ =	swait.ge [sflag:s29], $0x1  }
0xb5: {  	[sflag:s29] =	ssyncadd.s32 $0xFFFFFFFF  }
0xb6: {  	_ =	strace $0x90000048  }
0xb7: {  	_ =	sfence  }
0xb8: {  	s30 =	sld [smem:$0x0];
	_ =	sdelay $0x2  }
0xb9: {  	s31 =	sshll.u32 s1, $0xD;
	s1 =	sshrl.u32 s1, $0x2  }
0xba: {  	s3 =	sand.u32 $0x4000, s31;
	s1 =	sadd.s32 s1, s30  }
0xbb: {  	s0 =	sor.u32 s3, s0;
	s1 =	sshll.u32 s1, $0x11  }
0xbc: {  	s0 =	sor.u32 s1, s0  }
0xbd: {  	s0 =	sadd.s32 $0x8F2B, s0  }
0xbe: {  	[sflag:s0] =	ssyncadd.remote.s32 $0x1  }
0xbf: {  	_ =	sfence.sel $0xFFFF  }
0xc0: {  	[dreg:$0x0] =	wrdreg $0xFFFFFFFF;
	(pc) =	sbr.abs _section_cstart, $3  }
0xc1: {  	[dreg:$0x1] =	wrdreg $0xFFFFFFFF  }
0xc2: {  	_ =	task.clear_ibuf [dreg:s7], $0x2FFFF;
	_ =	strace $0x9FFFFFFF  }
0xc3: {  	(tm) =	ssettm $0x7FFFFFFF  }
tec
execute0_lowered:
.L_overlay_start_1:
0x0: {  	(tag) =	ssettag $0x1  }
0x1: {  	s0 =	rddreg [dreg:$0x0]  }
0x2: {  	s1 =	rddreg [dreg:$0x1]  }
0x3: {  	s2 =	rddreg [dreg:$0x2];
	s4 =	srdreg.scid  }
0x4: {  	s9 =	stileid.u32;
	s3 =	simm.s32 $0x0;
	s15 =	simm.s32 $0x5000  }
0x5: {  	s16 =	simm.s32 $0x80;
	s22 =	simm.s32 $0x4A00;
	s23 =	simm.s32 $0x4A80  }
0x6: {  	s28 =	simm.s32 $0x4C00;
	s29 =	simm.s32 $0x4C80;
	s30 =	simm.s32 $0x4D00  }
0x7: {  	s31 =	simm.s32 $0x4D80;
	s17 =	simm.s32 $0x4F00;
	s5 =	smul.u32 $0x2800, s9  }
0x8: {  	s18 =	simm.s32 $0x4F80;
	s19 =	simm.s32 $0x0;
	s12 =	smul.u32 $0x500, s9  }
0x9: {  	s4 =	sand.u32 $0x1, s4;
	[smem:$0x7FF] =	sst s3;
	s9 =	smul.u32 $0xA000, s9  }
0xa: {  	s24 =	sadd.s32 $0xA000, s0;
	s6 =	smul.u32 $0x28000, s4;
	s7 =	ssub.s32 $0x2, s4  }
0xb: {  	_ =	strace $0x80000047;
	p0 =	seq.s32 s4, $0x0;
	s8 =	sshrl.u32 s7, $0x1  }
0xc: {  	s13 =	sadd.s32 $0x5000, s12;
	s25 =	sshrl.u32 s9, $0x2;
	s26 =	sshrl.u32 s5, $0x3  }
0xd: {  	s6 =	sadd.s32 s5, s6;
	s11 =	ssub.s32 s7, s8;
	s4 =	sadd.s32 s13, s24  }
0xe: {  	s9 =	sadd.s32 s25, s2;
	s14 =	sadd.s32 s26, s24;
	s5 =	sadd.s32 s5, s2  }
0xf: {  	s13 =	smov.u32 @p0 s12;
	s24 =	simm.s32 $0x1;
	s25 =	simm.s32 $0x4B00  }
0x10: {  	s26 =	simm.s32 $0x4B80;
	s6 =	sshrl.u32 s6, $0x3;
	s7 =	sadd.s32 $0x1000, s9  }
0x11: {  	s8 =	sadd.s32 $0x1800, s9;
	s11 =	smax.u32 s11, $0x1;
	s12 =	sadd.s32 s0, s13  }
0x12: {  	s4 =	smov.u32 @p0 s14;
	s13 =	simm.s32 $0x5;
	s14 =	simm.s32 $0x2800  }
0x13: {  	s0 =	simm.s32 $0x4E00;
	s1 =	sadd.s32 s6, s1;
	s6 =	sadd.s32 $0x800, s9  }
0x14: {  	v0 =	vimm.f32 $0.0e+00;
	v1 =	vimm.f32 $1.000000000e+00;
	s9 =	sadd.s32 $0x2000, s9;
	s10 =	sadd.s32 $0x2C00, s1;
	s1 =	simm.s32 $0x4E80  }
.LBB2_1:
0x15: {  	[tilespmem:s3], [sflag:$0x5] =	stream.linear.gather [hbm4b:s12+s3], $0x2800, $0x38;
	[tilespmem:$0x9800] =	vst v63  }
0x16: {  	_ =	swait.ge [sflag:s13], $0x2800  }
0x17: {  	[sflag:s13] =	ssyncset.done $0x0  }
0x18: {  	[sflag:s13] =	ssyncadd.s32 $0xFFFFD800  }
0x19: {  	[tilespmem:s14], [sflag:$0x5] =	stream.linear.gather [hbm4b:s4+s3], $0x2800, $0x38;
	[tilespmem:$0x9800] =	vst v63  }
0x1a: {  	_ =	swait.ge [sflag:s13], $0x2800  }
0x1b: {  	[sflag:s13] =	ssyncset.done $0x0  }
0x1c: {  	s20 =	simm.s32 $0x40;
	s21 =	simm.s32 $0x0;
	[sflag:s13] =	ssyncadd.s32 $0xFFFFD800  }
.LBB2_2:
0x1d: {  	p0 =	sne.s32 s20, $0x1FC0;
	[tilespmem:s21+$0x5000] =	vst v0;
	s21 =	smov.u32 s20;
	s20 =	sadd.s32 $0x40, s20  }
.Ltmp0:
0x1e: {  	(pc) =	sbr.rel @p0 .LBB2_2-.Ltmp0, $2  }
0x1f: {  	_ =	sdelay $0x2  }
0x20: {  	s21 =	sshra.s32 s21, $0x2  }
0x21: {  	[tilespmem:s21+$0x5000] =	vst v0  }
0x22: {  	[spmem:s5] =	stream.linear.scatter [tilespmem:s15], [sflag:$0x5], $0x800, $0x38;
	[tilespmem:$0x9800] =	vst v63  }
0x23: {  	_ =	swait.ge [sflag:s13], $0x800  }
0x24: {  	[sflag:s13] =	ssyncset.done $0x0  }
0x25: {  	[sflag:s13] =	ssyncadd.s32 $0xFFFFF800  }
0x26: {  	[spmem:s6] =	stream.linear.scatter [tilespmem:s15], [sflag:$0x5], $0x800, $0x38;
	[tilespmem:$0x9800] =	vst v63  }
0x27: {  	_ =	swait.ge [sflag:s13], $0x800  }
0x28: {  	[sflag:s13] =	ssyncset.done $0x0  }
0x29: {  	[sflag:s13] =	ssyncadd.s32 $0xFFFFF800  }
0x2a: {  	[spmem:s7] =	stream.linear.scatter [tilespmem:s15], [sflag:$0x5], $0x800, $0x38;
	[tilespmem:$0x9800] =	vst v63  }
0x2b: {  	_ =	swait.ge [sflag:s13], $0x800  }
0x2c: {  	[sflag:s13] =	ssyncset.done $0x0  }
0x2d: {  	[sflag:s13] =	ssyncadd.s32 $0xFFFFF800  }
0x2e: {  	[spmem:s8] =	stream.linear.scatter [tilespmem:s15], [sflag:$0x5], $0x800, $0x38;
	[tilespmem:$0x9800] =	vst v63  }
0x2f: {  	_ =	swait.ge [sflag:s13], $0x800  }
0x30: {  	[sflag:s13] =	ssyncset.done $0x0  }
0x31: {  	[sflag:s13] =	ssyncadd.s32 $0xFFFFF800  }
0x32: {  	[spmem:s9] =	stream.linear.scatter [tilespmem:s15], [sflag:$0x5], $0x800, $0x38;
	[tilespmem:$0x9800] =	vst v63  }
0x33: {  	_ =	swait.ge [sflag:s13], $0x800  }
0x34: {  	[sflag:s13] =	ssyncset.done $0x0  }
0x35: {  	s20 =	simm.s32 $0x40;
	s21 =	simm.s32 $0x0;
	[sflag:s13] =	ssyncadd.s32 $0xFFFFF800  }
.LBB2_4:
0x36: {  	p0 =	sne.s32 s20, $0x1FC0;
	[tilespmem:s21+$0x5000] =	vst v1;
	s21 =	smov.u32 s20;
	s20 =	sadd.s32 $0x40, s20  }
.Ltmp1:
0x37: {  	(pc) =	sbr.rel @p0 .LBB2_4-.Ltmp1, $2  }
0x38: {  	_ =	sdelay $0x2  }
0x39: {  	s21 =	sshra.s32 s21, $0x2  }
0x3a: {  	[tilespmem:s21+$0x5000] =	vst v1  }
0x3b: {  	[bflag:$0x0] =	sbarrier.arrive $0xFFFF  }
0x3c: {  	[spmem:s2] =	stream.indirect.scatter.add.f32 [tilespmem:s15], [sflag:$0x1], $0x10, s14, s16, $0xb8;
	[tilespmem:$0x9800] =	vst v63  }
0x3d: {  	s20 =	simm.s32 $0x2880  }
0x3e: {  	[spmem:s2] =	stream.indirect.scatter.add.f32 [tilespmem:s15], [sflag:$0x1], $0x10, s20, s16, $0xb8;
	[tilespmem:$0x9800] =	vst v63  }
0x3f: {  	s21 =	simm.s32 $0x2900  }
0x40: {  	[spmem:s2] =	stream.indirect.scatter.add.f32 [tilespmem:s15], [sflag:$0x1], $0x10, s21, s16, $0xb8;
	[tilespmem:$0x9800] =	vst v63  }
0x41: {  	s21 =	simm.s32 $0x2980  }
0x42: {  	[spmem:s2] =	stream.indirect.scatter.add.f32 [tilespmem:s15], [sflag:$0x1], $0x10, s21, s16, $0xb8;
	[tilespmem:$0x9800] =	vst v63  }
0x43: {  	s21 =	simm.s32 $0x2A00  }
0x44: {  	[spmem:s2] =	stream.indirect.scatter.add.f32 [tilespmem:s15], [sflag:$0x1], $0x10, s21, s16, $0xb8;
	[tilespmem:$0x9800] =	vst v63  }
0x45: {  	s21 =	simm.s32 $0x2A80  }
0x46: {  	[spmem:s2] =	stream.indirect.scatter.add.f32 [tilespmem:s15], [sflag:$0x1], $0x10, s21, s16, $0xb8;
	[tilespmem:$0x9800] =	vst v63  }
0x47: {  	s21 =	simm.s32 $0x2B00  }
0x48: {  	[spmem:s2] =	stream.indirect.scatter.add.f32 [tilespmem:s15], [sflag:$0x1], $0x10, s21, s16, $0xb8;
	[tilespmem:$0x9800] =	vst v63  }
0x49: {  	s21 =	simm.s32 $0x2B80  }
0x4a: {  	[spmem:s2] =	stream.indirect.scatter.add.f32 [tilespmem:s15], [sflag:$0x1], $0x10, s21, s16, $0xb8;
	[tilespmem:$0x9800] =	vst v63  }
0x4b: {  	s21 =	simm.s32 $0x2C00  }
0x4c: {  	[spmem:s2] =	stream.indirect.scatter.add.f32 [tilespmem:s15], [sflag:$0x1], $0x10, s21, s16, $0xb8;
	[tilespmem:$0x9800] =	vst v63  }
0x4d: {  	s21 =	simm.s32 $0x2C80  }
0x4e: {  	[spmem:s2] =	stream.indirect.scatter.add.f32 [tilespmem:s15], [sflag:$0x1], $0x10, s21, s16, $0xb8;
	[tilespmem:$0x9800] =	vst v63  }
0x4f: {  	s21 =	simm.s32 $0x2D00  }
0x50: {  	[spmem:s2] =	stream.indirect.scatter.add.f32 [tilespmem:s15], [sflag:$0x1], $0x10, s21, s16, $0xb8;
	[tilespmem:$0x9800] =	vst v63  }
0x51: {  	s21 =	simm.s32 $0x2D80  }
0x52: {  	[spmem:s2] =	stream.indirect.scatter.add.f32 [tilespmem:s15], [sflag:$0x1], $0x10, s21, s16, $0xb8;
	[tilespmem:$0x9800] =	vst v63  }
0x53: {  	s21 =	simm.s32 $0x2E00  }
0x54: {  	[spmem:s2] =	stream.indirect.scatter.add.f32 [tilespmem:s15], [sflag:$0x1], $0x10, s21, s16, $0xb8;
	[tilespmem:$0x9800] =	vst v63  }
0x55: {  	s21 =	simm.s32 $0x2E80  }
0x56: {  	[spmem:s2] =	stream.indirect.scatter.add.f32 [tilespmem:s15], [sflag:$0x1], $0x10, s21, s16, $0xb8;
	[tilespmem:$0x9800] =	vst v63  }
0x57: {  	s21 =	simm.s32 $0x2F00  }
0x58: {  	[spmem:s2] =	stream.indirect.scatter.add.f32 [tilespmem:s15], [sflag:$0x1], $0x10, s21, s16, $0xb8;
	[tilespmem:$0x9800] =	vst v63  }
0x59: {  	s21 =	simm.s32 $0x2F80  }
0x5a: {  	[spmem:s2] =	stream.indirect.scatter.add.f32 [tilespmem:s15], [sflag:$0x1], $0x10, s21, s16, $0xb8;
	[tilespmem:$0x9800] =	vst v63  }
0x5b: {  	s21 =	simm.s32 $0x3000  }
0x5c: {  	[spmem:s2] =	stream.indirect.scatter.add.f32 [tilespmem:s15], [sflag:$0x1], $0x10, s21, s16, $0xb8;
	[tilespmem:$0x9800] =	vst v63  }
0x5d: {  	s21 =	simm.s32 $0x3080  }
0x5e: {  	[spmem:s2] =	stream.indirect.scatter.add.f32 [tilespmem:s15], [sflag:$0x1], $0x10, s21, s16, $0xb8;
	[tilespmem:$0x9800] =	vst v63  }
0x5f: {  	s21 =	simm.s32 $0x3100  }
0x60: {  	[spmem:s2] =	stream.indirect.scatter.add.f32 [tilespmem:s15], [sflag:$0x1], $0x10, s21, s16, $0xb8;
	[tilespmem:$0x9800] =	vst v63  }
0x61: {  	s21 =	simm.s32 $0x3180  }
0x62: {  	[spmem:s2] =	stream.indirect.scatter.add.f32 [tilespmem:s15], [sflag:$0x1], $0x10, s21, s16, $0xb8;
	[tilespmem:$0x9800] =	vst v63  }
0x63: {  	s21 =	simm.s32 $0x3200  }
0x64: {  	[spmem:s2] =	stream.indirect.scatter.add.f32 [tilespmem:s15], [sflag:$0x1], $0x10, s21, s16, $0xb8;
	[tilespmem:$0x9800] =	vst v63  }
0x65: {  	s21 =	simm.s32 $0x3280  }
0x66: {  	[spmem:s2] =	stream.indirect.scatter.add.f32 [tilespmem:s15], [sflag:$0x1], $0x10, s21, s16, $0xb8;
	[tilespmem:$0x9800] =	vst v63  }
0x67: {  	s21 =	simm.s32 $0x3300  }
0x68: {  	[spmem:s2] =	stream.indirect.scatter.add.f32 [tilespmem:s15], [sflag:$0x1], $0x10, s21, s16, $0xb8;
	[tilespmem:$0x9800] =	vst v63  }
0x69: {  	s21 =	simm.s32 $0x3380  }
0x6a: {  	[spmem:s2] =	stream.indirect.scatter.add.f32 [tilespmem:s15], [sflag:$0x1], $0x10, s21, s16, $0xb8;
	[tilespmem:$0x9800] =	vst v63  }
0x6b: {  	s21 =	simm.s32 $0x3400  }
0x6c: {  	[spmem:s2] =	stream.indirect.scatter.add.f32 [tilespmem:s15], [sflag:$0x1], $0x10, s21, s16, $0xb8;
	[tilespmem:$0x9800] =	vst v63  }
0x6d: {  	s21 =	simm.s32 $0x3480  }
0x6e: {  	[spmem:s2] =	stream.indirect.scatter.add.f32 [tilespmem:s15], [sflag:$0x1], $0x10, s21, s16, $0xb8;
	[tilespmem:$0x9800] =	vst v63  }
0x6f: {  	s21 =	simm.s32 $0x3500  }
0x70: {  	[spmem:s2] =	stream.indirect.scatter.add.f32 [tilespmem:s15], [sflag:$0x1], $0x10, s21, s16, $0xb8;
	[tilespmem:$0x9800] =	vst v63  }
0x71: {  	s21 =	simm.s32 $0x3580  }
0x72: {  	[spmem:s2] =	stream.indirect.scatter.add.f32 [tilespmem:s15], [sflag:$0x1], $0x10, s21, s16, $0xb8;
	[tilespmem:$0x9800] =	vst v63  }
0x73: {  	s21 =	simm.s32 $0x3600  }
0x74: {  	[spmem:s2] =	stream.indirect.scatter.add.f32 [tilespmem:s15], [sflag:$0x1], $0x10, s21, s16, $0xb8;
	[tilespmem:$0x9800] =	vst v63  }
0x75: {  	s21 =	simm.s32 $0x3680  }
0x76: {  	[spmem:s2] =	stream.indirect.scatter.add.f32 [tilespmem:s15], [sflag:$0x1], $0x10, s21, s16, $0xb8;
	[tilespmem:$0x9800] =	vst v63  }
0x77: {  	s21 =	simm.s32 $0x3700  }
0x78: {  	[spmem:s2] =	stream.indirect.scatter.add.f32 [tilespmem:s15], [sflag:$0x1], $0x10, s21, s16, $0xb8;
	[tilespmem:$0x9800] =	vst v63  }
0x79: {  	s21 =	simm.s32 $0x3780  }
0x7a: {  	[spmem:s2] =	stream.indirect.scatter.add.f32 [tilespmem:s15], [sflag:$0x1], $0x10, s21, s16, $0xb8;
	[tilespmem:$0x9800] =	vst v63  }
0x7b: {  	s21 =	simm.s32 $0x3800  }
0x7c: {  	[spmem:s2] =	stream.indirect.scatter.add.f32 [tilespmem:s15], [sflag:$0x1], $0x10, s21, s16, $0xb8;
	[tilespmem:$0x9800] =	vst v63  }
0x7d: {  	s21 =	simm.s32 $0x3880  }
0x7e: {  	[spmem:s2] =	stream.indirect.scatter.add.f32 [tilespmem:s15], [sflag:$0x1], $0x10, s21, s16, $0xb8;
	[tilespmem:$0x9800] =	vst v63  }
0x7f: {  	s21 =	simm.s32 $0x3900  }
0x80: {  	[spmem:s2] =	stream.indirect.scatter.add.f32 [tilespmem:s15], [sflag:$0x1], $0x10, s21, s16, $0xb8;
	[tilespmem:$0x9800] =	vst v63  }
0x81: {  	s21 =	simm.s32 $0x3980  }
0x82: {  	[spmem:s2] =	stream.indirect.scatter.add.f32 [tilespmem:s15], [sflag:$0x1], $0x10, s21, s16, $0xb8;
	[tilespmem:$0x9800] =	vst v63  }
0x83: {  	s21 =	simm.s32 $0x3A00  }
0x84: {  	[spmem:s2] =	stream.indirect.scatter.add.f32 [tilespmem:s15], [sflag:$0x1], $0x10, s21, s16, $0xb8;
	[tilespmem:$0x9800] =	vst v63  }
0x85: {  	s21 =	simm.s32 $0x3A80  }
0x86: {  	[spmem:s2] =	stream.indirect.scatter.add.f32 [tilespmem:s15], [sflag:$0x1], $0x10, s21, s16, $0xb8;
	[tilespmem:$0x9800] =	vst v63  }
0x87: {  	s21 =	simm.s32 $0x3B00  }
0x88: {  	[spmem:s2] =	stream.indirect.scatter.add.f32 [tilespmem:s15], [sflag:$0x1], $0x10, s21, s16, $0xb8;
	[tilespmem:$0x9800] =	vst v63  }
0x89: {  	s21 =	simm.s32 $0x3B80  }
0x8a: {  	[spmem:s2] =	stream.indirect.scatter.add.f32 [tilespmem:s15], [sflag:$0x1], $0x10, s21, s16, $0xb8;
	[tilespmem:$0x9800] =	vst v63  }
0x8b: {  	_ =	swait.ge [sflag:s24], $0x800  }
0x8c: {  	s20 =	simm.s32 $0x27;
	[sflag:s24] =	ssyncset.done $0x0  }
.LBB2_6:
0x8d: {  	p0 =	sne.s32 s20, $0x1;
	s20 =	sadd.s32 $0xFFFFFFFF, s20;
	[sflag:s24] =	ssyncadd.s32 $0xFFFFF800  }
.Ltmp2:
0x8e: {  	(pc) =	sbr.rel @p0 .LBB2_6-.Ltmp2, $3  }
0x8f: {  	_ =	sdelay $0x1  }
0x90: {  	_ =	swait.ge [sflag:s24], $0x800  }
0x91: {  	[sflag:s24] =	ssyncset.done $0x0  }
0x92: {  	[sflag:s24] =	ssyncadd.s32 $0xFFFFF800;
	s20 =	simm.s32 $0x3C00  }
0x93: {  	[spmem:s2] =	stream.indirect.scatter.add.f32 [tilespmem:s15], [sflag:$0x1], $0x10, s20, s16, $0xb8;
	[tilespmem:$0x9800] =	vst v63  }
0x94: {  	s21 =	simm.s32 $0x3C80  }
0x95: {  	[spmem:s2] =	stream.indirect.scatter.add.f32 [tilespmem:s15], [sflag:$0x1], $0x10, s21, s16, $0xb8;
	[tilespmem:$0x9800] =	vst v63  }
0x96: {  	s21 =	simm.s32 $0x3D00  }
0x97: {  	[spmem:s2] =	stream.indirect.scatter.add.f32 [tilespmem:s15], [sflag:$0x1], $0x10, s21, s16, $0xb8;
	[tilespmem:$0x9800] =	vst v63  }
0x98: {  	s21 =	simm.s32 $0x3D80  }
0x99: {  	[spmem:s2] =	stream.indirect.scatter.add.f32 [tilespmem:s15], [sflag:$0x1], $0x10, s21, s16, $0xb8;
	[tilespmem:$0x9800] =	vst v63  }
0x9a: {  	s21 =	simm.s32 $0x3E00  }
0x9b: {  	[spmem:s2] =	stream.indirect.scatter.add.f32 [tilespmem:s15], [sflag:$0x1], $0x10, s21, s16, $0xb8;
	[tilespmem:$0x9800] =	vst v63  }
0x9c: {  	s21 =	simm.s32 $0x3E80  }
0x9d: {  	[spmem:s2] =	stream.indirect.scatter.add.f32 [tilespmem:s15], [sflag:$0x1], $0x10, s21, s16, $0xb8;
	[tilespmem:$0x9800] =	vst v63  }
0x9e: {  	s21 =	simm.s32 $0x3F00  }
0x9f: {  	[spmem:s2] =	stream.indirect.scatter.add.f32 [tilespmem:s15], [sflag:$0x1], $0x10, s21, s16, $0xb8;
	[tilespmem:$0x9800] =	vst v63  }
0xa0: {  	s21 =	simm.s32 $0x3F80  }
0xa1: {  	[spmem:s2] =	stream.indirect.scatter.add.f32 [tilespmem:s15], [sflag:$0x1], $0x10, s21, s16, $0xb8;
	[tilespmem:$0x9800] =	vst v63  }
0xa2: {  	s21 =	simm.s32 $0x4000  }
0xa3: {  	[spmem:s2] =	stream.indirect.scatter.add.f32 [tilespmem:s15], [sflag:$0x1], $0x10, s21, s16, $0xb8;
	[tilespmem:$0x9800] =	vst v63  }
0xa4: {  	s21 =	simm.s32 $0x4080  }
0xa5: {  	[spmem:s2] =	stream.indirect.scatter.add.f32 [tilespmem:s15], [sflag:$0x1], $0x10, s21, s16, $0xb8;
	[tilespmem:$0x9800] =	vst v63  }
0xa6: {  	s21 =	simm.s32 $0x4100  }
0xa7: {  	[spmem:s2] =	stream.indirect.scatter.add.f32 [tilespmem:s15], [sflag:$0x1], $0x10, s21, s16, $0xb8;
	[tilespmem:$0x9800] =	vst v63  }
0xa8: {  	s21 =	simm.s32 $0x4180  }
0xa9: {  	[spmem:s2] =	stream.indirect.scatter.add.f32 [tilespmem:s15], [sflag:$0x1], $0x10, s21, s16, $0xb8;
	[tilespmem:$0x9800] =	vst v63  }
0xaa: {  	s21 =	simm.s32 $0x4200  }
0xab: {  	[spmem:s2] =	stream.indirect.scatter.add.f32 [tilespmem:s15], [sflag:$0x1], $0x10, s21, s16, $0xb8;
	[tilespmem:$0x9800] =	vst v63  }
0xac: {  	s21 =	simm.s32 $0x4280  }
0xad: {  	[spmem:s2] =	stream.indirect.scatter.add.f32 [tilespmem:s15], [sflag:$0x1], $0x10, s21, s16, $0xb8;
	[tilespmem:$0x9800] =	vst v63  }
0xae: {  	s21 =	simm.s32 $0x4300  }
0xaf: {  	[spmem:s2] =	stream.indirect.scatter.add.f32 [tilespmem:s15], [sflag:$0x1], $0x10, s21, s16, $0xb8;
	[tilespmem:$0x9800] =	vst v63  }
0xb0: {  	s21 =	simm.s32 $0x4380  }
0xb1: {  	[spmem:s2] =	stream.indirect.scatter.add.f32 [tilespmem:s15], [sflag:$0x1], $0x10, s21, s16, $0xb8;
	[tilespmem:$0x9800] =	vst v63  }
0xb2: {  	s21 =	simm.s32 $0x4400  }
0xb3: {  	[spmem:s2] =	stream.indirect.scatter.add.f32 [tilespmem:s15], [sflag:$0x1], $0x10, s21, s16, $0xb8;
	[tilespmem:$0x9800] =	vst v63  }
0xb4: {  	s21 =	simm.s32 $0x4480  }
0xb5: {  	[spmem:s2] =	stream.indirect.scatter.add.f32 [tilespmem:s15], [sflag:$0x1], $0x10, s21, s16, $0xb8;
	[tilespmem:$0x9800] =	vst v63  }
0xb6: {  	s21 =	simm.s32 $0x4500  }
0xb7: {  	[spmem:s2] =	stream.indirect.scatter.add.f32 [tilespmem:s15], [sflag:$0x1], $0x10, s21, s16, $0xb8;
	[tilespmem:$0x9800] =	vst v63  }
0xb8: {  	s21 =	simm.s32 $0x4580  }
0xb9: {  	[spmem:s2] =	stream.indirect.scatter.add.f32 [tilespmem:s15], [sflag:$0x1], $0x10, s21, s16, $0xb8;
	[tilespmem:$0x9800] =	vst v63  }
0xba: {  	s21 =	simm.s32 $0x4600  }
0xbb: {  	[spmem:s2] =	stream.indirect.scatter.add.f32 [tilespmem:s15], [sflag:$0x1], $0x10, s21, s16, $0xb8;
	[tilespmem:$0x9800] =	vst v63  }
0xbc: {  	s21 =	simm.s32 $0x4680  }
0xbd: {  	[spmem:s2] =	stream.indirect.scatter.add.f32 [tilespmem:s15], [sflag:$0x1], $0x10, s21, s16, $0xb8;
	[tilespmem:$0x9800] =	vst v63  }
0xbe: {  	s21 =	simm.s32 $0x4700  }
0xbf: {  	[spmem:s2] =	stream.indirect.scatter.add.f32 [tilespmem:s15], [sflag:$0x1], $0x10, s21, s16, $0xb8;
	[tilespmem:$0x9800] =	vst v63  }
0xc0: {  	s21 =	simm.s32 $0x4780  }
0xc1: {  	[spmem:s2] =	stream.indirect.scatter.add.f32 [tilespmem:s15], [sflag:$0x1], $0x10, s21, s16, $0xb8;
	[tilespmem:$0x9800] =	vst v63  }
0xc2: {  	s21 =	simm.s32 $0x4800  }
0xc3: {  	[spmem:s2] =	stream.indirect.scatter.add.f32 [tilespmem:s15], [sflag:$0x1], $0x10, s21, s16, $0xb8;
	[tilespmem:$0x9800] =	vst v63  }
0xc4: {  	s21 =	simm.s32 $0x4880  }
0xc5: {  	[spmem:s2] =	stream.indirect.scatter.add.f32 [tilespmem:s15], [sflag:$0x1], $0x10, s21, s16, $0xb8;
	[tilespmem:$0x9800] =	vst v63  }
0xc6: {  	s21 =	simm.s32 $0x4900  }
0xc7: {  	[spmem:s2] =	stream.indirect.scatter.add.f32 [tilespmem:s15], [sflag:$0x1], $0x10, s21, s16, $0xb8;
	[tilespmem:$0x9800] =	vst v63  }
0xc8: {  	s21 =	simm.s32 $0x4980  }
0xc9: {  	[spmem:s2] =	stream.indirect.scatter.add.f32 [tilespmem:s15], [sflag:$0x1], $0x10, s21, s16, $0xb8;
	[tilespmem:$0x9800] =	vst v63  }
0xca: {  	_ = 	snop  }
0xcb: {  	[spmem:s2] =	stream.indirect.scatter.add.f32 [tilespmem:s15], [sflag:$0x1], $0x10, s22, s16, $0xb8;
	[tilespmem:$0x9800] =	vst v63  }
0xcc: {  	_ = 	snop  }
0xcd: {  	[spmem:s2] =	stream.indirect.scatter.add.f32 [tilespmem:s15], [sflag:$0x1], $0x10, s23, s16, $0xb8;
	[tilespmem:$0x9800] =	vst v63  }
0xce: {  	_ = 	snop  }
0xcf: {  	[spmem:s2] =	stream.indirect.scatter.add.f32 [tilespmem:s15], [sflag:$0x1], $0x10, s25, s16, $0xb8;
	[tilespmem:$0x9800] =	vst v63  }
0xd0: {  	_ = 	snop  }
0xd1: {  	[spmem:s2] =	stream.indirect.scatter.add.f32 [tilespmem:s15], [sflag:$0x1], $0x10, s26, s16, $0xb8;
	[tilespmem:$0x9800] =	vst v63  }
0xd2: {  	_ = 	snop  }
0xd3: {  	[spmem:s2] =	stream.indirect.scatter.add.f32 [tilespmem:s15], [sflag:$0x1], $0x10, s28, s16, $0xb8;
	[tilespmem:$0x9800] =	vst v63  }
0xd4: {  	_ = 	snop  }
0xd5: {  	[spmem:s2] =	stream.indirect.scatter.add.f32 [tilespmem:s15], [sflag:$0x1], $0x10, s29, s16, $0xb8;
	[tilespmem:$0x9800] =	vst v63  }
0xd6: {  	_ = 	snop  }
0xd7: {  	[spmem:s2] =	stream.indirect.scatter.add.f32 [tilespmem:s15], [sflag:$0x1], $0x10, s30, s16, $0xb8;
	[tilespmem:$0x9800] =	vst v63  }
0xd8: {  	_ = 	snop  }
0xd9: {  	[spmem:s2] =	stream.indirect.scatter.add.f32 [tilespmem:s15], [sflag:$0x1], $0x10, s31, s16, $0xb8;
	[tilespmem:$0x9800] =	vst v63  }
0xda: {  	_ = 	snop  }
0xdb: {  	[spmem:s2] =	stream.indirect.scatter.add.f32 [tilespmem:s15], [sflag:$0x1], $0x10, s0, s16, $0xb8;
	[tilespmem:$0x9800] =	vst v63  }
0xdc: {  	_ = 	snop  }
0xdd: {  	[spmem:s2] =	stream.indirect.scatter.add.f32 [tilespmem:s15], [sflag:$0x1], $0x10, s1, s16, $0xb8;
	[tilespmem:$0x9800] =	vst v63  }
0xde: {  	_ = 	snop  }
0xdf: {  	[spmem:s2] =	stream.indirect.scatter.add.f32 [tilespmem:s15], [sflag:$0x1], $0x10, s17, s16, $0xb8;
	[tilespmem:$0x9800] =	vst v63  }
0xe0: {  	_ = 	snop  }
0xe1: {  	[spmem:s2] =	stream.indirect.scatter.add.f32 [tilespmem:s15], [sflag:$0x1], $0x10, s18, s16, $0xb8;
	[tilespmem:$0x9800] =	vst v63  }
0xe2: {  	_ =	swait.ge [sflag:s24], $0x800  }
0xe3: {  	s20 =	simm.s32 $0x27;
	[sflag:s24] =	ssyncset.done $0x0  }
.LBB2_8:
0xe4: {  	p0 =	sne.s32 s20, $0x1;
	s20 =	sadd.s32 $0xFFFFFFFF, s20;
	[sflag:s24] =	ssyncadd.s32 $0xFFFFF800  }
.Ltmp3:
0xe5: {  	(pc) =	sbr.rel @p0 .LBB2_8-.Ltmp3, $3  }
0xe6: {  	_ =	sdelay $0x1  }
0xe7: {  	_ =	swait.ge [sflag:s24], $0x800  }
0xe8: {  	[sflag:s24] =	ssyncset.done $0x0  }
0xe9: {  	[sflag:s24] =	ssyncadd.s32 $0xFFFFF800;
	s20 =	stileid.u32;
	s19 =	sadd.s32 $0x1, s19  }
0xea: {  	s21 =	sshrl.u32 s5, $0x3;
	s20 =	sshll.u32 s20, $0x6;
	p0 =	sne.s32 s19, s11  }
.Ltmp4:
0xeb: {  	[bflag:$0x0] =	sbarrier.arrive $0xFFFF;
	s20 =	sor.u32 $0x1C05, s20;
	(pc) =	sbr.rel @p0 .LBB2_1-.Ltmp4, $4  }
0xec: {  	[hbm:s10], [sflag:s20] =	dma.local [spmem:s21], $0x500  }
0xed: {  	_ =	swait.ge [sflag:s13], $0x500  }
0xee: {  	[sflag:s13] =	ssyncset.done $0x0  }
0xef: {  	[sflag:s13] =	ssyncadd.s32 $0xFFFFFB00  }
0xf0: {  	_ =	sfence.sel $0x180000  }
0xf1: {  	[bflag:$0x0] =	sbarrier.arrive $0xFFFF  }
0xf2: {  	_ =	strace $0x90000047  }
0xf3: {  	s0 =	stileid.u32;
	[bflag:$0x2] =	sbarrier.arrive $0xFFFF  }
0xf4: {  	p0 =	sne.s32 s0, $0x0;
	s0 =	rddreg [dreg:$0x3]  }
0xf5: {  	s0 =	sadd.s32 @!p0 $0x100000, s0  }
0xf6: {  	[sflag:s0] =	ssyncadd.tile.s32 @!p0 $0x1;
	_ =	shalt  }
.Lfunc_end2:
_tile_overlayer_lowered:
.L_overlay_start_2:
0xf7: {  	(tag) =	ssettag $0x2  }
0xf8: {  	s0 =	rddreg [dreg:$0x0];
	s2 =	stileid.u32  }
0xf9: {  	s1 =	rddreg [dreg:$0x1];
	p0 =	sne.s32 s2, $0x0  }
0xfa: {  	s3 =	rddreg [dreg:$0x2];
	[bflag:$0x3] =	sbarrier.arrive $0xFFFF;
	s2 =	simm.s32 @!p0 $0x1C05  }
0xfb: {  	[timem:s3], [sflag:s2] =	dma.local @!p0 [hbm:s0], s1  }
0xfc: {  	s0 =	simm.s32 @!p0 $0x5  }
0xfd: {  	_ =	swait.ge @!p0 [sflag:s0], s1  }
0xfe: {  	s1 =	ssub.s32 @!p0 $0x0, s1;
	[sflag:s0] =	ssyncset.done @!p0 $0x0  }
0xff: {  	[sflag:s0] =	ssyncadd.s32 @!p0 s1  }
0x100: {  	[bflag:$0x3] =	sbarrier.arrive $0xFFFF  }
0x101: {  	_ =	shalt  }

</sc_bundles>
